<compile_context>
chip_gen: v7x
topology: tpu7x:2x2x1
jax: 0.10.2.dev20260603
libtpu: 0.0.44.dev20260713+nightly
codegen_flags: <defaults>
</compile_context>

<pallas_src>
import functools

import jax
import jax.numpy as jnp
from jax import lax
from jax.experimental import pallas as pl
from jax.experimental.pallas import tpu as pltpu
from jax.experimental.pallas import tpu_sc as plsc

N_NODES = 100000
N_PAD = 100096
E_EDGES = 3200000
TILES = 32
EP = E_EDGES // TILES
ROWS = N_PAD // 16

_mesh = plsc.VectorSubcoreMesh(core_axis_name="c", subcore_axis_name="s")


def _fill(ref, n, value):
    vec = jnp.full((16,), value, jnp.float32)
    for i in range(n // 16):
        ref[pl.ds(i * 16, 16)] = vec
    if n % 16:
        ref[pl.ds(n - 16, 16)] = vec


CD = 1000
ND = EP // CD


@functools.partial(
    pl.kernel,
    out_type=jax.ShapeDtypeStruct((2 * N_PAD,), jnp.float32),
    mesh=_mesh,
    scratch_types=[
        pltpu.VMEM_SHARED((N_PAD,), jnp.float32),
        pltpu.VMEM((CD,), jnp.int32),
        pltpu.VMEM((CD,), jnp.int32),
        pltpu.VMEM((CD,), jnp.float32),
        pltpu.VMEM((CD,), jnp.float32),
        pltpu.SemaphoreType.DMA,
        pltpu.SemaphoreType.DMA,
    ],
)
def _deg_kernel(dst_hbm, out_hbm, acc, ia, ib, ones_v, stage, sma, smb):
    c = lax.axis_index("c")
    s = lax.axis_index("s")
    w = s * 2 + c

    _fill(ones_v, CD, 1.0)
    _fill(stage, CD, 0.0)
    zf, zt = ROWS // CD, ROWS % CD
    for k in range(zf):
        pltpu.sync_copy(stage, acc.at[pl.ds(s * ROWS + k * CD, CD)])
    if zt:
        pltpu.sync_copy(stage.at[pl.ds(0, zt)], acc.at[pl.ds(s * ROWS + zf * CD, zt)])
    plsc.subcore_barrier()

    base = w * EP
    pltpu.sync_copy(dst_hbm.at[pl.ds(base, CD)], ia)

    def body(j, carry):
        e = base + (2 * j + 1) * CD
        pltpu.async_copy(dst_hbm.at[pl.ds(e, CD)], ib, smb)
        pltpu.sync_copy(ones_v, acc.at[ia], add=True)
        nxt = base + jnp.minimum((2 * j + 2) * CD, (ND - 1) * CD)
        pltpu.make_async_copy(dst_hbm.at[pl.ds(e, CD)], ib, smb).wait()
        pltpu.async_copy(dst_hbm.at[pl.ds(nxt, CD)], ia, sma)
        pltpu.sync_copy(ones_v, acc.at[ib], add=True)
        pltpu.make_async_copy(dst_hbm.at[pl.ds(nxt, CD)], ia, sma).wait()
        return carry

    lax.fori_loop(0, ND // 2, body, 0)

    plsc.subcore_barrier()
    of, ot = ROWS // CD, ROWS % CD
    for k in range(of):
        r = s * ROWS + k * CD
        pltpu.sync_copy(acc.at[pl.ds(r, CD)], stage)
        pltpu.sync_copy(stage, out_hbm.at[pl.ds(c * N_PAD + r, CD)])
    if ot:
        r = s * ROWS + of * CD
        pltpu.sync_copy(acc.at[pl.ds(r, ot)], stage.at[pl.ds(0, ot)])
        pltpu.sync_copy(stage.at[pl.ds(0, ot)], out_hbm.at[pl.ds(c * N_PAD + r, ot)])


CA = 800
NA = EP // CA
PAIRS = NA // 2


@functools.partial(
    pl.kernel,
    out_type=(jax.ShapeDtypeStruct((N_PAD, 16), jnp.float32),
              jax.ShapeDtypeStruct((N_PAD, 16), jnp.float32)),
    mesh=_mesh,
    scratch_types=[
        pltpu.VMEM_SHARED((N_PAD, 16), jnp.float32),
        pltpu.VMEM((CA,), jnp.int32),
        pltpu.VMEM((CA,), jnp.int32),
        pltpu.VMEM((CA, 16), jnp.float32),
        pltpu.VMEM((CA,), jnp.int32),
        pltpu.VMEM((CA,), jnp.int32),
        pltpu.VMEM((CA, 16), jnp.float32),
        pltpu.SemaphoreType.DMA,
        pltpu.SemaphoreType.DMA,
        pltpu.SemaphoreType.DMA,
        pltpu.SemaphoreType.DMA,
    ],
    compiler_params=pltpu.CompilerParams(use_tc_tiling_on_sc=False),
)
def _agg16(table_hbm, src_hbm, dst_hbm, out0_hbm, out1_hbm,
           acc, sa, da, pa, sb, db, pb, sma, smb, smis, smid):
    c = lax.axis_index("c")
    s = lax.axis_index("s")
    w = s * 2 + c

    def zrow(i, carry):
        pa[i, :] = jnp.zeros((16,), jnp.float32)
        return carry

    lax.fori_loop(0, CA, zrow, 0)
    zf, zt = ROWS // CA, ROWS % CA
    for k in range(zf):
        pltpu.sync_copy(pa, acc.at[pl.ds(s * ROWS + k * CA, CA), :])
    if zt:
        pltpu.sync_copy(pa.at[pl.ds(0, zt), :],
                        acc.at[pl.ds(s * ROWS + zf * CA, zt), :])
    plsc.subcore_barrier()

    base = w * EP
    pltpu.sync_copy(src_hbm.at[pl.ds(base, CA)], sa)
    pltpu.sync_copy(dst_hbm.at[pl.ds(base, CA)], da)
    pltpu.async_copy(table_hbm.at[sa], pa, sma)
    pltpu.async_copy(src_hbm.at[pl.ds(base + CA, CA)], sb, smis)
    pltpu.async_copy(dst_hbm.at[pl.ds(base + CA, CA)], db, smid)

    def body(j, carry):
        eb = base + (2 * j + 1) * CA
        en = base + (2 * j + 2) * CA
        em = base + jnp.minimum((2 * j + 3), NA - 1) * CA
        pltpu.make_async_copy(src_hbm.at[pl.ds(eb, CA)], sb, smis).wait()
        pltpu.make_async_copy(dst_hbm.at[pl.ds(eb, CA)], db, smid).wait()
        pltpu.async_copy(table_hbm.at[sb], pb, smb)
        pltpu.make_async_copy(table_hbm.at[sa], pa, sma).wait()
        pltpu.sync_copy(pa, acc.at[da], add=True)
        pltpu.async_copy(src_hbm.at[pl.ds(en, CA)], sa, smis)
        pltpu.async_copy(dst_hbm.at[pl.ds(en, CA)], da, smid)
        pltpu.make_async_copy(src_hbm.at[pl.ds(en, CA)], sa, smis).wait()
        pltpu.make_async_copy(dst_hbm.at[pl.ds(en, CA)], da, smid).wait()
        pltpu.async_copy(table_hbm.at[sa], pa, sma)
        pltpu.make_async_copy(table_hbm.at[sb], pb, smb).wait()
        pltpu.sync_copy(pb, acc.at[db], add=True)
        pltpu.async_copy(src_hbm.at[pl.ds(em, CA)], sb, smis)
        pltpu.async_copy(dst_hbm.at[pl.ds(em, CA)], db, smid)
        return carry

    lax.fori_loop(0, PAIRS, body, 0)
    pltpu.make_async_copy(src_hbm.at[pl.ds(base, CA)], sb, smis).wait()
    pltpu.make_async_copy(dst_hbm.at[pl.ds(base, CA)], db, smid).wait()
    pltpu.make_async_copy(table_hbm.at[sa], pa, sma).wait()
    pltpu.sync_copy(pa, acc.at[da], add=True)

    plsc.subcore_barrier()
    of, ot = ROWS // CA, ROWS % CA
    for k in range(of + (1 if ot else 0)):
        sz = CA if k < of else ot
        r = s * ROWS + k * CA
        pltpu.sync_copy(acc.at[pl.ds(r, sz), :], pa.at[pl.ds(0, sz), :])

        @pl.when(c == 0)
        def _():
            pltpu.sync_copy(pa.at[pl.ds(0, sz), :],
                            out0_hbm.at[pl.ds(r, sz), :])

        @pl.when(c == 1)
        def _():
            pltpu.sync_copy(pa.at[pl.ds(0, sz), :],
                            out1_hbm.at[pl.ds(r, sz), :])


P_ROWS = N_PAD * 16 // 128
XP_ROWS = N_NODES * 16 // 128
BP = 512
GRID = (XP_ROWS + BP - 1) // BP


_pk_spec = pl.BlockSpec((BP, 128), lambda i: (i, 0))


def _t1_body(drep_ref, xp_ref, dinv_ref, y1p_ref):
    dinv = lax.rsqrt(drep_ref[...])
    dinv_ref[...] = dinv
    y1p_ref[...] = xp_ref[...] * dinv


def _t2_body(s1a_ref, s1b_ref, y1p_ref, dinv_ref, w1_ref, b1_ref, w2_ref,
             y2p_ref):
    dinv = dinv_ref[...]
    aggp = (s1a_ref[...] + s1b_ref[...] + y1p_ref[...]) * dinv
    h = jnp.dot(aggp, w1_ref[...], preferred_element_type=jnp.float32)
    h = jnp.maximum(h + b1_ref[...][None, :], 0.0)
    z = jnp.dot(h, w2_ref[...], preferred_element_type=jnp.float32)
    y2p_ref[...] = z * dinv


def _t3_body(s2a_ref, s2b_ref, y2p_ref, dinv_ref, sel_ref, b2t_ref, out_ref):
    rp = (s2a_ref[...] + s2b_ref[...] + y2p_ref[...]) * dinv_ref[...]
    outc = jnp.dot(rp, sel_ref[...], preferred_element_type=jnp.float32)
    out_ref[...] = outc + b2t_ref[...][None, :]


def kernel(x, edge_index, W1, b1, W2, b2):
    src = edge_index[0]
    dst = edge_index[1]

    eye8 = jnp.eye(8, dtype=jnp.float32)
    w1big = jnp.kron(eye8, W1)
    b1big = jnp.tile(b1, 8)
    w2big = jnp.kron(eye8, jnp.pad(W2, ((0, 0), (0, 14))))
    xp = x.reshape(XP_ROWS, 128)

    degflat = _deg_kernel(dst)
    dsum = degflat[:N_PAD] + degflat[N_PAD:] + 1.0
    drep = jnp.repeat(dsum, 16).reshape(P_ROWS, 128)

    dinv128, y1p = pl.pallas_call(
        _t1_body,
        grid=(GRID,),
        in_specs=[_pk_spec, _pk_spec],
        out_specs=(_pk_spec, _pk_spec),
        out_shape=(jax.ShapeDtypeStruct((XP_ROWS, 128), jnp.float32),
                   jax.ShapeDtypeStruct((XP_ROWS, 128), jnp.float32)),
    )(drep, xp)

    s1a, s1b = _agg16(y1p.reshape(N_NODES, 16), src, dst)

    w1_spec = pl.BlockSpec((128, 256), lambda i: (0, 0))
    b1_spec = pl.BlockSpec((256,), lambda i: (0,))
    w2_spec = pl.BlockSpec((256, 128), lambda i: (0, 0))
    b2_spec = pl.BlockSpec((2,), lambda i: (0,))
    y2p = pl.pallas_call(
        _t2_body,
        grid=(GRID,),
        in_specs=[_pk_spec, _pk_spec, _pk_spec, _pk_spec,
                  w1_spec, b1_spec, w2_spec],
        out_specs=_pk_spec,
        out_shape=jax.ShapeDtypeStruct((XP_ROWS, 128), jnp.float32),
    )(s1a.reshape(P_ROWS, 128), s1b.reshape(P_ROWS, 128), y1p, dinv128,
      w1big, b1big, w2big)

    s2a, s2b = _agg16(y2p.reshape(N_NODES, 16), src, dst)

    sel = jnp.zeros((128, 16), jnp.float32)
    lanes = jnp.arange(16)
    sel = sel.at[lanes // 2 * 16 + lanes % 2, lanes].set(1.0)
    b2t = jnp.tile(b2, 8)
    out16 = pl.pallas_call(
        _t3_body,
        grid=(GRID,),
        in_specs=[_pk_spec, _pk_spec, _pk_spec, _pk_spec,
                  pl.BlockSpec((128, 16), lambda i: (0, 0)),
                  pl.BlockSpec((16,), lambda i: (0,))],
        out_specs=pl.BlockSpec((BP, 16), lambda i: (i, 0)),
        out_shape=jax.ShapeDtypeStruct((XP_ROWS, 16), jnp.float32),
    )(s2a.reshape(P_ROWS, 128), s2b.reshape(P_ROWS, 128), y2p, dinv128,
      sel, b2t)
    return out16.reshape(N_NODES, 2)

# --- scband reference (transcript-rebuilt; emitter-appended) ---
"""Pipeline reference for scband-gcn-87299505259013 (READ-ONLY COPY).

The authoritative reference and input builder live on the scoring server;
editing this copy changes nothing except your own understanding.
"""

import jax, jax.numpy as jnp
import numpy as np

N = 100000
E = 3200000
D_IN, D_HID, D_OUT = 16, 32, 2


def setup_inputs(seed: int = 0) -> dict:
    key = jax.random.key(seed)
    k1, k2, k3, k4, k5, k6 = jax.random.split(key, 6)
    x = jax.random.uniform(k1, (N, D_IN), dtype=jnp.float32)
    edge_index = jax.random.randint(k2, (2, E), 0, N, dtype=jnp.int32)
    s1 = float(np.sqrt(6.0 / (D_IN + D_HID)))
    s2 = float(np.sqrt(6.0 / (D_HID + D_OUT)))
    W1 = jax.random.uniform(k3, (D_IN, D_HID), dtype=jnp.float32, minval=-s1, maxval=s1)
    b1 = jnp.zeros((D_HID,), dtype=jnp.float32)
    W2 = jax.random.uniform(k4, (D_HID, D_OUT), dtype=jnp.float32, minval=-s2, maxval=s2)
    b2 = jnp.zeros((D_OUT,), dtype=jnp.float32)
    return {"x": x, "edge_index": edge_index, "W1": W1, "b1": b1, "W2": W2, "b2": b2}


def gcn_conv(x, edge_index, W, b):
    # Faithful PyG GCNConv: add self-loops, symmetric normalization D^-1/2 (A+I) D^-1/2 X W + b
    num_nodes = x.shape[0]
    src = edge_index[0]
    dst = edge_index[1]
    loop = jnp.arange(num_nodes, dtype=edge_index.dtype)
    src = jnp.concatenate([src, loop])
    dst = jnp.concatenate([dst, loop])
    deg = jnp.zeros((num_nodes,), dtype=x.dtype).at[dst].add(1.0)
    dinv = jnp.where(deg > 0, jax.lax.rsqrt(deg), 0.0)
    norm = dinv[src] * dinv[dst]
    h = x @ W
    msg = h[src] * norm[:, None]
    out = jax.ops.segment_sum(msg, dst, num_segments=num_nodes)
    return out + b


def reference(x, edge_index, W1, b1, W2, b2):
    h = jax.nn.relu(gcn_conv(x, edge_index, W1, b1))
    out = gcn_conv(h, edge_index, W2, b2)
    return out

if __name__ == "__main__":
    import jax
    _d = setup_inputs()
    print(jax.jit(kernel)(*tuple(_d.values())))

</pallas_src>

<mosaic_0001>
#map = affine_map<(d0, d1) -> (0, 0)>
#map1 = affine_map<(d0, d1) -> (0)>
module attributes {stable_mosaic.version = 14 : i64} {
  func.func @_agg16(%arg0: i32, %arg1: i32, %arg2: memref<100000x16xf32, #tpu.memory_space<hbm>>, %arg3: memref<3200000xi32, #tpu.memory_space<hbm>>, %arg4: memref<3200000xi32, #tpu.memory_space<hbm>>, %arg5: memref<100096x16xf32, #tpu.memory_space<hbm>>, %arg6: memref<100096x16xf32, #tpu.memory_space<hbm>>, %arg7: memref<100096x16xf32, #tpu.memory_space<vmem_shared>>, %arg8: memref<800xi32, #tpu.memory_space<vmem>>, %arg9: memref<800xi32, #tpu.memory_space<vmem>>, %arg10: memref<800x16xf32, #tpu.memory_space<vmem>>, %arg11: memref<800xi32, #tpu.memory_space<vmem>>, %arg12: memref<800xi32, #tpu.memory_space<vmem>>, %arg13: memref<800x16xf32, #tpu.memory_space<vmem>>, %arg14: memref<!tpu.dma_semaphore, #tpu.memory_space<semaphore_mem>>, %arg15: memref<!tpu.dma_semaphore, #tpu.memory_space<semaphore_mem>>, %arg16: memref<!tpu.dma_semaphore, #tpu.memory_space<semaphore_mem>>, %arg17: memref<!tpu.dma_semaphore, #tpu.memory_space<semaphore_mem>>) attributes {dimension_semantics = [#tpu.dimension_semantics<core_parallel>, #tpu.dimension_semantics<subcore_parallel>], iteration_bounds = array<i64: 2, 16>, scalar_prefetch = 0 : i64, scratch_operands = 11 : i64, tpu.core_type = #tpu.core_type<sc_vector_subcore>, window_params = [{transform_indices = #map}, {transform_indices = #map1}, {transform_indices = #map1}, {transform_indices = #map}, {transform_indices = #map}]} {
    %mul3A = arith.constant 2 : i32
    %mul3A_0 = arith.muli %arg1, %mul3A : i32
    %add3A = arith.addi %mul3A_0, %arg0 : i32
    %scan3A = arith.constant 0 : i32
    %scan3A_1 = arith.constant 0 : i32
    %scan3A_2 = arith.constant 800 : i32
    %scan3A_3 = arith.addi %scan3A_1, %scan3A_2 : i32
    %scan3A_4 = arith.constant 1 : i32
    scf.for %scan3A_172 = %scan3A_1 to %scan3A_3 step %scan3A_4  : i32 {
      %broadcast_in_dim3A = arith.constant 0.000000e+00 : f32
      %broadcast_in_dim3A_173 = vector.broadcast %broadcast_in_dim3A : f32 to vector<16xf32>
      %swap3A = arith.index_cast %scan3A_172 : i32 to index
      %swap3A_174 = arith.constant 0 : index
      %swap3A_175 = tpu.vector_load %arg10[%swap3A, %swap3A_174] {strides = array<i32>} : memref<800x16xf32, #tpu.memory_space<vmem>>, vector<1x16xf32>,
      %swap3A_176 = vector.shape_cast %swap3A_175 : vector<1x16xf32> to vector<16xf32>
      %swap3A_177 = vector.shape_cast %broadcast_in_dim3A_173 : vector<16xf32> to vector<1x16xf32>
      tpu.vector_store %arg10[%swap3A, %swap3A_174], %swap3A_177 {strides = array<i32>} : memref<800x16xf32, #tpu.memory_space<vmem>>, vector<1x16xf32>,
    }
    %scan3A_5 = arith.constant 800 : i32
    %mul3A_6 = arith.constant 6256 : i32
    %mul3A_7 = arith.muli %arg1, %mul3A_6 : i32
    %add3A_8 = arith.constant 0 : i32
    %add3A_9 = arith.addi %mul3A_7, %add3A_8 : i32
    "tpu.region"() ({
      %run_scoped3A = tpu.sem_alloc : memref<!tpu.dma_semaphore, #tpu.memory_space<semaphore_mem>>
      %dma_start3A_172 = arith.constant 0 : i32
      %dma_start3A_173 = tpu.memref_slice %arg7[%add3A_9, %dma_start3A_172] : memref<100096x16xf32, #tpu.memory_space<vmem_shared>> -> memref<800x16xf32, #tpu.memory_space<vmem_shared>>
      %dma_start3A_174 = arith.constant 0 : i32
      %dma_start3A_175 = tpu.memref_slice %arg7[%add3A_9, %dma_start3A_174] : memref<100096x16xf32, #tpu.memory_space<vmem_shared>> -> memref<800x16xf32, #tpu.memory_space<vmem_shared>>
      tpu.enqueue_dma source(%arg10 : memref<800x16xf32, #tpu.memory_space<vmem>>) target(%dma_start3A_175 : memref<800x16xf32, #tpu.memory_space<vmem_shared>>) target_semaphore(%run_scoped3A : memref<!tpu.dma_semaphore, #tpu.memory_space<semaphore_mem>>)
      %dma_wait3A_176 = arith.constant 0 : i32
      %dma_wait3A_177 = tpu.memref_slice %arg7[%add3A_9, %dma_wait3A_176] : memref<100096x16xf32, #tpu.memory_space<vmem_shared>> -> memref<800x16xf32, #tpu.memory_space<vmem_shared>>
      %dma_wait3A_178 = arith.constant 0 : i32
      %dma_wait3A_179 = tpu.memref_slice %arg7[%add3A_9, %dma_wait3A_178] : memref<100096x16xf32, #tpu.memory_space<vmem_shared>> -> memref<800x16xf32, #tpu.memory_space<vmem_shared>>
      tpu.wait_dma2 semaphore(%run_scoped3A : memref<!tpu.dma_semaphore, #tpu.memory_space<semaphore_mem>>) src(%arg10 : memref<800x16xf32, #tpu.memory_space<vmem>>) dst(%dma_wait3A_179 : memref<800x16xf32, #tpu.memory_space<vmem_shared>>)
      tpu.yield
    }) : () -> ()
    %mul3A_10 = arith.constant 6256 : i32
    %mul3A_11 = arith.muli %arg1, %mul3A_10 : i32
    %add3A_12 = arith.constant 800 : i32
    %add3A_13 = arith.addi %mul3A_11, %add3A_12 : i32
    "tpu.region"() ({
      %run_scoped3A = tpu.sem_alloc : memref<!tpu.dma_semaphore, #tpu.memory_space<semaphore_mem>>
      %dma_start3A_172 = arith.constant 0 : i32
      %dma_start3A_173 = tpu.memref_slice %arg7[%add3A_13, %dma_start3A_172] : memref<100096x16xf32, #tpu.memory_space<vmem_shared>> -> memref<800x16xf32, #tpu.memory_space<vmem_shared>>
      %dma_start3A_174 = arith.constant 0 : i32
      %dma_start3A_175 = tpu.memref_slice %arg7[%add3A_13, %dma_start3A_174] : memref<100096x16xf32, #tpu.memory_space<vmem_shared>> -> memref<800x16xf32, #tpu.memory_space<vmem_shared>>
      tpu.enqueue_dma source(%arg10 : memref<800x16xf32, #tpu.memory_space<vmem>>) target(%dma_start3A_175 : memref<800x16xf32, #tpu.memory_space<vmem_shared>>) target_semaphore(%run_scoped3A : memref<!tpu.dma_semaphore, #tpu.memory_space<semaphore_mem>>)
      %dma_wait3A_176 = arith.constant 0 : i32
      %dma_wait3A_177 = tpu.memref_slice %arg7[%add3A_13, %dma_wait3A_176] : memref<100096x16xf32, #tpu.memory_space<vmem_shared>> -> memref<800x16xf32, #tpu.memory_space<vmem_shared>>
      %dma_wait3A_178 = arith.constant 0 : i32
      %dma_wait3A_179 = tpu.memref_slice %arg7[%add3A_13, %dma_wait3A_178] : memref<100096x16xf32, #tpu.memory_space<vmem_shared>> -> memref<800x16xf32, #tpu.memory_space<vmem_shared>>
      tpu.wait_dma2 semaphore(%run_scoped3A : memref<!tpu.dma_semaphore, #tpu.memory_space<semaphore_mem>>) src(%arg10 : memref<800x16xf32, #tpu.memory_space<vmem>>) dst(%dma_wait3A_179 : memref<800x16xf32, #tpu.memory_space<vmem_shared>>)
      tpu.yield
    }) : () -> ()
    %mul3A_14 = arith.constant 6256 : i32
    %mul3A_15 = arith.muli %arg1, %mul3A_14 : i32
    %add3A_16 = arith.constant 1600 : i32
    %add3A_17 = arith.addi %mul3A_15, %add3A_16 : i32
    "tpu.region"() ({
      %run_scoped3A = tpu.sem_alloc : memref<!tpu.dma_semaphore, #tpu.memory_space<semaphore_mem>>
      %dma_start3A_172 = arith.constant 0 : i32
      %dma_start3A_173 = tpu.memref_slice %arg7[%add3A_17, %dma_start3A_172] : memref<100096x16xf32, #tpu.memory_space<vmem_shared>> -> memref<800x16xf32, #tpu.memory_space<vmem_shared>>
      %dma_start3A_174 = arith.constant 0 : i32
      %dma_start3A_175 = tpu.memref_slice %arg7[%add3A_17, %dma_start3A_174] : memref<100096x16xf32, #tpu.memory_space<vmem_shared>> -> memref<800x16xf32, #tpu.memory_space<vmem_shared>>
      tpu.enqueue_dma source(%arg10 : memref<800x16xf32, #tpu.memory_space<vmem>>) target(%dma_start3A_175 : memref<800x16xf32, #tpu.memory_space<vmem_shared>>) target_semaphore(%run_scoped3A : memref<!tpu.dma_semaphore, #tpu.memory_space<semaphore_mem>>)
      %dma_wait3A_176 = arith.constant 0 : i32
      %dma_wait3A_177 = tpu.memref_slice %arg7[%add3A_17, %dma_wait3A_176] : memref<100096x16xf32, #tpu.memory_space<vmem_shared>> -> memref<800x16xf32, #tpu.memory_space<vmem_shared>>
      %dma_wait3A_178 = arith.constant 0 : i32
      %dma_wait3A_179 = tpu.memref_slice %arg7[%add3A_17, %dma_wait3A_178] : memref<100096x16xf32, #tpu.memory_space<vmem_shared>> -> memref<800x16xf32, #tpu.memory_space<vmem_shared>>
      tpu.wait_dma2 semaphore(%run_scoped3A : memref<!tpu.dma_semaphore, #tpu.memory_space<semaphore_mem>>) src(%arg10 : memref<800x16xf32, #tpu.memory_space<vmem>>) dst(%dma_wait3A_179 : memref<800x16xf32, #tpu.memory_space<vmem_shared>>)
      tpu.yield
    }) : () -> ()
    %mul3A_18 = arith.constant 6256 : i32
    %mul3A_19 = arith.muli %arg1, %mul3A_18 : i32
    %add3A_20 = arith.constant 2400 : i32
    %add3A_21 = arith.addi %mul3A_19, %add3A_20 : i32
    "tpu.region"() ({
      %run_scoped3A = tpu.sem_alloc : memref<!tpu.dma_semaphore, #tpu.memory_space<semaphore_mem>>
      %dma_start3A_172 = arith.constant 0 : i32
      %dma_start3A_173 = tpu.memref_slice %arg7[%add3A_21, %dma_start3A_172] : memref<100096x16xf32, #tpu.memory_space<vmem_shared>> -> memref<800x16xf32, #tpu.memory_space<vmem_shared>>
      %dma_start3A_174 = arith.constant 0 : i32
      %dma_start3A_175 = tpu.memref_slice %arg7[%add3A_21, %dma_start3A_174] : memref<100096x16xf32, #tpu.memory_space<vmem_shared>> -> memref<800x16xf32, #tpu.memory_space<vmem_shared>>
      tpu.enqueue_dma source(%arg10 : memref<800x16xf32, #tpu.memory_space<vmem>>) target(%dma_start3A_175 : memref<800x16xf32, #tpu.memory_space<vmem_shared>>) target_semaphore(%run_scoped3A : memref<!tpu.dma_semaphore, #tpu.memory_space<semaphore_mem>>)
      %dma_wait3A_176 = arith.constant 0 : i32
      %dma_wait3A_177 = tpu.memref_slice %arg7[%add3A_21, %dma_wait3A_176] : memref<100096x16xf32, #tpu.memory_space<vmem_shared>> -> memref<800x16xf32, #tpu.memory_space<vmem_shared>>
      %dma_wait3A_178 = arith.constant 0 : i32
      %dma_wait3A_179 = tpu.memref_slice %arg7[%add3A_21, %dma_wait3A_178] : memref<100096x16xf32, #tpu.memory_space<vmem_shared>> -> memref<800x16xf32, #tpu.memory_space<vmem_shared>>
      tpu.wait_dma2 semaphore(%run_scoped3A : memref<!tpu.dma_semaphore, #tpu.memory_space<semaphore_mem>>) src(%arg10 : memref<800x16xf32, #tpu.memory_space<vmem>>) dst(%dma_wait3A_179 : memref<800x16xf32, #tpu.memory_space<vmem_shared>>)
      tpu.yield
    }) : () -> ()
    %mul3A_22 = arith.constant 6256 : i32
    %mul3A_23 = arith.muli %arg1, %mul3A_22 : i32
    %add3A_24 = arith.constant 3200 : i32
    %add3A_25 = arith.addi %mul3A_23, %add3A_24 : i32
    "tpu.region"() ({
      %run_scoped3A = tpu.sem_alloc : memref<!tpu.dma_semaphore, #tpu.memory_space<semaphore_mem>>
      %dma_start3A_172 = arith.constant 0 : i32
      %dma_start3A_173 = tpu.memref_slice %arg7[%add3A_25, %dma_start3A_172] : memref<100096x16xf32, #tpu.memory_space<vmem_shared>> -> memref<800x16xf32, #tpu.memory_space<vmem_shared>>
      %dma_start3A_174 = arith.constant 0 : i32
      %dma_start3A_175 = tpu.memref_slice %arg7[%add3A_25, %dma_start3A_174] : memref<100096x16xf32, #tpu.memory_space<vmem_shared>> -> memref<800x16xf32, #tpu.memory_space<vmem_shared>>
      tpu.enqueue_dma source(%arg10 : memref<800x16xf32, #tpu.memory_space<vmem>>) target(%dma_start3A_175 : memref<800x16xf32, #tpu.memory_space<vmem_shared>>) target_semaphore(%run_scoped3A : memref<!tpu.dma_semaphore, #tpu.memory_space<semaphore_mem>>)
      %dma_wait3A_176 = arith.constant 0 : i32
      %dma_wait3A_177 = tpu.memref_slice %arg7[%add3A_25, %dma_wait3A_176] : memref<100096x16xf32, #tpu.memory_space<vmem_shared>> -> memref<800x16xf32, #tpu.memory_space<vmem_shared>>
      %dma_wait3A_178 = arith.constant 0 : i32
      %dma_wait3A_179 = tpu.memref_slice %arg7[%add3A_25, %dma_wait3A_178] : memref<100096x16xf32, #tpu.memory_space<vmem_shared>> -> memref<800x16xf32, #tpu.memory_space<vmem_shared>>
      tpu.wait_dma2 semaphore(%run_scoped3A : memref<!tpu.dma_semaphore, #tpu.memory_space<semaphore_mem>>) src(%arg10 : memref<800x16xf32, #tpu.memory_space<vmem>>) dst(%dma_wait3A_179 : memref<800x16xf32, #tpu.memory_space<vmem_shared>>)
      tpu.yield
    }) : () -> ()
    %mul3A_26 = arith.constant 6256 : i32
    %mul3A_27 = arith.muli %arg1, %mul3A_26 : i32
    %add3A_28 = arith.constant 4000 : i32
    %add3A_29 = arith.addi %mul3A_27, %add3A_28 : i32
    "tpu.region"() ({
      %run_scoped3A = tpu.sem_alloc : memref<!tpu.dma_semaphore, #tpu.memory_space<semaphore_mem>>
      %dma_start3A_172 = arith.constant 0 : i32
      %dma_start3A_173 = tpu.memref_slice %arg7[%add3A_29, %dma_start3A_172] : memref<100096x16xf32, #tpu.memory_space<vmem_shared>> -> memref<800x16xf32, #tpu.memory_space<vmem_shared>>
      %dma_start3A_174 = arith.constant 0 : i32
      %dma_start3A_175 = tpu.memref_slice %arg7[%add3A_29, %dma_start3A_174] : memref<100096x16xf32, #tpu.memory_space<vmem_shared>> -> memref<800x16xf32, #tpu.memory_space<vmem_shared>>
      tpu.enqueue_dma source(%arg10 : memref<800x16xf32, #tpu.memory_space<vmem>>) target(%dma_start3A_175 : memref<800x16xf32, #tpu.memory_space<vmem_shared>>) target_semaphore(%run_scoped3A : memref<!tpu.dma_semaphore, #tpu.memory_space<semaphore_mem>>)
      %dma_wait3A_176 = arith.constant 0 : i32
      %dma_wait3A_177 = tpu.memref_slice %arg7[%add3A_29, %dma_wait3A_176] : memref<100096x16xf32, #tpu.memory_space<vmem_shared>> -> memref<800x16xf32, #tpu.memory_space<vmem_shared>>
      %dma_wait3A_178 = arith.constant 0 : i32
      %dma_wait3A_179 = tpu.memref_slice %arg7[%add3A_29, %dma_wait3A_178] : memref<100096x16xf32, #tpu.memory_space<vmem_shared>> -> memref<800x16xf32, #tpu.memory_space<vmem_shared>>
      tpu.wait_dma2 semaphore(%run_scoped3A : memref<!tpu.dma_semaphore, #tpu.memory_space<semaphore_mem>>) src(%arg10 : memref<800x16xf32, #tpu.memory_space<vmem>>) dst(%dma_wait3A_179 : memref<800x16xf32, #tpu.memory_space<vmem_shared>>)
      tpu.yield
    }) : () -> ()
    %mul3A_30 = arith.constant 6256 : i32
    %mul3A_31 = arith.muli %arg1, %mul3A_30 : i32
    %add3A_32 = arith.constant 4800 : i32
    %add3A_33 = arith.addi %mul3A_31, %add3A_32 : i32
    "tpu.region"() ({
      %run_scoped3A = tpu.sem_alloc : memref<!tpu.dma_semaphore, #tpu.memory_space<semaphore_mem>>
      %dma_start3A_172 = arith.constant 0 : i32
      %dma_start3A_173 = tpu.memref_slice %arg7[%add3A_33, %dma_start3A_172] : memref<100096x16xf32, #tpu.memory_space<vmem_shared>> -> memref<800x16xf32, #tpu.memory_space<vmem_shared>>
      %dma_start3A_174 = arith.constant 0 : i32
      %dma_start3A_175 = tpu.memref_slice %arg7[%add3A_33, %dma_start3A_174] : memref<100096x16xf32, #tpu.memory_space<vmem_shared>> -> memref<800x16xf32, #tpu.memory_space<vmem_shared>>
      tpu.enqueue_dma source(%arg10 : memref<800x16xf32, #tpu.memory_space<vmem>>) target(%dma_start3A_175 : memref<800x16xf32, #tpu.memory_space<vmem_shared>>) target_semaphore(%run_scoped3A : memref<!tpu.dma_semaphore, #tpu.memory_space<semaphore_mem>>)
      %dma_wait3A_176 = arith.constant 0 : i32
      %dma_wait3A_177 = tpu.memref_slice %arg7[%add3A_33, %dma_wait3A_176] : memref<100096x16xf32, #tpu.memory_space<vmem_shared>> -> memref<800x16xf32, #tpu.memory_space<vmem_shared>>
      %dma_wait3A_178 = arith.constant 0 : i32
      %dma_wait3A_179 = tpu.memref_slice %arg7[%add3A_33, %dma_wait3A_178] : memref<100096x16xf32, #tpu.memory_space<vmem_shared>> -> memref<800x16xf32, #tpu.memory_space<vmem_shared>>
      tpu.wait_dma2 semaphore(%run_scoped3A : memref<!tpu.dma_semaphore, #tpu.memory_space<semaphore_mem>>) src(%arg10 : memref<800x16xf32, #tpu.memory_space<vmem>>) dst(%dma_wait3A_179 : memref<800x16xf32, #tpu.memory_space<vmem_shared>>)
      tpu.yield
    }) : () -> ()
    %mul3A_34 = arith.constant 6256 : i32
    %mul3A_35 = arith.muli %arg1, %mul3A_34 : i32
    %add3A_36 = arith.constant 5600 : i32
    %add3A_37 = arith.addi %mul3A_35, %add3A_36 : i32
    "tpu.region"() ({
      %run_scoped3A = tpu.sem_alloc : memref<!tpu.dma_semaphore, #tpu.memory_space<semaphore_mem>>
      %dma_start3A_172 = arith.constant 0 : i32
      %dma_start3A_173 = arith.constant 0 : i32
      %dma_start3A_174 = tpu.memref_slice %arg10[%dma_start3A_172, %dma_start3A_173] : memref<800x16xf32, #tpu.memory_space<vmem>> -> memref<656x16xf32, #tpu.memory_space<vmem>>
      %dma_start3A_175 = arith.constant 0 : i32
      %dma_start3A_176 = tpu.memref_slice %arg7[%add3A_37, %dma_start3A_175] : memref<100096x16xf32, #tpu.memory_space<vmem_shared>> -> memref<656x16xf32, #tpu.memory_space<vmem_shared>>
      %dma_start3A_177 = arith.constant 0 : i32
      %dma_start3A_178 = tpu.memref_slice %arg7[%add3A_37, %dma_start3A_177] : memref<100096x16xf32, #tpu.memory_space<vmem_shared>> -> memref<656x16xf32, #tpu.memory_space<vmem_shared>>
      %dma_start3A_179 = arith.constant 0 : i32
      %dma_start3A_180 = arith.constant 0 : i32
      %dma_start3A_181 = tpu.memref_slice %arg10[%dma_start3A_179, %dma_start3A_180] : memref<800x16xf32, #tpu.memory_space<vmem>> -> memref<656x16xf32, #tpu.memory_space<vmem>>
      tpu.enqueue_dma source(%dma_start3A_181 : memref<656x16xf32, #tpu.memory_space<vmem>>) target(%dma_start3A_178 : memref<656x16xf32, #tpu.memory_space<vmem_shared>>) target_semaphore(%run_scoped3A : memref<!tpu.dma_semaphore, #tpu.memory_space<semaphore_mem>>)
      %dma_wait3A_182 = arith.constant 0 : i32
      %dma_wait3A_183 = arith.constant 0 : i32
      %dma_wait3A_184 = tpu.memref_slice %arg10[%dma_wait3A_182, %dma_wait3A_183] : memref<800x16xf32, #tpu.memory_space<vmem>> -> memref<656x16xf32, #tpu.memory_space<vmem>>
      %dma_wait3A_185 = arith.constant 0 : i32
      %dma_wait3A_186 = tpu.memref_slice %arg7[%add3A_37, %dma_wait3A_185] : memref<100096x16xf32, #tpu.memory_space<vmem_shared>> -> memref<656x16xf32, #tpu.memory_space<vmem_shared>>
      %dma_wait3A_187 = arith.constant 0 : i32
      %dma_wait3A_188 = tpu.memref_slice %arg7[%add3A_37, %dma_wait3A_187] : memref<100096x16xf32, #tpu.memory_space<vmem_shared>> -> memref<656x16xf32, #tpu.memory_space<vmem_shared>>
      %dma_wait3A_189 = arith.constant 0 : i32
      %dma_wait3A_190 = arith.constant 0 : i32
      %dma_wait3A_191 = tpu.memref_slice %arg10[%dma_wait3A_189, %dma_wait3A_190] : memref<800x16xf32, #tpu.memory_space<vmem>> -> memref<656x16xf32, #tpu.memory_space<vmem>>
      tpu.wait_dma2 semaphore(%run_scoped3A : memref<!tpu.dma_semaphore, #tpu.memory_space<semaphore_mem>>) src(%dma_wait3A_191 : memref<656x16xf32, #tpu.memory_space<vmem>>) dst(%dma_wait3A_188 : memref<656x16xf32, #tpu.memory_space<vmem_shared>>)
      tpu.yield
    }) : () -> ()
    %barrier3A = arith.constant 0 : index
    tpu.barrier barrier_id(%barrier3A)
    %mul3A_38 = arith.constant 100000 : i32
    %mul3A_39 = arith.muli %add3A, %mul3A_38 : i32
    "tpu.region"() ({
      %run_scoped3A = tpu.sem_alloc : memref<!tpu.dma_semaphore, #tpu.memory_space<semaphore_mem>>
      %dma_start3A_172 = tpu.memref_slice %arg3[%mul3A_39] : memref<3200000xi32, #tpu.memory_space<hbm>> -> memref<800xi32, #tpu.memory_space<hbm>>
      %dma_start3A_173 = tpu.memref_slice %arg3[%mul3A_39] : memref<3200000xi32, #tpu.memory_space<hbm>> -> memref<800xi32, #tpu.memory_space<hbm>>
      tpu.enqueue_dma source(%dma_start3A_173 : memref<800xi32, #tpu.memory_space<hbm>>) target(%arg8 : memref<800xi32, #tpu.memory_space<vmem>>) target_semaphore(%run_scoped3A : memref<!tpu.dma_semaphore, #tpu.memory_space<semaphore_mem>>)
      %dma_wait3A_174 = tpu.memref_slice %arg3[%mul3A_39] : memref<3200000xi32, #tpu.memory_space<hbm>> -> memref<800xi32, #tpu.memory_space<hbm>>
      %dma_wait3A_175 = tpu.memref_slice %arg3[%mul3A_39] : memref<3200000xi32, #tpu.memory_space<hbm>> -> memref<800xi32, #tpu.memory_space<hbm>>
      tpu.wait_dma2 semaphore(%run_scoped3A : memref<!tpu.dma_semaphore, #tpu.memory_space<semaphore_mem>>) src(%dma_wait3A_175 : memref<800xi32, #tpu.memory_space<hbm>>) dst(%arg8 : memref<800xi32, #tpu.memory_space<vmem>>)
      tpu.yield
    }) : () -> ()
    "tpu.region"() ({
      %run_scoped3A = tpu.sem_alloc : memref<!tpu.dma_semaphore, #tpu.memory_space<semaphore_mem>>
      %dma_start3A_172 = tpu.memref_slice %arg4[%mul3A_39] : memref<3200000xi32, #tpu.memory_space<hbm>> -> memref<800xi32, #tpu.memory_space<hbm>>
      %dma_start3A_173 = tpu.memref_slice %arg4[%mul3A_39] : memref<3200000xi32, #tpu.memory_space<hbm>> -> memref<800xi32, #tpu.memory_space<hbm>>
      tpu.enqueue_dma source(%dma_start3A_173 : memref<800xi32, #tpu.memory_space<hbm>>) target(%arg9 : memref<800xi32, #tpu.memory_space<vmem>>) target_semaphore(%run_scoped3A : memref<!tpu.dma_semaphore, #tpu.memory_space<semaphore_mem>>)
      %dma_wait3A_174 = tpu.memref_slice %arg4[%mul3A_39] : memref<3200000xi32, #tpu.memory_space<hbm>> -> memref<800xi32, #tpu.memory_space<hbm>>
      %dma_wait3A_175 = tpu.memref_slice %arg4[%mul3A_39] : memref<3200000xi32, #tpu.memory_space<hbm>> -> memref<800xi32, #tpu.memory_space<hbm>>
      tpu.wait_dma2 semaphore(%run_scoped3A : memref<!tpu.dma_semaphore, #tpu.memory_space<semaphore_mem>>) src(%dma_wait3A_175 : memref<800xi32, #tpu.memory_space<hbm>>) dst(%arg9 : memref<800xi32, #tpu.memory_space<vmem>>)
      tpu.yield
    }) : () -> ()
    %dma_start3A = arith.constant 0 : i32
    %dma_start3A_40 = arith.constant 0 : i32
    %dma_start3A_41 = tpu.memref_slice %arg2[%dma_start3A, %dma_start3A_40] : memref<100000x16xf32, #tpu.memory_space<hbm>> -> memref<100000x16xf32, #tpu.memory_space<hbm>>
    tpu.enqueue_indirect_dma source(%dma_start3A_41 : memref<100000x16xf32, #tpu.memory_space<hbm>>) target(%arg10 : memref<800x16xf32, #tpu.memory_space<vmem>>) offsets(%arg8 : memref<800xi32, #tpu.memory_space<vmem>>) semaphore(%arg14 : memref<!tpu.dma_semaphore, #tpu.memory_space<semaphore_mem>>)
    %add3A_42 = arith.constant 800 : i32
    %add3A_43 = arith.addi %mul3A_39, %add3A_42 : i32
    %dma_start3A_44 = tpu.memref_slice %arg3[%add3A_43] : memref<3200000xi32, #tpu.memory_space<hbm>> -> memref<800xi32, #tpu.memory_space<hbm>>
    %dma_start3A_45 = tpu.memref_slice %arg3[%add3A_43] : memref<3200000xi32, #tpu.memory_space<hbm>> -> memref<800xi32, #tpu.memory_space<hbm>>
    tpu.enqueue_dma source(%dma_start3A_45 : memref<800xi32, #tpu.memory_space<hbm>>) target(%arg11 : memref<800xi32, #tpu.memory_space<vmem>>) target_semaphore(%arg16 : memref<!tpu.dma_semaphore, #tpu.memory_space<semaphore_mem>>)
    %add3A_46 = arith.constant 800 : i32
    %add3A_47 = arith.addi %mul3A_39, %add3A_46 : i32
    %dma_start3A_48 = tpu.memref_slice %arg4[%add3A_47] : memref<3200000xi32, #tpu.memory_space<hbm>> -> memref<800xi32, #tpu.memory_space<hbm>>
    %dma_start3A_49 = tpu.memref_slice %arg4[%add3A_47] : memref<3200000xi32, #tpu.memory_space<hbm>> -> memref<800xi32, #tpu.memory_space<hbm>>
    tpu.enqueue_dma source(%dma_start3A_49 : memref<800xi32, #tpu.memory_space<hbm>>) target(%arg12 : memref<800xi32, #tpu.memory_space<vmem>>) target_semaphore(%arg17 : memref<!tpu.dma_semaphore, #tpu.memory_space<semaphore_mem>>)
    %scan3A_50 = arith.constant 0 : i32
    %scan3A_51 = arith.constant 0 : i32
    %scan3A_52 = arith.constant 62 : i32
    %scan3A_53 = arith.addi %scan3A_51, %scan3A_52 : i32
    %scan3A_54 = arith.constant 1 : i32
    scf.for %scan3A_172 = %scan3A_51 to %scan3A_53 step %scan3A_54  : i32 {
      %mul3A_173 = arith.constant 2 : i32
      %mul3A_174 = arith.muli %mul3A_173, %scan3A_172 : i32
      %add3A_175 = arith.constant 1 : i32
      %add3A_176 = arith.addi %mul3A_174, %add3A_175 : i32
      %mul3A_177 = arith.constant 800 : i32
      %mul3A_178 = arith.muli %add3A_176, %mul3A_177 : i32
      %add3A_179 = arith.addi %mul3A_39, %mul3A_178 : i32
      %mul3A_180 = arith.constant 2 : i32
      %mul3A_181 = arith.muli %mul3A_180, %scan3A_172 : i32
      %add3A_182 = arith.constant 2 : i32
      %add3A_183 = arith.addi %mul3A_181, %add3A_182 : i32
      %mul3A_184 = arith.constant 800 : i32
      %mul3A_185 = arith.muli %add3A_183, %mul3A_184 : i32
      %add3A_186 = arith.addi %mul3A_39, %mul3A_185 : i32
      %mul3A_187 = arith.constant 2 : i32
      %mul3A_188 = arith.muli %mul3A_187, %scan3A_172 : i32
      %add3A_189 = arith.constant 3 : i32
      %add3A_190 = arith.addi %mul3A_188, %add3A_189 : i32
      %min3A = arith.constant 124 : i32
      %min3A_191 = arith.minsi %add3A_190, %min3A : i32
      %mul3A_192 = arith.constant 800 : i32
      %mul3A_193 = arith.muli %min3A_191, %mul3A_192 : i32
      %add3A_194 = arith.addi %mul3A_39, %mul3A_193 : i32
      %dma_wait3A_195 = tpu.memref_slice %arg3[%add3A_179] : memref<3200000xi32, #tpu.memory_space<hbm>> -> memref<800xi32, #tpu.memory_space<hbm>>
      %dma_wait3A_196 = tpu.memref_slice %arg3[%add3A_179] : memref<3200000xi32, #tpu.memory_space<hbm>> -> memref<800xi32, #tpu.memory_space<hbm>>
      tpu.wait_dma2 semaphore(%arg16 : memref<!tpu.dma_semaphore, #tpu.memory_space<semaphore_mem>>) src(%dma_wait3A_196 : memref<800xi32, #tpu.memory_space<hbm>>) dst(%arg11 : memref<800xi32, #tpu.memory_space<vmem>>)
      %dma_wait3A_197 = tpu.memref_slice %arg4[%add3A_179] : memref<3200000xi32, #tpu.memory_space<hbm>> -> memref<800xi32, #tpu.memory_space<hbm>>
      %dma_wait3A_198 = tpu.memref_slice %arg4[%add3A_179] : memref<3200000xi32, #tpu.memory_space<hbm>> -> memref<800xi32, #tpu.memory_space<hbm>>
      tpu.wait_dma2 semaphore(%arg17 : memref<!tpu.dma_semaphore, #tpu.memory_space<semaphore_mem>>) src(%dma_wait3A_198 : memref<800xi32, #tpu.memory_space<hbm>>) dst(%arg12 : memref<800xi32, #tpu.memory_space<vmem>>)
      %dma_start3A_199 = arith.constant 0 : i32
      %dma_start3A_200 = arith.constant 0 : i32
      %dma_start3A_201 = tpu.memref_slice %arg2[%dma_start3A_199, %dma_start3A_200] : memref<100000x16xf32, #tpu.memory_space<hbm>> -> memref<100000x16xf32, #tpu.memory_space<hbm>>
      tpu.enqueue_indirect_dma source(%dma_start3A_201 : memref<100000x16xf32, #tpu.memory_space<hbm>>) target(%arg13 : memref<800x16xf32, #tpu.memory_space<vmem>>) offsets(%arg11 : memref<800xi32, #tpu.memory_space<vmem>>) semaphore(%arg15 : memref<!tpu.dma_semaphore, #tpu.memory_space<semaphore_mem>>)
      %dma_wait3A_202 = arith.constant 0 : i32
      %dma_wait3A_203 = arith.constant 0 : i32
      %dma_wait3A_204 = tpu.memref_slice %arg2[%dma_wait3A_202, %dma_wait3A_203] : memref<100000x16xf32, #tpu.memory_space<hbm>> -> memref<100000x16xf32, #tpu.memory_space<hbm>>
      tpu.wait_indirect_dma semaphore(%arg14 : memref<!tpu.dma_semaphore, #tpu.memory_space<semaphore_mem>>) src(%dma_wait3A_204 : memref<100000x16xf32, #tpu.memory_space<hbm>>) dst(%arg10 : memref<800x16xf32, #tpu.memory_space<vmem>>)
      "tpu.region"() ({
        %run_scoped3A = tpu.sem_alloc : memref<!tpu.dma_semaphore, #tpu.memory_space<semaphore_mem>>
        %dma_start3A_223 = arith.constant 0 : i32
        %dma_start3A_224 = arith.constant 0 : i32
        %dma_start3A_225 = tpu.memref_slice %arg7[%dma_start3A_223, %dma_start3A_224] : memref<100096x16xf32, #tpu.memory_space<vmem_shared>> -> memref<100096x16xf32, #tpu.memory_space<vmem_shared>>
        tpu.enqueue_indirect_dma source(%arg10 : memref<800x16xf32, #tpu.memory_space<vmem>>) target(%dma_start3A_225 : memref<100096x16xf32, #tpu.memory_space<vmem_shared>>) offsets(%arg9 : memref<800xi32, #tpu.memory_space<vmem>>) semaphore(%run_scoped3A : memref<!tpu.dma_semaphore, #tpu.memory_space<semaphore_mem>>) {add = true}
        %dma_wait3A_226 = arith.constant 0 : i32
        %dma_wait3A_227 = arith.constant 0 : i32
        %dma_wait3A_228 = tpu.memref_slice %arg7[%dma_wait3A_226, %dma_wait3A_227] : memref<100096x16xf32, #tpu.memory_space<vmem_shared>> -> memref<100096x16xf32, #tpu.memory_space<vmem_shared>>
        tpu.wait_indirect_dma semaphore(%run_scoped3A : memref<!tpu.dma_semaphore, #tpu.memory_space<semaphore_mem>>) src(%arg10 : memref<800x16xf32, #tpu.memory_space<vmem>>) dst(%dma_wait3A_228 : memref<100096x16xf32, #tpu.memory_space<vmem_shared>>)
        tpu.yield
      }) : () -> ()
      %dma_start3A_205 = tpu.memref_slice %arg3[%add3A_186] : memref<3200000xi32, #tpu.memory_space<hbm>> -> memref<800xi32, #tpu.memory_space<hbm>>
      %dma_start3A_206 = tpu.memref_slice %arg3[%add3A_186] : memref<3200000xi32, #tpu.memory_space<hbm>> -> memref<800xi32, #tpu.memory_space<hbm>>
      tpu.enqueue_dma source(%dma_start3A_206 : memref<800xi32, #tpu.memory_space<hbm>>) target(%arg8 : memref<800xi32, #tpu.memory_space<vmem>>) target_semaphore(%arg16 : memref<!tpu.dma_semaphore, #tpu.memory_space<semaphore_mem>>)
      %dma_start3A_207 = tpu.memref_slice %arg4[%add3A_186] : memref<3200000xi32, #tpu.memory_space<hbm>> -> memref<800xi32, #tpu.memory_space<hbm>>
      %dma_start3A_208 = tpu.memref_slice %arg4[%add3A_186] : memref<3200000xi32, #tpu.memory_space<hbm>> -> memref<800xi32, #tpu.memory_space<hbm>>
      tpu.enqueue_dma source(%dma_start3A_208 : memref<800xi32, #tpu.memory_space<hbm>>) target(%arg9 : memref<800xi32, #tpu.memory_space<vmem>>) target_semaphore(%arg17 : memref<!tpu.dma_semaphore, #tpu.memory_space<semaphore_mem>>)
      %dma_wait3A_209 = tpu.memref_slice %arg3[%add3A_186] : memref<3200000xi32, #tpu.memory_space<hbm>> -> memref<800xi32, #tpu.memory_space<hbm>>
      %dma_wait3A_210 = tpu.memref_slice %arg3[%add3A_186] : memref<3200000xi32, #tpu.memory_space<hbm>> -> memref<800xi32, #tpu.memory_space<hbm>>
      tpu.wait_dma2 semaphore(%arg16 : memref<!tpu.dma_semaphore, #tpu.memory_space<semaphore_mem>>) src(%dma_wait3A_210 : memref<800xi32, #tpu.memory_space<hbm>>) dst(%arg8 : memref<800xi32, #tpu.memory_space<vmem>>)
      %dma_wait3A_211 = tpu.memref_slice %arg4[%add3A_186] : memref<3200000xi32, #tpu.memory_space<hbm>> -> memref<800xi32, #tpu.memory_space<hbm>>
      %dma_wait3A_212 = tpu.memref_slice %arg4[%add3A_186] : memref<3200000xi32, #tpu.memory_space<hbm>> -> memref<800xi32, #tpu.memory_space<hbm>>
      tpu.wait_dma2 semaphore(%arg17 : memref<!tpu.dma_semaphore, #tpu.memory_space<semaphore_mem>>) src(%dma_wait3A_212 : memref<800xi32, #tpu.memory_space<hbm>>) dst(%arg9 : memref<800xi32, #tpu.memory_space<vmem>>)
      %dma_start3A_213 = arith.constant 0 : i32
      %dma_start3A_214 = arith.constant 0 : i32
      %dma_start3A_215 = tpu.memref_slice %arg2[%dma_start3A_213, %dma_start3A_214] : memref<100000x16xf32, #tpu.memory_space<hbm>> -> memref<100000x16xf32, #tpu.memory_space<hbm>>
      tpu.enqueue_indirect_dma source(%dma_start3A_215 : memref<100000x16xf32, #tpu.memory_space<hbm>>) target(%arg10 : memref<800x16xf32, #tpu.memory_space<vmem>>) offsets(%arg8 : memref<800xi32, #tpu.memory_space<vmem>>) semaphore(%arg14 : memref<!tpu.dma_semaphore, #tpu.memory_space<semaphore_mem>>)
      %dma_wait3A_216 = arith.constant 0 : i32
      %dma_wait3A_217 = arith.constant 0 : i32
      %dma_wait3A_218 = tpu.memref_slice %arg2[%dma_wait3A_216, %dma_wait3A_217] : memref<100000x16xf32, #tpu.memory_space<hbm>> -> memref<100000x16xf32, #tpu.memory_space<hbm>>
      tpu.wait_indirect_dma semaphore(%arg15 : memref<!tpu.dma_semaphore, #tpu.memory_space<semaphore_mem>>) src(%dma_wait3A_218 : memref<100000x16xf32, #tpu.memory_space<hbm>>) dst(%arg13 : memref<800x16xf32, #tpu.memory_space<vmem>>)
      "tpu.region"() ({
        %run_scoped3A = tpu.sem_alloc : memref<!tpu.dma_semaphore, #tpu.memory_space<semaphore_mem>>
        %dma_start3A_223 = arith.constant 0 : i32
        %dma_start3A_224 = arith.constant 0 : i32
        %dma_start3A_225 = tpu.memref_slice %arg7[%dma_start3A_223, %dma_start3A_224] : memref<100096x16xf32, #tpu.memory_space<vmem_shared>> -> memref<100096x16xf32, #tpu.memory_space<vmem_shared>>
        tpu.enqueue_indirect_dma source(%arg13 : memref<800x16xf32, #tpu.memory_space<vmem>>) target(%dma_start3A_225 : memref<100096x16xf32, #tpu.memory_space<vmem_shared>>) offsets(%arg12 : memref<800xi32, #tpu.memory_space<vmem>>) semaphore(%run_scoped3A : memref<!tpu.dma_semaphore, #tpu.memory_space<semaphore_mem>>) {add = true}
        %dma_wait3A_226 = arith.constant 0 : i32
        %dma_wait3A_227 = arith.constant 0 : i32
        %dma_wait3A_228 = tpu.memref_slice %arg7[%dma_wait3A_226, %dma_wait3A_227] : memref<100096x16xf32, #tpu.memory_space<vmem_shared>> -> memref<100096x16xf32, #tpu.memory_space<vmem_shared>>
        tpu.wait_indirect_dma semaphore(%run_scoped3A : memref<!tpu.dma_semaphore, #tpu.memory_space<semaphore_mem>>) src(%arg13 : memref<800x16xf32, #tpu.memory_space<vmem>>) dst(%dma_wait3A_228 : memref<100096x16xf32, #tpu.memory_space<vmem_shared>>)
        tpu.yield
      }) : () -> ()
      %dma_start3A_219 = tpu.memref_slice %arg3[%add3A_194] : memref<3200000xi32, #tpu.memory_space<hbm>> -> memref<800xi32, #tpu.memory_space<hbm>>
      %dma_start3A_220 = tpu.memref_slice %arg3[%add3A_194] : memref<3200000xi32, #tpu.memory_space<hbm>> -> memref<800xi32, #tpu.memory_space<hbm>>
      tpu.enqueue_dma source(%dma_start3A_220 : memref<800xi32, #tpu.memory_space<hbm>>) target(%arg11 : memref<800xi32, #tpu.memory_space<vmem>>) target_semaphore(%arg16 : memref<!tpu.dma_semaphore, #tpu.memory_space<semaphore_mem>>)
      %dma_start3A_221 = tpu.memref_slice %arg4[%add3A_194] : memref<3200000xi32, #tpu.memory_space<hbm>> -> memref<800xi32, #tpu.memory_space<hbm>>
      %dma_start3A_222 = tpu.memref_slice %arg4[%add3A_194] : memref<3200000xi32, #tpu.memory_space<hbm>> -> memref<800xi32, #tpu.memory_space<hbm>>
      tpu.enqueue_dma source(%dma_start3A_222 : memref<800xi32, #tpu.memory_space<hbm>>) target(%arg12 : memref<800xi32, #tpu.memory_space<vmem>>) target_semaphore(%arg17 : memref<!tpu.dma_semaphore, #tpu.memory_space<semaphore_mem>>)
    }
    %scan3A_55 = arith.constant 62 : i32
    %dma_wait3A = tpu.memref_slice %arg3[%mul3A_39] : memref<3200000xi32, #tpu.memory_space<hbm>> -> memref<800xi32, #tpu.memory_space<hbm>>
    %dma_wait3A_56 = tpu.memref_slice %arg3[%mul3A_39] : memref<3200000xi32, #tpu.memory_space<hbm>> -> memref<800xi32, #tpu.memory_space<hbm>>
    tpu.wait_dma2 semaphore(%arg16 : memref<!tpu.dma_semaphore, #tpu.memory_space<semaphore_mem>>) src(%dma_wait3A_56 : memref<800xi32, #tpu.memory_space<hbm>>) dst(%arg11 : memref<800xi32, #tpu.memory_space<vmem>>)
    %dma_wait3A_57 = tpu.memref_slice %arg4[%mul3A_39] : memref<3200000xi32, #tpu.memory_space<hbm>> -> memref<800xi32, #tpu.memory_space<hbm>>
    %dma_wait3A_58 = tpu.memref_slice %arg4[%mul3A_39] : memref<3200000xi32, #tpu.memory_space<hbm>> -> memref<800xi32, #tpu.memory_space<hbm>>
    tpu.wait_dma2 semaphore(%arg17 : memref<!tpu.dma_semaphore, #tpu.memory_space<semaphore_mem>>) src(%dma_wait3A_58 : memref<800xi32, #tpu.memory_space<hbm>>) dst(%arg12 : memref<800xi32, #tpu.memory_space<vmem>>)
    %dma_wait3A_59 = arith.constant 0 : i32
    %dma_wait3A_60 = arith.constant 0 : i32
    %dma_wait3A_61 = tpu.memref_slice %arg2[%dma_wait3A_59, %dma_wait3A_60] : memref<100000x16xf32, #tpu.memory_space<hbm>> -> memref<100000x16xf32, #tpu.memory_space<hbm>>
    tpu.wait_indirect_dma semaphore(%arg14 : memref<!tpu.dma_semaphore, #tpu.memory_space<semaphore_mem>>) src(%dma_wait3A_61 : memref<100000x16xf32, #tpu.memory_space<hbm>>) dst(%arg10 : memref<800x16xf32, #tpu.memory_space<vmem>>)
    "tpu.region"() ({
      %run_scoped3A = tpu.sem_alloc : memref<!tpu.dma_semaphore, #tpu.memory_space<semaphore_mem>>
      %dma_start3A_172 = arith.constant 0 : i32
      %dma_start3A_173 = arith.constant 0 : i32
      %dma_start3A_174 = tpu.memref_slice %arg7[%dma_start3A_172, %dma_start3A_173] : memref<100096x16xf32, #tpu.memory_space<vmem_shared>> -> memref<100096x16xf32, #tpu.memory_space<vmem_shared>>
      tpu.enqueue_indirect_dma source(%arg10 : memref<800x16xf32, #tpu.memory_space<vmem>>) target(%dma_start3A_174 : memref<100096x16xf32, #tpu.memory_space<vmem_shared>>) offsets(%arg9 : memref<800xi32, #tpu.memory_space<vmem>>) semaphore(%run_scoped3A : memref<!tpu.dma_semaphore, #tpu.memory_space<semaphore_mem>>) {add = true}
      %dma_wait3A_175 = arith.constant 0 : i32
      %dma_wait3A_176 = arith.constant 0 : i32
      %dma_wait3A_177 = tpu.memref_slice %arg7[%dma_wait3A_175, %dma_wait3A_176] : memref<100096x16xf32, #tpu.memory_space<vmem_shared>> -> memref<100096x16xf32, #tpu.memory_space<vmem_shared>>
      tpu.wait_indirect_dma semaphore(%run_scoped3A : memref<!tpu.dma_semaphore, #tpu.memory_space<semaphore_mem>>) src(%arg10 : memref<800x16xf32, #tpu.memory_space<vmem>>) dst(%dma_wait3A_177 : memref<100096x16xf32, #tpu.memory_space<vmem_shared>>)
      tpu.yield
    }) : () -> ()
    %barrier3A_62 = arith.constant 0 : index
    tpu.barrier barrier_id(%barrier3A_62)
    %mul3A_63 = arith.constant 6256 : i32
    %mul3A_64 = arith.muli %arg1, %mul3A_63 : i32
    %add3A_65 = arith.constant 0 : i32
    %add3A_66 = arith.addi %mul3A_64, %add3A_65 : i32
    "tpu.region"() ({
      %run_scoped3A = tpu.sem_alloc : memref<!tpu.dma_semaphore, #tpu.memory_space<semaphore_mem>>
      %dma_start3A_172 = arith.constant 0 : i32
      %dma_start3A_173 = arith.constant 0 : i32
      %dma_start3A_174 = tpu.memref_slice %arg10[%dma_start3A_172, %dma_start3A_173] : memref<800x16xf32, #tpu.memory_space<vmem>> -> memref<800x16xf32, #tpu.memory_space<vmem>>
      %dma_start3A_175 = arith.constant 0 : i32
      %dma_start3A_176 = tpu.memref_slice %arg7[%add3A_66, %dma_start3A_175] : memref<100096x16xf32, #tpu.memory_space<vmem_shared>> -> memref<800x16xf32, #tpu.memory_space<vmem_shared>>
      %dma_start3A_177 = arith.constant 0 : i32
      %dma_start3A_178 = arith.constant 0 : i32
      %dma_start3A_179 = tpu.memref_slice %arg10[%dma_start3A_177, %dma_start3A_178] : memref<800x16xf32, #tpu.memory_space<vmem>> -> memref<800x16xf32, #tpu.memory_space<vmem>>
      %dma_start3A_180 = arith.constant 0 : i32
      %dma_start3A_181 = tpu.memref_slice %arg7[%add3A_66, %dma_start3A_180] : memref<100096x16xf32, #tpu.memory_space<vmem_shared>> -> memref<800x16xf32, #tpu.memory_space<vmem_shared>>
      tpu.enqueue_dma source(%dma_start3A_181 : memref<800x16xf32, #tpu.memory_space<vmem_shared>>) target(%dma_start3A_179 : memref<800x16xf32, #tpu.memory_space<vmem>>) target_semaphore(%run_scoped3A : memref<!tpu.dma_semaphore, #tpu.memory_space<semaphore_mem>>)
      %dma_wait3A_182 = arith.constant 0 : i32
      %dma_wait3A_183 = arith.constant 0 : i32
      %dma_wait3A_184 = tpu.memref_slice %arg10[%dma_wait3A_182, %dma_wait3A_183] : memref<800x16xf32, #tpu.memory_space<vmem>> -> memref<800x16xf32, #tpu.memory_space<vmem>>
      %dma_wait3A_185 = arith.constant 0 : i32
      %dma_wait3A_186 = tpu.memref_slice %arg7[%add3A_66, %dma_wait3A_185] : memref<100096x16xf32, #tpu.memory_space<vmem_shared>> -> memref<800x16xf32, #tpu.memory_space<vmem_shared>>
      %dma_wait3A_187 = arith.constant 0 : i32
      %dma_wait3A_188 = arith.constant 0 : i32
      %dma_wait3A_189 = tpu.memref_slice %arg10[%dma_wait3A_187, %dma_wait3A_188] : memref<800x16xf32, #tpu.memory_space<vmem>> -> memref<800x16xf32, #tpu.memory_space<vmem>>
      %dma_wait3A_190 = arith.constant 0 : i32
      %dma_wait3A_191 = tpu.memref_slice %arg7[%add3A_66, %dma_wait3A_190] : memref<100096x16xf32, #tpu.memory_space<vmem_shared>> -> memref<800x16xf32, #tpu.memory_space<vmem_shared>>
      tpu.wait_dma2 semaphore(%run_scoped3A : memref<!tpu.dma_semaphore, #tpu.memory_space<semaphore_mem>>) src(%dma_wait3A_191 : memref<800x16xf32, #tpu.memory_space<vmem_shared>>) dst(%dma_wait3A_189 : memref<800x16xf32, #tpu.memory_space<vmem>>)
      tpu.yield
    }) : () -> ()
    %eq3A = arith.constant 0 : i32
    %eq3A_67 = arith.cmpi eq, %arg0, %eq3A : i32
    %convert_element_type3A = arith.extui %eq3A_67 : i1 to i32
    %cond3A = arith.constant 0 : i32
    %cond3A_68 = arith.cmpi ne, %convert_element_type3A, %cond3A : i32
    scf.if %cond3A_68 {
      "tpu.region"() ({
        %run_scoped3A = tpu.sem_alloc : memref<!tpu.dma_semaphore, #tpu.memory_space<semaphore_mem>>
        %dma_start3A_172 = arith.constant 0 : i32
        %dma_start3A_173 = arith.constant 0 : i32
        %dma_start3A_174 = tpu.memref_slice %arg10[%dma_start3A_172, %dma_start3A_173] : memref<800x16xf32, #tpu.memory_space<vmem>> -> memref<800x16xf32, #tpu.memory_space<vmem>>
        %dma_start3A_175 = arith.constant 0 : i32
        %dma_start3A_176 = tpu.memref_slice %arg5[%add3A_66, %dma_start3A_175] : memref<100096x16xf32, #tpu.memory_space<hbm>> -> memref<800x16xf32, #tpu.memory_space<hbm>>
        %dma_start3A_177 = arith.constant 0 : i32
        %dma_start3A_178 = tpu.memref_slice %arg5[%add3A_66, %dma_start3A_177] : memref<100096x16xf32, #tpu.memory_space<hbm>> -> memref<800x16xf32, #tpu.memory_space<hbm>>
        %dma_start3A_179 = arith.constant 0 : i32
        %dma_start3A_180 = arith.constant 0 : i32
        %dma_start3A_181 = tpu.memref_slice %arg10[%dma_start3A_179, %dma_start3A_180] : memref<800x16xf32, #tpu.memory_space<vmem>> -> memref<800x16xf32, #tpu.memory_space<vmem>>
        tpu.enqueue_dma source(%dma_start3A_181 : memref<800x16xf32, #tpu.memory_space<vmem>>) target(%dma_start3A_178 : memref<800x16xf32, #tpu.memory_space<hbm>>) target_semaphore(%run_scoped3A : memref<!tpu.dma_semaphore, #tpu.memory_space<semaphore_mem>>)
        %dma_wait3A_182 = arith.constant 0 : i32
        %dma_wait3A_183 = arith.constant 0 : i32
        %dma_wait3A_184 = tpu.memref_slice %arg10[%dma_wait3A_182, %dma_wait3A_183] : memref<800x16xf32, #tpu.memory_space<vmem>> -> memref<800x16xf32, #tpu.memory_space<vmem>>
        %dma_wait3A_185 = arith.constant 0 : i32
        %dma_wait3A_186 = tpu.memref_slice %arg5[%add3A_66, %dma_wait3A_185] : memref<100096x16xf32, #tpu.memory_space<hbm>> -> memref<800x16xf32, #tpu.memory_space<hbm>>
        %dma_wait3A_187 = arith.constant 0 : i32
        %dma_wait3A_188 = tpu.memref_slice %arg5[%add3A_66, %dma_wait3A_187] : memref<100096x16xf32, #tpu.memory_space<hbm>> -> memref<800x16xf32, #tpu.memory_space<hbm>>
        %dma_wait3A_189 = arith.constant 0 : i32
        %dma_wait3A_190 = arith.constant 0 : i32
        %dma_wait3A_191 = tpu.memref_slice %arg10[%dma_wait3A_189, %dma_wait3A_190] : memref<800x16xf32, #tpu.memory_space<vmem>> -> memref<800x16xf32, #tpu.memory_space<vmem>>
        tpu.wait_dma2 semaphore(%run_scoped3A : memref<!tpu.dma_semaphore, #tpu.memory_space<semaphore_mem>>) src(%dma_wait3A_191 : memref<800x16xf32, #tpu.memory_space<vmem>>) dst(%dma_wait3A_188 : memref<800x16xf32, #tpu.memory_space<hbm>>)
        tpu.yield
      }) : () -> ()
    } else {
    }
    %eq3A_69 = arith.constant 1 : i32
    %eq3A_70 = arith.cmpi eq, %arg0, %eq3A_69 : i32
    %convert_element_type3A_71 = arith.extui %eq3A_70 : i1 to i32
    %cond3A_72 = arith.constant 0 : i32
    %cond3A_73 = arith.cmpi ne, %convert_element_type3A_71, %cond3A_72 : i32
    scf.if %cond3A_73 {
      "tpu.region"() ({
        %run_scoped3A = tpu.sem_alloc : memref<!tpu.dma_semaphore, #tpu.memory_space<semaphore_mem>>
        %dma_start3A_172 = arith.constant 0 : i32
        %dma_start3A_173 = arith.constant 0 : i32
        %dma_start3A_174 = tpu.memref_slice %arg10[%dma_start3A_172, %dma_start3A_173] : memref<800x16xf32, #tpu.memory_space<vmem>> -> memref<800x16xf32, #tpu.memory_space<vmem>>
        %dma_start3A_175 = arith.constant 0 : i32
        %dma_start3A_176 = tpu.memref_slice %arg6[%add3A_66, %dma_start3A_175] : memref<100096x16xf32, #tpu.memory_space<hbm>> -> memref<800x16xf32, #tpu.memory_space<hbm>>
        %dma_start3A_177 = arith.constant 0 : i32
        %dma_start3A_178 = tpu.memref_slice %arg6[%add3A_66, %dma_start3A_177] : memref<100096x16xf32, #tpu.memory_space<hbm>> -> memref<800x16xf32, #tpu.memory_space<hbm>>
        %dma_start3A_179 = arith.constant 0 : i32
        %dma_start3A_180 = arith.constant 0 : i32
        %dma_start3A_181 = tpu.memref_slice %arg10[%dma_start3A_179, %dma_start3A_180] : memref<800x16xf32, #tpu.memory_space<vmem>> -> memref<800x16xf32, #tpu.memory_space<vmem>>
        tpu.enqueue_dma source(%dma_start3A_181 : memref<800x16xf32, #tpu.memory_space<vmem>>) target(%dma_start3A_178 : memref<800x16xf32, #tpu.memory_space<hbm>>) target_semaphore(%run_scoped3A : memref<!tpu.dma_semaphore, #tpu.memory_space<semaphore_mem>>)
        %dma_wait3A_182 = arith.constant 0 : i32
        %dma_wait3A_183 = arith.constant 0 : i32
        %dma_wait3A_184 = tpu.memref_slice %arg10[%dma_wait3A_182, %dma_wait3A_183] : memref<800x16xf32, #tpu.memory_space<vmem>> -> memref<800x16xf32, #tpu.memory_space<vmem>>
        %dma_wait3A_185 = arith.constant 0 : i32
        %dma_wait3A_186 = tpu.memref_slice %arg6[%add3A_66, %dma_wait3A_185] : memref<100096x16xf32, #tpu.memory_space<hbm>> -> memref<800x16xf32, #tpu.memory_space<hbm>>
        %dma_wait3A_187 = arith.constant 0 : i32
        %dma_wait3A_188 = tpu.memref_slice %arg6[%add3A_66, %dma_wait3A_187] : memref<100096x16xf32, #tpu.memory_space<hbm>> -> memref<800x16xf32, #tpu.memory_space<hbm>>
        %dma_wait3A_189 = arith.constant 0 : i32
        %dma_wait3A_190 = arith.constant 0 : i32
        %dma_wait3A_191 = tpu.memref_slice %arg10[%dma_wait3A_189, %dma_wait3A_190] : memref<800x16xf32, #tpu.memory_space<vmem>> -> memref<800x16xf32, #tpu.memory_space<vmem>>
        tpu.wait_dma2 semaphore(%run_scoped3A : memref<!tpu.dma_semaphore, #tpu.memory_space<semaphore_mem>>) src(%dma_wait3A_191 : memref<800x16xf32, #tpu.memory_space<vmem>>) dst(%dma_wait3A_188 : memref<800x16xf32, #tpu.memory_space<hbm>>)
        tpu.yield
      }) : () -> ()
    } else {
    }
    %mul3A_74 = arith.constant 6256 : i32
    %mul3A_75 = arith.muli %arg1, %mul3A_74 : i32
    %add3A_76 = arith.constant 800 : i32
    %add3A_77 = arith.addi %mul3A_75, %add3A_76 : i32
    "tpu.region"() ({
      %run_scoped3A = tpu.sem_alloc : memref<!tpu.dma_semaphore, #tpu.memory_space<semaphore_mem>>
      %dma_start3A_172 = arith.constant 0 : i32
      %dma_start3A_173 = arith.constant 0 : i32
      %dma_start3A_174 = tpu.memref_slice %arg10[%dma_start3A_172, %dma_start3A_173] : memref<800x16xf32, #tpu.memory_space<vmem>> -> memref<800x16xf32, #tpu.memory_space<vmem>>
      %dma_start3A_175 = arith.constant 0 : i32
      %dma_start3A_176 = tpu.memref_slice %arg7[%add3A_77, %dma_start3A_175] : memref<100096x16xf32, #tpu.memory_space<vmem_shared>> -> memref<800x16xf32, #tpu.memory_space<vmem_shared>>
      %dma_start3A_177 = arith.constant 0 : i32
      %dma_start3A_178 = arith.constant 0 : i32
      %dma_start3A_179 = tpu.memref_slice %arg10[%dma_start3A_177, %dma_start3A_178] : memref<800x16xf32, #tpu.memory_space<vmem>> -> memref<800x16xf32, #tpu.memory_space<vmem>>
      %dma_start3A_180 = arith.constant 0 : i32
      %dma_start3A_181 = tpu.memref_slice %arg7[%add3A_77, %dma_start3A_180] : memref<100096x16xf32, #tpu.memory_space<vmem_shared>> -> memref<800x16xf32, #tpu.memory_space<vmem_shared>>
      tpu.enqueue_dma source(%dma_start3A_181 : memref<800x16xf32, #tpu.memory_space<vmem_shared>>) target(%dma_start3A_179 : memref<800x16xf32, #tpu.memory_space<vmem>>) target_semaphore(%run_scoped3A : memref<!tpu.dma_semaphore, #tpu.memory_space<semaphore_mem>>)
      %dma_wait3A_182 = arith.constant 0 : i32
      %dma_wait3A_183 = arith.constant 0 : i32
      %dma_wait3A_184 = tpu.memref_slice %arg10[%dma_wait3A_182, %dma_wait3A_183] : memref<800x16xf32, #tpu.memory_space<vmem>> -> memref<800x16xf32, #tpu.memory_space<vmem>>
      %dma_wait3A_185 = arith.constant 0 : i32
      %dma_wait3A_186 = tpu.memref_slice %arg7[%add3A_77, %dma_wait3A_185] : memref<100096x16xf32, #tpu.memory_space<vmem_shared>> -> memref<800x16xf32, #tpu.memory_space<vmem_shared>>
      %dma_wait3A_187 = arith.constant 0 : i32
      %dma_wait3A_188 = arith.constant 0 : i32
      %dma_wait3A_189 = tpu.memref_slice %arg10[%dma_wait3A_187, %dma_wait3A_188] : memref<800x16xf32, #tpu.memory_space<vmem>> -> memref<800x16xf32, #tpu.memory_space<vmem>>
      %dma_wait3A_190 = arith.constant 0 : i32
      %dma_wait3A_191 = tpu.memref_slice %arg7[%add3A_77, %dma_wait3A_190] : memref<100096x16xf32, #tpu.memory_space<vmem_shared>> -> memref<800x16xf32, #tpu.memory_space<vmem_shared>>
      tpu.wait_dma2 semaphore(%run_scoped3A : memref<!tpu.dma_semaphore, #tpu.memory_space<semaphore_mem>>) src(%dma_wait3A_191 : memref<800x16xf32, #tpu.memory_space<vmem_shared>>) dst(%dma_wait3A_189 : memref<800x16xf32, #tpu.memory_space<vmem>>)
      tpu.yield
    }) : () -> ()
    %eq3A_78 = arith.constant 0 : i32
    %eq3A_79 = arith.cmpi eq, %arg0, %eq3A_78 : i32
    %convert_element_type3A_80 = arith.extui %eq3A_79 : i1 to i32
    %cond3A_81 = arith.constant 0 : i32
    %cond3A_82 = arith.cmpi ne, %convert_element_type3A_80, %cond3A_81 : i32
    scf.if %cond3A_82 {
      "tpu.region"() ({
        %run_scoped3A = tpu.sem_alloc : memref<!tpu.dma_semaphore, #tpu.memory_space<semaphore_mem>>
        %dma_start3A_172 = arith.constant 0 : i32
        %dma_start3A_173 = arith.constant 0 : i32
        %dma_start3A_174 = tpu.memref_slice %arg10[%dma_start3A_172, %dma_start3A_173] : memref<800x16xf32, #tpu.memory_space<vmem>> -> memref<800x16xf32, #tpu.memory_space<vmem>>
        %dma_start3A_175 = arith.constant 0 : i32
        %dma_start3A_176 = tpu.memref_slice %arg5[%add3A_77, %dma_start3A_175] : memref<100096x16xf32, #tpu.memory_space<hbm>> -> memref<800x16xf32, #tpu.memory_space<hbm>>
        %dma_start3A_177 = arith.constant 0 : i32
        %dma_start3A_178 = tpu.memref_slice %arg5[%add3A_77, %dma_start3A_177] : memref<100096x16xf32, #tpu.memory_space<hbm>> -> memref<800x16xf32, #tpu.memory_space<hbm>>
        %dma_start3A_179 = arith.constant 0 : i32
        %dma_start3A_180 = arith.constant 0 : i32
        %dma_start3A_181 = tpu.memref_slice %arg10[%dma_start3A_179, %dma_start3A_180] : memref<800x16xf32, #tpu.memory_space<vmem>> -> memref<800x16xf32, #tpu.memory_space<vmem>>
        tpu.enqueue_dma source(%dma_start3A_181 : memref<800x16xf32, #tpu.memory_space<vmem>>) target(%dma_start3A_178 : memref<800x16xf32, #tpu.memory_space<hbm>>) target_semaphore(%run_scoped3A : memref<!tpu.dma_semaphore, #tpu.memory_space<semaphore_mem>>)
        %dma_wait3A_182 = arith.constant 0 : i32
        %dma_wait3A_183 = arith.constant 0 : i32
        %dma_wait3A_184 = tpu.memref_slice %arg10[%dma_wait3A_182, %dma_wait3A_183] : memref<800x16xf32, #tpu.memory_space<vmem>> -> memref<800x16xf32, #tpu.memory_space<vmem>>
        %dma_wait3A_185 = arith.constant 0 : i32
        %dma_wait3A_186 = tpu.memref_slice %arg5[%add3A_77, %dma_wait3A_185] : memref<100096x16xf32, #tpu.memory_space<hbm>> -> memref<800x16xf32, #tpu.memory_space<hbm>>
        %dma_wait3A_187 = arith.constant 0 : i32
        %dma_wait3A_188 = tpu.memref_slice %arg5[%add3A_77, %dma_wait3A_187] : memref<100096x16xf32, #tpu.memory_space<hbm>> -> memref<800x16xf32, #tpu.memory_space<hbm>>
        %dma_wait3A_189 = arith.constant 0 : i32
        %dma_wait3A_190 = arith.constant 0 : i32
        %dma_wait3A_191 = tpu.memref_slice %arg10[%dma_wait3A_189, %dma_wait3A_190] : memref<800x16xf32, #tpu.memory_space<vmem>> -> memref<800x16xf32, #tpu.memory_space<vmem>>
        tpu.wait_dma2 semaphore(%run_scoped3A : memref<!tpu.dma_semaphore, #tpu.memory_space<semaphore_mem>>) src(%dma_wait3A_191 : memref<800x16xf32, #tpu.memory_space<vmem>>) dst(%dma_wait3A_188 : memref<800x16xf32, #tpu.memory_space<hbm>>)
        tpu.yield
      }) : () -> ()
    } else {
    }
    %eq3A_83 = arith.constant 1 : i32
    %eq3A_84 = arith.cmpi eq, %arg0, %eq3A_83 : i32
    %convert_element_type3A_85 = arith.extui %eq3A_84 : i1 to i32
    %cond3A_86 = arith.constant 0 : i32
    %cond3A_87 = arith.cmpi ne, %convert_element_type3A_85, %cond3A_86 : i32
    scf.if %cond3A_87 {
      "tpu.region"() ({
        %run_scoped3A = tpu.sem_alloc : memref<!tpu.dma_semaphore, #tpu.memory_space<semaphore_mem>>
        %dma_start3A_172 = arith.constant 0 : i32
        %dma_start3A_173 = arith.constant 0 : i32
        %dma_start3A_174 = tpu.memref_slice %arg10[%dma_start3A_172, %dma_start3A_173] : memref<800x16xf32, #tpu.memory_space<vmem>> -> memref<800x16xf32, #tpu.memory_space<vmem>>
        %dma_start3A_175 = arith.constant 0 : i32
        %dma_start3A_176 = tpu.memref_slice %arg6[%add3A_77, %dma_start3A_175] : memref<100096x16xf32, #tpu.memory_space<hbm>> -> memref<800x16xf32, #tpu.memory_space<hbm>>
        %dma_start3A_177 = arith.constant 0 : i32
        %dma_start3A_178 = tpu.memref_slice %arg6[%add3A_77, %dma_start3A_177] : memref<100096x16xf32, #tpu.memory_space<hbm>> -> memref<800x16xf32, #tpu.memory_space<hbm>>
        %dma_start3A_179 = arith.constant 0 : i32
        %dma_start3A_180 = arith.constant 0 : i32
        %dma_start3A_181 = tpu.memref_slice %arg10[%dma_start3A_179, %dma_start3A_180] : memref<800x16xf32, #tpu.memory_space<vmem>> -> memref<800x16xf32, #tpu.memory_space<vmem>>
        tpu.enqueue_dma source(%dma_start3A_181 : memref<800x16xf32, #tpu.memory_space<vmem>>) target(%dma_start3A_178 : memref<800x16xf32, #tpu.memory_space<hbm>>) target_semaphore(%run_scoped3A : memref<!tpu.dma_semaphore, #tpu.memory_space<semaphore_mem>>)
        %dma_wait3A_182 = arith.constant 0 : i32
        %dma_wait3A_183 = arith.constant 0 : i32
        %dma_wait3A_184 = tpu.memref_slice %arg10[%dma_wait3A_182, %dma_wait3A_183] : memref<800x16xf32, #tpu.memory_space<vmem>> -> memref<800x16xf32, #tpu.memory_space<vmem>>
        %dma_wait3A_185 = arith.constant 0 : i32
        %dma_wait3A_186 = tpu.memref_slice %arg6[%add3A_77, %dma_wait3A_185] : memref<100096x16xf32, #tpu.memory_space<hbm>> -> memref<800x16xf32, #tpu.memory_space<hbm>>
        %dma_wait3A_187 = arith.constant 0 : i32
        %dma_wait3A_188 = tpu.memref_slice %arg6[%add3A_77, %dma_wait3A_187] : memref<100096x16xf32, #tpu.memory_space<hbm>> -> memref<800x16xf32, #tpu.memory_space<hbm>>
        %dma_wait3A_189 = arith.constant 0 : i32
        %dma_wait3A_190 = arith.constant 0 : i32
        %dma_wait3A_191 = tpu.memref_slice %arg10[%dma_wait3A_189, %dma_wait3A_190] : memref<800x16xf32, #tpu.memory_space<vmem>> -> memref<800x16xf32, #tpu.memory_space<vmem>>
        tpu.wait_dma2 semaphore(%run_scoped3A : memref<!tpu.dma_semaphore, #tpu.memory_space<semaphore_mem>>) src(%dma_wait3A_191 : memref<800x16xf32, #tpu.memory_space<vmem>>) dst(%dma_wait3A_188 : memref<800x16xf32, #tpu.memory_space<hbm>>)
        tpu.yield
      }) : () -> ()
    } else {
    }
    %mul3A_88 = arith.constant 6256 : i32
    %mul3A_89 = arith.muli %arg1, %mul3A_88 : i32
    %add3A_90 = arith.constant 1600 : i32
    %add3A_91 = arith.addi %mul3A_89, %add3A_90 : i32
    "tpu.region"() ({
      %run_scoped3A = tpu.sem_alloc : memref<!tpu.dma_semaphore, #tpu.memory_space<semaphore_mem>>
      %dma_start3A_172 = arith.constant 0 : i32
      %dma_start3A_173 = arith.constant 0 : i32
      %dma_start3A_174 = tpu.memref_slice %arg10[%dma_start3A_172, %dma_start3A_173] : memref<800x16xf32, #tpu.memory_space<vmem>> -> memref<800x16xf32, #tpu.memory_space<vmem>>
      %dma_start3A_175 = arith.constant 0 : i32
      %dma_start3A_176 = tpu.memref_slice %arg7[%add3A_91, %dma_start3A_175] : memref<100096x16xf32, #tpu.memory_space<vmem_shared>> -> memref<800x16xf32, #tpu.memory_space<vmem_shared>>
      %dma_start3A_177 = arith.constant 0 : i32
      %dma_start3A_178 = arith.constant 0 : i32
      %dma_start3A_179 = tpu.memref_slice %arg10[%dma_start3A_177, %dma_start3A_178] : memref<800x16xf32, #tpu.memory_space<vmem>> -> memref<800x16xf32, #tpu.memory_space<vmem>>
      %dma_start3A_180 = arith.constant 0 : i32
      %dma_start3A_181 = tpu.memref_slice %arg7[%add3A_91, %dma_start3A_180] : memref<100096x16xf32, #tpu.memory_space<vmem_shared>> -> memref<800x16xf32, #tpu.memory_space<vmem_shared>>
      tpu.enqueue_dma source(%dma_start3A_181 : memref<800x16xf32, #tpu.memory_space<vmem_shared>>) target(%dma_start3A_179 : memref<800x16xf32, #tpu.memory_space<vmem>>) target_semaphore(%run_scoped3A : memref<!tpu.dma_semaphore, #tpu.memory_space<semaphore_mem>>)
      %dma_wait3A_182 = arith.constant 0 : i32
      %dma_wait3A_183 = arith.constant 0 : i32
      %dma_wait3A_184 = tpu.memref_slice %arg10[%dma_wait3A_182, %dma_wait3A_183] : memref<800x16xf32, #tpu.memory_space<vmem>> -> memref<800x16xf32, #tpu.memory_space<vmem>>
      %dma_wait3A_185 = arith.constant 0 : i32
      %dma_wait3A_186 = tpu.memref_slice %arg7[%add3A_91, %dma_wait3A_185] : memref<100096x16xf32, #tpu.memory_space<vmem_shared>> -> memref<800x16xf32, #tpu.memory_space<vmem_shared>>
      %dma_wait3A_187 = arith.constant 0 : i32
      %dma_wait3A_188 = arith.constant 0 : i32
      %dma_wait3A_189 = tpu.memref_slice %arg10[%dma_wait3A_187, %dma_wait3A_188] : memref<800x16xf32, #tpu.memory_space<vmem>> -> memref<800x16xf32, #tpu.memory_space<vmem>>
      %dma_wait3A_190 = arith.constant 0 : i32
      %dma_wait3A_191 = tpu.memref_slice %arg7[%add3A_91, %dma_wait3A_190] : memref<100096x16xf32, #tpu.memory_space<vmem_shared>> -> memref<800x16xf32, #tpu.memory_space<vmem_shared>>
      tpu.wait_dma2 semaphore(%run_scoped3A : memref<!tpu.dma_semaphore, #tpu.memory_space<semaphore_mem>>) src(%dma_wait3A_191 : memref<800x16xf32, #tpu.memory_space<vmem_shared>>) dst(%dma_wait3A_189 : memref<800x16xf32, #tpu.memory_space<vmem>>)
      tpu.yield
    }) : () -> ()
    %eq3A_92 = arith.constant 0 : i32
    %eq3A_93 = arith.cmpi eq, %arg0, %eq3A_92 : i32
    %convert_element_type3A_94 = arith.extui %eq3A_93 : i1 to i32
    %cond3A_95 = arith.constant 0 : i32
    %cond3A_96 = arith.cmpi ne, %convert_element_type3A_94, %cond3A_95 : i32
    scf.if %cond3A_96 {
      "tpu.region"() ({
        %run_scoped3A = tpu.sem_alloc : memref<!tpu.dma_semaphore, #tpu.memory_space<semaphore_mem>>
        %dma_start3A_172 = arith.constant 0 : i32
        %dma_start3A_173 = arith.constant 0 : i32
        %dma_start3A_174 = tpu.memref_slice %arg10[%dma_start3A_172, %dma_start3A_173] : memref<800x16xf32, #tpu.memory_space<vmem>> -> memref<800x16xf32, #tpu.memory_space<vmem>>
        %dma_start3A_175 = arith.constant 0 : i32
        %dma_start3A_176 = tpu.memref_slice %arg5[%add3A_91, %dma_start3A_175] : memref<100096x16xf32, #tpu.memory_space<hbm>> -> memref<800x16xf32, #tpu.memory_space<hbm>>
        %dma_start3A_177 = arith.constant 0 : i32
        %dma_start3A_178 = tpu.memref_slice %arg5[%add3A_91, %dma_start3A_177] : memref<100096x16xf32, #tpu.memory_space<hbm>> -> memref<800x16xf32, #tpu.memory_space<hbm>>
        %dma_start3A_179 = arith.constant 0 : i32
        %dma_start3A_180 = arith.constant 0 : i32
        %dma_start3A_181 = tpu.memref_slice %arg10[%dma_start3A_179, %dma_start3A_180] : memref<800x16xf32, #tpu.memory_space<vmem>> -> memref<800x16xf32, #tpu.memory_space<vmem>>
        tpu.enqueue_dma source(%dma_start3A_181 : memref<800x16xf32, #tpu.memory_space<vmem>>) target(%dma_start3A_178 : memref<800x16xf32, #tpu.memory_space<hbm>>) target_semaphore(%run_scoped3A : memref<!tpu.dma_semaphore, #tpu.memory_space<semaphore_mem>>)
        %dma_wait3A_182 = arith.constant 0 : i32
        %dma_wait3A_183 = arith.constant 0 : i32
        %dma_wait3A_184 = tpu.memref_slice %arg10[%dma_wait3A_182, %dma_wait3A_183] : memref<800x16xf32, #tpu.memory_space<vmem>> -> memref<800x16xf32, #tpu.memory_space<vmem>>
        %dma_wait3A_185 = arith.constant 0 : i32
        %dma_wait3A_186 = tpu.memref_slice %arg5[%add3A_91, %dma_wait3A_185] : memref<100096x16xf32, #tpu.memory_space<hbm>> -> memref<800x16xf32, #tpu.memory_space<hbm>>
        %dma_wait3A_187 = arith.constant 0 : i32
        %dma_wait3A_188 = tpu.memref_slice %arg5[%add3A_91, %dma_wait3A_187] : memref<100096x16xf32, #tpu.memory_space<hbm>> -> memref<800x16xf32, #tpu.memory_space<hbm>>
        %dma_wait3A_189 = arith.constant 0 : i32
        %dma_wait3A_190 = arith.constant 0 : i32
        %dma_wait3A_191 = tpu.memref_slice %arg10[%dma_wait3A_189, %dma_wait3A_190] : memref<800x16xf32, #tpu.memory_space<vmem>> -> memref<800x16xf32, #tpu.memory_space<vmem>>
        tpu.wait_dma2 semaphore(%run_scoped3A : memref<!tpu.dma_semaphore, #tpu.memory_space<semaphore_mem>>) src(%dma_wait3A_191 : memref<800x16xf32, #tpu.memory_space<vmem>>) dst(%dma_wait3A_188 : memref<800x16xf32, #tpu.memory_space<hbm>>)
        tpu.yield
      }) : () -> ()
    } else {
    }
    %eq3A_97 = arith.constant 1 : i32
    %eq3A_98 = arith.cmpi eq, %arg0, %eq3A_97 : i32
    %convert_element_type3A_99 = arith.extui %eq3A_98 : i1 to i32
    %cond3A_100 = arith.constant 0 : i32
    %cond3A_101 = arith.cmpi ne, %convert_element_type3A_99, %cond3A_100 : i32
    scf.if %cond3A_101 {
      "tpu.region"() ({
        %run_scoped3A = tpu.sem_alloc : memref<!tpu.dma_semaphore, #tpu.memory_space<semaphore_mem>>
        %dma_start3A_172 = arith.constant 0 : i32
        %dma_start3A_173 = arith.constant 0 : i32
        %dma_start3A_174 = tpu.memref_slice %arg10[%dma_start3A_172, %dma_start3A_173] : memref<800x16xf32, #tpu.memory_space<vmem>> -> memref<800x16xf32, #tpu.memory_space<vmem>>
        %dma_start3A_175 = arith.constant 0 : i32
        %dma_start3A_176 = tpu.memref_slice %arg6[%add3A_91, %dma_start3A_175] : memref<100096x16xf32, #tpu.memory_space<hbm>> -> memref<800x16xf32, #tpu.memory_space<hbm>>
        %dma_start3A_177 = arith.constant 0 : i32
        %dma_start3A_178 = tpu.memref_slice %arg6[%add3A_91, %dma_start3A_177] : memref<100096x16xf32, #tpu.memory_space<hbm>> -> memref<800x16xf32, #tpu.memory_space<hbm>>
        %dma_start3A_179 = arith.constant 0 : i32
        %dma_start3A_180 = arith.constant 0 : i32
        %dma_start3A_181 = tpu.memref_slice %arg10[%dma_start3A_179, %dma_start3A_180] : memref<800x16xf32, #tpu.memory_space<vmem>> -> memref<800x16xf32, #tpu.memory_space<vmem>>
        tpu.enqueue_dma source(%dma_start3A_181 : memref<800x16xf32, #tpu.memory_space<vmem>>) target(%dma_start3A_178 : memref<800x16xf32, #tpu.memory_space<hbm>>) target_semaphore(%run_scoped3A : memref<!tpu.dma_semaphore, #tpu.memory_space<semaphore_mem>>)
        %dma_wait3A_182 = arith.constant 0 : i32
        %dma_wait3A_183 = arith.constant 0 : i32
        %dma_wait3A_184 = tpu.memref_slice %arg10[%dma_wait3A_182, %dma_wait3A_183] : memref<800x16xf32, #tpu.memory_space<vmem>> -> memref<800x16xf32, #tpu.memory_space<vmem>>
        %dma_wait3A_185 = arith.constant 0 : i32
        %dma_wait3A_186 = tpu.memref_slice %arg6[%add3A_91, %dma_wait3A_185] : memref<100096x16xf32, #tpu.memory_space<hbm>> -> memref<800x16xf32, #tpu.memory_space<hbm>>
        %dma_wait3A_187 = arith.constant 0 : i32
        %dma_wait3A_188 = tpu.memref_slice %arg6[%add3A_91, %dma_wait3A_187] : memref<100096x16xf32, #tpu.memory_space<hbm>> -> memref<800x16xf32, #tpu.memory_space<hbm>>
        %dma_wait3A_189 = arith.constant 0 : i32
        %dma_wait3A_190 = arith.constant 0 : i32
        %dma_wait3A_191 = tpu.memref_slice %arg10[%dma_wait3A_189, %dma_wait3A_190] : memref<800x16xf32, #tpu.memory_space<vmem>> -> memref<800x16xf32, #tpu.memory_space<vmem>>
        tpu.wait_dma2 semaphore(%run_scoped3A : memref<!tpu.dma_semaphore, #tpu.memory_space<semaphore_mem>>) src(%dma_wait3A_191 : memref<800x16xf32, #tpu.memory_space<vmem>>) dst(%dma_wait3A_188 : memref<800x16xf32, #tpu.memory_space<hbm>>)
        tpu.yield
      }) : () -> ()
    } else {
    }
    %mul3A_102 = arith.constant 6256 : i32
    %mul3A_103 = arith.muli %arg1, %mul3A_102 : i32
    %add3A_104 = arith.constant 2400 : i32
    %add3A_105 = arith.addi %mul3A_103, %add3A_104 : i32
    "tpu.region"() ({
      %run_scoped3A = tpu.sem_alloc : memref<!tpu.dma_semaphore, #tpu.memory_space<semaphore_mem>>
      %dma_start3A_172 = arith.constant 0 : i32
      %dma_start3A_173 = arith.constant 0 : i32
      %dma_start3A_174 = tpu.memref_slice %arg10[%dma_start3A_172, %dma_start3A_173] : memref<800x16xf32, #tpu.memory_space<vmem>> -> memref<800x16xf32, #tpu.memory_space<vmem>>
      %dma_start3A_175 = arith.constant 0 : i32
      %dma_start3A_176 = tpu.memref_slice %arg7[%add3A_105, %dma_start3A_175] : memref<100096x16xf32, #tpu.memory_space<vmem_shared>> -> memref<800x16xf32, #tpu.memory_space<vmem_shared>>
      %dma_start3A_177 = arith.constant 0 : i32
      %dma_start3A_178 = arith.constant 0 : i32
      %dma_start3A_179 = tpu.memref_slice %arg10[%dma_start3A_177, %dma_start3A_178] : memref<800x16xf32, #tpu.memory_space<vmem>> -> memref<800x16xf32, #tpu.memory_space<vmem>>
      %dma_start3A_180 = arith.constant 0 : i32
      %dma_start3A_181 = tpu.memref_slice %arg7[%add3A_105, %dma_start3A_180] : memref<100096x16xf32, #tpu.memory_space<vmem_shared>> -> memref<800x16xf32, #tpu.memory_space<vmem_shared>>
      tpu.enqueue_dma source(%dma_start3A_181 : memref<800x16xf32, #tpu.memory_space<vmem_shared>>) target(%dma_start3A_179 : memref<800x16xf32, #tpu.memory_space<vmem>>) target_semaphore(%run_scoped3A : memref<!tpu.dma_semaphore, #tpu.memory_space<semaphore_mem>>)
      %dma_wait3A_182 = arith.constant 0 : i32
      %dma_wait3A_183 = arith.constant 0 : i32
      %dma_wait3A_184 = tpu.memref_slice %arg10[%dma_wait3A_182, %dma_wait3A_183] : memref<800x16xf32, #tpu.memory_space<vmem>> -> memref<800x16xf32, #tpu.memory_space<vmem>>
      %dma_wait3A_185 = arith.constant 0 : i32
      %dma_wait3A_186 = tpu.memref_slice %arg7[%add3A_105, %dma_wait3A_185] : memref<100096x16xf32, #tpu.memory_space<vmem_shared>> -> memref<800x16xf32, #tpu.memory_space<vmem_shared>>
      %dma_wait3A_187 = arith.constant 0 : i32
      %dma_wait3A_188 = arith.constant 0 : i32
      %dma_wait3A_189 = tpu.memref_slice %arg10[%dma_wait3A_187, %dma_wait3A_188] : memref<800x16xf32, #tpu.memory_space<vmem>> -> memref<800x16xf32, #tpu.memory_space<vmem>>
      %dma_wait3A_190 = arith.constant 0 : i32
      %dma_wait3A_191 = tpu.memref_slice %arg7[%add3A_105, %dma_wait3A_190] : memref<100096x16xf32, #tpu.memory_space<vmem_shared>> -> memref<800x16xf32, #tpu.memory_space<vmem_shared>>
      tpu.wait_dma2 semaphore(%run_scoped3A : memref<!tpu.dma_semaphore, #tpu.memory_space<semaphore_mem>>) src(%dma_wait3A_191 : memref<800x16xf32, #tpu.memory_space<vmem_shared>>) dst(%dma_wait3A_189 : memref<800x16xf32, #tpu.memory_space<vmem>>)
      tpu.yield
    }) : () -> ()
    %eq3A_106 = arith.constant 0 : i32
    %eq3A_107 = arith.cmpi eq, %arg0, %eq3A_106 : i32
    %convert_element_type3A_108 = arith.extui %eq3A_107 : i1 to i32
    %cond3A_109 = arith.constant 0 : i32
    %cond3A_110 = arith.cmpi ne, %convert_element_type3A_108, %cond3A_109 : i32
    scf.if %cond3A_110 {
      "tpu.region"() ({
        %run_scoped3A = tpu.sem_alloc : memref<!tpu.dma_semaphore, #tpu.memory_space<semaphore_mem>>
        %dma_start3A_172 = arith.constant 0 : i32
        %dma_start3A_173 = arith.constant 0 : i32
        %dma_start3A_174 = tpu.memref_slice %arg10[%dma_start3A_172, %dma_start3A_173] : memref<800x16xf32, #tpu.memory_space<vmem>> -> memref<800x16xf32, #tpu.memory_space<vmem>>
        %dma_start3A_175 = arith.constant 0 : i32
        %dma_start3A_176 = tpu.memref_slice %arg5[%add3A_105, %dma_start3A_175] : memref<100096x16xf32, #tpu.memory_space<hbm>> -> memref<800x16xf32, #tpu.memory_space<hbm>>
        %dma_start3A_177 = arith.constant 0 : i32
        %dma_start3A_178 = tpu.memref_slice %arg5[%add3A_105, %dma_start3A_177] : memref<100096x16xf32, #tpu.memory_space<hbm>> -> memref<800x16xf32, #tpu.memory_space<hbm>>
        %dma_start3A_179 = arith.constant 0 : i32
        %dma_start3A_180 = arith.constant 0 : i32
        %dma_start3A_181 = tpu.memref_slice %arg10[%dma_start3A_179, %dma_start3A_180] : memref<800x16xf32, #tpu.memory_space<vmem>> -> memref<800x16xf32, #tpu.memory_space<vmem>>
        tpu.enqueue_dma source(%dma_start3A_181 : memref<800x16xf32, #tpu.memory_space<vmem>>) target(%dma_start3A_178 : memref<800x16xf32, #tpu.memory_space<hbm>>) target_semaphore(%run_scoped3A : memref<!tpu.dma_semaphore, #tpu.memory_space<semaphore_mem>>)
        %dma_wait3A_182 = arith.constant 0 : i32
        %dma_wait3A_183 = arith.constant 0 : i32
        %dma_wait3A_184 = tpu.memref_slice %arg10[%dma_wait3A_182, %dma_wait3A_183] : memref<800x16xf32, #tpu.memory_space<vmem>> -> memref<800x16xf32, #tpu.memory_space<vmem>>
        %dma_wait3A_185 = arith.constant 0 : i32
        %dma_wait3A_186 = tpu.memref_slice %arg5[%add3A_105, %dma_wait3A_185] : memref<100096x16xf32, #tpu.memory_space<hbm>> -> memref<800x16xf32, #tpu.memory_space<hbm>>
        %dma_wait3A_187 = arith.constant 0 : i32
        %dma_wait3A_188 = tpu.memref_slice %arg5[%add3A_105, %dma_wait3A_187] : memref<100096x16xf32, #tpu.memory_space<hbm>> -> memref<800x16xf32, #tpu.memory_space<hbm>>
        %dma_wait3A_189 = arith.constant 0 : i32
        %dma_wait3A_190 = arith.constant 0 : i32
        %dma_wait3A_191 = tpu.memref_slice %arg10[%dma_wait3A_189, %dma_wait3A_190] : memref<800x16xf32, #tpu.memory_space<vmem>> -> memref<800x16xf32, #tpu.memory_space<vmem>>
        tpu.wait_dma2 semaphore(%run_scoped3A : memref<!tpu.dma_semaphore, #tpu.memory_space<semaphore_mem>>) src(%dma_wait3A_191 : memref<800x16xf32, #tpu.memory_space<vmem>>) dst(%dma_wait3A_188 : memref<800x16xf32, #tpu.memory_space<hbm>>)
        tpu.yield
      }) : () -> ()
    } else {
    }
    %eq3A_111 = arith.constant 1 : i32
    %eq3A_112 = arith.cmpi eq, %arg0, %eq3A_111 : i32
    %convert_element_type3A_113 = arith.extui %eq3A_112 : i1 to i32
    %cond3A_114 = arith.constant 0 : i32
    %cond3A_115 = arith.cmpi ne, %convert_element_type3A_113, %cond3A_114 : i32
    scf.if %cond3A_115 {
      "tpu.region"() ({
        %run_scoped3A = tpu.sem_alloc : memref<!tpu.dma_semaphore, #tpu.memory_space<semaphore_mem>>
        %dma_start3A_172 = arith.constant 0 : i32
        %dma_start3A_173 = arith.constant 0 : i32
        %dma_start3A_174 = tpu.memref_slice %arg10[%dma_start3A_172, %dma_start3A_173] : memref<800x16xf32, #tpu.memory_space<vmem>> -> memref<800x16xf32, #tpu.memory_space<vmem>>
        %dma_start3A_175 = arith.constant 0 : i32
        %dma_start3A_176 = tpu.memref_slice %arg6[%add3A_105, %dma_start3A_175] : memref<100096x16xf32, #tpu.memory_space<hbm>> -> memref<800x16xf32, #tpu.memory_space<hbm>>
        %dma_start3A_177 = arith.constant 0 : i32
        %dma_start3A_178 = tpu.memref_slice %arg6[%add3A_105, %dma_start3A_177] : memref<100096x16xf32, #tpu.memory_space<hbm>> -> memref<800x16xf32, #tpu.memory_space<hbm>>
        %dma_start3A_179 = arith.constant 0 : i32
        %dma_start3A_180 = arith.constant 0 : i32
        %dma_start3A_181 = tpu.memref_slice %arg10[%dma_start3A_179, %dma_start3A_180] : memref<800x16xf32, #tpu.memory_space<vmem>> -> memref<800x16xf32, #tpu.memory_space<vmem>>
        tpu.enqueue_dma source(%dma_start3A_181 : memref<800x16xf32, #tpu.memory_space<vmem>>) target(%dma_start3A_178 : memref<800x16xf32, #tpu.memory_space<hbm>>) target_semaphore(%run_scoped3A : memref<!tpu.dma_semaphore, #tpu.memory_space<semaphore_mem>>)
        %dma_wait3A_182 = arith.constant 0 : i32
        %dma_wait3A_183 = arith.constant 0 : i32
        %dma_wait3A_184 = tpu.memref_slice %arg10[%dma_wait3A_182, %dma_wait3A_183] : memref<800x16xf32, #tpu.memory_space<vmem>> -> memref<800x16xf32, #tpu.memory_space<vmem>>
        %dma_wait3A_185 = arith.constant 0 : i32
        %dma_wait3A_186 = tpu.memref_slice %arg6[%add3A_105, %dma_wait3A_185] : memref<100096x16xf32, #tpu.memory_space<hbm>> -> memref<800x16xf32, #tpu.memory_space<hbm>>
        %dma_wait3A_187 = arith.constant 0 : i32
        %dma_wait3A_188 = tpu.memref_slice %arg6[%add3A_105, %dma_wait3A_187] : memref<100096x16xf32, #tpu.memory_space<hbm>> -> memref<800x16xf32, #tpu.memory_space<hbm>>
        %dma_wait3A_189 = arith.constant 0 : i32
        %dma_wait3A_190 = arith.constant 0 : i32
        %dma_wait3A_191 = tpu.memref_slice %arg10[%dma_wait3A_189, %dma_wait3A_190] : memref<800x16xf32, #tpu.memory_space<vmem>> -> memref<800x16xf32, #tpu.memory_space<vmem>>
        tpu.wait_dma2 semaphore(%run_scoped3A : memref<!tpu.dma_semaphore, #tpu.memory_space<semaphore_mem>>) src(%dma_wait3A_191 : memref<800x16xf32, #tpu.memory_space<vmem>>) dst(%dma_wait3A_188 : memref<800x16xf32, #tpu.memory_space<hbm>>)
        tpu.yield
      }) : () -> ()
    } else {
    }
    %mul3A_116 = arith.constant 6256 : i32
    %mul3A_117 = arith.muli %arg1, %mul3A_116 : i32
    %add3A_118 = arith.constant 3200 : i32
    %add3A_119 = arith.addi %mul3A_117, %add3A_118 : i32
    "tpu.region"() ({
      %run_scoped3A = tpu.sem_alloc : memref<!tpu.dma_semaphore, #tpu.memory_space<semaphore_mem>>
      %dma_start3A_172 = arith.constant 0 : i32
      %dma_start3A_173 = arith.constant 0 : i32
      %dma_start3A_174 = tpu.memref_slice %arg10[%dma_start3A_172, %dma_start3A_173] : memref<800x16xf32, #tpu.memory_space<vmem>> -> memref<800x16xf32, #tpu.memory_space<vmem>>
      %dma_start3A_175 = arith.constant 0 : i32
      %dma_start3A_176 = tpu.memref_slice %arg7[%add3A_119, %dma_start3A_175] : memref<100096x16xf32, #tpu.memory_space<vmem_shared>> -> memref<800x16xf32, #tpu.memory_space<vmem_shared>>
      %dma_start3A_177 = arith.constant 0 : i32
      %dma_start3A_178 = arith.constant 0 : i32
      %dma_start3A_179 = tpu.memref_slice %arg10[%dma_start3A_177, %dma_start3A_178] : memref<800x16xf32, #tpu.memory_space<vmem>> -> memref<800x16xf32, #tpu.memory_space<vmem>>
      %dma_start3A_180 = arith.constant 0 : i32
      %dma_start3A_181 = tpu.memref_slice %arg7[%add3A_119, %dma_start3A_180] : memref<100096x16xf32, #tpu.memory_space<vmem_shared>> -> memref<800x16xf32, #tpu.memory_space<vmem_shared>>
      tpu.enqueue_dma source(%dma_start3A_181 : memref<800x16xf32, #tpu.memory_space<vmem_shared>>) target(%dma_start3A_179 : memref<800x16xf32, #tpu.memory_space<vmem>>) target_semaphore(%run_scoped3A : memref<!tpu.dma_semaphore, #tpu.memory_space<semaphore_mem>>)
      %dma_wait3A_182 = arith.constant 0 : i32
      %dma_wait3A_183 = arith.constant 0 : i32
      %dma_wait3A_184 = tpu.memref_slice %arg10[%dma_wait3A_182, %dma_wait3A_183] : memref<800x16xf32, #tpu.memory_space<vmem>> -> memref<800x16xf32, #tpu.memory_space<vmem>>
      %dma_wait3A_185 = arith.constant 0 : i32
      %dma_wait3A_186 = tpu.memref_slice %arg7[%add3A_119, %dma_wait3A_185] : memref<100096x16xf32, #tpu.memory_space<vmem_shared>> -> memref<800x16xf32, #tpu.memory_space<vmem_shared>>
      %dma_wait3A_187 = arith.constant 0 : i32
      %dma_wait3A_188 = arith.constant 0 : i32
      %dma_wait3A_189 = tpu.memref_slice %arg10[%dma_wait3A_187, %dma_wait3A_188] : memref<800x16xf32, #tpu.memory_space<vmem>> -> memref<800x16xf32, #tpu.memory_space<vmem>>
      %dma_wait3A_190 = arith.constant 0 : i32
      %dma_wait3A_191 = tpu.memref_slice %arg7[%add3A_119, %dma_wait3A_190] : memref<100096x16xf32, #tpu.memory_space<vmem_shared>> -> memref<800x16xf32, #tpu.memory_space<vmem_shared>>
      tpu.wait_dma2 semaphore(%run_scoped3A : memref<!tpu.dma_semaphore, #tpu.memory_space<semaphore_mem>>) src(%dma_wait3A_191 : memref<800x16xf32, #tpu.memory_space<vmem_shared>>) dst(%dma_wait3A_189 : memref<800x16xf32, #tpu.memory_space<vmem>>)
      tpu.yield
    }) : () -> ()
    %eq3A_120 = arith.constant 0 : i32
    %eq3A_121 = arith.cmpi eq, %arg0, %eq3A_120 : i32
    %convert_element_type3A_122 = arith.extui %eq3A_121 : i1 to i32
    %cond3A_123 = arith.constant 0 : i32
    %cond3A_124 = arith.cmpi ne, %convert_element_type3A_122, %cond3A_123 : i32
    scf.if %cond3A_124 {
      "tpu.region"() ({
        %run_scoped3A = tpu.sem_alloc : memref<!tpu.dma_semaphore, #tpu.memory_space<semaphore_mem>>
        %dma_start3A_172 = arith.constant 0 : i32
        %dma_start3A_173 = arith.constant 0 : i32
        %dma_start3A_174 = tpu.memref_slice %arg10[%dma_start3A_172, %dma_start3A_173] : memref<800x16xf32, #tpu.memory_space<vmem>> -> memref<800x16xf32, #tpu.memory_space<vmem>>
        %dma_start3A_175 = arith.constant 0 : i32
        %dma_start3A_176 = tpu.memref_slice %arg5[%add3A_119, %dma_start3A_175] : memref<100096x16xf32, #tpu.memory_space<hbm>> -> memref<800x16xf32, #tpu.memory_space<hbm>>
        %dma_start3A_177 = arith.constant 0 : i32
        %dma_start3A_178 = tpu.memref_slice %arg5[%add3A_119, %dma_start3A_177] : memref<100096x16xf32, #tpu.memory_space<hbm>> -> memref<800x16xf32, #tpu.memory_space<hbm>>
        %dma_start3A_179 = arith.constant 0 : i32
        %dma_start3A_180 = arith.constant 0 : i32
        %dma_start3A_181 = tpu.memref_slice %arg10[%dma_start3A_179, %dma_start3A_180] : memref<800x16xf32, #tpu.memory_space<vmem>> -> memref<800x16xf32, #tpu.memory_space<vmem>>
        tpu.enqueue_dma source(%dma_start3A_181 : memref<800x16xf32, #tpu.memory_space<vmem>>) target(%dma_start3A_178 : memref<800x16xf32, #tpu.memory_space<hbm>>) target_semaphore(%run_scoped3A : memref<!tpu.dma_semaphore, #tpu.memory_space<semaphore_mem>>)
        %dma_wait3A_182 = arith.constant 0 : i32
        %dma_wait3A_183 = arith.constant 0 : i32
        %dma_wait3A_184 = tpu.memref_slice %arg10[%dma_wait3A_182, %dma_wait3A_183] : memref<800x16xf32, #tpu.memory_space<vmem>> -> memref<800x16xf32, #tpu.memory_space<vmem>>
        %dma_wait3A_185 = arith.constant 0 : i32
        %dma_wait3A_186 = tpu.memref_slice %arg5[%add3A_119, %dma_wait3A_185] : memref<100096x16xf32, #tpu.memory_space<hbm>> -> memref<800x16xf32, #tpu.memory_space<hbm>>
        %dma_wait3A_187 = arith.constant 0 : i32
        %dma_wait3A_188 = tpu.memref_slice %arg5[%add3A_119, %dma_wait3A_187] : memref<100096x16xf32, #tpu.memory_space<hbm>> -> memref<800x16xf32, #tpu.memory_space<hbm>>
        %dma_wait3A_189 = arith.constant 0 : i32
        %dma_wait3A_190 = arith.constant 0 : i32
        %dma_wait3A_191 = tpu.memref_slice %arg10[%dma_wait3A_189, %dma_wait3A_190] : memref<800x16xf32, #tpu.memory_space<vmem>> -> memref<800x16xf32, #tpu.memory_space<vmem>>
        tpu.wait_dma2 semaphore(%run_scoped3A : memref<!tpu.dma_semaphore, #tpu.memory_space<semaphore_mem>>) src(%dma_wait3A_191 : memref<800x16xf32, #tpu.memory_space<vmem>>) dst(%dma_wait3A_188 : memref<800x16xf32, #tpu.memory_space<hbm>>)
        tpu.yield
      }) : () -> ()
    } else {
    }
    %eq3A_125 = arith.constant 1 : i32
    %eq3A_126 = arith.cmpi eq, %arg0, %eq3A_125 : i32
    %convert_element_type3A_127 = arith.extui %eq3A_126 : i1 to i32
    %cond3A_128 = arith.constant 0 : i32
    %cond3A_129 = arith.cmpi ne, %convert_element_type3A_127, %cond3A_128 : i32
    scf.if %cond3A_129 {
      "tpu.region"() ({
        %run_scoped3A = tpu.sem_alloc : memref<!tpu.dma_semaphore, #tpu.memory_space<semaphore_mem>>
        %dma_start3A_172 = arith.constant 0 : i32
        %dma_start3A_173 = arith.constant 0 : i32
        %dma_start3A_174 = tpu.memref_slice %arg10[%dma_start3A_172, %dma_start3A_173] : memref<800x16xf32, #tpu.memory_space<vmem>> -> memref<800x16xf32, #tpu.memory_space<vmem>>
        %dma_start3A_175 = arith.constant 0 : i32
        %dma_start3A_176 = tpu.memref_slice %arg6[%add3A_119, %dma_start3A_175] : memref<100096x16xf32, #tpu.memory_space<hbm>> -> memref<800x16xf32, #tpu.memory_space<hbm>>
        %dma_start3A_177 = arith.constant 0 : i32
        %dma_start3A_178 = tpu.memref_slice %arg6[%add3A_119, %dma_start3A_177] : memref<100096x16xf32, #tpu.memory_space<hbm>> -> memref<800x16xf32, #tpu.memory_space<hbm>>
        %dma_start3A_179 = arith.constant 0 : i32
        %dma_start3A_180 = arith.constant 0 : i32
        %dma_start3A_181 = tpu.memref_slice %arg10[%dma_start3A_179, %dma_start3A_180] : memref<800x16xf32, #tpu.memory_space<vmem>> -> memref<800x16xf32, #tpu.memory_space<vmem>>
        tpu.enqueue_dma source(%dma_start3A_181 : memref<800x16xf32, #tpu.memory_space<vmem>>) target(%dma_start3A_178 : memref<800x16xf32, #tpu.memory_space<hbm>>) target_semaphore(%run_scoped3A : memref<!tpu.dma_semaphore, #tpu.memory_space<semaphore_mem>>)
        %dma_wait3A_182 = arith.constant 0 : i32
        %dma_wait3A_183 = arith.constant 0 : i32
        %dma_wait3A_184 = tpu.memref_slice %arg10[%dma_wait3A_182, %dma_wait3A_183] : memref<800x16xf32, #tpu.memory_space<vmem>> -> memref<800x16xf32, #tpu.memory_space<vmem>>
        %dma_wait3A_185 = arith.constant 0 : i32
        %dma_wait3A_186 = tpu.memref_slice %arg6[%add3A_119, %dma_wait3A_185] : memref<100096x16xf32, #tpu.memory_space<hbm>> -> memref<800x16xf32, #tpu.memory_space<hbm>>
        %dma_wait3A_187 = arith.constant 0 : i32
        %dma_wait3A_188 = tpu.memref_slice %arg6[%add3A_119, %dma_wait3A_187] : memref<100096x16xf32, #tpu.memory_space<hbm>> -> memref<800x16xf32, #tpu.memory_space<hbm>>
        %dma_wait3A_189 = arith.constant 0 : i32
        %dma_wait3A_190 = arith.constant 0 : i32
        %dma_wait3A_191 = tpu.memref_slice %arg10[%dma_wait3A_189, %dma_wait3A_190] : memref<800x16xf32, #tpu.memory_space<vmem>> -> memref<800x16xf32, #tpu.memory_space<vmem>>
        tpu.wait_dma2 semaphore(%run_scoped3A : memref<!tpu.dma_semaphore, #tpu.memory_space<semaphore_mem>>) src(%dma_wait3A_191 : memref<800x16xf32, #tpu.memory_space<vmem>>) dst(%dma_wait3A_188 : memref<800x16xf32, #tpu.memory_space<hbm>>)
        tpu.yield
      }) : () -> ()
    } else {
    }
    %mul3A_130 = arith.constant 6256 : i32
    %mul3A_131 = arith.muli %arg1, %mul3A_130 : i32
    %add3A_132 = arith.constant 4000 : i32
    %add3A_133 = arith.addi %mul3A_131, %add3A_132 : i32
    "tpu.region"() ({
      %run_scoped3A = tpu.sem_alloc : memref<!tpu.dma_semaphore, #tpu.memory_space<semaphore_mem>>
      %dma_start3A_172 = arith.constant 0 : i32
      %dma_start3A_173 = arith.constant 0 : i32
      %dma_start3A_174 = tpu.memref_slice %arg10[%dma_start3A_172, %dma_start3A_173] : memref<800x16xf32, #tpu.memory_space<vmem>> -> memref<800x16xf32, #tpu.memory_space<vmem>>
      %dma_start3A_175 = arith.constant 0 : i32
      %dma_start3A_176 = tpu.memref_slice %arg7[%add3A_133, %dma_start3A_175] : memref<100096x16xf32, #tpu.memory_space<vmem_shared>> -> memref<800x16xf32, #tpu.memory_space<vmem_shared>>
      %dma_start3A_177 = arith.constant 0 : i32
      %dma_start3A_178 = arith.constant 0 : i32
      %dma_start3A_179 = tpu.memref_slice %arg10[%dma_start3A_177, %dma_start3A_178] : memref<800x16xf32, #tpu.memory_space<vmem>> -> memref<800x16xf32, #tpu.memory_space<vmem>>
      %dma_start3A_180 = arith.constant 0 : i32
      %dma_start3A_181 = tpu.memref_slice %arg7[%add3A_133, %dma_start3A_180] : memref<100096x16xf32, #tpu.memory_space<vmem_shared>> -> memref<800x16xf32, #tpu.memory_space<vmem_shared>>
      tpu.enqueue_dma source(%dma_start3A_181 : memref<800x16xf32, #tpu.memory_space<vmem_shared>>) target(%dma_start3A_179 : memref<800x16xf32, #tpu.memory_space<vmem>>) target_semaphore(%run_scoped3A : memref<!tpu.dma_semaphore, #tpu.memory_space<semaphore_mem>>)
      %dma_wait3A_182 = arith.constant 0 : i32
      %dma_wait3A_183 = arith.constant 0 : i32
      %dma_wait3A_184 = tpu.memref_slice %arg10[%dma_wait3A_182, %dma_wait3A_183] : memref<800x16xf32, #tpu.memory_space<vmem>> -> memref<800x16xf32, #tpu.memory_space<vmem>>
      %dma_wait3A_185 = arith.constant 0 : i32
      %dma_wait3A_186 = tpu.memref_slice %arg7[%add3A_133, %dma_wait3A_185] : memref<100096x16xf32, #tpu.memory_space<vmem_shared>> -> memref<800x16xf32, #tpu.memory_space<vmem_shared>>
      %dma_wait3A_187 = arith.constant 0 : i32
      %dma_wait3A_188 = arith.constant 0 : i32
      %dma_wait3A_189 = tpu.memref_slice %arg10[%dma_wait3A_187, %dma_wait3A_188] : memref<800x16xf32, #tpu.memory_space<vmem>> -> memref<800x16xf32, #tpu.memory_space<vmem>>
      %dma_wait3A_190 = arith.constant 0 : i32
      %dma_wait3A_191 = tpu.memref_slice %arg7[%add3A_133, %dma_wait3A_190] : memref<100096x16xf32, #tpu.memory_space<vmem_shared>> -> memref<800x16xf32, #tpu.memory_space<vmem_shared>>
      tpu.wait_dma2 semaphore(%run_scoped3A : memref<!tpu.dma_semaphore, #tpu.memory_space<semaphore_mem>>) src(%dma_wait3A_191 : memref<800x16xf32, #tpu.memory_space<vmem_shared>>) dst(%dma_wait3A_189 : memref<800x16xf32, #tpu.memory_space<vmem>>)
      tpu.yield
    }) : () -> ()
    %eq3A_134 = arith.constant 0 : i32
    %eq3A_135 = arith.cmpi eq, %arg0, %eq3A_134 : i32
    %convert_element_type3A_136 = arith.extui %eq3A_135 : i1 to i32
    %cond3A_137 = arith.constant 0 : i32
    %cond3A_138 = arith.cmpi ne, %convert_element_type3A_136, %cond3A_137 : i32
    scf.if %cond3A_138 {
      "tpu.region"() ({
        %run_scoped3A = tpu.sem_alloc : memref<!tpu.dma_semaphore, #tpu.memory_space<semaphore_mem>>
        %dma_start3A_172 = arith.constant 0 : i32
        %dma_start3A_173 = arith.constant 0 : i32
        %dma_start3A_174 = tpu.memref_slice %arg10[%dma_start3A_172, %dma_start3A_173] : memref<800x16xf32, #tpu.memory_space<vmem>> -> memref<800x16xf32, #tpu.memory_space<vmem>>
        %dma_start3A_175 = arith.constant 0 : i32
        %dma_start3A_176 = tpu.memref_slice %arg5[%add3A_133, %dma_start3A_175] : memref<100096x16xf32, #tpu.memory_space<hbm>> -> memref<800x16xf32, #tpu.memory_space<hbm>>
        %dma_start3A_177 = arith.constant 0 : i32
        %dma_start3A_178 = tpu.memref_slice %arg5[%add3A_133, %dma_start3A_177] : memref<100096x16xf32, #tpu.memory_space<hbm>> -> memref<800x16xf32, #tpu.memory_space<hbm>>
        %dma_start3A_179 = arith.constant 0 : i32
        %dma_start3A_180 = arith.constant 0 : i32
        %dma_start3A_181 = tpu.memref_slice %arg10[%dma_start3A_179, %dma_start3A_180] : memref<800x16xf32, #tpu.memory_space<vmem>> -> memref<800x16xf32, #tpu.memory_space<vmem>>
        tpu.enqueue_dma source(%dma_start3A_181 : memref<800x16xf32, #tpu.memory_space<vmem>>) target(%dma_start3A_178 : memref<800x16xf32, #tpu.memory_space<hbm>>) target_semaphore(%run_scoped3A : memref<!tpu.dma_semaphore, #tpu.memory_space<semaphore_mem>>)
        %dma_wait3A_182 = arith.constant 0 : i32
        %dma_wait3A_183 = arith.constant 0 : i32
        %dma_wait3A_184 = tpu.memref_slice %arg10[%dma_wait3A_182, %dma_wait3A_183] : memref<800x16xf32, #tpu.memory_space<vmem>> -> memref<800x16xf32, #tpu.memory_space<vmem>>
        %dma_wait3A_185 = arith.constant 0 : i32
        %dma_wait3A_186 = tpu.memref_slice %arg5[%add3A_133, %dma_wait3A_185] : memref<100096x16xf32, #tpu.memory_space<hbm>> -> memref<800x16xf32, #tpu.memory_space<hbm>>
        %dma_wait3A_187 = arith.constant 0 : i32
        %dma_wait3A_188 = tpu.memref_slice %arg5[%add3A_133, %dma_wait3A_187] : memref<100096x16xf32, #tpu.memory_space<hbm>> -> memref<800x16xf32, #tpu.memory_space<hbm>>
        %dma_wait3A_189 = arith.constant 0 : i32
        %dma_wait3A_190 = arith.constant 0 : i32
        %dma_wait3A_191 = tpu.memref_slice %arg10[%dma_wait3A_189, %dma_wait3A_190] : memref<800x16xf32, #tpu.memory_space<vmem>> -> memref<800x16xf32, #tpu.memory_space<vmem>>
        tpu.wait_dma2 semaphore(%run_scoped3A : memref<!tpu.dma_semaphore, #tpu.memory_space<semaphore_mem>>) src(%dma_wait3A_191 : memref<800x16xf32, #tpu.memory_space<vmem>>) dst(%dma_wait3A_188 : memref<800x16xf32, #tpu.memory_space<hbm>>)
        tpu.yield
      }) : () -> ()
    } else {
    }
    %eq3A_139 = arith.constant 1 : i32
    %eq3A_140 = arith.cmpi eq, %arg0, %eq3A_139 : i32
    %convert_element_type3A_141 = arith.extui %eq3A_140 : i1 to i32
    %cond3A_142 = arith.constant 0 : i32
    %cond3A_143 = arith.cmpi ne, %convert_element_type3A_141, %cond3A_142 : i32
    scf.if %cond3A_143 {
      "tpu.region"() ({
        %run_scoped3A = tpu.sem_alloc : memref<!tpu.dma_semaphore, #tpu.memory_space<semaphore_mem>>
        %dma_start3A_172 = arith.constant 0 : i32
        %dma_start3A_173 = arith.constant 0 : i32
        %dma_start3A_174 = tpu.memref_slice %arg10[%dma_start3A_172, %dma_start3A_173] : memref<800x16xf32, #tpu.memory_space<vmem>> -> memref<800x16xf32, #tpu.memory_space<vmem>>
        %dma_start3A_175 = arith.constant 0 : i32
        %dma_start3A_176 = tpu.memref_slice %arg6[%add3A_133, %dma_start3A_175] : memref<100096x16xf32, #tpu.memory_space<hbm>> -> memref<800x16xf32, #tpu.memory_space<hbm>>
        %dma_start3A_177 = arith.constant 0 : i32
        %dma_start3A_178 = tpu.memref_slice %arg6[%add3A_133, %dma_start3A_177] : memref<100096x16xf32, #tpu.memory_space<hbm>> -> memref<800x16xf32, #tpu.memory_space<hbm>>
        %dma_start3A_179 = arith.constant 0 : i32
        %dma_start3A_180 = arith.constant 0 : i32
        %dma_start3A_181 = tpu.memref_slice %arg10[%dma_start3A_179, %dma_start3A_180] : memref<800x16xf32, #tpu.memory_space<vmem>> -> memref<800x16xf32, #tpu.memory_space<vmem>>
        tpu.enqueue_dma source(%dma_start3A_181 : memref<800x16xf32, #tpu.memory_space<vmem>>) target(%dma_start3A_178 : memref<800x16xf32, #tpu.memory_space<hbm>>) target_semaphore(%run_scoped3A : memref<!tpu.dma_semaphore, #tpu.memory_space<semaphore_mem>>)
        %dma_wait3A_182 = arith.constant 0 : i32
        %dma_wait3A_183 = arith.constant 0 : i32
        %dma_wait3A_184 = tpu.memref_slice %arg10[%dma_wait3A_182, %dma_wait3A_183] : memref<800x16xf32, #tpu.memory_space<vmem>> -> memref<800x16xf32, #tpu.memory_space<vmem>>
        %dma_wait3A_185 = arith.constant 0 : i32
        %dma_wait3A_186 = tpu.memref_slice %arg6[%add3A_133, %dma_wait3A_185] : memref<100096x16xf32, #tpu.memory_space<hbm>> -> memref<800x16xf32, #tpu.memory_space<hbm>>
        %dma_wait3A_187 = arith.constant 0 : i32
        %dma_wait3A_188 = tpu.memref_slice %arg6[%add3A_133, %dma_wait3A_187] : memref<100096x16xf32, #tpu.memory_space<hbm>> -> memref<800x16xf32, #tpu.memory_space<hbm>>
        %dma_wait3A_189 = arith.constant 0 : i32
        %dma_wait3A_190 = arith.constant 0 : i32
        %dma_wait3A_191 = tpu.memref_slice %arg10[%dma_wait3A_189, %dma_wait3A_190] : memref<800x16xf32, #tpu.memory_space<vmem>> -> memref<800x16xf32, #tpu.memory_space<vmem>>
        tpu.wait_dma2 semaphore(%run_scoped3A : memref<!tpu.dma_semaphore, #tpu.memory_space<semaphore_mem>>) src(%dma_wait3A_191 : memref<800x16xf32, #tpu.memory_space<vmem>>) dst(%dma_wait3A_188 : memref<800x16xf32, #tpu.memory_space<hbm>>)
        tpu.yield
      }) : () -> ()
    } else {
    }
    %mul3A_144 = arith.constant 6256 : i32
    %mul3A_145 = arith.muli %arg1, %mul3A_144 : i32
    %add3A_146 = arith.constant 4800 : i32
    %add3A_147 = arith.addi %mul3A_145, %add3A_146 : i32
    "tpu.region"() ({
      %run_scoped3A = tpu.sem_alloc : memref<!tpu.dma_semaphore, #tpu.memory_space<semaphore_mem>>
      %dma_start3A_172 = arith.constant 0 : i32
      %dma_start3A_173 = arith.constant 0 : i32
      %dma_start3A_174 = tpu.memref_slice %arg10[%dma_start3A_172, %dma_start3A_173] : memref<800x16xf32, #tpu.memory_space<vmem>> -> memref<800x16xf32, #tpu.memory_space<vmem>>
      %dma_start3A_175 = arith.constant 0 : i32
      %dma_start3A_176 = tpu.memref_slice %arg7[%add3A_147, %dma_start3A_175] : memref<100096x16xf32, #tpu.memory_space<vmem_shared>> -> memref<800x16xf32, #tpu.memory_space<vmem_shared>>
      %dma_start3A_177 = arith.constant 0 : i32
      %dma_start3A_178 = arith.constant 0 : i32
      %dma_start3A_179 = tpu.memref_slice %arg10[%dma_start3A_177, %dma_start3A_178] : memref<800x16xf32, #tpu.memory_space<vmem>> -> memref<800x16xf32, #tpu.memory_space<vmem>>
      %dma_start3A_180 = arith.constant 0 : i32
      %dma_start3A_181 = tpu.memref_slice %arg7[%add3A_147, %dma_start3A_180] : memref<100096x16xf32, #tpu.memory_space<vmem_shared>> -> memref<800x16xf32, #tpu.memory_space<vmem_shared>>
      tpu.enqueue_dma source(%dma_start3A_181 : memref<800x16xf32, #tpu.memory_space<vmem_shared>>) target(%dma_start3A_179 : memref<800x16xf32, #tpu.memory_space<vmem>>) target_semaphore(%run_scoped3A : memref<!tpu.dma_semaphore, #tpu.memory_space<semaphore_mem>>)
      %dma_wait3A_182 = arith.constant 0 : i32
      %dma_wait3A_183 = arith.constant 0 : i32
      %dma_wait3A_184 = tpu.memref_slice %arg10[%dma_wait3A_182, %dma_wait3A_183] : memref<800x16xf32, #tpu.memory_space<vmem>> -> memref<800x16xf32, #tpu.memory_space<vmem>>
      %dma_wait3A_185 = arith.constant 0 : i32
      %dma_wait3A_186 = tpu.memref_slice %arg7[%add3A_147, %dma_wait3A_185] : memref<100096x16xf32, #tpu.memory_space<vmem_shared>> -> memref<800x16xf32, #tpu.memory_space<vmem_shared>>
      %dma_wait3A_187 = arith.constant 0 : i32
      %dma_wait3A_188 = arith.constant 0 : i32
      %dma_wait3A_189 = tpu.memref_slice %arg10[%dma_wait3A_187, %dma_wait3A_188] : memref<800x16xf32, #tpu.memory_space<vmem>> -> memref<800x16xf32, #tpu.memory_space<vmem>>
      %dma_wait3A_190 = arith.constant 0 : i32
      %dma_wait3A_191 = tpu.memref_slice %arg7[%add3A_147, %dma_wait3A_190] : memref<100096x16xf32, #tpu.memory_space<vmem_shared>> -> memref<800x16xf32, #tpu.memory_space<vmem_shared>>
      tpu.wait_dma2 semaphore(%run_scoped3A : memref<!tpu.dma_semaphore, #tpu.memory_space<semaphore_mem>>) src(%dma_wait3A_191 : memref<800x16xf32, #tpu.memory_space<vmem_shared>>) dst(%dma_wait3A_189 : memref<800x16xf32, #tpu.memory_space<vmem>>)
      tpu.yield
    }) : () -> ()
    %eq3A_148 = arith.constant 0 : i32
    %eq3A_149 = arith.cmpi eq, %arg0, %eq3A_148 : i32
    %convert_element_type3A_150 = arith.extui %eq3A_149 : i1 to i32
    %cond3A_151 = arith.constant 0 : i32
    %cond3A_152 = arith.cmpi ne, %convert_element_type3A_150, %cond3A_151 : i32
    scf.if %cond3A_152 {
      "tpu.region"() ({
        %run_scoped3A = tpu.sem_alloc : memref<!tpu.dma_semaphore, #tpu.memory_space<semaphore_mem>>
        %dma_start3A_172 = arith.constant 0 : i32
        %dma_start3A_173 = arith.constant 0 : i32
        %dma_start3A_174 = tpu.memref_slice %arg10[%dma_start3A_172, %dma_start3A_173] : memref<800x16xf32, #tpu.memory_space<vmem>> -> memref<800x16xf32, #tpu.memory_space<vmem>>
        %dma_start3A_175 = arith.constant 0 : i32
        %dma_start3A_176 = tpu.memref_slice %arg5[%add3A_147, %dma_start3A_175] : memref<100096x16xf32, #tpu.memory_space<hbm>> -> memref<800x16xf32, #tpu.memory_space<hbm>>
        %dma_start3A_177 = arith.constant 0 : i32
        %dma_start3A_178 = tpu.memref_slice %arg5[%add3A_147, %dma_start3A_177] : memref<100096x16xf32, #tpu.memory_space<hbm>> -> memref<800x16xf32, #tpu.memory_space<hbm>>
        %dma_start3A_179 = arith.constant 0 : i32
        %dma_start3A_180 = arith.constant 0 : i32
        %dma_start3A_181 = tpu.memref_slice %arg10[%dma_start3A_179, %dma_start3A_180] : memref<800x16xf32, #tpu.memory_space<vmem>> -> memref<800x16xf32, #tpu.memory_space<vmem>>
        tpu.enqueue_dma source(%dma_start3A_181 : memref<800x16xf32, #tpu.memory_space<vmem>>) target(%dma_start3A_178 : memref<800x16xf32, #tpu.memory_space<hbm>>) target_semaphore(%run_scoped3A : memref<!tpu.dma_semaphore, #tpu.memory_space<semaphore_mem>>)
        %dma_wait3A_182 = arith.constant 0 : i32
        %dma_wait3A_183 = arith.constant 0 : i32
        %dma_wait3A_184 = tpu.memref_slice %arg10[%dma_wait3A_182, %dma_wait3A_183] : memref<800x16xf32, #tpu.memory_space<vmem>> -> memref<800x16xf32, #tpu.memory_space<vmem>>
        %dma_wait3A_185 = arith.constant 0 : i32
        %dma_wait3A_186 = tpu.memref_slice %arg5[%add3A_147, %dma_wait3A_185] : memref<100096x16xf32, #tpu.memory_space<hbm>> -> memref<800x16xf32, #tpu.memory_space<hbm>>
        %dma_wait3A_187 = arith.constant 0 : i32
        %dma_wait3A_188 = tpu.memref_slice %arg5[%add3A_147, %dma_wait3A_187] : memref<100096x16xf32, #tpu.memory_space<hbm>> -> memref<800x16xf32, #tpu.memory_space<hbm>>
        %dma_wait3A_189 = arith.constant 0 : i32
        %dma_wait3A_190 = arith.constant 0 : i32
        %dma_wait3A_191 = tpu.memref_slice %arg10[%dma_wait3A_189, %dma_wait3A_190] : memref<800x16xf32, #tpu.memory_space<vmem>> -> memref<800x16xf32, #tpu.memory_space<vmem>>
        tpu.wait_dma2 semaphore(%run_scoped3A : memref<!tpu.dma_semaphore, #tpu.memory_space<semaphore_mem>>) src(%dma_wait3A_191 : memref<800x16xf32, #tpu.memory_space<vmem>>) dst(%dma_wait3A_188 : memref<800x16xf32, #tpu.memory_space<hbm>>)
        tpu.yield
      }) : () -> ()
    } else {
    }
    %eq3A_153 = arith.constant 1 : i32
    %eq3A_154 = arith.cmpi eq, %arg0, %eq3A_153 : i32
    %convert_element_type3A_155 = arith.extui %eq3A_154 : i1 to i32
    %cond3A_156 = arith.constant 0 : i32
    %cond3A_157 = arith.cmpi ne, %convert_element_type3A_155, %cond3A_156 : i32
    scf.if %cond3A_157 {
      "tpu.region"() ({
        %run_scoped3A = tpu.sem_alloc : memref<!tpu.dma_semaphore, #tpu.memory_space<semaphore_mem>>
        %dma_start3A_172 = arith.constant 0 : i32
        %dma_start3A_173 = arith.constant 0 : i32
        %dma_start3A_174 = tpu.memref_slice %arg10[%dma_start3A_172, %dma_start3A_173] : memref<800x16xf32, #tpu.memory_space<vmem>> -> memref<800x16xf32, #tpu.memory_space<vmem>>
        %dma_start3A_175 = arith.constant 0 : i32
        %dma_start3A_176 = tpu.memref_slice %arg6[%add3A_147, %dma_start3A_175] : memref<100096x16xf32, #tpu.memory_space<hbm>> -> memref<800x16xf32, #tpu.memory_space<hbm>>
        %dma_start3A_177 = arith.constant 0 : i32
        %dma_start3A_178 = tpu.memref_slice %arg6[%add3A_147, %dma_start3A_177] : memref<100096x16xf32, #tpu.memory_space<hbm>> -> memref<800x16xf32, #tpu.memory_space<hbm>>
        %dma_start3A_179 = arith.constant 0 : i32
        %dma_start3A_180 = arith.constant 0 : i32
        %dma_start3A_181 = tpu.memref_slice %arg10[%dma_start3A_179, %dma_start3A_180] : memref<800x16xf32, #tpu.memory_space<vmem>> -> memref<800x16xf32, #tpu.memory_space<vmem>>
        tpu.enqueue_dma source(%dma_start3A_181 : memref<800x16xf32, #tpu.memory_space<vmem>>) target(%dma_start3A_178 : memref<800x16xf32, #tpu.memory_space<hbm>>) target_semaphore(%run_scoped3A : memref<!tpu.dma_semaphore, #tpu.memory_space<semaphore_mem>>)
        %dma_wait3A_182 = arith.constant 0 : i32
        %dma_wait3A_183 = arith.constant 0 : i32
        %dma_wait3A_184 = tpu.memref_slice %arg10[%dma_wait3A_182, %dma_wait3A_183] : memref<800x16xf32, #tpu.memory_space<vmem>> -> memref<800x16xf32, #tpu.memory_space<vmem>>
        %dma_wait3A_185 = arith.constant 0 : i32
        %dma_wait3A_186 = tpu.memref_slice %arg6[%add3A_147, %dma_wait3A_185] : memref<100096x16xf32, #tpu.memory_space<hbm>> -> memref<800x16xf32, #tpu.memory_space<hbm>>
        %dma_wait3A_187 = arith.constant 0 : i32
        %dma_wait3A_188 = tpu.memref_slice %arg6[%add3A_147, %dma_wait3A_187] : memref<100096x16xf32, #tpu.memory_space<hbm>> -> memref<800x16xf32, #tpu.memory_space<hbm>>
        %dma_wait3A_189 = arith.constant 0 : i32
        %dma_wait3A_190 = arith.constant 0 : i32
        %dma_wait3A_191 = tpu.memref_slice %arg10[%dma_wait3A_189, %dma_wait3A_190] : memref<800x16xf32, #tpu.memory_space<vmem>> -> memref<800x16xf32, #tpu.memory_space<vmem>>
        tpu.wait_dma2 semaphore(%run_scoped3A : memref<!tpu.dma_semaphore, #tpu.memory_space<semaphore_mem>>) src(%dma_wait3A_191 : memref<800x16xf32, #tpu.memory_space<vmem>>) dst(%dma_wait3A_188 : memref<800x16xf32, #tpu.memory_space<hbm>>)
        tpu.yield
      }) : () -> ()
    } else {
    }
    %mul3A_158 = arith.constant 6256 : i32
    %mul3A_159 = arith.muli %arg1, %mul3A_158 : i32
    %add3A_160 = arith.constant 5600 : i32
    %add3A_161 = arith.addi %mul3A_159, %add3A_160 : i32
    "tpu.region"() ({
      %run_scoped3A = tpu.sem_alloc : memref<!tpu.dma_semaphore, #tpu.memory_space<semaphore_mem>>
      %dma_start3A_172 = arith.constant 0 : i32
      %dma_start3A_173 = arith.constant 0 : i32
      %dma_start3A_174 = tpu.memref_slice %arg10[%dma_start3A_172, %dma_start3A_173] : memref<800x16xf32, #tpu.memory_space<vmem>> -> memref<656x16xf32, #tpu.memory_space<vmem>>
      %dma_start3A_175 = arith.constant 0 : i32
      %dma_start3A_176 = tpu.memref_slice %arg7[%add3A_161, %dma_start3A_175] : memref<100096x16xf32, #tpu.memory_space<vmem_shared>> -> memref<656x16xf32, #tpu.memory_space<vmem_shared>>
      %dma_start3A_177 = arith.constant 0 : i32
      %dma_start3A_178 = arith.constant 0 : i32
      %dma_start3A_179 = tpu.memref_slice %arg10[%dma_start3A_177, %dma_start3A_178] : memref<800x16xf32, #tpu.memory_space<vmem>> -> memref<656x16xf32, #tpu.memory_space<vmem>>
      %dma_start3A_180 = arith.constant 0 : i32
      %dma_start3A_181 = tpu.memref_slice %arg7[%add3A_161, %dma_start3A_180] : memref<100096x16xf32, #tpu.memory_space<vmem_shared>> -> memref<656x16xf32, #tpu.memory_space<vmem_shared>>
      tpu.enqueue_dma source(%dma_start3A_181 : memref<656x16xf32, #tpu.memory_space<vmem_shared>>) target(%dma_start3A_179 : memref<656x16xf32, #tpu.memory_space<vmem>>) target_semaphore(%run_scoped3A : memref<!tpu.dma_semaphore, #tpu.memory_space<semaphore_mem>>)
      %dma_wait3A_182 = arith.constant 0 : i32
      %dma_wait3A_183 = arith.constant 0 : i32
      %dma_wait3A_184 = tpu.memref_slice %arg10[%dma_wait3A_182, %dma_wait3A_183] : memref<800x16xf32, #tpu.memory_space<vmem>> -> memref<656x16xf32, #tpu.memory_space<vmem>>
      %dma_wait3A_185 = arith.constant 0 : i32
      %dma_wait3A_186 = tpu.memref_slice %arg7[%add3A_161, %dma_wait3A_185] : memref<100096x16xf32, #tpu.memory_space<vmem_shared>> -> memref<656x16xf32, #tpu.memory_space<vmem_shared>>
      %dma_wait3A_187 = arith.constant 0 : i32
      %dma_wait3A_188 = arith.constant 0 : i32
      %dma_wait3A_189 = tpu.memref_slice %arg10[%dma_wait3A_187, %dma_wait3A_188] : memref<800x16xf32, #tpu.memory_space<vmem>> -> memref<656x16xf32, #tpu.memory_space<vmem>>
      %dma_wait3A_190 = arith.constant 0 : i32
      %dma_wait3A_191 = tpu.memref_slice %arg7[%add3A_161, %dma_wait3A_190] : memref<100096x16xf32, #tpu.memory_space<vmem_shared>> -> memref<656x16xf32, #tpu.memory_space<vmem_shared>>
      tpu.wait_dma2 semaphore(%run_scoped3A : memref<!tpu.dma_semaphore, #tpu.memory_space<semaphore_mem>>) src(%dma_wait3A_191 : memref<656x16xf32, #tpu.memory_space<vmem_shared>>) dst(%dma_wait3A_189 : memref<656x16xf32, #tpu.memory_space<vmem>>)
      tpu.yield
    }) : () -> ()
    %eq3A_162 = arith.constant 0 : i32
    %eq3A_163 = arith.cmpi eq, %arg0, %eq3A_162 : i32
    %convert_element_type3A_164 = arith.extui %eq3A_163 : i1 to i32
    %cond3A_165 = arith.constant 0 : i32
    %cond3A_166 = arith.cmpi ne, %convert_element_type3A_164, %cond3A_165 : i32
    scf.if %cond3A_166 {
      "tpu.region"() ({
        %run_scoped3A = tpu.sem_alloc : memref<!tpu.dma_semaphore, #tpu.memory_space<semaphore_mem>>
        %dma_start3A_172 = arith.constant 0 : i32
        %dma_start3A_173 = arith.constant 0 : i32
        %dma_start3A_174 = tpu.memref_slice %arg10[%dma_start3A_172, %dma_start3A_173] : memref<800x16xf32, #tpu.memory_space<vmem>> -> memref<656x16xf32, #tpu.memory_space<vmem>>
        %dma_start3A_175 = arith.constant 0 : i32
        %dma_start3A_176 = tpu.memref_slice %arg5[%add3A_161, %dma_start3A_175] : memref<100096x16xf32, #tpu.memory_space<hbm>> -> memref<656x16xf32, #tpu.memory_space<hbm>>
        %dma_start3A_177 = arith.constant 0 : i32
        %dma_start3A_178 = tpu.memref_slice %arg5[%add3A_161, %dma_start3A_177] : memref<100096x16xf32, #tpu.memory_space<hbm>> -> memref<656x16xf32, #tpu.memory_space<hbm>>
        %dma_start3A_179 = arith.constant 0 : i32
        %dma_start3A_180 = arith.constant 0 : i32
        %dma_start3A_181 = tpu.memref_slice %arg10[%dma_start3A_179, %dma_start3A_180] : memref<800x16xf32, #tpu.memory_space<vmem>> -> memref<656x16xf32, #tpu.memory_space<vmem>>
        tpu.enqueue_dma source(%dma_start3A_181 : memref<656x16xf32, #tpu.memory_space<vmem>>) target(%dma_start3A_178 : memref<656x16xf32, #tpu.memory_space<hbm>>) target_semaphore(%run_scoped3A : memref<!tpu.dma_semaphore, #tpu.memory_space<semaphore_mem>>)
        %dma_wait3A_182 = arith.constant 0 : i32
        %dma_wait3A_183 = arith.constant 0 : i32
        %dma_wait3A_184 = tpu.memref_slice %arg10[%dma_wait3A_182, %dma_wait3A_183] : memref<800x16xf32, #tpu.memory_space<vmem>> -> memref<656x16xf32, #tpu.memory_space<vmem>>
        %dma_wait3A_185 = arith.constant 0 : i32
        %dma_wait3A_186 = tpu.memref_slice %arg5[%add3A_161, %dma_wait3A_185] : memref<100096x16xf32, #tpu.memory_space<hbm>> -> memref<656x16xf32, #tpu.memory_space<hbm>>
        %dma_wait3A_187 = arith.constant 0 : i32
        %dma_wait3A_188 = tpu.memref_slice %arg5[%add3A_161, %dma_wait3A_187] : memref<100096x16xf32, #tpu.memory_space<hbm>> -> memref<656x16xf32, #tpu.memory_space<hbm>>
        %dma_wait3A_189 = arith.constant 0 : i32
        %dma_wait3A_190 = arith.constant 0 : i32
        %dma_wait3A_191 = tpu.memref_slice %arg10[%dma_wait3A_189, %dma_wait3A_190] : memref<800x16xf32, #tpu.memory_space<vmem>> -> memref<656x16xf32, #tpu.memory_space<vmem>>
        tpu.wait_dma2 semaphore(%run_scoped3A : memref<!tpu.dma_semaphore, #tpu.memory_space<semaphore_mem>>) src(%dma_wait3A_191 : memref<656x16xf32, #tpu.memory_space<vmem>>) dst(%dma_wait3A_188 : memref<656x16xf32, #tpu.memory_space<hbm>>)
        tpu.yield
      }) : () -> ()
    } else {
    }
    %eq3A_167 = arith.constant 1 : i32
    %eq3A_168 = arith.cmpi eq, %arg0, %eq3A_167 : i32
    %convert_element_type3A_169 = arith.extui %eq3A_168 : i1 to i32
    %cond3A_170 = arith.constant 0 : i32
    %cond3A_171 = arith.cmpi ne, %convert_element_type3A_169, %cond3A_170 : i32
    scf.if %cond3A_171 {
      "tpu.region"() ({
        %run_scoped3A = tpu.sem_alloc : memref<!tpu.dma_semaphore, #tpu.memory_space<semaphore_mem>>
        %dma_start3A_172 = arith.constant 0 : i32
        %dma_start3A_173 = arith.constant 0 : i32
        %dma_start3A_174 = tpu.memref_slice %arg10[%dma_start3A_172, %dma_start3A_173] : memref<800x16xf32, #tpu.memory_space<vmem>> -> memref<656x16xf32, #tpu.memory_space<vmem>>
        %dma_start3A_175 = arith.constant 0 : i32
        %dma_start3A_176 = tpu.memref_slice %arg6[%add3A_161, %dma_start3A_175] : memref<100096x16xf32, #tpu.memory_space<hbm>> -> memref<656x16xf32, #tpu.memory_space<hbm>>
        %dma_start3A_177 = arith.constant 0 : i32
        %dma_start3A_178 = tpu.memref_slice %arg6[%add3A_161, %dma_start3A_177] : memref<100096x16xf32, #tpu.memory_space<hbm>> -> memref<656x16xf32, #tpu.memory_space<hbm>>
        %dma_start3A_179 = arith.constant 0 : i32
        %dma_start3A_180 = arith.constant 0 : i32
        %dma_start3A_181 = tpu.memref_slice %arg10[%dma_start3A_179, %dma_start3A_180] : memref<800x16xf32, #tpu.memory_space<vmem>> -> memref<656x16xf32, #tpu.memory_space<vmem>>
        tpu.enqueue_dma source(%dma_start3A_181 : memref<656x16xf32, #tpu.memory_space<vmem>>) target(%dma_start3A_178 : memref<656x16xf32, #tpu.memory_space<hbm>>) target_semaphore(%run_scoped3A : memref<!tpu.dma_semaphore, #tpu.memory_space<semaphore_mem>>)
        %dma_wait3A_182 = arith.constant 0 : i32
        %dma_wait3A_183 = arith.constant 0 : i32
        %dma_wait3A_184 = tpu.memref_slice %arg10[%dma_wait3A_182, %dma_wait3A_183] : memref<800x16xf32, #tpu.memory_space<vmem>> -> memref<656x16xf32, #tpu.memory_space<vmem>>
        %dma_wait3A_185 = arith.constant 0 : i32
        %dma_wait3A_186 = tpu.memref_slice %arg6[%add3A_161, %dma_wait3A_185] : memref<100096x16xf32, #tpu.memory_space<hbm>> -> memref<656x16xf32, #tpu.memory_space<hbm>>
        %dma_wait3A_187 = arith.constant 0 : i32
        %dma_wait3A_188 = tpu.memref_slice %arg6[%add3A_161, %dma_wait3A_187] : memref<100096x16xf32, #tpu.memory_space<hbm>> -> memref<656x16xf32, #tpu.memory_space<hbm>>
        %dma_wait3A_189 = arith.constant 0 : i32
        %dma_wait3A_190 = arith.constant 0 : i32
        %dma_wait3A_191 = tpu.memref_slice %arg10[%dma_wait3A_189, %dma_wait3A_190] : memref<800x16xf32, #tpu.memory_space<vmem>> -> memref<656x16xf32, #tpu.memory_space<vmem>>
        tpu.wait_dma2 semaphore(%run_scoped3A : memref<!tpu.dma_semaphore, #tpu.memory_space<semaphore_mem>>) src(%dma_wait3A_191 : memref<656x16xf32, #tpu.memory_space<vmem>>) dst(%dma_wait3A_188 : memref<656x16xf32, #tpu.memory_space<hbm>>)
        tpu.yield
      }) : () -> ()
    } else {
    }
    return
  }
}

#map = affine_map<(d0, d1) -> (0, 0)>
#map1 = affine_map<(d0, d1) -> (0)>
module attributes {stable_mosaic.version = 14 : i64} {
  func.func @_agg16(%arg0: i32, %arg1: i32, %arg2: memref<100000x16xf32, #tpu.memory_space<hbm>>, %arg3: memref<3200000xi32, #tpu.memory_space<hbm>>, %arg4: memref<3200000xi32, #tpu.memory_space<hbm>>, %arg5: memref<100096x16xf32, #tpu.memory_space<hbm>>, %arg6: memref<100096x16xf32, #tpu.memory_space<hbm>>, %arg7: memref<100096x16xf32, #tpu.memory_space<vmem_shared>>, %arg8: memref<800xi32, #tpu.memory_space<vmem>>, %arg9: memref<800xi32, #tpu.memory_space<vmem>>, %arg10: memref<800x16xf32, #tpu.memory_space<vmem>>, %arg11: memref<800xi32, #tpu.memory_space<vmem>>, %arg12: memref<800xi32, #tpu.memory_space<vmem>>, %arg13: memref<800x16xf32, #tpu.memory_space<vmem>>, %arg14: memref<!tpu.dma_semaphore, #tpu.memory_space<semaphore_mem>>, %arg15: memref<!tpu.dma_semaphore, #tpu.memory_space<semaphore_mem>>, %arg16: memref<!tpu.dma_semaphore, #tpu.memory_space<semaphore_mem>>, %arg17: memref<!tpu.dma_semaphore, #tpu.memory_space<semaphore_mem>>) attributes {dimension_semantics = [#tpu.dimension_semantics<core_parallel>, #tpu.dimension_semantics<subcore_parallel>], iteration_bounds = array<i64: 2, 16>, scalar_prefetch = 0 : i64, scratch_operands = 11 : i64, tpu.core_type = #tpu.core_type<sc_vector_subcore>, window_params = [{transform_indices = #map}, {transform_indices = #map1}, {transform_indices = #map1}, {transform_indices = #map}, {transform_indices = #map}]} {
    %mul3A = arith.constant 2 : i32
    %mul3A_0 = arith.muli %arg1, %mul3A : i32
    %add3A = arith.addi %mul3A_0, %arg0 : i32
    %scan3A = arith.constant 0 : i32
    %scan3A_1 = arith.constant 0 : i32
    %scan3A_2 = arith.constant 800 : i32
    %scan3A_3 = arith.addi %scan3A_1, %scan3A_2 : i32
    %scan3A_4 = arith.constant 1 : i32
    scf.for %scan3A_172 = %scan3A_1 to %scan3A_3 step %scan3A_4  : i32 {
      %broadcast_in_dim3A = arith.constant 0.000000e+00 : f32
      %broadcast_in_dim3A_173 = vector.broadcast %broadcast_in_dim3A : f32 to vector<16xf32>
      %swap3A = arith.index_cast %scan3A_172 : i32 to index
      %swap3A_174 = arith.constant 0 : index
      %swap3A_175 = tpu.vector_load %arg10[%swap3A, %swap3A_174] {strides = array<i32>} : memref<800x16xf32, #tpu.memory_space<vmem>>, vector<1x16xf32>,
      %swap3A_176 = vector.shape_cast %swap3A_175 : vector<1x16xf32> to vector<16xf32>
      %swap3A_177 = vector.shape_cast %broadcast_in_dim3A_173 : vector<16xf32> to vector<1x16xf32>
      tpu.vector_store %arg10[%swap3A, %swap3A_174], %swap3A_177 {strides = array<i32>} : memref<800x16xf32, #tpu.memory_space<vmem>>, vector<1x16xf32>,
    }
    %scan3A_5 = arith.constant 800 : i32
    %mul3A_6 = arith.constant 6256 : i32
    %mul3A_7 = arith.muli %arg1, %mul3A_6 : i32
    %add3A_8 = arith.constant 0 : i32
    %add3A_9 = arith.addi %mul3A_7, %add3A_8 : i32
    "tpu.region"() ({
      %run_scoped3A = tpu.sem_alloc : memref<!tpu.dma_semaphore, #tpu.memory_space<semaphore_mem>>
      %dma_start3A_172 = arith.constant 0 : i32
      %dma_start3A_173 = tpu.memref_slice %arg7[%add3A_9, %dma_start3A_172] : memref<100096x16xf32, #tpu.memory_space<vmem_shared>> -> memref<800x16xf32, #tpu.memory_space<vmem_shared>>
      %dma_start3A_174 = arith.constant 0 : i32
      %dma_start3A_175 = tpu.memref_slice %arg7[%add3A_9, %dma_start3A_174] : memref<100096x16xf32, #tpu.memory_space<vmem_shared>> -> memref<800x16xf32, #tpu.memory_space<vmem_shared>>
      tpu.enqueue_dma source(%arg10 : memref<800x16xf32, #tpu.memory_space<vmem>>) target(%dma_start3A_175 : memref<800x16xf32, #tpu.memory_space<vmem_shared>>) target_semaphore(%run_scoped3A : memref<!tpu.dma_semaphore, #tpu.memory_space<semaphore_mem>>)
      %dma_wait3A_176 = arith.constant 0 : i32
      %dma_wait3A_177 = tpu.memref_slice %arg7[%add3A_9, %dma_wait3A_176] : memref<100096x16xf32, #tpu.memory_space<vmem_shared>> -> memref<800x16xf32, #tpu.memory_space<vmem_shared>>
      %dma_wait3A_178 = arith.constant 0 : i32
      %dma_wait3A_179 = tpu.memref_slice %arg7[%add3A_9, %dma_wait3A_178] : memref<100096x16xf32, #tpu.memory_space<vmem_shared>> -> memref<800x16xf32, #tpu.memory_space<vmem_shared>>
      tpu.wait_dma2 semaphore(%run_scoped3A : memref<!tpu.dma_semaphore, #tpu.memory_space<semaphore_mem>>) src(%arg10 : memref<800x16xf32, #tpu.memory_space<vmem>>) dst(%dma_wait3A_179 : memref<800x16xf32, #tpu.memory_space<vmem_shared>>)
      tpu.yield
    }) : () -> ()
    %mul3A_10 = arith.constant 6256 : i32
    %mul3A_11 = arith.muli %arg1, %mul3A_10 : i32
    %add3A_12 = arith.constant 800 : i32
    %add3A_13 = arith.addi %mul3A_11, %add3A_12 : i32
    "tpu.region"() ({
      %run_scoped3A = tpu.sem_alloc : memref<!tpu.dma_semaphore, #tpu.memory_space<semaphore_mem>>
      %dma_start3A_172 = arith.constant 0 : i32
      %dma_start3A_173 = tpu.memref_slice %arg7[%add3A_13, %dma_start3A_172] : memref<100096x16xf32, #tpu.memory_space<vmem_shared>> -> memref<800x16xf32, #tpu.memory_space<vmem_shared>>
      %dma_start3A_174 = arith.constant 0 : i32
      %dma_start3A_175 = tpu.memref_slice %arg7[%add3A_13, %dma_start3A_174] : memref<100096x16xf32, #tpu.memory_space<vmem_shared>> -> memref<800x16xf32, #tpu.memory_space<vmem_shared>>
      tpu.enqueue_dma source(%arg10 : memref<800x16xf32, #tpu.memory_space<vmem>>) target(%dma_start3A_175 : memref<800x16xf32, #tpu.memory_space<vmem_shared>>) target_semaphore(%run_scoped3A : memref<!tpu.dma_semaphore, #tpu.memory_space<semaphore_mem>>)
      %dma_wait3A_176 = arith.constant 0 : i32
      %dma_wait3A_177 = tpu.memref_slice %arg7[%add3A_13, %dma_wait3A_176] : memref<100096x16xf32, #tpu.memory_space<vmem_shared>> -> memref<800x16xf32, #tpu.memory_space<vmem_shared>>
      %dma_wait3A_178 = arith.constant 0 : i32
      %dma_wait3A_179 = tpu.memref_slice %arg7[%add3A_13, %dma_wait3A_178] : memref<100096x16xf32, #tpu.memory_space<vmem_shared>> -> memref<800x16xf32, #tpu.memory_space<vmem_shared>>
      tpu.wait_dma2 semaphore(%run_scoped3A : memref<!tpu.dma_semaphore, #tpu.memory_space<semaphore_mem>>) src(%arg10 : memref<800x16xf32, #tpu.memory_space<vmem>>) dst(%dma_wait3A_179 : memref<800x16xf32, #tpu.memory_space<vmem_shared>>)
      tpu.yield
    }) : () -> ()
    %mul3A_14 = arith.constant 6256 : i32
    %mul3A_15 = arith.muli %arg1, %mul3A_14 : i32
    %add3A_16 = arith.constant 1600 : i32
    %add3A_17 = arith.addi %mul3A_15, %add3A_16 : i32
    "tpu.region"() ({
      %run_scoped3A = tpu.sem_alloc : memref<!tpu.dma_semaphore, #tpu.memory_space<semaphore_mem>>
      %dma_start3A_172 = arith.constant 0 : i32
      %dma_start3A_173 = tpu.memref_slice %arg7[%add3A_17, %dma_start3A_172] : memref<100096x16xf32, #tpu.memory_space<vmem_shared>> -> memref<800x16xf32, #tpu.memory_space<vmem_shared>>
      %dma_start3A_174 = arith.constant 0 : i32
      %dma_start3A_175 = tpu.memref_slice %arg7[%add3A_17, %dma_start3A_174] : memref<100096x16xf32, #tpu.memory_space<vmem_shared>> -> memref<800x16xf32, #tpu.memory_space<vmem_shared>>
      tpu.enqueue_dma source(%arg10 : memref<800x16xf32, #tpu.memory_space<vmem>>) target(%dma_start3A_175 : memref<800x16xf32, #tpu.memory_space<vmem_shared>>) target_semaphore(%run_scoped3A : memref<!tpu.dma_semaphore, #tpu.memory_space<semaphore_mem>>)
      %dma_wait3A_176 = arith.constant 0 : i32
      %dma_wait3A_177 = tpu.memref_slice %arg7[%add3A_17, %dma_wait3A_176] : memref<100096x16xf32, #tpu.memory_space<vmem_shared>> -> memref<800x16xf32, #tpu.memory_space<vmem_shared>>
      %dma_wait3A_178 = arith.constant 0 : i32
      %dma_wait3A_179 = tpu.memref_slice %arg7[%add3A_17, %dma_wait3A_178] : memref<100096x16xf32, #tpu.memory_space<vmem_shared>> -> memref<800x16xf32, #tpu.memory_space<vmem_shared>>
      tpu.wait_dma2 semaphore(%run_scoped3A : memref<!tpu.dma_semaphore, #tpu.memory_space<semaphore_mem>>) src(%arg10 : memref<800x16xf32, #tpu.memory_space<vmem>>) dst(%dma_wait3A_179 : memref<800x16xf32, #tpu.memory_space<vmem_shared>>)
      tpu.yield
    }) : () -> ()
    %mul3A_18 = arith.constant 6256 : i32
    %mul3A_19 = arith.muli %arg1, %mul3A_18 : i32
    %add3A_20 = arith.constant 2400 : i32
    %add3A_21 = arith.addi %mul3A_19, %add3A_20 : i32
    "tpu.region"() ({
      %run_scoped3A = tpu.sem_alloc : memref<!tpu.dma_semaphore, #tpu.memory_space<semaphore_mem>>
      %dma_start3A_172 = arith.constant 0 : i32
      %dma_start3A_173 = tpu.memref_slice %arg7[%add3A_21, %dma_start3A_172] : memref<100096x16xf32, #tpu.memory_space<vmem_shared>> -> memref<800x16xf32, #tpu.memory_space<vmem_shared>>
      %dma_start3A_174 = arith.constant 0 : i32
      %dma_start3A_175 = tpu.memref_slice %arg7[%add3A_21, %dma_start3A_174] : memref<100096x16xf32, #tpu.memory_space<vmem_shared>> -> memref<800x16xf32, #tpu.memory_space<vmem_shared>>
      tpu.enqueue_dma source(%arg10 : memref<800x16xf32, #tpu.memory_space<vmem>>) target(%dma_start3A_175 : memref<800x16xf32, #tpu.memory_space<vmem_shared>>) target_semaphore(%run_scoped3A : memref<!tpu.dma_semaphore, #tpu.memory_space<semaphore_mem>>)
      %dma_wait3A_176 = arith.constant 0 : i32
      %dma_wait3A_177 = tpu.memref_slice %arg7[%add3A_21, %dma_wait3A_176] : memref<100096x16xf32, #tpu.memory_space<vmem_shared>> -> memref<800x16xf32, #tpu.memory_space<vmem_shared>>
      %dma_wait3A_178 = arith.constant 0 : i32
      %dma_wait3A_179 = tpu.memref_slice %arg7[%add3A_21, %dma_wait3A_178] : memref<100096x16xf32, #tpu.memory_space<vmem_shared>> -> memref<800x16xf32, #tpu.memory_space<vmem_shared>>
      tpu.wait_dma2 semaphore(%run_scoped3A : memref<!tpu.dma_semaphore, #tpu.memory_space<semaphore_mem>>) src(%arg10 : memref<800x16xf32, #tpu.memory_space<vmem>>) dst(%dma_wait3A_179 : memref<800x16xf32, #tpu.memory_space<vmem_shared>>)
      tpu.yield
    }) : () -> ()
    %mul3A_22 = arith.constant 6256 : i32
    %mul3A_23 = arith.muli %arg1, %mul3A_22 : i32
    %add3A_24 = arith.constant 3200 : i32
    %add3A_25 = arith.addi %mul3A_23, %add3A_24 : i32
    "tpu.region"() ({
      %run_scoped3A = tpu.sem_alloc : memref<!tpu.dma_semaphore, #tpu.memory_space<semaphore_mem>>
      %dma_start3A_172 = arith.constant 0 : i32
      %dma_start3A_173 = tpu.memref_slice %arg7[%add3A_25, %dma_start3A_172] : memref<100096x16xf32, #tpu.memory_space<vmem_shared>> -> memref<800x16xf32, #tpu.memory_space<vmem_shared>>
      %dma_start3A_174 = arith.constant 0 : i32
      %dma_start3A_175 = tpu.memref_slice %arg7[%add3A_25, %dma_start3A_174] : memref<100096x16xf32, #tpu.memory_space<vmem_shared>> -> memref<800x16xf32, #tpu.memory_space<vmem_shared>>
      tpu.enqueue_dma source(%arg10 : memref<800x16xf32, #tpu.memory_space<vmem>>) target(%dma_start3A_175 : memref<800x16xf32, #tpu.memory_space<vmem_shared>>) target_semaphore(%run_scoped3A : memref<!tpu.dma_semaphore, #tpu.memory_space<semaphore_mem>>)
      %dma_wait3A_176 = arith.constant 0 : i32
      %dma_wait3A_177 = tpu.memref_slice %arg7[%add3A_25, %dma_wait3A_176] : memref<100096x16xf32, #tpu.memory_space<vmem_shared>> -> memref<800x16xf32, #tpu.memory_space<vmem_shared>>
      %dma_wait3A_178 = arith.constant 0 : i32
      %dma_wait3A_179 = tpu.memref_slice %arg7[%add3A_25, %dma_wait3A_178] : memref<100096x16xf32, #tpu.memory_space<vmem_shared>> -> memref<800x16xf32, #tpu.memory_space<vmem_shared>>
      tpu.wait_dma2 semaphore(%run_scoped3A : memref<!tpu.dma_semaphore, #tpu.memory_space<semaphore_mem>>) src(%arg10 : memref<800x16xf32, #tpu.memory_space<vmem>>) dst(%dma_wait3A_179 : memref<800x16xf32, #tpu.memory_space<vmem_shared>>)
      tpu.yield
    }) : () -> ()
    %mul3A_26 = arith.constant 6256 : i32
    %mul3A_27 = arith.muli %arg1, %mul3A_26 : i32
    %add3A_28 = arith.constant 4000 : i32
    %add3A_29 = arith.addi %mul3A_27, %add3A_28 : i32
    "tpu.region"() ({
      %run_scoped3A = tpu.sem_alloc : memref<!tpu.dma_semaphore, #tpu.memory_space<semaphore_mem>>
      %dma_start3A_172 = arith.constant 0 : i32
      %dma_start3A_173 = tpu.memref_slice %arg7[%add3A_29, %dma_start3A_172] : memref<100096x16xf32, #tpu.memory_space<vmem_shared>> -> memref<800x16xf32, #tpu.memory_space<vmem_shared>>
      %dma_start3A_174 = arith.constant 0 : i32
      %dma_start3A_175 = tpu.memref_slice %arg7[%add3A_29, %dma_start3A_174] : memref<100096x16xf32, #tpu.memory_space<vmem_shared>> -> memref<800x16xf32, #tpu.memory_space<vmem_shared>>
      tpu.enqueue_dma source(%arg10 : memref<800x16xf32, #tpu.memory_space<vmem>>) target(%dma_start3A_175 : memref<800x16xf32, #tpu.memory_space<vmem_shared>>) target_semaphore(%run_scoped3A : memref<!tpu.dma_semaphore, #tpu.memory_space<semaphore_mem>>)
      %dma_wait3A_176 = arith.constant 0 : i32
      %dma_wait3A_177 = tpu.memref_slice %arg7[%add3A_29, %dma_wait3A_176] : memref<100096x16xf32, #tpu.memory_space<vmem_shared>> -> memref<800x16xf32, #tpu.memory_space<vmem_shared>>
      %dma_wait3A_178 = arith.constant 0 : i32
      %dma_wait3A_179 = tpu.memref_slice %arg7[%add3A_29, %dma_wait3A_178] : memref<100096x16xf32, #tpu.memory_space<vmem_shared>> -> memref<800x16xf32, #tpu.memory_space<vmem_shared>>
      tpu.wait_dma2 semaphore(%run_scoped3A : memref<!tpu.dma_semaphore, #tpu.memory_space<semaphore_mem>>) src(%arg10 : memref<800x16xf32, #tpu.memory_space<vmem>>) dst(%dma_wait3A_179 : memref<800x16xf32, #tpu.memory_space<vmem_shared>>)
      tpu.yield
    }) : () -> ()
    %mul3A_30 = arith.constant 6256 : i32
    %mul3A_31 = arith.muli %arg1, %mul3A_30 : i32
    %add3A_32 = arith.constant 4800 : i32
    %add3A_33 = arith.addi %mul3A_31, %add3A_32 : i32
    "tpu.region"() ({
      %run_scoped3A = tpu.sem_alloc : memref<!tpu.dma_semaphore, #tpu.memory_space<semaphore_mem>>
      %dma_start3A_172 = arith.constant 0 : i32
      %dma_start3A_173 = tpu.memref_slice %arg7[%add3A_33, %dma_start3A_172] : memref<100096x16xf32, #tpu.memory_space<vmem_shared>> -> memref<800x16xf32, #tpu.memory_space<vmem_shared>>
      %dma_start3A_174 = arith.constant 0 : i32
      %dma_start3A_175 = tpu.memref_slice %arg7[%add3A_33, %dma_start3A_174] : memref<100096x16xf32, #tpu.memory_space<vmem_shared>> -> memref<800x16xf32, #tpu.memory_space<vmem_shared>>
      tpu.enqueue_dma source(%arg10 : memref<800x16xf32, #tpu.memory_space<vmem>>) target(%dma_start3A_175 : memref<800x16xf32, #tpu.memory_space<vmem_shared>>) target_semaphore(%run_scoped3A : memref<!tpu.dma_semaphore, #tpu.memory_space<semaphore_mem>>)
      %dma_wait3A_176 = arith.constant 0 : i32
      %dma_wait3A_177 = tpu.memref_slice %arg7[%add3A_33, %dma_wait3A_176] : memref<100096x16xf32, #tpu.memory_space<vmem_shared>> -> memref<800x16xf32, #tpu.memory_space<vmem_shared>>
      %dma_wait3A_178 = arith.constant 0 : i32
      %dma_wait3A_179 = tpu.memref_slice %arg7[%add3A_33, %dma_wait3A_178] : memref<100096x16xf32, #tpu.memory_space<vmem_shared>> -> memref<800x16xf32, #tpu.memory_space<vmem_shared>>
      tpu.wait_dma2 semaphore(%run_scoped3A : memref<!tpu.dma_semaphore, #tpu.memory_space<semaphore_mem>>) src(%arg10 : memref<800x16xf32, #tpu.memory_space<vmem>>) dst(%dma_wait3A_179 : memref<800x16xf32, #tpu.memory_space<vmem_shared>>)
      tpu.yield
    }) : () -> ()
    %mul3A_34 = arith.constant 6256 : i32
    %mul3A_35 = arith.muli %arg1, %mul3A_34 : i32
    %add3A_36 = arith.constant 5600 : i32
    %add3A_37 = arith.addi %mul3A_35, %add3A_36 : i32
    "tpu.region"() ({
      %run_scoped3A = tpu.sem_alloc : memref<!tpu.dma_semaphore, #tpu.memory_space<semaphore_mem>>
      %dma_start3A_172 = arith.constant 0 : i32
      %dma_start3A_173 = arith.constant 0 : i32
      %dma_start3A_174 = tpu.memref_slice %arg10[%dma_start3A_172, %dma_start3A_173] : memref<800x16xf32, #tpu.memory_space<vmem>> -> memref<656x16xf32, #tpu.memory_space<vmem>>
      %dma_start3A_175 = arith.constant 0 : i32
      %dma_start3A_176 = tpu.memref_slice %arg7[%add3A_37, %dma_start3A_175] : memref<100096x16xf32, #tpu.memory_space<vmem_shared>> -> memref<656x16xf32, #tpu.memory_space<vmem_shared>>
      %dma_start3A_177 = arith.constant 0 : i32
      %dma_start3A_178 = tpu.memref_slice %arg7[%add3A_37, %dma_start3A_177] : memref<100096x16xf32, #tpu.memory_space<vmem_shared>> -> memref<656x16xf32, #tpu.memory_space<vmem_shared>>
      %dma_start3A_179 = arith.constant 0 : i32
      %dma_start3A_180 = arith.constant 0 : i32
      %dma_start3A_181 = tpu.memref_slice %arg10[%dma_start3A_179, %dma_start3A_180] : memref<800x16xf32, #tpu.memory_space<vmem>> -> memref<656x16xf32, #tpu.memory_space<vmem>>
      tpu.enqueue_dma source(%dma_start3A_181 : memref<656x16xf32, #tpu.memory_space<vmem>>) target(%dma_start3A_178 : memref<656x16xf32, #tpu.memory_space<vmem_shared>>) target_semaphore(%run_scoped3A : memref<!tpu.dma_semaphore, #tpu.memory_space<semaphore_mem>>)
      %dma_wait3A_182 = arith.constant 0 : i32
      %dma_wait3A_183 = arith.constant 0 : i32
      %dma_wait3A_184 = tpu.memref_slice %arg10[%dma_wait3A_182, %dma_wait3A_183] : memref<800x16xf32, #tpu.memory_space<vmem>> -> memref<656x16xf32, #tpu.memory_space<vmem>>
      %dma_wait3A_185 = arith.constant 0 : i32
      %dma_wait3A_186 = tpu.memref_slice %arg7[%add3A_37, %dma_wait3A_185] : memref<100096x16xf32, #tpu.memory_space<vmem_shared>> -> memref<656x16xf32, #tpu.memory_space<vmem_shared>>
      %dma_wait3A_187 = arith.constant 0 : i32
      %dma_wait3A_188 = tpu.memref_slice %arg7[%add3A_37, %dma_wait3A_187] : memref<100096x16xf32, #tpu.memory_space<vmem_shared>> -> memref<656x16xf32, #tpu.memory_space<vmem_shared>>
      %dma_wait3A_189 = arith.constant 0 : i32
      %dma_wait3A_190 = arith.constant 0 : i32
      %dma_wait3A_191 = tpu.memref_slice %arg10[%dma_wait3A_189, %dma_wait3A_190] : memref<800x16xf32, #tpu.memory_space<vmem>> -> memref<656x16xf32, #tpu.memory_space<vmem>>
      tpu.wait_dma2 semaphore(%run_scoped3A : memref<!tpu.dma_semaphore, #tpu.memory_space<semaphore_mem>>) src(%dma_wait3A_191 : memref<656x16xf32, #tpu.memory_space<vmem>>) dst(%dma_wait3A_188 : memref<656x16xf32, #tpu.memory_space<vmem_shared>>)
      tpu.yield
    }) : () -> ()
    %barrier3A = arith.constant 0 : index
    tpu.barrier barrier_id(%barrier3A)
    %mul3A_38 = arith.constant 100000 : i32
    %mul3A_39 = arith.muli %add3A, %mul3A_38 : i32
    "tpu.region"() ({
      %run_scoped3A = tpu.sem_alloc : memref<!tpu.dma_semaphore, #tpu.memory_space<semaphore_mem>>
      %dma_start3A_172 = tpu.memref_slice %arg3[%mul3A_39] : memref<3200000xi32, #tpu.memory_space<hbm>> -> memref<800xi32, #tpu.memory_space<hbm>>
      %dma_start3A_173 = tpu.memref_slice %arg3[%mul3A_39] : memref<3200000xi32, #tpu.memory_space<hbm>> -> memref<800xi32, #tpu.memory_space<hbm>>
      tpu.enqueue_dma source(%dma_start3A_173 : memref<800xi32, #tpu.memory_space<hbm>>) target(%arg8 : memref<800xi32, #tpu.memory_space<vmem>>) target_semaphore(%run_scoped3A : memref<!tpu.dma_semaphore, #tpu.memory_space<semaphore_mem>>)
      %dma_wait3A_174 = tpu.memref_slice %arg3[%mul3A_39] : memref<3200000xi32, #tpu.memory_space<hbm>> -> memref<800xi32, #tpu.memory_space<hbm>>
      %dma_wait3A_175 = tpu.memref_slice %arg3[%mul3A_39] : memref<3200000xi32, #tpu.memory_space<hbm>> -> memref<800xi32, #tpu.memory_space<hbm>>
      tpu.wait_dma2 semaphore(%run_scoped3A : memref<!tpu.dma_semaphore, #tpu.memory_space<semaphore_mem>>) src(%dma_wait3A_175 : memref<800xi32, #tpu.memory_space<hbm>>) dst(%arg8 : memref<800xi32, #tpu.memory_space<vmem>>)
      tpu.yield
    }) : () -> ()
    "tpu.region"() ({
      %run_scoped3A = tpu.sem_alloc : memref<!tpu.dma_semaphore, #tpu.memory_space<semaphore_mem>>
      %dma_start3A_172 = tpu.memref_slice %arg4[%mul3A_39] : memref<3200000xi32, #tpu.memory_space<hbm>> -> memref<800xi32, #tpu.memory_space<hbm>>
      %dma_start3A_173 = tpu.memref_slice %arg4[%mul3A_39] : memref<3200000xi32, #tpu.memory_space<hbm>> -> memref<800xi32, #tpu.memory_space<hbm>>
      tpu.enqueue_dma source(%dma_start3A_173 : memref<800xi32, #tpu.memory_space<hbm>>) target(%arg9 : memref<800xi32, #tpu.memory_space<vmem>>) target_semaphore(%run_scoped3A : memref<!tpu.dma_semaphore, #tpu.memory_space<semaphore_mem>>)
      %dma_wait3A_174 = tpu.memref_slice %arg4[%mul3A_39] : memref<3200000xi32, #tpu.memory_space<hbm>> -> memref<800xi32, #tpu.memory_space<hbm>>
      %dma_wait3A_175 = tpu.memref_slice %arg4[%mul3A_39] : memref<3200000xi32, #tpu.memory_space<hbm>> -> memref<800xi32, #tpu.memory_space<hbm>>
      tpu.wait_dma2 semaphore(%run_scoped3A : memref<!tpu.dma_semaphore, #tpu.memory_space<semaphore_mem>>) src(%dma_wait3A_175 : memref<800xi32, #tpu.memory_space<hbm>>) dst(%arg9 : memref<800xi32, #tpu.memory_space<vmem>>)
      tpu.yield
    }) : () -> ()
    %dma_start3A = arith.constant 0 : i32
    %dma_start3A_40 = arith.constant 0 : i32
    %dma_start3A_41 = tpu.memref_slice %arg2[%dma_start3A, %dma_start3A_40] : memref<100000x16xf32, #tpu.memory_space<hbm>> -> memref<100000x16xf32, #tpu.memory_space<hbm>>
    tpu.enqueue_indirect_dma source(%dma_start3A_41 : memref<100000x16xf32, #tpu.memory_space<hbm>>) target(%arg10 : memref<800x16xf32, #tpu.memory_space<vmem>>) offsets(%arg8 : memref<800xi32, #tpu.memory_space<vmem>>) semaphore(%arg14 : memref<!tpu.dma_semaphore, #tpu.memory_space<semaphore_mem>>)
    %add3A_42 = arith.constant 800 : i32
    %add3A_43 = arith.addi %mul3A_39, %add3A_42 : i32
    %dma_start3A_44 = tpu.memref_slice %arg3[%add3A_43] : memref<3200000xi32, #tpu.memory_space<hbm>> -> memref<800xi32, #tpu.memory_space<hbm>>
    %dma_start3A_45 = tpu.memref_slice %arg3[%add3A_43] : memref<3200000xi32, #tpu.memory_space<hbm>> -> memref<800xi32, #tpu.memory_space<hbm>>
    tpu.enqueue_dma source(%dma_start3A_45 : memref<800xi32, #tpu.memory_space<hbm>>) target(%arg11 : memref<800xi32, #tpu.memory_space<vmem>>) target_semaphore(%arg16 : memref<!tpu.dma_semaphore, #tpu.memory_space<semaphore_mem>>)
    %add3A_46 = arith.constant 800 : i32
    %add3A_47 = arith.addi %mul3A_39, %add3A_46 : i32
    %dma_start3A_48 = tpu.memref_slice %arg4[%add3A_47] : memref<3200000xi32, #tpu.memory_space<hbm>> -> memref<800xi32, #tpu.memory_space<hbm>>
    %dma_start3A_49 = tpu.memref_slice %arg4[%add3A_47] : memref<3200000xi32, #tpu.memory_space<hbm>> -> memref<800xi32, #tpu.memory_space<hbm>>
    tpu.enqueue_dma source(%dma_start3A_49 : memref<800xi32, #tpu.memory_space<hbm>>) target(%arg12 : memref<800xi32, #tpu.memory_space<vmem>>) target_semaphore(%arg17 : memref<!tpu.dma_semaphore, #tpu.memory_space<semaphore_mem>>)
    %scan3A_50 = arith.constant 0 : i32
    %scan3A_51 = arith.constant 0 : i32
    %scan3A_52 = arith.constant 62 : i32
    %scan3A_53 = arith.addi %scan3A_51, %scan3A_52 : i32
    %scan3A_54 = arith.constant 1 : i32
    scf.for %scan3A_172 = %scan3A_51 to %scan3A_53 step %scan3A_54  : i32 {
      %mul3A_173 = arith.constant 2 : i32
      %mul3A_174 = arith.muli %mul3A_173, %scan3A_172 : i32
      %add3A_175 = arith.constant 1 : i32
      %add3A_176 = arith.addi %mul3A_174, %add3A_175 : i32
      %mul3A_177 = arith.constant 800 : i32
      %mul3A_178 = arith.muli %add3A_176, %mul3A_177 : i32
      %add3A_179 = arith.addi %mul3A_39, %mul3A_178 : i32
      %mul3A_180 = arith.constant 2 : i32
      %mul3A_181 = arith.muli %mul3A_180, %scan3A_172 : i32
      %add3A_182 = arith.constant 2 : i32
      %add3A_183 = arith.addi %mul3A_181, %add3A_182 : i32
      %mul3A_184 = arith.constant 800 : i32
      %mul3A_185 = arith.muli %add3A_183, %mul3A_184 : i32
      %add3A_186 = arith.addi %mul3A_39, %mul3A_185 : i32
      %mul3A_187 = arith.constant 2 : i32
      %mul3A_188 = arith.muli %mul3A_187, %scan3A_172 : i32
      %add3A_189 = arith.constant 3 : i32
      %add3A_190 = arith.addi %mul3A_188, %add3A_189 : i32
      %min3A = arith.constant 124 : i32
      %min3A_191 = arith.minsi %add3A_190, %min3A : i32
      %mul3A_192 = arith.constant 800 : i32
      %mul3A_193 = arith.muli %min3A_191, %mul3A_192 : i32
      %add3A_194 = arith.addi %mul3A_39, %mul3A_193 : i32
      %dma_wait3A_195 = tpu.memref_slice %arg3[%add3A_179] : memref<3200000xi32, #tpu.memory_space<hbm>> -> memref<800xi32, #tpu.memory_space<hbm>>
      %dma_wait3A_196 = tpu.memref_slice %arg3[%add3A_179] : memref<3200000xi32, #tpu.memory_space<hbm>> -> memref<800xi32, #tpu.memory_space<hbm>>
      tpu.wait_dma2 semaphore(%arg16 : memref<!tpu.dma_semaphore, #tpu.memory_space<semaphore_mem>>) src(%dma_wait3A_196 : memref<800xi32, #tpu.memory_space<hbm>>) dst(%arg11 : memref<800xi32, #tpu.memory_space<vmem>>)
      %dma_wait3A_197 = tpu.memref_slice %arg4[%add3A_179] : memref<3200000xi32, #tpu.memory_space<hbm>> -> memref<800xi32, #tpu.memory_space<hbm>>
      %dma_wait3A_198 = tpu.memref_slice %arg4[%add3A_179] : memref<3200000xi32, #tpu.memory_space<hbm>> -> memref<800xi32, #tpu.memory_space<hbm>>
      tpu.wait_dma2 semaphore(%arg17 : memref<!tpu.dma_semaphore, #tpu.memory_space<semaphore_mem>>) src(%dma_wait3A_198 : memref<800xi32, #tpu.memory_space<hbm>>) dst(%arg12 : memref<800xi32, #tpu.memory_space<vmem>>)
      %dma_start3A_199 = arith.constant 0 : i32
      %dma_start3A_200 = arith.constant 0 : i32
      %dma_start3A_201 = tpu.memref_slice %arg2[%dma_start3A_199, %dma_start3A_200] : memref<100000x16xf32, #tpu.memory_space<hbm>> -> memref<100000x16xf32, #tpu.memory_space<hbm>>
      tpu.enqueue_indirect_dma source(%dma_start3A_201 : memref<100000x16xf32, #tpu.memory_space<hbm>>) target(%arg13 : memref<800x16xf32, #tpu.memory_space<vmem>>) offsets(%arg11 : memref<800xi32, #tpu.memory_space<vmem>>) semaphore(%arg15 : memref<!tpu.dma_semaphore, #tpu.memory_space<semaphore_mem>>)
      %dma_wait3A_202 = arith.constant 0 : i32
      %dma_wait3A_203 = arith.constant 0 : i32
      %dma_wait3A_204 = tpu.memref_slice %arg2[%dma_wait3A_202, %dma_wait3A_203] : memref<100000x16xf32, #tpu.memory_space<hbm>> -> memref<100000x16xf32, #tpu.memory_space<hbm>>
      tpu.wait_indirect_dma semaphore(%arg14 : memref<!tpu.dma_semaphore, #tpu.memory_space<semaphore_mem>>) src(%dma_wait3A_204 : memref<100000x16xf32, #tpu.memory_space<hbm>>) dst(%arg10 : memref<800x16xf32, #tpu.memory_space<vmem>>)
      "tpu.region"() ({
        %run_scoped3A = tpu.sem_alloc : memref<!tpu.dma_semaphore, #tpu.memory_space<semaphore_mem>>
        %dma_start3A_223 = arith.constant 0 : i32
        %dma_start3A_224 = arith.constant 0 : i32
        %dma_start3A_225 = tpu.memref_slice %arg7[%dma_start3A_223, %dma_start3A_224] : memref<100096x16xf32, #tpu.memory_space<vmem_shared>> -> memref<100096x16xf32, #tpu.memory_space<vmem_shared>>
        tpu.enqueue_indirect_dma source(%arg10 : memref<800x16xf32, #tpu.memory_space<vmem>>) target(%dma_start3A_225 : memref<100096x16xf32, #tpu.memory_space<vmem_shared>>) offsets(%arg9 : memref<800xi32, #tpu.memory_space<vmem>>) semaphore(%run_scoped3A : memref<!tpu.dma_semaphore, #tpu.memory_space<semaphore_mem>>) {add = true}
        %dma_wait3A_226 = arith.constant 0 : i32
        %dma_wait3A_227 = arith.constant 0 : i32
        %dma_wait3A_228 = tpu.memref_slice %arg7[%dma_wait3A_226, %dma_wait3A_227] : memref<100096x16xf32, #tpu.memory_space<vmem_shared>> -> memref<100096x16xf32, #tpu.memory_space<vmem_shared>>
        tpu.wait_indirect_dma semaphore(%run_scoped3A : memref<!tpu.dma_semaphore, #tpu.memory_space<semaphore_mem>>) src(%arg10 : memref<800x16xf32, #tpu.memory_space<vmem>>) dst(%dma_wait3A_228 : memref<100096x16xf32, #tpu.memory_space<vmem_shared>>)
        tpu.yield
      }) : () -> ()
      %dma_start3A_205 = tpu.memref_slice %arg3[%add3A_186] : memref<3200000xi32, #tpu.memory_space<hbm>> -> memref<800xi32, #tpu.memory_space<hbm>>
      %dma_start3A_206 = tpu.memref_slice %arg3[%add3A_186] : memref<3200000xi32, #tpu.memory_space<hbm>> -> memref<800xi32, #tpu.memory_space<hbm>>
      tpu.enqueue_dma source(%dma_start3A_206 : memref<800xi32, #tpu.memory_space<hbm>>) target(%arg8 : memref<800xi32, #tpu.memory_space<vmem>>) target_semaphore(%arg16 : memref<!tpu.dma_semaphore, #tpu.memory_space<semaphore_mem>>)
      %dma_start3A_207 = tpu.memref_slice %arg4[%add3A_186] : memref<3200000xi32, #tpu.memory_space<hbm>> -> memref<800xi32, #tpu.memory_space<hbm>>
      %dma_start3A_208 = tpu.memref_slice %arg4[%add3A_186] : memref<3200000xi32, #tpu.memory_space<hbm>> -> memref<800xi32, #tpu.memory_space<hbm>>
      tpu.enqueue_dma source(%dma_start3A_208 : memref<800xi32, #tpu.memory_space<hbm>>) target(%arg9 : memref<800xi32, #tpu.memory_space<vmem>>) target_semaphore(%arg17 : memref<!tpu.dma_semaphore, #tpu.memory_space<semaphore_mem>>)
      %dma_wait3A_209 = tpu.memref_slice %arg3[%add3A_186] : memref<3200000xi32, #tpu.memory_space<hbm>> -> memref<800xi32, #tpu.memory_space<hbm>>
      %dma_wait3A_210 = tpu.memref_slice %arg3[%add3A_186] : memref<3200000xi32, #tpu.memory_space<hbm>> -> memref<800xi32, #tpu.memory_space<hbm>>
      tpu.wait_dma2 semaphore(%arg16 : memref<!tpu.dma_semaphore, #tpu.memory_space<semaphore_mem>>) src(%dma_wait3A_210 : memref<800xi32, #tpu.memory_space<hbm>>) dst(%arg8 : memref<800xi32, #tpu.memory_space<vmem>>)
      %dma_wait3A_211 = tpu.memref_slice %arg4[%add3A_186] : memref<3200000xi32, #tpu.memory_space<hbm>> -> memref<800xi32, #tpu.memory_space<hbm>>
      %dma_wait3A_212 = tpu.memref_slice %arg4[%add3A_186] : memref<3200000xi32, #tpu.memory_space<hbm>> -> memref<800xi32, #tpu.memory_space<hbm>>
      tpu.wait_dma2 semaphore(%arg17 : memref<!tpu.dma_semaphore, #tpu.memory_space<semaphore_mem>>) src(%dma_wait3A_212 : memref<800xi32, #tpu.memory_space<hbm>>) dst(%arg9 : memref<800xi32, #tpu.memory_space<vmem>>)
      %dma_start3A_213 = arith.constant 0 : i32
      %dma_start3A_214 = arith.constant 0 : i32
      %dma_start3A_215 = tpu.memref_slice %arg2[%dma_start3A_213, %dma_start3A_214] : memref<100000x16xf32, #tpu.memory_space<hbm>> -> memref<100000x16xf32, #tpu.memory_space<hbm>>
      tpu.enqueue_indirect_dma source(%dma_start3A_215 : memref<100000x16xf32, #tpu.memory_space<hbm>>) target(%arg10 : memref<800x16xf32, #tpu.memory_space<vmem>>) offsets(%arg8 : memref<800xi32, #tpu.memory_space<vmem>>) semaphore(%arg14 : memref<!tpu.dma_semaphore, #tpu.memory_space<semaphore_mem>>)
      %dma_wait3A_216 = arith.constant 0 : i32
      %dma_wait3A_217 = arith.constant 0 : i32
      %dma_wait3A_218 = tpu.memref_slice %arg2[%dma_wait3A_216, %dma_wait3A_217] : memref<100000x16xf32, #tpu.memory_space<hbm>> -> memref<100000x16xf32, #tpu.memory_space<hbm>>
      tpu.wait_indirect_dma semaphore(%arg15 : memref<!tpu.dma_semaphore, #tpu.memory_space<semaphore_mem>>) src(%dma_wait3A_218 : memref<100000x16xf32, #tpu.memory_space<hbm>>) dst(%arg13 : memref<800x16xf32, #tpu.memory_space<vmem>>)
      "tpu.region"() ({
        %run_scoped3A = tpu.sem_alloc : memref<!tpu.dma_semaphore, #tpu.memory_space<semaphore_mem>>
        %dma_start3A_223 = arith.constant 0 : i32
        %dma_start3A_224 = arith.constant 0 : i32
        %dma_start3A_225 = tpu.memref_slice %arg7[%dma_start3A_223, %dma_start3A_224] : memref<100096x16xf32, #tpu.memory_space<vmem_shared>> -> memref<100096x16xf32, #tpu.memory_space<vmem_shared>>
        tpu.enqueue_indirect_dma source(%arg13 : memref<800x16xf32, #tpu.memory_space<vmem>>) target(%dma_start3A_225 : memref<100096x16xf32, #tpu.memory_space<vmem_shared>>) offsets(%arg12 : memref<800xi32, #tpu.memory_space<vmem>>) semaphore(%run_scoped3A : memref<!tpu.dma_semaphore, #tpu.memory_space<semaphore_mem>>) {add = true}
        %dma_wait3A_226 = arith.constant 0 : i32
        %dma_wait3A_227 = arith.constant 0 : i32
        %dma_wait3A_228 = tpu.memref_slice %arg7[%dma_wait3A_226, %dma_wait3A_227] : memref<100096x16xf32, #tpu.memory_space<vmem_shared>> -> memref<100096x16xf32, #tpu.memory_space<vmem_shared>>
        tpu.wait_indirect_dma semaphore(%run_scoped3A : memref<!tpu.dma_semaphore, #tpu.memory_space<semaphore_mem>>) src(%arg13 : memref<800x16xf32, #tpu.memory_space<vmem>>) dst(%dma_wait3A_228 : memref<100096x16xf32, #tpu.memory_space<vmem_shared>>)
        tpu.yield
      }) : () -> ()
      %dma_start3A_219 = tpu.memref_slice %arg3[%add3A_194] : memref<3200000xi32, #tpu.memory_space<hbm>> -> memref<800xi32, #tpu.memory_space<hbm>>
      %dma_start3A_220 = tpu.memref_slice %arg3[%add3A_194] : memref<3200000xi32, #tpu.memory_space<hbm>> -> memref<800xi32, #tpu.memory_space<hbm>>
      tpu.enqueue_dma source(%dma_start3A_220 : memref<800xi32, #tpu.memory_space<hbm>>) target(%arg11 : memref<800xi32, #tpu.memory_space<vmem>>) target_semaphore(%arg16 : memref<!tpu.dma_semaphore, #tpu.memory_space<semaphore_mem>>)
      %dma_start3A_221 = tpu.memref_slice %arg4[%add3A_194] : memref<3200000xi32, #tpu.memory_space<hbm>> -> memref<800xi32, #tpu.memory_space<hbm>>
      %dma_start3A_222 = tpu.memref_slice %arg4[%add3A_194] : memref<3200000xi32, #tpu.memory_space<hbm>> -> memref<800xi32, #tpu.memory_space<hbm>>
      tpu.enqueue_dma source(%dma_start3A_222 : memref<800xi32, #tpu.memory_space<hbm>>) target(%arg12 : memref<800xi32, #tpu.memory_space<vmem>>) target_semaphore(%arg17 : memref<!tpu.dma_semaphore, #tpu.memory_space<semaphore_mem>>)
    }
    %scan3A_55 = arith.constant 62 : i32
    %dma_wait3A = tpu.memref_slice %arg3[%mul3A_39] : memref<3200000xi32, #tpu.memory_space<hbm>> -> memref<800xi32, #tpu.memory_space<hbm>>
    %dma_wait3A_56 = tpu.memref_slice %arg3[%mul3A_39] : memref<3200000xi32, #tpu.memory_space<hbm>> -> memref<800xi32, #tpu.memory_space<hbm>>
    tpu.wait_dma2 semaphore(%arg16 : memref<!tpu.dma_semaphore, #tpu.memory_space<semaphore_mem>>) src(%dma_wait3A_56 : memref<800xi32, #tpu.memory_space<hbm>>) dst(%arg11 : memref<800xi32, #tpu.memory_space<vmem>>)
    %dma_wait3A_57 = tpu.memref_slice %arg4[%mul3A_39] : memref<3200000xi32, #tpu.memory_space<hbm>> -> memref<800xi32, #tpu.memory_space<hbm>>
    %dma_wait3A_58 = tpu.memref_slice %arg4[%mul3A_39] : memref<3200000xi32, #tpu.memory_space<hbm>> -> memref<800xi32, #tpu.memory_space<hbm>>
    tpu.wait_dma2 semaphore(%arg17 : memref<!tpu.dma_semaphore, #tpu.memory_space<semaphore_mem>>) src(%dma_wait3A_58 : memref<800xi32, #tpu.memory_space<hbm>>) dst(%arg12 : memref<800xi32, #tpu.memory_space<vmem>>)
    %dma_wait3A_59 = arith.constant 0 : i32
    %dma_wait3A_60 = arith.constant 0 : i32
    %dma_wait3A_61 = tpu.memref_slice %arg2[%dma_wait3A_59, %dma_wait3A_60] : memref<100000x16xf32, #tpu.memory_space<hbm>> -> memref<100000x16xf32, #tpu.memory_space<hbm>>
    tpu.wait_indirect_dma semaphore(%arg14 : memref<!tpu.dma_semaphore, #tpu.memory_space<semaphore_mem>>) src(%dma_wait3A_61 : memref<100000x16xf32, #tpu.memory_space<hbm>>) dst(%arg10 : memref<800x16xf32, #tpu.memory_space<vmem>>)
    "tpu.region"() ({
      %run_scoped3A = tpu.sem_alloc : memref<!tpu.dma_semaphore, #tpu.memory_space<semaphore_mem>>
      %dma_start3A_172 = arith.constant 0 : i32
      %dma_start3A_173 = arith.constant 0 : i32
      %dma_start3A_174 = tpu.memref_slice %arg7[%dma_start3A_172, %dma_start3A_173] : memref<100096x16xf32, #tpu.memory_space<vmem_shared>> -> memref<100096x16xf32, #tpu.memory_space<vmem_shared>>
      tpu.enqueue_indirect_dma source(%arg10 : memref<800x16xf32, #tpu.memory_space<vmem>>) target(%dma_start3A_174 : memref<100096x16xf32, #tpu.memory_space<vmem_shared>>) offsets(%arg9 : memref<800xi32, #tpu.memory_space<vmem>>) semaphore(%run_scoped3A : memref<!tpu.dma_semaphore, #tpu.memory_space<semaphore_mem>>) {add = true}
      %dma_wait3A_175 = arith.constant 0 : i32
      %dma_wait3A_176 = arith.constant 0 : i32
      %dma_wait3A_177 = tpu.memref_slice %arg7[%dma_wait3A_175, %dma_wait3A_176] : memref<100096x16xf32, #tpu.memory_space<vmem_shared>> -> memref<100096x16xf32, #tpu.memory_space<vmem_shared>>
      tpu.wait_indirect_dma semaphore(%run_scoped3A : memref<!tpu.dma_semaphore, #tpu.memory_space<semaphore_mem>>) src(%arg10 : memref<800x16xf32, #tpu.memory_space<vmem>>) dst(%dma_wait3A_177 : memref<100096x16xf32, #tpu.memory_space<vmem_shared>>)
      tpu.yield
    }) : () -> ()
    %barrier3A_62 = arith.constant 0 : index
    tpu.barrier barrier_id(%barrier3A_62)
    %mul3A_63 = arith.constant 6256 : i32
    %mul3A_64 = arith.muli %arg1, %mul3A_63 : i32
    %add3A_65 = arith.constant 0 : i32
    %add3A_66 = arith.addi %mul3A_64, %add3A_65 : i32
    "tpu.region"() ({
      %run_scoped3A = tpu.sem_alloc : memref<!tpu.dma_semaphore, #tpu.memory_space<semaphore_mem>>
      %dma_start3A_172 = arith.constant 0 : i32
      %dma_start3A_173 = arith.constant 0 : i32
      %dma_start3A_174 = tpu.memref_slice %arg10[%dma_start3A_172, %dma_start3A_173] : memref<800x16xf32, #tpu.memory_space<vmem>> -> memref<800x16xf32, #tpu.memory_space<vmem>>
      %dma_start3A_175 = arith.constant 0 : i32
      %dma_start3A_176 = tpu.memref_slice %arg7[%add3A_66, %dma_start3A_175] : memref<100096x16xf32, #tpu.memory_space<vmem_shared>> -> memref<800x16xf32, #tpu.memory_space<vmem_shared>>
      %dma_start3A_177 = arith.constant 0 : i32
      %dma_start3A_178 = arith.constant 0 : i32
      %dma_start3A_179 = tpu.memref_slice %arg10[%dma_start3A_177, %dma_start3A_178] : memref<800x16xf32, #tpu.memory_space<vmem>> -> memref<800x16xf32, #tpu.memory_space<vmem>>
      %dma_start3A_180 = arith.constant 0 : i32
      %dma_start3A_181 = tpu.memref_slice %arg7[%add3A_66, %dma_start3A_180] : memref<100096x16xf32, #tpu.memory_space<vmem_shared>> -> memref<800x16xf32, #tpu.memory_space<vmem_shared>>
      tpu.enqueue_dma source(%dma_start3A_181 : memref<800x16xf32, #tpu.memory_space<vmem_shared>>) target(%dma_start3A_179 : memref<800x16xf32, #tpu.memory_space<vmem>>) target_semaphore(%run_scoped3A : memref<!tpu.dma_semaphore, #tpu.memory_space<semaphore_mem>>)
      %dma_wait3A_182 = arith.constant 0 : i32
      %dma_wait3A_183 = arith.constant 0 : i32
      %dma_wait3A_184 = tpu.memref_slice %arg10[%dma_wait3A_182, %dma_wait3A_183] : memref<800x16xf32, #tpu.memory_space<vmem>> -> memref<800x16xf32, #tpu.memory_space<vmem>>
      %dma_wait3A_185 = arith.constant 0 : i32
      %dma_wait3A_186 = tpu.memref_slice %arg7[%add3A_66, %dma_wait3A_185] : memref<100096x16xf32, #tpu.memory_space<vmem_shared>> -> memref<800x16xf32, #tpu.memory_space<vmem_shared>>
      %dma_wait3A_187 = arith.constant 0 : i32
      %dma_wait3A_188 = arith.constant 0 : i32
      %dma_wait3A_189 = tpu.memref_slice %arg10[%dma_wait3A_187, %dma_wait3A_188] : memref<800x16xf32, #tpu.memory_space<vmem>> -> memref<800x16xf32, #tpu.memory_space<vmem>>
      %dma_wait3A_190 = arith.constant 0 : i32
      %dma_wait3A_191 = tpu.memref_slice %arg7[%add3A_66, %dma_wait3A_190] : memref<100096x16xf32, #tpu.memory_space<vmem_shared>> -> memref<800x16xf32, #tpu.memory_space<vmem_shared>>
      tpu.wait_dma2 semaphore(%run_scoped3A : memref<!tpu.dma_semaphore, #tpu.memory_space<semaphore_mem>>) src(%dma_wait3A_191 : memref<800x16xf32, #tpu.memory_space<vmem_shared>>) dst(%dma_wait3A_189 : memref<800x16xf32, #tpu.memory_space<vmem>>)
      tpu.yield
    }) : () -> ()
    %eq3A = arith.constant 0 : i32
    %eq3A_67 = arith.cmpi eq, %arg0, %eq3A : i32
    %convert_element_type3A = arith.extui %eq3A_67 : i1 to i32
    %cond3A = arith.constant 0 : i32
    %cond3A_68 = arith.cmpi ne, %convert_element_type3A, %cond3A : i32
    scf.if %cond3A_68 {
      "tpu.region"() ({
        %run_scoped3A = tpu.sem_alloc : memref<!tpu.dma_semaphore, #tpu.memory_space<semaphore_mem>>
        %dma_start3A_172 = arith.constant 0 : i32
        %dma_start3A_173 = arith.constant 0 : i32
        %dma_start3A_174 = tpu.memref_slice %arg10[%dma_start3A_172, %dma_start3A_173] : memref<800x16xf32, #tpu.memory_space<vmem>> -> memref<800x16xf32, #tpu.memory_space<vmem>>
        %dma_start3A_175 = arith.constant 0 : i32
        %dma_start3A_176 = tpu.memref_slice %arg5[%add3A_66, %dma_start3A_175] : memref<100096x16xf32, #tpu.memory_space<hbm>> -> memref<800x16xf32, #tpu.memory_space<hbm>>
        %dma_start3A_177 = arith.constant 0 : i32
        %dma_start3A_178 = tpu.memref_slice %arg5[%add3A_66, %dma_start3A_177] : memref<100096x16xf32, #tpu.memory_space<hbm>> -> memref<800x16xf32, #tpu.memory_space<hbm>>
        %dma_start3A_179 = arith.constant 0 : i32
        %dma_start3A_180 = arith.constant 0 : i32
        %dma_start3A_181 = tpu.memref_slice %arg10[%dma_start3A_179, %dma_start3A_180] : memref<800x16xf32, #tpu.memory_space<vmem>> -> memref<800x16xf32, #tpu.memory_space<vmem>>
        tpu.enqueue_dma source(%dma_start3A_181 : memref<800x16xf32, #tpu.memory_space<vmem>>) target(%dma_start3A_178 : memref<800x16xf32, #tpu.memory_space<hbm>>) target_semaphore(%run_scoped3A : memref<!tpu.dma_semaphore, #tpu.memory_space<semaphore_mem>>)
        %dma_wait3A_182 = arith.constant 0 : i32
        %dma_wait3A_183 = arith.constant 0 : i32
        %dma_wait3A_184 = tpu.memref_slice %arg10[%dma_wait3A_182, %dma_wait3A_183] : memref<800x16xf32, #tpu.memory_space<vmem>> -> memref<800x16xf32, #tpu.memory_space<vmem>>
        %dma_wait3A_185 = arith.constant 0 : i32
        %dma_wait3A_186 = tpu.memref_slice %arg5[%add3A_66, %dma_wait3A_185] : memref<100096x16xf32, #tpu.memory_space<hbm>> -> memref<800x16xf32, #tpu.memory_space<hbm>>
        %dma_wait3A_187 = arith.constant 0 : i32
        %dma_wait3A_188 = tpu.memref_slice %arg5[%add3A_66, %dma_wait3A_187] : memref<100096x16xf32, #tpu.memory_space<hbm>> -> memref<800x16xf32, #tpu.memory_space<hbm>>
        %dma_wait3A_189 = arith.constant 0 : i32
        %dma_wait3A_190 = arith.constant 0 : i32
        %dma_wait3A_191 = tpu.memref_slice %arg10[%dma_wait3A_189, %dma_wait3A_190] : memref<800x16xf32, #tpu.memory_space<vmem>> -> memref<800x16xf32, #tpu.memory_space<vmem>>
        tpu.wait_dma2 semaphore(%run_scoped3A : memref<!tpu.dma_semaphore, #tpu.memory_space<semaphore_mem>>) src(%dma_wait3A_191 : memref<800x16xf32, #tpu.memory_space<vmem>>) dst(%dma_wait3A_188 : memref<800x16xf32, #tpu.memory_space<hbm>>)
        tpu.yield
      }) : () -> ()
    } else {
    }
    %eq3A_69 = arith.constant 1 : i32
    %eq3A_70 = arith.cmpi eq, %arg0, %eq3A_69 : i32
    %convert_element_type3A_71 = arith.extui %eq3A_70 : i1 to i32
    %cond3A_72 = arith.constant 0 : i32
    %cond3A_73 = arith.cmpi ne, %convert_element_type3A_71, %cond3A_72 : i32
    scf.if %cond3A_73 {
      "tpu.region"() ({
        %run_scoped3A = tpu.sem_alloc : memref<!tpu.dma_semaphore, #tpu.memory_space<semaphore_mem>>
        %dma_start3A_172 = arith.constant 0 : i32
        %dma_start3A_173 = arith.constant 0 : i32
        %dma_start3A_174 = tpu.memref_slice %arg10[%dma_start3A_172, %dma_start3A_173] : memref<800x16xf32, #tpu.memory_space<vmem>> -> memref<800x16xf32, #tpu.memory_space<vmem>>
        %dma_start3A_175 = arith.constant 0 : i32
        %dma_start3A_176 = tpu.memref_slice %arg6[%add3A_66, %dma_start3A_175] : memref<100096x16xf32, #tpu.memory_space<hbm>> -> memref<800x16xf32, #tpu.memory_space<hbm>>
        %dma_start3A_177 = arith.constant 0 : i32
        %dma_start3A_178 = tpu.memref_slice %arg6[%add3A_66, %dma_start3A_177] : memref<100096x16xf32, #tpu.memory_space<hbm>> -> memref<800x16xf32, #tpu.memory_space<hbm>>
        %dma_start3A_179 = arith.constant 0 : i32
        %dma_start3A_180 = arith.constant 0 : i32
        %dma_start3A_181 = tpu.memref_slice %arg10[%dma_start3A_179, %dma_start3A_180] : memref<800x16xf32, #tpu.memory_space<vmem>> -> memref<800x16xf32, #tpu.memory_space<vmem>>
        tpu.enqueue_dma source(%dma_start3A_181 : memref<800x16xf32, #tpu.memory_space<vmem>>) target(%dma_start3A_178 : memref<800x16xf32, #tpu.memory_space<hbm>>) target_semaphore(%run_scoped3A : memref<!tpu.dma_semaphore, #tpu.memory_space<semaphore_mem>>)
        %dma_wait3A_182 = arith.constant 0 : i32
        %dma_wait3A_183 = arith.constant 0 : i32
        %dma_wait3A_184 = tpu.memref_slice %arg10[%dma_wait3A_182, %dma_wait3A_183] : memref<800x16xf32, #tpu.memory_space<vmem>> -> memref<800x16xf32, #tpu.memory_space<vmem>>
        %dma_wait3A_185 = arith.constant 0 : i32
        %dma_wait3A_186 = tpu.memref_slice %arg6[%add3A_66, %dma_wait3A_185] : memref<100096x16xf32, #tpu.memory_space<hbm>> -> memref<800x16xf32, #tpu.memory_space<hbm>>
        %dma_wait3A_187 = arith.constant 0 : i32
        %dma_wait3A_188 = tpu.memref_slice %arg6[%add3A_66, %dma_wait3A_187] : memref<100096x16xf32, #tpu.memory_space<hbm>> -> memref<800x16xf32, #tpu.memory_space<hbm>>
        %dma_wait3A_189 = arith.constant 0 : i32
        %dma_wait3A_190 = arith.constant 0 : i32
        %dma_wait3A_191 = tpu.memref_slice %arg10[%dma_wait3A_189, %dma_wait3A_190] : memref<800x16xf32, #tpu.memory_space<vmem>> -> memref<800x16xf32, #tpu.memory_space<vmem>>
        tpu.wait_dma2 semaphore(%run_scoped3A : memref<!tpu.dma_semaphore, #tpu.memory_space<semaphore_mem>>) src(%dma_wait3A_191 : memref<800x16xf32, #tpu.memory_space<vmem>>) dst(%dma_wait3A_188 : memref<800x16xf32, #tpu.memory_space<hbm>>)
        tpu.yield
      }) : () -> ()
    } else {
    }
    %mul3A_74 = arith.constant 6256 : i32
    %mul3A_75 = arith.muli %arg1, %mul3A_74 : i32
    %add3A_76 = arith.constant 800 : i32
    %add3A_77 = arith.addi %mul3A_75, %add3A_76 : i32
    "tpu.region"() ({
      %run_scoped3A = tpu.sem_alloc : memref<!tpu.dma_semaphore, #tpu.memory_space<semaphore_mem>>
      %dma_start3A_172 = arith.constant 0 : i32
      %dma_start3A_173 = arith.constant 0 : i32
      %dma_start3A_174 = tpu.memref_slice %arg10[%dma_start3A_172, %dma_start3A_173] : memref<800x16xf32, #tpu.memory_space<vmem>> -> memref<800x16xf32, #tpu.memory_space<vmem>>
      %dma_start3A_175 = arith.constant 0 : i32
      %dma_start3A_176 = tpu.memref_slice %arg7[%add3A_77, %dma_start3A_175] : memref<100096x16xf32, #tpu.memory_space<vmem_shared>> -> memref<800x16xf32, #tpu.memory_space<vmem_shared>>
      %dma_start3A_177 = arith.constant 0 : i32
      %dma_start3A_178 = arith.constant 0 : i32
      %dma_start3A_179 = tpu.memref_slice %arg10[%dma_start3A_177, %dma_start3A_178] : memref<800x16xf32, #tpu.memory_space<vmem>> -> memref<800x16xf32, #tpu.memory_space<vmem>>
      %dma_start3A_180 = arith.constant 0 : i32
      %dma_start3A_181 = tpu.memref_slice %arg7[%add3A_77, %dma_start3A_180] : memref<100096x16xf32, #tpu.memory_space<vmem_shared>> -> memref<800x16xf32, #tpu.memory_space<vmem_shared>>
      tpu.enqueue_dma source(%dma_start3A_181 : memref<800x16xf32, #tpu.memory_space<vmem_shared>>) target(%dma_start3A_179 : memref<800x16xf32, #tpu.memory_space<vmem>>) target_semaphore(%run_scoped3A : memref<!tpu.dma_semaphore, #tpu.memory_space<semaphore_mem>>)
      %dma_wait3A_182 = arith.constant 0 : i32
      %dma_wait3A_183 = arith.constant 0 : i32
      %dma_wait3A_184 = tpu.memref_slice %arg10[%dma_wait3A_182, %dma_wait3A_183] : memref<800x16xf32, #tpu.memory_space<vmem>> -> memref<800x16xf32, #tpu.memory_space<vmem>>
      %dma_wait3A_185 = arith.constant 0 : i32
      %dma_wait3A_186 = tpu.memref_slice %arg7[%add3A_77, %dma_wait3A_185] : memref<100096x16xf32, #tpu.memory_space<vmem_shared>> -> memref<800x16xf32, #tpu.memory_space<vmem_shared>>
      %dma_wait3A_187 = arith.constant 0 : i32
      %dma_wait3A_188 = arith.constant 0 : i32
      %dma_wait3A_189 = tpu.memref_slice %arg10[%dma_wait3A_187, %dma_wait3A_188] : memref<800x16xf32, #tpu.memory_space<vmem>> -> memref<800x16xf32, #tpu.memory_space<vmem>>
      %dma_wait3A_190 = arith.constant 0 : i32
      %dma_wait3A_191 = tpu.memref_slice %arg7[%add3A_77, %dma_wait3A_190] : memref<100096x16xf32, #tpu.memory_space<vmem_shared>> -> memref<800x16xf32, #tpu.memory_space<vmem_shared>>
      tpu.wait_dma2 semaphore(%run_scoped3A : memref<!tpu.dma_semaphore, #tpu.memory_space<semaphore_mem>>) src(%dma_wait3A_191 : memref<800x16xf32, #tpu.memory_space<vmem_shared>>) dst(%dma_wait3A_189 : memref<800x16xf32, #tpu.memory_space<vmem>>)
      tpu.yield
    }) : () -> ()
    %eq3A_78 = arith.constant 0 : i32
    %eq3A_79 = arith.cmpi eq, %arg0, %eq3A_78 : i32
    %convert_element_type3A_80 = arith.extui %eq3A_79 : i1 to i32
    %cond3A_81 = arith.constant 0 : i32
    %cond3A_82 = arith.cmpi ne, %convert_element_type3A_80, %cond3A_81 : i32
    scf.if %cond3A_82 {
      "tpu.region"() ({
        %run_scoped3A = tpu.sem_alloc : memref<!tpu.dma_semaphore, #tpu.memory_space<semaphore_mem>>
        %dma_start3A_172 = arith.constant 0 : i32
        %dma_start3A_173 = arith.constant 0 : i32
        %dma_start3A_174 = tpu.memref_slice %arg10[%dma_start3A_172, %dma_start3A_173] : memref<800x16xf32, #tpu.memory_space<vmem>> -> memref<800x16xf32, #tpu.memory_space<vmem>>
        %dma_start3A_175 = arith.constant 0 : i32
        %dma_start3A_176 = tpu.memref_slice %arg5[%add3A_77, %dma_start3A_175] : memref<100096x16xf32, #tpu.memory_space<hbm>> -> memref<800x16xf32, #tpu.memory_space<hbm>>
        %dma_start3A_177 = arith.constant 0 : i32
        %dma_start3A_178 = tpu.memref_slice %arg5[%add3A_77, %dma_start3A_177] : memref<100096x16xf32, #tpu.memory_space<hbm>> -> memref<800x16xf32, #tpu.memory_space<hbm>>
        %dma_start3A_179 = arith.constant 0 : i32
        %dma_start3A_180 = arith.constant 0 : i32
        %dma_start3A_181 = tpu.memref_slice %arg10[%dma_start3A_179, %dma_start3A_180] : memref<800x16xf32, #tpu.memory_space<vmem>> -> memref<800x16xf32, #tpu.memory_space<vmem>>
        tpu.enqueue_dma source(%dma_start3A_181 : memref<800x16xf32, #tpu.memory_space<vmem>>) target(%dma_start3A_178 : memref<800x16xf32, #tpu.memory_space<hbm>>) target_semaphore(%run_scoped3A : memref<!tpu.dma_semaphore, #tpu.memory_space<semaphore_mem>>)
        %dma_wait3A_182 = arith.constant 0 : i32
        %dma_wait3A_183 = arith.constant 0 : i32
        %dma_wait3A_184 = tpu.memref_slice %arg10[%dma_wait3A_182, %dma_wait3A_183] : memref<800x16xf32, #tpu.memory_space<vmem>> -> memref<800x16xf32, #tpu.memory_space<vmem>>
        %dma_wait3A_185 = arith.constant 0 : i32
        %dma_wait3A_186 = tpu.memref_slice %arg5[%add3A_77, %dma_wait3A_185] : memref<100096x16xf32, #tpu.memory_space<hbm>> -> memref<800x16xf32, #tpu.memory_space<hbm>>
        %dma_wait3A_187 = arith.constant 0 : i32
        %dma_wait3A_188 = tpu.memref_slice %arg5[%add3A_77, %dma_wait3A_187] : memref<100096x16xf32, #tpu.memory_space<hbm>> -> memref<800x16xf32, #tpu.memory_space<hbm>>
        %dma_wait3A_189 = arith.constant 0 : i32
        %dma_wait3A_190 = arith.constant 0 : i32
        %dma_wait3A_191 = tpu.memref_slice %arg10[%dma_wait3A_189, %dma_wait3A_190] : memref<800x16xf32, #tpu.memory_space<vmem>> -> memref<800x16xf32, #tpu.memory_space<vmem>>
        tpu.wait_dma2 semaphore(%run_scoped3A : memref<!tpu.dma_semaphore, #tpu.memory_space<semaphore_mem>>) src(%dma_wait3A_191 : memref<800x16xf32, #tpu.memory_space<vmem>>) dst(%dma_wait3A_188 : memref<800x16xf32, #tpu.memory_space<hbm>>)
        tpu.yield
      }) : () -> ()
    } else {
    }
    %eq3A_83 = arith.constant 1 : i32
    %eq3A_84 = arith.cmpi eq, %arg0, %eq3A_83 : i32
    %convert_element_type3A_85 = arith.extui %eq3A_84 : i1 to i32
    %cond3A_86 = arith.constant 0 : i32
    %cond3A_87 = arith.cmpi ne, %convert_element_type3A_85, %cond3A_86 : i32
    scf.if %cond3A_87 {
      "tpu.region"() ({
        %run_scoped3A = tpu.sem_alloc : memref<!tpu.dma_semaphore, #tpu.memory_space<semaphore_mem>>
        %dma_start3A_172 = arith.constant 0 : i32
        %dma_start3A_173 = arith.constant 0 : i32
        %dma_start3A_174 = tpu.memref_slice %arg10[%dma_start3A_172, %dma_start3A_173] : memref<800x16xf32, #tpu.memory_space<vmem>> -> memref<800x16xf32, #tpu.memory_space<vmem>>
        %dma_start3A_175 = arith.constant 0 : i32
        %dma_start3A_176 = tpu.memref_slice %arg6[%add3A_77, %dma_start3A_175] : memref<100096x16xf32, #tpu.memory_space<hbm>> -> memref<800x16xf32, #tpu.memory_space<hbm>>
        %dma_start3A_177 = arith.constant 0 : i32
        %dma_start3A_178 = tpu.memref_slice %arg6[%add3A_77, %dma_start3A_177] : memref<100096x16xf32, #tpu.memory_space<hbm>> -> memref<800x16xf32, #tpu.memory_space<hbm>>
        %dma_start3A_179 = arith.constant 0 : i32
        %dma_start3A_180 = arith.constant 0 : i32
        %dma_start3A_181 = tpu.memref_slice %arg10[%dma_start3A_179, %dma_start3A_180] : memref<800x16xf32, #tpu.memory_space<vmem>> -> memref<800x16xf32, #tpu.memory_space<vmem>>
        tpu.enqueue_dma source(%dma_start3A_181 : memref<800x16xf32, #tpu.memory_space<vmem>>) target(%dma_start3A_178 : memref<800x16xf32, #tpu.memory_space<hbm>>) target_semaphore(%run_scoped3A : memref<!tpu.dma_semaphore, #tpu.memory_space<semaphore_mem>>)
        %dma_wait3A_182 = arith.constant 0 : i32
        %dma_wait3A_183 = arith.constant 0 : i32
        %dma_wait3A_184 = tpu.memref_slice %arg10[%dma_wait3A_182, %dma_wait3A_183] : memref<800x16xf32, #tpu.memory_space<vmem>> -> memref<800x16xf32, #tpu.memory_space<vmem>>
        %dma_wait3A_185 = arith.constant 0 : i32
        %dma_wait3A_186 = tpu.memref_slice %arg6[%add3A_77, %dma_wait3A_185] : memref<100096x16xf32, #tpu.memory_space<hbm>> -> memref<800x16xf32, #tpu.memory_space<hbm>>
        %dma_wait3A_187 = arith.constant 0 : i32
        %dma_wait3A_188 = tpu.memref_slice %arg6[%add3A_77, %dma_wait3A_187] : memref<100096x16xf32, #tpu.memory_space<hbm>> -> memref<800x16xf32, #tpu.memory_space<hbm>>
        %dma_wait3A_189 = arith.constant 0 : i32
        %dma_wait3A_190 = arith.constant 0 : i32
        %dma_wait3A_191 = tpu.memref_slice %arg10[%dma_wait3A_189, %dma_wait3A_190] : memref<800x16xf32, #tpu.memory_space<vmem>> -> memref<800x16xf32, #tpu.memory_space<vmem>>
        tpu.wait_dma2 semaphore(%run_scoped3A : memref<!tpu.dma_semaphore, #tpu.memory_space<semaphore_mem>>) src(%dma_wait3A_191 : memref<800x16xf32, #tpu.memory_space<vmem>>) dst(%dma_wait3A_188 : memref<800x16xf32, #tpu.memory_space<hbm>>)
        tpu.yield
      }) : () -> ()
    } else {
    }
    %mul3A_88 = arith.constant 6256 : i32
    %mul3A_89 = arith.muli %arg1, %mul3A_88 : i32
    %add3A_90 = arith.constant 1600 : i32
    %add3A_91 = arith.addi %mul3A_89, %add3A_90 : i32
    "tpu.region"() ({
      %run_scoped3A = tpu.sem_alloc : memref<!tpu.dma_semaphore, #tpu.memory_space<semaphore_mem>>
      %dma_start3A_172 = arith.constant 0 : i32
      %dma_start3A_173 = arith.constant 0 : i32
      %dma_start3A_174 = tpu.memref_slice %arg10[%dma_start3A_172, %dma_start3A_173] : memref<800x16xf32, #tpu.memory_space<vmem>> -> memref<800x16xf32, #tpu.memory_space<vmem>>
      %dma_start3A_175 = arith.constant 0 : i32
      %dma_start3A_176 = tpu.memref_slice %arg7[%add3A_91, %dma_start3A_175] : memref<100096x16xf32, #tpu.memory_space<vmem_shared>> -> memref<800x16xf32, #tpu.memory_space<vmem_shared>>
      %dma_start3A_177 = arith.constant 0 : i32
      %dma_start3A_178 = arith.constant 0 : i32
      %dma_start3A_179 = tpu.memref_slice %arg10[%dma_start3A_177, %dma_start3A_178] : memref<800x16xf32, #tpu.memory_space<vmem>> -> memref<800x16xf32, #tpu.memory_space<vmem>>
      %dma_start3A_180 = arith.constant 0 : i32
      %dma_start3A_181 = tpu.memref_slice %arg7[%add3A_91, %dma_start3A_180] : memref<100096x16xf32, #tpu.memory_space<vmem_shared>> -> memref<800x16xf32, #tpu.memory_space<vmem_shared>>
      tpu.enqueue_dma source(%dma_start3A_181 : memref<800x16xf32, #tpu.memory_space<vmem_shared>>) target(%dma_start3A_179 : memref<800x16xf32, #tpu.memory_space<vmem>>) target_semaphore(%run_scoped3A : memref<!tpu.dma_semaphore, #tpu.memory_space<semaphore_mem>>)
      %dma_wait3A_182 = arith.constant 0 : i32
      %dma_wait3A_183 = arith.constant 0 : i32
      %dma_wait3A_184 = tpu.memref_slice %arg10[%dma_wait3A_182, %dma_wait3A_183] : memref<800x16xf32, #tpu.memory_space<vmem>> -> memref<800x16xf32, #tpu.memory_space<vmem>>
      %dma_wait3A_185 = arith.constant 0 : i32
      %dma_wait3A_186 = tpu.memref_slice %arg7[%add3A_91, %dma_wait3A_185] : memref<100096x16xf32, #tpu.memory_space<vmem_shared>> -> memref<800x16xf32, #tpu.memory_space<vmem_shared>>
      %dma_wait3A_187 = arith.constant 0 : i32
      %dma_wait3A_188 = arith.constant 0 : i32
      %dma_wait3A_189 = tpu.memref_slice %arg10[%dma_wait3A_187, %dma_wait3A_188] : memref<800x16xf32, #tpu.memory_space<vmem>> -> memref<800x16xf32, #tpu.memory_space<vmem>>
      %dma_wait3A_190 = arith.constant 0 : i32
      %dma_wait3A_191 = tpu.memref_slice %arg7[%add3A_91, %dma_wait3A_190] : memref<100096x16xf32, #tpu.memory_space<vmem_shared>> -> memref<800x16xf32, #tpu.memory_space<vmem_shared>>
      tpu.wait_dma2 semaphore(%run_scoped3A : memref<!tpu.dma_semaphore, #tpu.memory_space<semaphore_mem>>) src(%dma_wait3A_191 : memref<800x16xf32, #tpu.memory_space<vmem_shared>>) dst(%dma_wait3A_189 : memref<800x16xf32, #tpu.memory_space<vmem>>)
      tpu.yield
    }) : () -> ()
    %eq3A_92 = arith.constant 0 : i32
    %eq3A_93 = arith.cmpi eq, %arg0, %eq3A_92 : i32
    %convert_element_type3A_94 = arith.extui %eq3A_93 : i1 to i32
    %cond3A_95 = arith.constant 0 : i32
    %cond3A_96 = arith.cmpi ne, %convert_element_type3A_94, %cond3A_95 : i32
    scf.if %cond3A_96 {
      "tpu.region"() ({
        %run_scoped3A = tpu.sem_alloc : memref<!tpu.dma_semaphore, #tpu.memory_space<semaphore_mem>>
        %dma_start3A_172 = arith.constant 0 : i32
        %dma_start3A_173 = arith.constant 0 : i32
        %dma_start3A_174 = tpu.memref_slice %arg10[%dma_start3A_172, %dma_start3A_173] : memref<800x16xf32, #tpu.memory_space<vmem>> -> memref<800x16xf32, #tpu.memory_space<vmem>>
        %dma_start3A_175 = arith.constant 0 : i32
        %dma_start3A_176 = tpu.memref_slice %arg5[%add3A_91, %dma_start3A_175] : memref<100096x16xf32, #tpu.memory_space<hbm>> -> memref<800x16xf32, #tpu.memory_space<hbm>>
        %dma_start3A_177 = arith.constant 0 : i32
        %dma_start3A_178 = tpu.memref_slice %arg5[%add3A_91, %dma_start3A_177] : memref<100096x16xf32, #tpu.memory_space<hbm>> -> memref<800x16xf32, #tpu.memory_space<hbm>>
        %dma_start3A_179 = arith.constant 0 : i32
        %dma_start3A_180 = arith.constant 0 : i32
        %dma_start3A_181 = tpu.memref_slice %arg10[%dma_start3A_179, %dma_start3A_180] : memref<800x16xf32, #tpu.memory_space<vmem>> -> memref<800x16xf32, #tpu.memory_space<vmem>>
        tpu.enqueue_dma source(%dma_start3A_181 : memref<800x16xf32, #tpu.memory_space<vmem>>) target(%dma_start3A_178 : memref<800x16xf32, #tpu.memory_space<hbm>>) target_semaphore(%run_scoped3A : memref<!tpu.dma_semaphore, #tpu.memory_space<semaphore_mem>>)
        %dma_wait3A_182 = arith.constant 0 : i32
        %dma_wait3A_183 = arith.constant 0 : i32
        %dma_wait3A_184 = tpu.memref_slice %arg10[%dma_wait3A_182, %dma_wait3A_183] : memref<800x16xf32, #tpu.memory_space<vmem>> -> memref<800x16xf32, #tpu.memory_space<vmem>>
        %dma_wait3A_185 = arith.constant 0 : i32
        %dma_wait3A_186 = tpu.memref_slice %arg5[%add3A_91, %dma_wait3A_185] : memref<100096x16xf32, #tpu.memory_space<hbm>> -> memref<800x16xf32, #tpu.memory_space<hbm>>
        %dma_wait3A_187 = arith.constant 0 : i32
        %dma_wait3A_188 = tpu.memref_slice %arg5[%add3A_91, %dma_wait3A_187] : memref<100096x16xf32, #tpu.memory_space<hbm>> -> memref<800x16xf32, #tpu.memory_space<hbm>>
        %dma_wait3A_189 = arith.constant 0 : i32
        %dma_wait3A_190 = arith.constant 0 : i32
        %dma_wait3A_191 = tpu.memref_slice %arg10[%dma_wait3A_189, %dma_wait3A_190] : memref<800x16xf32, #tpu.memory_space<vmem>> -> memref<800x16xf32, #tpu.memory_space<vmem>>
        tpu.wait_dma2 semaphore(%run_scoped3A : memref<!tpu.dma_semaphore, #tpu.memory_space<semaphore_mem>>) src(%dma_wait3A_191 : memref<800x16xf32, #tpu.memory_space<vmem>>) dst(%dma_wait3A_188 : memref<800x16xf32, #tpu.memory_space<hbm>>)
        tpu.yield
      }) : () -> ()
    } else {
    }
    %eq3A_97 = arith.constant 1 : i32
    %eq3A_98 = arith.cmpi eq, %arg0, %eq3A_97 : i32
    %convert_element_type3A_99 = arith.extui %eq3A_98 : i1 to i32
    %cond3A_100 = arith.constant 0 : i32
    %cond3A_101 = arith.cmpi ne, %convert_element_type3A_99, %cond3A_100 : i32
    scf.if %cond3A_101 {
      "tpu.region"() ({
        %run_scoped3A = tpu.sem_alloc : memref<!tpu.dma_semaphore, #tpu.memory_space<semaphore_mem>>
        %dma_start3A_172 = arith.constant 0 : i32
        %dma_start3A_173 = arith.constant 0 : i32
        %dma_start3A_174 = tpu.memref_slice %arg10[%dma_start3A_172, %dma_start3A_173] : memref<800x16xf32, #tpu.memory_space<vmem>> -> memref<800x16xf32, #tpu.memory_space<vmem>>
        %dma_start3A_175 = arith.constant 0 : i32
        %dma_start3A_176 = tpu.memref_slice %arg6[%add3A_91, %dma_start3A_175] : memref<100096x16xf32, #tpu.memory_space<hbm>> -> memref<800x16xf32, #tpu.memory_space<hbm>>
        %dma_start3A_177 = arith.constant 0 : i32
        %dma_start3A_178 = tpu.memref_slice %arg6[%add3A_91, %dma_start3A_177] : memref<100096x16xf32, #tpu.memory_space<hbm>> -> memref<800x16xf32, #tpu.memory_space<hbm>>
        %dma_start3A_179 = arith.constant 0 : i32
        %dma_start3A_180 = arith.constant 0 : i32
        %dma_start3A_181 = tpu.memref_slice %arg10[%dma_start3A_179, %dma_start3A_180] : memref<800x16xf32, #tpu.memory_space<vmem>> -> memref<800x16xf32, #tpu.memory_space<vmem>>
        tpu.enqueue_dma source(%dma_start3A_181 : memref<800x16xf32, #tpu.memory_space<vmem>>) target(%dma_start3A_178 : memref<800x16xf32, #tpu.memory_space<hbm>>) target_semaphore(%run_scoped3A : memref<!tpu.dma_semaphore, #tpu.memory_space<semaphore_mem>>)
        %dma_wait3A_182 = arith.constant 0 : i32
        %dma_wait3A_183 = arith.constant 0 : i32
        %dma_wait3A_184 = tpu.memref_slice %arg10[%dma_wait3A_182, %dma_wait3A_183] : memref<800x16xf32, #tpu.memory_space<vmem>> -> memref<800x16xf32, #tpu.memory_space<vmem>>
        %dma_wait3A_185 = arith.constant 0 : i32
        %dma_wait3A_186 = tpu.memref_slice %arg6[%add3A_91, %dma_wait3A_185] : memref<100096x16xf32, #tpu.memory_space<hbm>> -> memref<800x16xf32, #tpu.memory_space<hbm>>
        %dma_wait3A_187 = arith.constant 0 : i32
        %dma_wait3A_188 = tpu.memref_slice %arg6[%add3A_91, %dma_wait3A_187] : memref<100096x16xf32, #tpu.memory_space<hbm>> -> memref<800x16xf32, #tpu.memory_space<hbm>>
        %dma_wait3A_189 = arith.constant 0 : i32
        %dma_wait3A_190 = arith.constant 0 : i32
        %dma_wait3A_191 = tpu.memref_slice %arg10[%dma_wait3A_189, %dma_wait3A_190] : memref<800x16xf32, #tpu.memory_space<vmem>> -> memref<800x16xf32, #tpu.memory_space<vmem>>
        tpu.wait_dma2 semaphore(%run_scoped3A : memref<!tpu.dma_semaphore, #tpu.memory_space<semaphore_mem>>) src(%dma_wait3A_191 : memref<800x16xf32, #tpu.memory_space<vmem>>) dst(%dma_wait3A_188 : memref<800x16xf32, #tpu.memory_space<hbm>>)
        tpu.yield
      }) : () -> ()
    } else {
    }
    %mul3A_102 = arith.constant 6256 : i32
    %mul3A_103 = arith.muli %arg1, %mul3A_102 : i32
    %add3A_104 = arith.constant 2400 : i32
    %add3A_105 = arith.addi %mul3A_103, %add3A_104 : i32
    "tpu.region"() ({
      %run_scoped3A = tpu.sem_alloc : memref<!tpu.dma_semaphore, #tpu.memory_space<semaphore_mem>>
      %dma_start3A_172 = arith.constant 0 : i32
      %dma_start3A_173 = arith.constant 0 : i32
      %dma_start3A_174 = tpu.memref_slice %arg10[%dma_start3A_172, %dma_start3A_173] : memref<800x16xf32, #tpu.memory_space<vmem>> -> memref<800x16xf32, #tpu.memory_space<vmem>>
      %dma_start3A_175 = arith.constant 0 : i32
      %dma_start3A_176 = tpu.memref_slice %arg7[%add3A_105, %dma_start3A_175] : memref<100096x16xf32, #tpu.memory_space<vmem_shared>> -> memref<800x16xf32, #tpu.memory_space<vmem_shared>>
      %dma_start3A_177 = arith.constant 0 : i32
      %dma_start3A_178 = arith.constant 0 : i32
      %dma_start3A_179 = tpu.memref_slice %arg10[%dma_start3A_177, %dma_start3A_178] : memref<800x16xf32, #tpu.memory_space<vmem>> -> memref<800x16xf32, #tpu.memory_space<vmem>>
      %dma_start3A_180 = arith.constant 0 : i32
      %dma_start3A_181 = tpu.memref_slice %arg7[%add3A_105, %dma_start3A_180] : memref<100096x16xf32, #tpu.memory_space<vmem_shared>> -> memref<800x16xf32, #tpu.memory_space<vmem_shared>>
      tpu.enqueue_dma source(%dma_start3A_181 : memref<800x16xf32, #tpu.memory_space<vmem_shared>>) target(%dma_start3A_179 : memref<800x16xf32, #tpu.memory_space<vmem>>) target_semaphore(%run_scoped3A : memref<!tpu.dma_semaphore, #tpu.memory_space<semaphore_mem>>)
      %dma_wait3A_182 = arith.constant 0 : i32
      %dma_wait3A_183 = arith.constant 0 : i32
      %dma_wait3A_184 = tpu.memref_slice %arg10[%dma_wait3A_182, %dma_wait3A_183] : memref<800x16xf32, #tpu.memory_space<vmem>> -> memref<800x16xf32, #tpu.memory_space<vmem>>
      %dma_wait3A_185 = arith.constant 0 : i32
      %dma_wait3A_186 = tpu.memref_slice %arg7[%add3A_105, %dma_wait3A_185] : memref<100096x16xf32, #tpu.memory_space<vmem_shared>> -> memref<800x16xf32, #tpu.memory_space<vmem_shared>>
      %dma_wait3A_187 = arith.constant 0 : i32
      %dma_wait3A_188 = arith.constant 0 : i32
      %dma_wait3A_189 = tpu.memref_slice %arg10[%dma_wait3A_187, %dma_wait3A_188] : memref<800x16xf32, #tpu.memory_space<vmem>> -> memref<800x16xf32, #tpu.memory_space<vmem>>
      %dma_wait3A_190 = arith.constant 0 : i32
      %dma_wait3A_191 = tpu.memref_slice %arg7[%add3A_105, %dma_wait3A_190] : memref<100096x16xf32, #tpu.memory_space<vmem_shared>> -> memref<800x16xf32, #tpu.memory_space<vmem_shared>>
      tpu.wait_dma2 semaphore(%run_scoped3A : memref<!tpu.dma_semaphore, #tpu.memory_space<semaphore_mem>>) src(%dma_wait3A_191 : memref<800x16xf32, #tpu.memory_space<vmem_shared>>) dst(%dma_wait3A_189 : memref<800x16xf32, #tpu.memory_space<vmem>>)
      tpu.yield
    }) : () -> ()
    %eq3A_106 = arith.constant 0 : i32
    %eq3A_107 = arith.cmpi eq, %arg0, %eq3A_106 : i32
    %convert_element_type3A_108 = arith.extui %eq3A_107 : i1 to i32
    %cond3A_109 = arith.constant 0 : i32
    %cond3A_110 = arith.cmpi ne, %convert_element_type3A_108, %cond3A_109 : i32
    scf.if %cond3A_110 {
      "tpu.region"() ({
        %run_scoped3A = tpu.sem_alloc : memref<!tpu.dma_semaphore, #tpu.memory_space<semaphore_mem>>
        %dma_start3A_172 = arith.constant 0 : i32
        %dma_start3A_173 = arith.constant 0 : i32
        %dma_start3A_174 = tpu.memref_slice %arg10[%dma_start3A_172, %dma_start3A_173] : memref<800x16xf32, #tpu.memory_space<vmem>> -> memref<800x16xf32, #tpu.memory_space<vmem>>
        %dma_start3A_175 = arith.constant 0 : i32
        %dma_start3A_176 = tpu.memref_slice %arg5[%add3A_105, %dma_start3A_175] : memref<100096x16xf32, #tpu.memory_space<hbm>> -> memref<800x16xf32, #tpu.memory_space<hbm>>
        %dma_start3A_177 = arith.constant 0 : i32
        %dma_start3A_178 = tpu.memref_slice %arg5[%add3A_105, %dma_start3A_177] : memref<100096x16xf32, #tpu.memory_space<hbm>> -> memref<800x16xf32, #tpu.memory_space<hbm>>
        %dma_start3A_179 = arith.constant 0 : i32
        %dma_start3A_180 = arith.constant 0 : i32
        %dma_start3A_181 = tpu.memref_slice %arg10[%dma_start3A_179, %dma_start3A_180] : memref<800x16xf32, #tpu.memory_space<vmem>> -> memref<800x16xf32, #tpu.memory_space<vmem>>
        tpu.enqueue_dma source(%dma_start3A_181 : memref<800x16xf32, #tpu.memory_space<vmem>>) target(%dma_start3A_178 : memref<800x16xf32, #tpu.memory_space<hbm>>) target_semaphore(%run_scoped3A : memref<!tpu.dma_semaphore, #tpu.memory_space<semaphore_mem>>)
        %dma_wait3A_182 = arith.constant 0 : i32
        %dma_wait3A_183 = arith.constant 0 : i32
        %dma_wait3A_184 = tpu.memref_slice %arg10[%dma_wait3A_182, %dma_wait3A_183] : memref<800x16xf32, #tpu.memory_space<vmem>> -> memref<800x16xf32, #tpu.memory_space<vmem>>
        %dma_wait3A_185 = arith.constant 0 : i32
        %dma_wait3A_186 = tpu.memref_slice %arg5[%add3A_105, %dma_wait3A_185] : memref<100096x16xf32, #tpu.memory_space<hbm>> -> memref<800x16xf32, #tpu.memory_space<hbm>>
        %dma_wait3A_187 = arith.constant 0 : i32
        %dma_wait3A_188 = tpu.memref_slice %arg5[%add3A_105, %dma_wait3A_187] : memref<100096x16xf32, #tpu.memory_space<hbm>> -> memref<800x16xf32, #tpu.memory_space<hbm>>
        %dma_wait3A_189 = arith.constant 0 : i32
        %dma_wait3A_190 = arith.constant 0 : i32
        %dma_wait3A_191 = tpu.memref_slice %arg10[%dma_wait3A_189, %dma_wait3A_190] : memref<800x16xf32, #tpu.memory_space<vmem>> -> memref<800x16xf32, #tpu.memory_space<vmem>>
        tpu.wait_dma2 semaphore(%run_scoped3A : memref<!tpu.dma_semaphore, #tpu.memory_space<semaphore_mem>>) src(%dma_wait3A_191 : memref<800x16xf32, #tpu.memory_space<vmem>>) dst(%dma_wait3A_188 : memref<800x16xf32, #tpu.memory_space<hbm>>)
        tpu.yield
      }) : () -> ()
    } else {
    }
    %eq3A_111 = arith.constant 1 : i32
    %eq3A_112 = arith.cmpi eq, %arg0, %eq3A_111 : i32
    %convert_element_type3A_113 = arith.extui %eq3A_112 : i1 to i32
    %cond3A_114 = arith.constant 0 : i32
    %cond3A_115 = arith.cmpi ne, %convert_element_type3A_113, %cond3A_114 : i32
    scf.if %cond3A_115 {
      "tpu.region"() ({
        %run_scoped3A = tpu.sem_alloc : memref<!tpu.dma_semaphore, #tpu.memory_space<semaphore_mem>>
        %dma_start3A_172 = arith.constant 0 : i32
        %dma_start3A_173 = arith.constant 0 : i32
        %dma_start3A_174 = tpu.memref_slice %arg10[%dma_start3A_172, %dma_start3A_173] : memref<800x16xf32, #tpu.memory_space<vmem>> -> memref<800x16xf32, #tpu.memory_space<vmem>>
        %dma_start3A_175 = arith.constant 0 : i32
        %dma_start3A_176 = tpu.memref_slice %arg6[%add3A_105, %dma_start3A_175] : memref<100096x16xf32, #tpu.memory_space<hbm>> -> memref<800x16xf32, #tpu.memory_space<hbm>>
        %dma_start3A_177 = arith.constant 0 : i32
        %dma_start3A_178 = tpu.memref_slice %arg6[%add3A_105, %dma_start3A_177] : memref<100096x16xf32, #tpu.memory_space<hbm>> -> memref<800x16xf32, #tpu.memory_space<hbm>>
        %dma_start3A_179 = arith.constant 0 : i32
        %dma_start3A_180 = arith.constant 0 : i32
        %dma_start3A_181 = tpu.memref_slice %arg10[%dma_start3A_179, %dma_start3A_180] : memref<800x16xf32, #tpu.memory_space<vmem>> -> memref<800x16xf32, #tpu.memory_space<vmem>>
        tpu.enqueue_dma source(%dma_start3A_181 : memref<800x16xf32, #tpu.memory_space<vmem>>) target(%dma_start3A_178 : memref<800x16xf32, #tpu.memory_space<hbm>>) target_semaphore(%run_scoped3A : memref<!tpu.dma_semaphore, #tpu.memory_space<semaphore_mem>>)
        %dma_wait3A_182 = arith.constant 0 : i32
        %dma_wait3A_183 = arith.constant 0 : i32
        %dma_wait3A_184 = tpu.memref_slice %arg10[%dma_wait3A_182, %dma_wait3A_183] : memref<800x16xf32, #tpu.memory_space<vmem>> -> memref<800x16xf32, #tpu.memory_space<vmem>>
        %dma_wait3A_185 = arith.constant 0 : i32
        %dma_wait3A_186 = tpu.memref_slice %arg6[%add3A_105, %dma_wait3A_185] : memref<100096x16xf32, #tpu.memory_space<hbm>> -> memref<800x16xf32, #tpu.memory_space<hbm>>
        %dma_wait3A_187 = arith.constant 0 : i32
        %dma_wait3A_188 = tpu.memref_slice %arg6[%add3A_105, %dma_wait3A_187] : memref<100096x16xf32, #tpu.memory_space<hbm>> -> memref<800x16xf32, #tpu.memory_space<hbm>>
        %dma_wait3A_189 = arith.constant 0 : i32
        %dma_wait3A_190 = arith.constant 0 : i32
        %dma_wait3A_191 = tpu.memref_slice %arg10[%dma_wait3A_189, %dma_wait3A_190] : memref<800x16xf32, #tpu.memory_space<vmem>> -> memref<800x16xf32, #tpu.memory_space<vmem>>
        tpu.wait_dma2 semaphore(%run_scoped3A : memref<!tpu.dma_semaphore, #tpu.memory_space<semaphore_mem>>) src(%dma_wait3A_191 : memref<800x16xf32, #tpu.memory_space<vmem>>) dst(%dma_wait3A_188 : memref<800x16xf32, #tpu.memory_space<hbm>>)
        tpu.yield
      }) : () -> ()
    } else {
    }
    %mul3A_116 = arith.constant 6256 : i32
    %mul3A_117 = arith.muli %arg1, %mul3A_116 : i32
    %add3A_118 = arith.constant 3200 : i32
    %add3A_119 = arith.addi %mul3A_117, %add3A_118 : i32
    "tpu.region"() ({
      %run_scoped3A = tpu.sem_alloc : memref<!tpu.dma_semaphore, #tpu.memory_space<semaphore_mem>>
      %dma_start3A_172 = arith.constant 0 : i32
      %dma_start3A_173 = arith.constant 0 : i32
      %dma_start3A_174 = tpu.memref_slice %arg10[%dma_start3A_172, %dma_start3A_173] : memref<800x16xf32, #tpu.memory_space<vmem>> -> memref<800x16xf32, #tpu.memory_space<vmem>>
      %dma_start3A_175 = arith.constant 0 : i32
      %dma_start3A_176 = tpu.memref_slice %arg7[%add3A_119, %dma_start3A_175] : memref<100096x16xf32, #tpu.memory_space<vmem_shared>> -> memref<800x16xf32, #tpu.memory_space<vmem_shared>>
      %dma_start3A_177 = arith.constant 0 : i32
      %dma_start3A_178 = arith.constant 0 : i32
      %dma_start3A_179 = tpu.memref_slice %arg10[%dma_start3A_177, %dma_start3A_178] : memref<800x16xf32, #tpu.memory_space<vmem>> -> memref<800x16xf32, #tpu.memory_space<vmem>>
      %dma_start3A_180 = arith.constant 0 : i32
      %dma_start3A_181 = tpu.memref_slice %arg7[%add3A_119, %dma_start3A_180] : memref<100096x16xf32, #tpu.memory_space<vmem_shared>> -> memref<800x16xf32, #tpu.memory_space<vmem_shared>>
      tpu.enqueue_dma source(%dma_start3A_181 : memref<800x16xf32, #tpu.memory_space<vmem_shared>>) target(%dma_start3A_179 : memref<800x16xf32, #tpu.memory_space<vmem>>) target_semaphore(%run_scoped3A : memref<!tpu.dma_semaphore, #tpu.memory_space<semaphore_mem>>)
      %dma_wait3A_182 = arith.constant 0 : i32
      %dma_wait3A_183 = arith.constant 0 : i32
      %dma_wait3A_184 = tpu.memref_slice %arg10[%dma_wait3A_182, %dma_wait3A_183] : memref<800x16xf32, #tpu.memory_space<vmem>> -> memref<800x16xf32, #tpu.memory_space<vmem>>
      %dma_wait3A_185 = arith.constant 0 : i32
      %dma_wait3A_186 = tpu.memref_slice %arg7[%add3A_119, %dma_wait3A_185] : memref<100096x16xf32, #tpu.memory_space<vmem_shared>> -> memref<800x16xf32, #tpu.memory_space<vmem_shared>>
      %dma_wait3A_187 = arith.constant 0 : i32
      %dma_wait3A_188 = arith.constant 0 : i32
      %dma_wait3A_189 = tpu.memref_slice %arg10[%dma_wait3A_187, %dma_wait3A_188] : memref<800x16xf32, #tpu.memory_space<vmem>> -> memref<800x16xf32, #tpu.memory_space<vmem>>
      %dma_wait3A_190 = arith.constant 0 : i32
      %dma_wait3A_191 = tpu.memref_slice %arg7[%add3A_119, %dma_wait3A_190] : memref<100096x16xf32, #tpu.memory_space<vmem_shared>> -> memref<800x16xf32, #tpu.memory_space<vmem_shared>>
      tpu.wait_dma2 semaphore(%run_scoped3A : memref<!tpu.dma_semaphore, #tpu.memory_space<semaphore_mem>>) src(%dma_wait3A_191 : memref<800x16xf32, #tpu.memory_space<vmem_shared>>) dst(%dma_wait3A_189 : memref<800x16xf32, #tpu.memory_space<vmem>>)
      tpu.yield
    }) : () -> ()
    %eq3A_120 = arith.constant 0 : i32
    %eq3A_121 = arith.cmpi eq, %arg0, %eq3A_120 : i32
    %convert_element_type3A_122 = arith.extui %eq3A_121 : i1 to i32
    %cond3A_123 = arith.constant 0 : i32
    %cond3A_124 = arith.cmpi ne, %convert_element_type3A_122, %cond3A_123 : i32
    scf.if %cond3A_124 {
      "tpu.region"() ({
        %run_scoped3A = tpu.sem_alloc : memref<!tpu.dma_semaphore, #tpu.memory_space<semaphore_mem>>
        %dma_start3A_172 = arith.constant 0 : i32
        %dma_start3A_173 = arith.constant 0 : i32
        %dma_start3A_174 = tpu.memref_slice %arg10[%dma_start3A_172, %dma_start3A_173] : memref<800x16xf32, #tpu.memory_space<vmem>> -> memref<800x16xf32, #tpu.memory_space<vmem>>
        %dma_start3A_175 = arith.constant 0 : i32
        %dma_start3A_176 = tpu.memref_slice %arg5[%add3A_119, %dma_start3A_175] : memref<100096x16xf32, #tpu.memory_space<hbm>> -> memref<800x16xf32, #tpu.memory_space<hbm>>
        %dma_start3A_177 = arith.constant 0 : i32
        %dma_start3A_178 = tpu.memref_slice %arg5[%add3A_119, %dma_start3A_177] : memref<100096x16xf32, #tpu.memory_space<hbm>> -> memref<800x16xf32, #tpu.memory_space<hbm>>
        %dma_start3A_179 = arith.constant 0 : i32
        %dma_start3A_180 = arith.constant 0 : i32
        %dma_start3A_181 = tpu.memref_slice %arg10[%dma_start3A_179, %dma_start3A_180] : memref<800x16xf32, #tpu.memory_space<vmem>> -> memref<800x16xf32, #tpu.memory_space<vmem>>
        tpu.enqueue_dma source(%dma_start3A_181 : memref<800x16xf32, #tpu.memory_space<vmem>>) target(%dma_start3A_178 : memref<800x16xf32, #tpu.memory_space<hbm>>) target_semaphore(%run_scoped3A : memref<!tpu.dma_semaphore, #tpu.memory_space<semaphore_mem>>)
        %dma_wait3A_182 = arith.constant 0 : i32
        %dma_wait3A_183 = arith.constant 0 : i32
        %dma_wait3A_184 = tpu.memref_slice %arg10[%dma_wait3A_182, %dma_wait3A_183] : memref<800x16xf32, #tpu.memory_space<vmem>> -> memref<800x16xf32, #tpu.memory_space<vmem>>
        %dma_wait3A_185 = arith.constant 0 : i32
        %dma_wait3A_186 = tpu.memref_slice %arg5[%add3A_119, %dma_wait3A_185] : memref<100096x16xf32, #tpu.memory_space<hbm>> -> memref<800x16xf32, #tpu.memory_space<hbm>>
        %dma_wait3A_187 = arith.constant 0 : i32
        %dma_wait3A_188 = tpu.memref_slice %arg5[%add3A_119, %dma_wait3A_187] : memref<100096x16xf32, #tpu.memory_space<hbm>> -> memref<800x16xf32, #tpu.memory_space<hbm>>
        %dma_wait3A_189 = arith.constant 0 : i32
        %dma_wait3A_190 = arith.constant 0 : i32
        %dma_wait3A_191 = tpu.memref_slice %arg10[%dma_wait3A_189, %dma_wait3A_190] : memref<800x16xf32, #tpu.memory_space<vmem>> -> memref<800x16xf32, #tpu.memory_space<vmem>>
        tpu.wait_dma2 semaphore(%run_scoped3A : memref<!tpu.dma_semaphore, #tpu.memory_space<semaphore_mem>>) src(%dma_wait3A_191 : memref<800x16xf32, #tpu.memory_space<vmem>>) dst(%dma_wait3A_188 : memref<800x16xf32, #tpu.memory_space<hbm>>)
        tpu.yield
      }) : () -> ()
    } else {
    }
    %eq3A_125 = arith.constant 1 : i32
    %eq3A_126 = arith.cmpi eq, %arg0, %eq3A_125 : i32
    %convert_element_type3A_127 = arith.extui %eq3A_126 : i1 to i32
    %cond3A_128 = arith.constant 0 : i32
    %cond3A_129 = arith.cmpi ne, %convert_element_type3A_127, %cond3A_128 : i32
    scf.if %cond3A_129 {
      "tpu.region"() ({
        %run_scoped3A = tpu.sem_alloc : memref<!tpu.dma_semaphore, #tpu.memory_space<semaphore_mem>>
        %dma_start3A_172 = arith.constant 0 : i32
        %dma_start3A_173 = arith.constant 0 : i32
        %dma_start3A_174 = tpu.memref_slice %arg10[%dma_start3A_172, %dma_start3A_173] : memref<800x16xf32, #tpu.memory_space<vmem>> -> memref<800x16xf32, #tpu.memory_space<vmem>>
        %dma_start3A_175 = arith.constant 0 : i32
        %dma_start3A_176 = tpu.memref_slice %arg6[%add3A_119, %dma_start3A_175] : memref<100096x16xf32, #tpu.memory_space<hbm>> -> memref<800x16xf32, #tpu.memory_space<hbm>>
        %dma_start3A_177 = arith.constant 0 : i32
        %dma_start3A_178 = tpu.memref_slice %arg6[%add3A_119, %dma_start3A_177] : memref<100096x16xf32, #tpu.memory_space<hbm>> -> memref<800x16xf32, #tpu.memory_space<hbm>>
        %dma_start3A_179 = arith.constant 0 : i32
        %dma_start3A_180 = arith.constant 0 : i32
        %dma_start3A_181 = tpu.memref_slice %arg10[%dma_start3A_179, %dma_start3A_180] : memref<800x16xf32, #tpu.memory_space<vmem>> -> memref<800x16xf32, #tpu.memory_space<vmem>>
        tpu.enqueue_dma source(%dma_start3A_181 : memref<800x16xf32, #tpu.memory_space<vmem>>) target(%dma_start3A_178 : memref<800x16xf32, #tpu.memory_space<hbm>>) target_semaphore(%run_scoped3A : memref<!tpu.dma_semaphore, #tpu.memory_space<semaphore_mem>>)
        %dma_wait3A_182 = arith.constant 0 : i32
        %dma_wait3A_183 = arith.constant 0 : i32
        %dma_wait3A_184 = tpu.memref_slice %arg10[%dma_wait3A_182, %dma_wait3A_183] : memref<800x16xf32, #tpu.memory_space<vmem>> -> memref<800x16xf32, #tpu.memory_space<vmem>>
        %dma_wait3A_185 = arith.constant 0 : i32
        %dma_wait3A_186 = tpu.memref_slice %arg6[%add3A_119, %dma_wait3A_185] : memref<100096x16xf32, #tpu.memory_space<hbm>> -> memref<800x16xf32, #tpu.memory_space<hbm>>
        %dma_wait3A_187 = arith.constant 0 : i32
        %dma_wait3A_188 = tpu.memref_slice %arg6[%add3A_119, %dma_wait3A_187] : memref<100096x16xf32, #tpu.memory_space<hbm>> -> memref<800x16xf32, #tpu.memory_space<hbm>>
        %dma_wait3A_189 = arith.constant 0 : i32
        %dma_wait3A_190 = arith.constant 0 : i32
        %dma_wait3A_191 = tpu.memref_slice %arg10[%dma_wait3A_189, %dma_wait3A_190] : memref<800x16xf32, #tpu.memory_space<vmem>> -> memref<800x16xf32, #tpu.memory_space<vmem>>
        tpu.wait_dma2 semaphore(%run_scoped3A : memref<!tpu.dma_semaphore, #tpu.memory_space<semaphore_mem>>) src(%dma_wait3A_191 : memref<800x16xf32, #tpu.memory_space<vmem>>) dst(%dma_wait3A_188 : memref<800x16xf32, #tpu.memory_space<hbm>>)
        tpu.yield
      }) : () -> ()
    } else {
    }
    %mul3A_130 = arith.constant 6256 : i32
    %mul3A_131 = arith.muli %arg1, %mul3A_130 : i32
    %add3A_132 = arith.constant 4000 : i32
    %add3A_133 = arith.addi %mul3A_131, %add3A_132 : i32
    "tpu.region"() ({
      %run_scoped3A = tpu.sem_alloc : memref<!tpu.dma_semaphore, #tpu.memory_space<semaphore_mem>>
      %dma_start3A_172 = arith.constant 0 : i32
      %dma_start3A_173 = arith.constant 0 : i32
      %dma_start3A_174 = tpu.memref_slice %arg10[%dma_start3A_172, %dma_start3A_173] : memref<800x16xf32, #tpu.memory_space<vmem>> -> memref<800x16xf32, #tpu.memory_space<vmem>>
      %dma_start3A_175 = arith.constant 0 : i32
      %dma_start3A_176 = tpu.memref_slice %arg7[%add3A_133, %dma_start3A_175] : memref<100096x16xf32, #tpu.memory_space<vmem_shared>> -> memref<800x16xf32, #tpu.memory_space<vmem_shared>>
      %dma_start3A_177 = arith.constant 0 : i32
      %dma_start3A_178 = arith.constant 0 : i32
      %dma_start3A_179 = tpu.memref_slice %arg10[%dma_start3A_177, %dma_start3A_178] : memref<800x16xf32, #tpu.memory_space<vmem>> -> memref<800x16xf32, #tpu.memory_space<vmem>>
      %dma_start3A_180 = arith.constant 0 : i32
      %dma_start3A_181 = tpu.memref_slice %arg7[%add3A_133, %dma_start3A_180] : memref<100096x16xf32, #tpu.memory_space<vmem_shared>> -> memref<800x16xf32, #tpu.memory_space<vmem_shared>>
      tpu.enqueue_dma source(%dma_start3A_181 : memref<800x16xf32, #tpu.memory_space<vmem_shared>>) target(%dma_start3A_179 : memref<800x16xf32, #tpu.memory_space<vmem>>) target_semaphore(%run_scoped3A : memref<!tpu.dma_semaphore, #tpu.memory_space<semaphore_mem>>)
      %dma_wait3A_182 = arith.constant 0 : i32
      %dma_wait3A_183 = arith.constant 0 : i32
      %dma_wait3A_184 = tpu.memref_slice %arg10[%dma_wait3A_182, %dma_wait3A_183] : memref<800x16xf32, #tpu.memory_space<vmem>> -> memref<800x16xf32, #tpu.memory_space<vmem>>
      %dma_wait3A_185 = arith.constant 0 : i32
      %dma_wait3A_186 = tpu.memref_slice %arg7[%add3A_133, %dma_wait3A_185] : memref<100096x16xf32, #tpu.memory_space<vmem_shared>> -> memref<800x16xf32, #tpu.memory_space<vmem_shared>>
      %dma_wait3A_187 = arith.constant 0 : i32
      %dma_wait3A_188 = arith.constant 0 : i32
      %dma_wait3A_189 = tpu.memref_slice %arg10[%dma_wait3A_187, %dma_wait3A_188] : memref<800x16xf32, #tpu.memory_space<vmem>> -> memref<800x16xf32, #tpu.memory_space<vmem>>
      %dma_wait3A_190 = arith.constant 0 : i32
      %dma_wait3A_191 = tpu.memref_slice %arg7[%add3A_133, %dma_wait3A_190] : memref<100096x16xf32, #tpu.memory_space<vmem_shared>> -> memref<800x16xf32, #tpu.memory_space<vmem_shared>>
      tpu.wait_dma2 semaphore(%run_scoped3A : memref<!tpu.dma_semaphore, #tpu.memory_space<semaphore_mem>>) src(%dma_wait3A_191 : memref<800x16xf32, #tpu.memory_space<vmem_shared>>) dst(%dma_wait3A_189 : memref<800x16xf32, #tpu.memory_space<vmem>>)
      tpu.yield
    }) : () -> ()
    %eq3A_134 = arith.constant 0 : i32
    %eq3A_135 = arith.cmpi eq, %arg0, %eq3A_134 : i32
    %convert_element_type3A_136 = arith.extui %eq3A_135 : i1 to i32
    %cond3A_137 = arith.constant 0 : i32
    %cond3A_138 = arith.cmpi ne, %convert_element_type3A_136, %cond3A_137 : i32
    scf.if %cond3A_138 {
      "tpu.region"() ({
        %run_scoped3A = tpu.sem_alloc : memref<!tpu.dma_semaphore, #tpu.memory_space<semaphore_mem>>
        %dma_start3A_172 = arith.constant 0 : i32
        %dma_start3A_173 = arith.constant 0 : i32
        %dma_start3A_174 = tpu.memref_slice %arg10[%dma_start3A_172, %dma_start3A_173] : memref<800x16xf32, #tpu.memory_space<vmem>> -> memref<800x16xf32, #tpu.memory_space<vmem>>
        %dma_start3A_175 = arith.constant 0 : i32
        %dma_start3A_176 = tpu.memref_slice %arg5[%add3A_133, %dma_start3A_175] : memref<100096x16xf32, #tpu.memory_space<hbm>> -> memref<800x16xf32, #tpu.memory_space<hbm>>
        %dma_start3A_177 = arith.constant 0 : i32
        %dma_start3A_178 = tpu.memref_slice %arg5[%add3A_133, %dma_start3A_177] : memref<100096x16xf32, #tpu.memory_space<hbm>> -> memref<800x16xf32, #tpu.memory_space<hbm>>
        %dma_start3A_179 = arith.constant 0 : i32
        %dma_start3A_180 = arith.constant 0 : i32
        %dma_start3A_181 = tpu.memref_slice %arg10[%dma_start3A_179, %dma_start3A_180] : memref<800x16xf32, #tpu.memory_space<vmem>> -> memref<800x16xf32, #tpu.memory_space<vmem>>
        tpu.enqueue_dma source(%dma_start3A_181 : memref<800x16xf32, #tpu.memory_space<vmem>>) target(%dma_start3A_178 : memref<800x16xf32, #tpu.memory_space<hbm>>) target_semaphore(%run_scoped3A : memref<!tpu.dma_semaphore, #tpu.memory_space<semaphore_mem>>)
        %dma_wait3A_182 = arith.constant 0 : i32
        %dma_wait3A_183 = arith.constant 0 : i32
        %dma_wait3A_184 = tpu.memref_slice %arg10[%dma_wait3A_182, %dma_wait3A_183] : memref<800x16xf32, #tpu.memory_space<vmem>> -> memref<800x16xf32, #tpu.memory_space<vmem>>
        %dma_wait3A_185 = arith.constant 0 : i32
        %dma_wait3A_186 = tpu.memref_slice %arg5[%add3A_133, %dma_wait3A_185] : memref<100096x16xf32, #tpu.memory_space<hbm>> -> memref<800x16xf32, #tpu.memory_space<hbm>>
        %dma_wait3A_187 = arith.constant 0 : i32
        %dma_wait3A_188 = tpu.memref_slice %arg5[%add3A_133, %dma_wait3A_187] : memref<100096x16xf32, #tpu.memory_space<hbm>> -> memref<800x16xf32, #tpu.memory_space<hbm>>
        %dma_wait3A_189 = arith.constant 0 : i32
        %dma_wait3A_190 = arith.constant 0 : i32
        %dma_wait3A_191 = tpu.memref_slice %arg10[%dma_wait3A_189, %dma_wait3A_190] : memref<800x16xf32, #tpu.memory_space<vmem>> -> memref<800x16xf32, #tpu.memory_space<vmem>>
        tpu.wait_dma2 semaphore(%run_scoped3A : memref<!tpu.dma_semaphore, #tpu.memory_space<semaphore_mem>>) src(%dma_wait3A_191 : memref<800x16xf32, #tpu.memory_space<vmem>>) dst(%dma_wait3A_188 : memref<800x16xf32, #tpu.memory_space<hbm>>)
        tpu.yield
      }) : () -> ()
    } else {
    }
    %eq3A_139 = arith.constant 1 : i32
    %eq3A_140 = arith.cmpi eq, %arg0, %eq3A_139 : i32
    %convert_element_type3A_141 = arith.extui %eq3A_140 : i1 to i32
    %cond3A_142 = arith.constant 0 : i32
    %cond3A_143 = arith.cmpi ne, %convert_element_type3A_141, %cond3A_142 : i32
    scf.if %cond3A_143 {
      "tpu.region"() ({
        %run_scoped3A = tpu.sem_alloc : memref<!tpu.dma_semaphore, #tpu.memory_space<semaphore_mem>>
        %dma_start3A_172 = arith.constant 0 : i32
        %dma_start3A_173 = arith.constant 0 : i32
        %dma_start3A_174 = tpu.memref_slice %arg10[%dma_start3A_172, %dma_start3A_173] : memref<800x16xf32, #tpu.memory_space<vmem>> -> memref<800x16xf32, #tpu.memory_space<vmem>>
        %dma_start3A_175 = arith.constant 0 : i32
        %dma_start3A_176 = tpu.memref_slice %arg6[%add3A_133, %dma_start3A_175] : memref<100096x16xf32, #tpu.memory_space<hbm>> -> memref<800x16xf32, #tpu.memory_space<hbm>>
        %dma_start3A_177 = arith.constant 0 : i32
        %dma_start3A_178 = tpu.memref_slice %arg6[%add3A_133, %dma_start3A_177] : memref<100096x16xf32, #tpu.memory_space<hbm>> -> memref<800x16xf32, #tpu.memory_space<hbm>>
        %dma_start3A_179 = arith.constant 0 : i32
        %dma_start3A_180 = arith.constant 0 : i32
        %dma_start3A_181 = tpu.memref_slice %arg10[%dma_start3A_179, %dma_start3A_180] : memref<800x16xf32, #tpu.memory_space<vmem>> -> memref<800x16xf32, #tpu.memory_space<vmem>>
        tpu.enqueue_dma source(%dma_start3A_181 : memref<800x16xf32, #tpu.memory_space<vmem>>) target(%dma_start3A_178 : memref<800x16xf32, #tpu.memory_space<hbm>>) target_semaphore(%run_scoped3A : memref<!tpu.dma_semaphore, #tpu.memory_space<semaphore_mem>>)
        %dma_wait3A_182 = arith.constant 0 : i32
        %dma_wait3A_183 = arith.constant 0 : i32
        %dma_wait3A_184 = tpu.memref_slice %arg10[%dma_wait3A_182, %dma_wait3A_183] : memref<800x16xf32, #tpu.memory_space<vmem>> -> memref<800x16xf32, #tpu.memory_space<vmem>>
        %dma_wait3A_185 = arith.constant 0 : i32
        %dma_wait3A_186 = tpu.memref_slice %arg6[%add3A_133, %dma_wait3A_185] : memref<100096x16xf32, #tpu.memory_space<hbm>> -> memref<800x16xf32, #tpu.memory_space<hbm>>
        %dma_wait3A_187 = arith.constant 0 : i32
        %dma_wait3A_188 = tpu.memref_slice %arg6[%add3A_133, %dma_wait3A_187] : memref<100096x16xf32, #tpu.memory_space<hbm>> -> memref<800x16xf32, #tpu.memory_space<hbm>>
        %dma_wait3A_189 = arith.constant 0 : i32
        %dma_wait3A_190 = arith.constant 0 : i32
        %dma_wait3A_191 = tpu.memref_slice %arg10[%dma_wait3A_189, %dma_wait3A_190] : memref<800x16xf32, #tpu.memory_space<vmem>> -> memref<800x16xf32, #tpu.memory_space<vmem>>
        tpu.wait_dma2 semaphore(%run_scoped3A : memref<!tpu.dma_semaphore, #tpu.memory_space<semaphore_mem>>) src(%dma_wait3A_191 : memref<800x16xf32, #tpu.memory_space<vmem>>) dst(%dma_wait3A_188 : memref<800x16xf32, #tpu.memory_space<hbm>>)
        tpu.yield
      }) : () -> ()
    } else {
    }
    %mul3A_144 = arith.constant 6256 : i32
    %mul3A_145 = arith.muli %arg1, %mul3A_144 : i32
    %add3A_146 = arith.constant 4800 : i32
    %add3A_147 = arith.addi %mul3A_145, %add3A_146 : i32
    "tpu.region"() ({
      %run_scoped3A = tpu.sem_alloc : memref<!tpu.dma_semaphore, #tpu.memory_space<semaphore_mem>>
      %dma_start3A_172 = arith.constant 0 : i32
      %dma_start3A_173 = arith.constant 0 : i32
      %dma_start3A_174 = tpu.memref_slice %arg10[%dma_start3A_172, %dma_start3A_173] : memref<800x16xf32, #tpu.memory_space<vmem>> -> memref<800x16xf32, #tpu.memory_space<vmem>>
      %dma_start3A_175 = arith.constant 0 : i32
      %dma_start3A_176 = tpu.memref_slice %arg7[%add3A_147, %dma_start3A_175] : memref<100096x16xf32, #tpu.memory_space<vmem_shared>> -> memref<800x16xf32, #tpu.memory_space<vmem_shared>>
      %dma_start3A_177 = arith.constant 0 : i32
      %dma_start3A_178 = arith.constant 0 : i32
      %dma_start3A_179 = tpu.memref_slice %arg10[%dma_start3A_177, %dma_start3A_178] : memref<800x16xf32, #tpu.memory_space<vmem>> -> memref<800x16xf32, #tpu.memory_space<vmem>>
      %dma_start3A_180 = arith.constant 0 : i32
      %dma_start3A_181 = tpu.memref_slice %arg7[%add3A_147, %dma_start3A_180] : memref<100096x16xf32, #tpu.memory_space<vmem_shared>> -> memref<800x16xf32, #tpu.memory_space<vmem_shared>>
      tpu.enqueue_dma source(%dma_start3A_181 : memref<800x16xf32, #tpu.memory_space<vmem_shared>>) target(%dma_start3A_179 : memref<800x16xf32, #tpu.memory_space<vmem>>) target_semaphore(%run_scoped3A : memref<!tpu.dma_semaphore, #tpu.memory_space<semaphore_mem>>)
      %dma_wait3A_182 = arith.constant 0 : i32
      %dma_wait3A_183 = arith.constant 0 : i32
      %dma_wait3A_184 = tpu.memref_slice %arg10[%dma_wait3A_182, %dma_wait3A_183] : memref<800x16xf32, #tpu.memory_space<vmem>> -> memref<800x16xf32, #tpu.memory_space<vmem>>
      %dma_wait3A_185 = arith.constant 0 : i32
      %dma_wait3A_186 = tpu.memref_slice %arg7[%add3A_147, %dma_wait3A_185] : memref<100096x16xf32, #tpu.memory_space<vmem_shared>> -> memref<800x16xf32, #tpu.memory_space<vmem_shared>>
      %dma_wait3A_187 = arith.constant 0 : i32
      %dma_wait3A_188 = arith.constant 0 : i32
      %dma_wait3A_189 = tpu.memref_slice %arg10[%dma_wait3A_187, %dma_wait3A_188] : memref<800x16xf32, #tpu.memory_space<vmem>> -> memref<800x16xf32, #tpu.memory_space<vmem>>
      %dma_wait3A_190 = arith.constant 0 : i32
      %dma_wait3A_191 = tpu.memref_slice %arg7[%add3A_147, %dma_wait3A_190] : memref<100096x16xf32, #tpu.memory_space<vmem_shared>> -> memref<800x16xf32, #tpu.memory_space<vmem_shared>>
      tpu.wait_dma2 semaphore(%run_scoped3A : memref<!tpu.dma_semaphore, #tpu.memory_space<semaphore_mem>>) src(%dma_wait3A_191 : memref<800x16xf32, #tpu.memory_space<vmem_shared>>) dst(%dma_wait3A_189 : memref<800x16xf32, #tpu.memory_space<vmem>>)
      tpu.yield
    }) : () -> ()
    %eq3A_148 = arith.constant 0 : i32
    %eq3A_149 = arith.cmpi eq, %arg0, %eq3A_148 : i32
    %convert_element_type3A_150 = arith.extui %eq3A_149 : i1 to i32
    %cond3A_151 = arith.constant 0 : i32
    %cond3A_152 = arith.cmpi ne, %convert_element_type3A_150, %cond3A_151 : i32
    scf.if %cond3A_152 {
      "tpu.region"() ({
        %run_scoped3A = tpu.sem_alloc : memref<!tpu.dma_semaphore, #tpu.memory_space<semaphore_mem>>
        %dma_start3A_172 = arith.constant 0 : i32
        %dma_start3A_173 = arith.constant 0 : i32
        %dma_start3A_174 = tpu.memref_slice %arg10[%dma_start3A_172, %dma_start3A_173] : memref<800x16xf32, #tpu.memory_space<vmem>> -> memref<800x16xf32, #tpu.memory_space<vmem>>
        %dma_start3A_175 = arith.constant 0 : i32
        %dma_start3A_176 = tpu.memref_slice %arg5[%add3A_147, %dma_start3A_175] : memref<100096x16xf32, #tpu.memory_space<hbm>> -> memref<800x16xf32, #tpu.memory_space<hbm>>
        %dma_start3A_177 = arith.constant 0 : i32
        %dma_start3A_178 = tpu.memref_slice %arg5[%add3A_147, %dma_start3A_177] : memref<100096x16xf32, #tpu.memory_space<hbm>> -> memref<800x16xf32, #tpu.memory_space<hbm>>
        %dma_start3A_179 = arith.constant 0 : i32
        %dma_start3A_180 = arith.constant 0 : i32
        %dma_start3A_181 = tpu.memref_slice %arg10[%dma_start3A_179, %dma_start3A_180] : memref<800x16xf32, #tpu.memory_space<vmem>> -> memref<800x16xf32, #tpu.memory_space<vmem>>
        tpu.enqueue_dma source(%dma_start3A_181 : memref<800x16xf32, #tpu.memory_space<vmem>>) target(%dma_start3A_178 : memref<800x16xf32, #tpu.memory_space<hbm>>) target_semaphore(%run_scoped3A : memref<!tpu.dma_semaphore, #tpu.memory_space<semaphore_mem>>)
        %dma_wait3A_182 = arith.constant 0 : i32
        %dma_wait3A_183 = arith.constant 0 : i32
        %dma_wait3A_184 = tpu.memref_slice %arg10[%dma_wait3A_182, %dma_wait3A_183] : memref<800x16xf32, #tpu.memory_space<vmem>> -> memref<800x16xf32, #tpu.memory_space<vmem>>
        %dma_wait3A_185 = arith.constant 0 : i32
        %dma_wait3A_186 = tpu.memref_slice %arg5[%add3A_147, %dma_wait3A_185] : memref<100096x16xf32, #tpu.memory_space<hbm>> -> memref<800x16xf32, #tpu.memory_space<hbm>>
        %dma_wait3A_187 = arith.constant 0 : i32
        %dma_wait3A_188 = tpu.memref_slice %arg5[%add3A_147, %dma_wait3A_187] : memref<100096x16xf32, #tpu.memory_space<hbm>> -> memref<800x16xf32, #tpu.memory_space<hbm>>
        %dma_wait3A_189 = arith.constant 0 : i32
        %dma_wait3A_190 = arith.constant 0 : i32
        %dma_wait3A_191 = tpu.memref_slice %arg10[%dma_wait3A_189, %dma_wait3A_190] : memref<800x16xf32, #tpu.memory_space<vmem>> -> memref<800x16xf32, #tpu.memory_space<vmem>>
        tpu.wait_dma2 semaphore(%run_scoped3A : memref<!tpu.dma_semaphore, #tpu.memory_space<semaphore_mem>>) src(%dma_wait3A_191 : memref<800x16xf32, #tpu.memory_space<vmem>>) dst(%dma_wait3A_188 : memref<800x16xf32, #tpu.memory_space<hbm>>)
        tpu.yield
      }) : () -> ()
    } else {
    }
    %eq3A_153 = arith.constant 1 : i32
    %eq3A_154 = arith.cmpi eq, %arg0, %eq3A_153 : i32
    %convert_element_type3A_155 = arith.extui %eq3A_154 : i1 to i32
    %cond3A_156 = arith.constant 0 : i32
    %cond3A_157 = arith.cmpi ne, %convert_element_type3A_155, %cond3A_156 : i32
    scf.if %cond3A_157 {
      "tpu.region"() ({
        %run_scoped3A = tpu.sem_alloc : memref<!tpu.dma_semaphore, #tpu.memory_space<semaphore_mem>>
        %dma_start3A_172 = arith.constant 0 : i32
        %dma_start3A_173 = arith.constant 0 : i32
        %dma_start3A_174 = tpu.memref_slice %arg10[%dma_start3A_172, %dma_start3A_173] : memref<800x16xf32, #tpu.memory_space<vmem>> -> memref<800x16xf32, #tpu.memory_space<vmem>>
        %dma_start3A_175 = arith.constant 0 : i32
        %dma_start3A_176 = tpu.memref_slice %arg6[%add3A_147, %dma_start3A_175] : memref<100096x16xf32, #tpu.memory_space<hbm>> -> memref<800x16xf32, #tpu.memory_space<hbm>>
        %dma_start3A_177 = arith.constant 0 : i32
        %dma_start3A_178 = tpu.memref_slice %arg6[%add3A_147, %dma_start3A_177] : memref<100096x16xf32, #tpu.memory_space<hbm>> -> memref<800x16xf32, #tpu.memory_space<hbm>>
        %dma_start3A_179 = arith.constant 0 : i32
        %dma_start3A_180 = arith.constant 0 : i32
        %dma_start3A_181 = tpu.memref_slice %arg10[%dma_start3A_179, %dma_start3A_180] : memref<800x16xf32, #tpu.memory_space<vmem>> -> memref<800x16xf32, #tpu.memory_space<vmem>>
        tpu.enqueue_dma source(%dma_start3A_181 : memref<800x16xf32, #tpu.memory_space<vmem>>) target(%dma_start3A_178 : memref<800x16xf32, #tpu.memory_space<hbm>>) target_semaphore(%run_scoped3A : memref<!tpu.dma_semaphore, #tpu.memory_space<semaphore_mem>>)
        %dma_wait3A_182 = arith.constant 0 : i32
        %dma_wait3A_183 = arith.constant 0 : i32
        %dma_wait3A_184 = tpu.memref_slice %arg10[%dma_wait3A_182, %dma_wait3A_183] : memref<800x16xf32, #tpu.memory_space<vmem>> -> memref<800x16xf32, #tpu.memory_space<vmem>>
        %dma_wait3A_185 = arith.constant 0 : i32
        %dma_wait3A_186 = tpu.memref_slice %arg6[%add3A_147, %dma_wait3A_185] : memref<100096x16xf32, #tpu.memory_space<hbm>> -> memref<800x16xf32, #tpu.memory_space<hbm>>
        %dma_wait3A_187 = arith.constant 0 : i32
        %dma_wait3A_188 = tpu.memref_slice %arg6[%add3A_147, %dma_wait3A_187] : memref<100096x16xf32, #tpu.memory_space<hbm>> -> memref<800x16xf32, #tpu.memory_space<hbm>>
        %dma_wait3A_189 = arith.constant 0 : i32
        %dma_wait3A_190 = arith.constant 0 : i32
        %dma_wait3A_191 = tpu.memref_slice %arg10[%dma_wait3A_189, %dma_wait3A_190] : memref<800x16xf32, #tpu.memory_space<vmem>> -> memref<800x16xf32, #tpu.memory_space<vmem>>
        tpu.wait_dma2 semaphore(%run_scoped3A : memref<!tpu.dma_semaphore, #tpu.memory_space<semaphore_mem>>) src(%dma_wait3A_191 : memref<800x16xf32, #tpu.memory_space<vmem>>) dst(%dma_wait3A_188 : memref<800x16xf32, #tpu.memory_space<hbm>>)
        tpu.yield
      }) : () -> ()
    } else {
    }
    %mul3A_158 = arith.constant 6256 : i32
    %mul3A_159 = arith.muli %arg1, %mul3A_158 : i32
    %add3A_160 = arith.constant 5600 : i32
    %add3A_161 = arith.addi %mul3A_159, %add3A_160 : i32
    "tpu.region"() ({
      %run_scoped3A = tpu.sem_alloc : memref<!tpu.dma_semaphore, #tpu.memory_space<semaphore_mem>>
      %dma_start3A_172 = arith.constant 0 : i32
      %dma_start3A_173 = arith.constant 0 : i32
      %dma_start3A_174 = tpu.memref_slice %arg10[%dma_start3A_172, %dma_start3A_173] : memref<800x16xf32, #tpu.memory_space<vmem>> -> memref<656x16xf32, #tpu.memory_space<vmem>>
      %dma_start3A_175 = arith.constant 0 : i32
      %dma_start3A_176 = tpu.memref_slice %arg7[%add3A_161, %dma_start3A_175] : memref<100096x16xf32, #tpu.memory_space<vmem_shared>> -> memref<656x16xf32, #tpu.memory_space<vmem_shared>>
      %dma_start3A_177 = arith.constant 0 : i32
      %dma_start3A_178 = arith.constant 0 : i32
      %dma_start3A_179 = tpu.memref_slice %arg10[%dma_start3A_177, %dma_start3A_178] : memref<800x16xf32, #tpu.memory_space<vmem>> -> memref<656x16xf32, #tpu.memory_space<vmem>>
      %dma_start3A_180 = arith.constant 0 : i32
      %dma_start3A_181 = tpu.memref_slice %arg7[%add3A_161, %dma_start3A_180] : memref<100096x16xf32, #tpu.memory_space<vmem_shared>> -> memref<656x16xf32, #tpu.memory_space<vmem_shared>>
      tpu.enqueue_dma source(%dma_start3A_181 : memref<656x16xf32, #tpu.memory_space<vmem_shared>>) target(%dma_start3A_179 : memref<656x16xf32, #tpu.memory_space<vmem>>) target_semaphore(%run_scoped3A : memref<!tpu.dma_semaphore, #tpu.memory_space<semaphore_mem>>)
      %dma_wait3A_182 = arith.constant 0 : i32
      %dma_wait3A_183 = arith.constant 0 : i32
      %dma_wait3A_184 = tpu.memref_slice %arg10[%dma_wait3A_182, %dma_wait3A_183] : memref<800x16xf32, #tpu.memory_space<vmem>> -> memref<656x16xf32, #tpu.memory_space<vmem>>
      %dma_wait3A_185 = arith.constant 0 : i32
      %dma_wait3A_186 = tpu.memref_slice %arg7[%add3A_161, %dma_wait3A_185] : memref<100096x16xf32, #tpu.memory_space<vmem_shared>> -> memref<656x16xf32, #tpu.memory_space<vmem_shared>>
      %dma_wait3A_187 = arith.constant 0 : i32
      %dma_wait3A_188 = arith.constant 0 : i32
      %dma_wait3A_189 = tpu.memref_slice %arg10[%dma_wait3A_187, %dma_wait3A_188] : memref<800x16xf32, #tpu.memory_space<vmem>> -> memref<656x16xf32, #tpu.memory_space<vmem>>
      %dma_wait3A_190 = arith.constant 0 : i32
      %dma_wait3A_191 = tpu.memref_slice %arg7[%add3A_161, %dma_wait3A_190] : memref<100096x16xf32, #tpu.memory_space<vmem_shared>> -> memref<656x16xf32, #tpu.memory_space<vmem_shared>>
      tpu.wait_dma2 semaphore(%run_scoped3A : memref<!tpu.dma_semaphore, #tpu.memory_space<semaphore_mem>>) src(%dma_wait3A_191 : memref<656x16xf32, #tpu.memory_space<vmem_shared>>) dst(%dma_wait3A_189 : memref<656x16xf32, #tpu.memory_space<vmem>>)
      tpu.yield
    }) : () -> ()
    %eq3A_162 = arith.constant 0 : i32
    %eq3A_163 = arith.cmpi eq, %arg0, %eq3A_162 : i32
    %convert_element_type3A_164 = arith.extui %eq3A_163 : i1 to i32
    %cond3A_165 = arith.constant 0 : i32
    %cond3A_166 = arith.cmpi ne, %convert_element_type3A_164, %cond3A_165 : i32
    scf.if %cond3A_166 {
      "tpu.region"() ({
        %run_scoped3A = tpu.sem_alloc : memref<!tpu.dma_semaphore, #tpu.memory_space<semaphore_mem>>
        %dma_start3A_172 = arith.constant 0 : i32
        %dma_start3A_173 = arith.constant 0 : i32
        %dma_start3A_174 = tpu.memref_slice %arg10[%dma_start3A_172, %dma_start3A_173] : memref<800x16xf32, #tpu.memory_space<vmem>> -> memref<656x16xf32, #tpu.memory_space<vmem>>
        %dma_start3A_175 = arith.constant 0 : i32
        %dma_start3A_176 = tpu.memref_slice %arg5[%add3A_161, %dma_start3A_175] : memref<100096x16xf32, #tpu.memory_space<hbm>> -> memref<656x16xf32, #tpu.memory_space<hbm>>
        %dma_start3A_177 = arith.constant 0 : i32
        %dma_start3A_178 = tpu.memref_slice %arg5[%add3A_161, %dma_start3A_177] : memref<100096x16xf32, #tpu.memory_space<hbm>> -> memref<656x16xf32, #tpu.memory_space<hbm>>
        %dma_start3A_179 = arith.constant 0 : i32
        %dma_start3A_180 = arith.constant 0 : i32
        %dma_start3A_181 = tpu.memref_slice %arg10[%dma_start3A_179, %dma_start3A_180] : memref<800x16xf32, #tpu.memory_space<vmem>> -> memref<656x16xf32, #tpu.memory_space<vmem>>
        tpu.enqueue_dma source(%dma_start3A_181 : memref<656x16xf32, #tpu.memory_space<vmem>>) target(%dma_start3A_178 : memref<656x16xf32, #tpu.memory_space<hbm>>) target_semaphore(%run_scoped3A : memref<!tpu.dma_semaphore, #tpu.memory_space<semaphore_mem>>)
        %dma_wait3A_182 = arith.constant 0 : i32
        %dma_wait3A_183 = arith.constant 0 : i32
        %dma_wait3A_184 = tpu.memref_slice %arg10[%dma_wait3A_182, %dma_wait3A_183] : memref<800x16xf32, #tpu.memory_space<vmem>> -> memref<656x16xf32, #tpu.memory_space<vmem>>
        %dma_wait3A_185 = arith.constant 0 : i32
        %dma_wait3A_186 = tpu.memref_slice %arg5[%add3A_161, %dma_wait3A_185] : memref<100096x16xf32, #tpu.memory_space<hbm>> -> memref<656x16xf32, #tpu.memory_space<hbm>>
        %dma_wait3A_187 = arith.constant 0 : i32
        %dma_wait3A_188 = tpu.memref_slice %arg5[%add3A_161, %dma_wait3A_187] : memref<100096x16xf32, #tpu.memory_space<hbm>> -> memref<656x16xf32, #tpu.memory_space<hbm>>
        %dma_wait3A_189 = arith.constant 0 : i32
        %dma_wait3A_190 = arith.constant 0 : i32
        %dma_wait3A_191 = tpu.memref_slice %arg10[%dma_wait3A_189, %dma_wait3A_190] : memref<800x16xf32, #tpu.memory_space<vmem>> -> memref<656x16xf32, #tpu.memory_space<vmem>>
        tpu.wait_dma2 semaphore(%run_scoped3A : memref<!tpu.dma_semaphore, #tpu.memory_space<semaphore_mem>>) src(%dma_wait3A_191 : memref<656x16xf32, #tpu.memory_space<vmem>>) dst(%dma_wait3A_188 : memref<656x16xf32, #tpu.memory_space<hbm>>)
        tpu.yield
      }) : () -> ()
    } else {
    }
    %eq3A_167 = arith.constant 1 : i32
    %eq3A_168 = arith.cmpi eq, %arg0, %eq3A_167 : i32
    %convert_element_type3A_169 = arith.extui %eq3A_168 : i1 to i32
    %cond3A_170 = arith.constant 0 : i32
    %cond3A_171 = arith.cmpi ne, %convert_element_type3A_169, %cond3A_170 : i32
    scf.if %cond3A_171 {
      "tpu.region"() ({
        %run_scoped3A = tpu.sem_alloc : memref<!tpu.dma_semaphore, #tpu.memory_space<semaphore_mem>>
        %dma_start3A_172 = arith.constant 0 : i32
        %dma_start3A_173 = arith.constant 0 : i32
        %dma_start3A_174 = tpu.memref_slice %arg10[%dma_start3A_172, %dma_start3A_173] : memref<800x16xf32, #tpu.memory_space<vmem>> -> memref<656x16xf32, #tpu.memory_space<vmem>>
        %dma_start3A_175 = arith.constant 0 : i32
        %dma_start3A_176 = tpu.memref_slice %arg6[%add3A_161, %dma_start3A_175] : memref<100096x16xf32, #tpu.memory_space<hbm>> -> memref<656x16xf32, #tpu.memory_space<hbm>>
        %dma_start3A_177 = arith.constant 0 : i32
        %dma_start3A_178 = tpu.memref_slice %arg6[%add3A_161, %dma_start3A_177] : memref<100096x16xf32, #tpu.memory_space<hbm>> -> memref<656x16xf32, #tpu.memory_space<hbm>>
        %dma_start3A_179 = arith.constant 0 : i32
        %dma_start3A_180 = arith.constant 0 : i32
        %dma_start3A_181 = tpu.memref_slice %arg10[%dma_start3A_179, %dma_start3A_180] : memref<800x16xf32, #tpu.memory_space<vmem>> -> memref<656x16xf32, #tpu.memory_space<vmem>>
        tpu.enqueue_dma source(%dma_start3A_181 : memref<656x16xf32, #tpu.memory_space<vmem>>) target(%dma_start3A_178 : memref<656x16xf32, #tpu.memory_space<hbm>>) target_semaphore(%run_scoped3A : memref<!tpu.dma_semaphore, #tpu.memory_space<semaphore_mem>>)
        %dma_wait3A_182 = arith.constant 0 : i32
        %dma_wait3A_183 = arith.constant 0 : i32
        %dma_wait3A_184 = tpu.memref_slice %arg10[%dma_wait3A_182, %dma_wait3A_183] : memref<800x16xf32, #tpu.memory_space<vmem>> -> memref<656x16xf32, #tpu.memory_space<vmem>>
        %dma_wait3A_185 = arith.constant 0 : i32
        %dma_wait3A_186 = tpu.memref_slice %arg6[%add3A_161, %dma_wait3A_185] : memref<100096x16xf32, #tpu.memory_space<hbm>> -> memref<656x16xf32, #tpu.memory_space<hbm>>
        %dma_wait3A_187 = arith.constant 0 : i32
        %dma_wait3A_188 = tpu.memref_slice %arg6[%add3A_161, %dma_wait3A_187] : memref<100096x16xf32, #tpu.memory_space<hbm>> -> memref<656x16xf32, #tpu.memory_space<hbm>>
        %dma_wait3A_189 = arith.constant 0 : i32
        %dma_wait3A_190 = arith.constant 0 : i32
        %dma_wait3A_191 = tpu.memref_slice %arg10[%dma_wait3A_189, %dma_wait3A_190] : memref<800x16xf32, #tpu.memory_space<vmem>> -> memref<656x16xf32, #tpu.memory_space<vmem>>
        tpu.wait_dma2 semaphore(%run_scoped3A : memref<!tpu.dma_semaphore, #tpu.memory_space<semaphore_mem>>) src(%dma_wait3A_191 : memref<656x16xf32, #tpu.memory_space<vmem>>) dst(%dma_wait3A_188 : memref<656x16xf32, #tpu.memory_space<hbm>>)
        tpu.yield
      }) : () -> ()
    } else {
    }
    return
  }
}

#map = affine_map<(d0, d1) -> (0)>
module attributes {stable_mosaic.version = 14 : i64} {
  func.func @_deg_kernel(%arg0: i32, %arg1: i32, %arg2: memref<3200000xi32, #tpu.memory_space<hbm>>, %arg3: memref<200192xf32, #tpu.memory_space<hbm>>, %arg4: memref<100096xf32, #tpu.memory_space<vmem_shared>>, %arg5: memref<1000xi32, #tpu.memory_space<vmem>>, %arg6: memref<1000xi32, #tpu.memory_space<vmem>>, %arg7: memref<1000xf32, #tpu.memory_space<vmem>>, %arg8: memref<1000xf32, #tpu.memory_space<vmem>>, %arg9: memref<!tpu.dma_semaphore, #tpu.memory_space<semaphore_mem>>, %arg10: memref<!tpu.dma_semaphore, #tpu.memory_space<semaphore_mem>>) attributes {dimension_semantics = [#tpu.dimension_semantics<core_parallel>, #tpu.dimension_semantics<subcore_parallel>], iteration_bounds = array<i64: 2, 16>, scalar_prefetch = 0 : i64, scratch_operands = 7 : i64, tpu.core_type = #tpu.core_type<sc_vector_subcore>, window_params = [{transform_indices = #map}, {transform_indices = #map}]} {
    %mul3A = arith.constant 2 : i32
    %mul3A_0 = arith.muli %arg1, %mul3A : i32
    %add3A = arith.addi %mul3A_0, %arg0 : i32
    %broadcast_in_dim3A = arith.constant 1.000000e+00 : f32
    %broadcast_in_dim3A_1 = vector.broadcast %broadcast_in_dim3A : f32 to vector<16xf32>
    %swap3A = arith.constant 0 : index
    %swap3A_2 = tpu.vector_load %arg7[%swap3A] {strides = array<i32>} : memref<1000xf32, #tpu.memory_space<vmem>>, vector<16xf32>,
    %swap3A_3 = vector.shape_cast %swap3A_2 : vector<16xf32> to vector<16xf32>
    %swap3A_4 = vector.shape_cast %broadcast_in_dim3A_1 : vector<16xf32> to vector<16xf32>
    tpu.vector_store %arg7[%swap3A], %swap3A_4 {strides = array<i32>} : memref<1000xf32, #tpu.memory_space<vmem>>, vector<16xf32>,
    %swap3A_5 = arith.constant 16 : index
    %swap3A_6 = tpu.vector_load %arg7[%swap3A_5] {strides = array<i32>} : memref<1000xf32, #tpu.memory_space<vmem>>, vector<16xf32>,
    %swap3A_7 = vector.shape_cast %swap3A_6 : vector<16xf32> to vector<16xf32>
    %swap3A_8 = vector.shape_cast %broadcast_in_dim3A_1 : vector<16xf32> to vector<16xf32>
    tpu.vector_store %arg7[%swap3A_5], %swap3A_8 {strides = array<i32>} : memref<1000xf32, #tpu.memory_space<vmem>>, vector<16xf32>,
    %swap3A_9 = arith.constant 32 : index
    %swap3A_10 = tpu.vector_load %arg7[%swap3A_9] {strides = array<i32>} : memref<1000xf32, #tpu.memory_space<vmem>>, vector<16xf32>,
    %swap3A_11 = vector.shape_cast %swap3A_10 : vector<16xf32> to vector<16xf32>
    %swap3A_12 = vector.shape_cast %broadcast_in_dim3A_1 : vector<16xf32> to vector<16xf32>
    tpu.vector_store %arg7[%swap3A_9], %swap3A_12 {strides = array<i32>} : memref<1000xf32, #tpu.memory_space<vmem>>, vector<16xf32>,
    %swap3A_13 = arith.constant 48 : index
    %swap3A_14 = tpu.vector_load %arg7[%swap3A_13] {strides = array<i32>} : memref<1000xf32, #tpu.memory_space<vmem>>, vector<16xf32>,
    %swap3A_15 = vector.shape_cast %swap3A_14 : vector<16xf32> to vector<16xf32>
    %swap3A_16 = vector.shape_cast %broadcast_in_dim3A_1 : vector<16xf32> to vector<16xf32>
    tpu.vector_store %arg7[%swap3A_13], %swap3A_16 {strides = array<i32>} : memref<1000xf32, #tpu.memory_space<vmem>>, vector<16xf32>,
    %swap3A_17 = arith.constant 64 : index
    %swap3A_18 = tpu.vector_load %arg7[%swap3A_17] {strides = array<i32>} : memref<1000xf32, #tpu.memory_space<vmem>>, vector<16xf32>,
    %swap3A_19 = vector.shape_cast %swap3A_18 : vector<16xf32> to vector<16xf32>
    %swap3A_20 = vector.shape_cast %broadcast_in_dim3A_1 : vector<16xf32> to vector<16xf32>
    tpu.vector_store %arg7[%swap3A_17], %swap3A_20 {strides = array<i32>} : memref<1000xf32, #tpu.memory_space<vmem>>, vector<16xf32>,
    %swap3A_21 = arith.constant 80 : index
    %swap3A_22 = tpu.vector_load %arg7[%swap3A_21] {strides = array<i32>} : memref<1000xf32, #tpu.memory_space<vmem>>, vector<16xf32>,
    %swap3A_23 = vector.shape_cast %swap3A_22 : vector<16xf32> to vector<16xf32>
    %swap3A_24 = vector.shape_cast %broadcast_in_dim3A_1 : vector<16xf32> to vector<16xf32>
    tpu.vector_store %arg7[%swap3A_21], %swap3A_24 {strides = array<i32>} : memref<1000xf32, #tpu.memory_space<vmem>>, vector<16xf32>,
    %swap3A_25 = arith.constant 96 : index
    %swap3A_26 = tpu.vector_load %arg7[%swap3A_25] {strides = array<i32>} : memref<1000xf32, #tpu.memory_space<vmem>>, vector<16xf32>,
    %swap3A_27 = vector.shape_cast %swap3A_26 : vector<16xf32> to vector<16xf32>
    %swap3A_28 = vector.shape_cast %broadcast_in_dim3A_1 : vector<16xf32> to vector<16xf32>
    tpu.vector_store %arg7[%swap3A_25], %swap3A_28 {strides = array<i32>} : memref<1000xf32, #tpu.memory_space<vmem>>, vector<16xf32>,
    %swap3A_29 = arith.constant 112 : index
    %swap3A_30 = tpu.vector_load %arg7[%swap3A_29] {strides = array<i32>} : memref<1000xf32, #tpu.memory_space<vmem>>, vector<16xf32>,
    %swap3A_31 = vector.shape_cast %swap3A_30 : vector<16xf32> to vector<16xf32>
    %swap3A_32 = vector.shape_cast %broadcast_in_dim3A_1 : vector<16xf32> to vector<16xf32>
    tpu.vector_store %arg7[%swap3A_29], %swap3A_32 {strides = array<i32>} : memref<1000xf32, #tpu.memory_space<vmem>>, vector<16xf32>,
    %swap3A_33 = arith.constant 128 : index
    %swap3A_34 = tpu.vector_load %arg7[%swap3A_33] {strides = array<i32>} : memref<1000xf32, #tpu.memory_space<vmem>>, vector<16xf32>,
    %swap3A_35 = vector.shape_cast %swap3A_34 : vector<16xf32> to vector<16xf32>
    %swap3A_36 = vector.shape_cast %broadcast_in_dim3A_1 : vector<16xf32> to vector<16xf32>
    tpu.vector_store %arg7[%swap3A_33], %swap3A_36 {strides = array<i32>} : memref<1000xf32, #tpu.memory_space<vmem>>, vector<16xf32>,
    %swap3A_37 = arith.constant 144 : index
    %swap3A_38 = tpu.vector_load %arg7[%swap3A_37] {strides = array<i32>} : memref<1000xf32, #tpu.memory_space<vmem>>, vector<16xf32>,
    %swap3A_39 = vector.shape_cast %swap3A_38 : vector<16xf32> to vector<16xf32>
    %swap3A_40 = vector.shape_cast %broadcast_in_dim3A_1 : vector<16xf32> to vector<16xf32>
    tpu.vector_store %arg7[%swap3A_37], %swap3A_40 {strides = array<i32>} : memref<1000xf32, #tpu.memory_space<vmem>>, vector<16xf32>,
    %swap3A_41 = arith.constant 160 : index
    %swap3A_42 = tpu.vector_load %arg7[%swap3A_41] {strides = array<i32>} : memref<1000xf32, #tpu.memory_space<vmem>>, vector<16xf32>,
    %swap3A_43 = vector.shape_cast %swap3A_42 : vector<16xf32> to vector<16xf32>
    %swap3A_44 = vector.shape_cast %broadcast_in_dim3A_1 : vector<16xf32> to vector<16xf32>
    tpu.vector_store %arg7[%swap3A_41], %swap3A_44 {strides = array<i32>} : memref<1000xf32, #tpu.memory_space<vmem>>, vector<16xf32>,
    %swap3A_45 = arith.constant 176 : index
    %swap3A_46 = tpu.vector_load %arg7[%swap3A_45] {strides = array<i32>} : memref<1000xf32, #tpu.memory_space<vmem>>, vector<16xf32>,
    %swap3A_47 = vector.shape_cast %swap3A_46 : vector<16xf32> to vector<16xf32>
    %swap3A_48 = vector.shape_cast %broadcast_in_dim3A_1 : vector<16xf32> to vector<16xf32>
    tpu.vector_store %arg7[%swap3A_45], %swap3A_48 {strides = array<i32>} : memref<1000xf32, #tpu.memory_space<vmem>>, vector<16xf32>,
    %swap3A_49 = arith.constant 192 : index
    %swap3A_50 = tpu.vector_load %arg7[%swap3A_49] {strides = array<i32>} : memref<1000xf32, #tpu.memory_space<vmem>>, vector<16xf32>,
    %swap3A_51 = vector.shape_cast %swap3A_50 : vector<16xf32> to vector<16xf32>
    %swap3A_52 = vector.shape_cast %broadcast_in_dim3A_1 : vector<16xf32> to vector<16xf32>
    tpu.vector_store %arg7[%swap3A_49], %swap3A_52 {strides = array<i32>} : memref<1000xf32, #tpu.memory_space<vmem>>, vector<16xf32>,
    %swap3A_53 = arith.constant 208 : index
    %swap3A_54 = tpu.vector_load %arg7[%swap3A_53] {strides = array<i32>} : memref<1000xf32, #tpu.memory_space<vmem>>, vector<16xf32>,
    %swap3A_55 = vector.shape_cast %swap3A_54 : vector<16xf32> to vector<16xf32>
    %swap3A_56 = vector.shape_cast %broadcast_in_dim3A_1 : vector<16xf32> to vector<16xf32>
    tpu.vector_store %arg7[%swap3A_53], %swap3A_56 {strides = array<i32>} : memref<1000xf32, #tpu.memory_space<vmem>>, vector<16xf32>,
    %swap3A_57 = arith.constant 224 : index
    %swap3A_58 = tpu.vector_load %arg7[%swap3A_57] {strides = array<i32>} : memref<1000xf32, #tpu.memory_space<vmem>>, vector<16xf32>,
    %swap3A_59 = vector.shape_cast %swap3A_58 : vector<16xf32> to vector<16xf32>
    %swap3A_60 = vector.shape_cast %broadcast_in_dim3A_1 : vector<16xf32> to vector<16xf32>
    tpu.vector_store %arg7[%swap3A_57], %swap3A_60 {strides = array<i32>} : memref<1000xf32, #tpu.memory_space<vmem>>, vector<16xf32>,
    %swap3A_61 = arith.constant 240 : index
    %swap3A_62 = tpu.vector_load %arg7[%swap3A_61] {strides = array<i32>} : memref<1000xf32, #tpu.memory_space<vmem>>, vector<16xf32>,
    %swap3A_63 = vector.shape_cast %swap3A_62 : vector<16xf32> to vector<16xf32>
    %swap3A_64 = vector.shape_cast %broadcast_in_dim3A_1 : vector<16xf32> to vector<16xf32>
    tpu.vector_store %arg7[%swap3A_61], %swap3A_64 {strides = array<i32>} : memref<1000xf32, #tpu.memory_space<vmem>>, vector<16xf32>,
    %swap3A_65 = arith.constant 256 : index
    %swap3A_66 = tpu.vector_load %arg7[%swap3A_65] {strides = array<i32>} : memref<1000xf32, #tpu.memory_space<vmem>>, vector<16xf32>,
    %swap3A_67 = vector.shape_cast %swap3A_66 : vector<16xf32> to vector<16xf32>
    %swap3A_68 = vector.shape_cast %broadcast_in_dim3A_1 : vector<16xf32> to vector<16xf32>
    tpu.vector_store %arg7[%swap3A_65], %swap3A_68 {strides = array<i32>} : memref<1000xf32, #tpu.memory_space<vmem>>, vector<16xf32>,
    %swap3A_69 = arith.constant 272 : index
    %swap3A_70 = tpu.vector_load %arg7[%swap3A_69] {strides = array<i32>} : memref<1000xf32, #tpu.memory_space<vmem>>, vector<16xf32>,
    %swap3A_71 = vector.shape_cast %swap3A_70 : vector<16xf32> to vector<16xf32>
    %swap3A_72 = vector.shape_cast %broadcast_in_dim3A_1 : vector<16xf32> to vector<16xf32>
    tpu.vector_store %arg7[%swap3A_69], %swap3A_72 {strides = array<i32>} : memref<1000xf32, #tpu.memory_space<vmem>>, vector<16xf32>,
    %swap3A_73 = arith.constant 288 : index
    %swap3A_74 = tpu.vector_load %arg7[%swap3A_73] {strides = array<i32>} : memref<1000xf32, #tpu.memory_space<vmem>>, vector<16xf32>,
    %swap3A_75 = vector.shape_cast %swap3A_74 : vector<16xf32> to vector<16xf32>
    %swap3A_76 = vector.shape_cast %broadcast_in_dim3A_1 : vector<16xf32> to vector<16xf32>
    tpu.vector_store %arg7[%swap3A_73], %swap3A_76 {strides = array<i32>} : memref<1000xf32, #tpu.memory_space<vmem>>, vector<16xf32>,
    %swap3A_77 = arith.constant 304 : index
    %swap3A_78 = tpu.vector_load %arg7[%swap3A_77] {strides = array<i32>} : memref<1000xf32, #tpu.memory_space<vmem>>, vector<16xf32>,
    %swap3A_79 = vector.shape_cast %swap3A_78 : vector<16xf32> to vector<16xf32>
    %swap3A_80 = vector.shape_cast %broadcast_in_dim3A_1 : vector<16xf32> to vector<16xf32>
    tpu.vector_store %arg7[%swap3A_77], %swap3A_80 {strides = array<i32>} : memref<1000xf32, #tpu.memory_space<vmem>>, vector<16xf32>,
    %swap3A_81 = arith.constant 320 : index
    %swap3A_82 = tpu.vector_load %arg7[%swap3A_81] {strides = array<i32>} : memref<1000xf32, #tpu.memory_space<vmem>>, vector<16xf32>,
    %swap3A_83 = vector.shape_cast %swap3A_82 : vector<16xf32> to vector<16xf32>
    %swap3A_84 = vector.shape_cast %broadcast_in_dim3A_1 : vector<16xf32> to vector<16xf32>
    tpu.vector_store %arg7[%swap3A_81], %swap3A_84 {strides = array<i32>} : memref<1000xf32, #tpu.memory_space<vmem>>, vector<16xf32>,
    %swap3A_85 = arith.constant 336 : index
    %swap3A_86 = tpu.vector_load %arg7[%swap3A_85] {strides = array<i32>} : memref<1000xf32, #tpu.memory_space<vmem>>, vector<16xf32>,
    %swap3A_87 = vector.shape_cast %swap3A_86 : vector<16xf32> to vector<16xf32>
    %swap3A_88 = vector.shape_cast %broadcast_in_dim3A_1 : vector<16xf32> to vector<16xf32>
    tpu.vector_store %arg7[%swap3A_85], %swap3A_88 {strides = array<i32>} : memref<1000xf32, #tpu.memory_space<vmem>>, vector<16xf32>,
    %swap3A_89 = arith.constant 352 : index
    %swap3A_90 = tpu.vector_load %arg7[%swap3A_89] {strides = array<i32>} : memref<1000xf32, #tpu.memory_space<vmem>>, vector<16xf32>,
    %swap3A_91 = vector.shape_cast %swap3A_90 : vector<16xf32> to vector<16xf32>
    %swap3A_92 = vector.shape_cast %broadcast_in_dim3A_1 : vector<16xf32> to vector<16xf32>
    tpu.vector_store %arg7[%swap3A_89], %swap3A_92 {strides = array<i32>} : memref<1000xf32, #tpu.memory_space<vmem>>, vector<16xf32>,
    %swap3A_93 = arith.constant 368 : index
    %swap3A_94 = tpu.vector_load %arg7[%swap3A_93] {strides = array<i32>} : memref<1000xf32, #tpu.memory_space<vmem>>, vector<16xf32>,
    %swap3A_95 = vector.shape_cast %swap3A_94 : vector<16xf32> to vector<16xf32>
    %swap3A_96 = vector.shape_cast %broadcast_in_dim3A_1 : vector<16xf32> to vector<16xf32>
    tpu.vector_store %arg7[%swap3A_93], %swap3A_96 {strides = array<i32>} : memref<1000xf32, #tpu.memory_space<vmem>>, vector<16xf32>,
    %swap3A_97 = arith.constant 384 : index
    %swap3A_98 = tpu.vector_load %arg7[%swap3A_97] {strides = array<i32>} : memref<1000xf32, #tpu.memory_space<vmem>>, vector<16xf32>,
    %swap3A_99 = vector.shape_cast %swap3A_98 : vector<16xf32> to vector<16xf32>
    %swap3A_100 = vector.shape_cast %broadcast_in_dim3A_1 : vector<16xf32> to vector<16xf32>
    tpu.vector_store %arg7[%swap3A_97], %swap3A_100 {strides = array<i32>} : memref<1000xf32, #tpu.memory_space<vmem>>, vector<16xf32>,
    %swap3A_101 = arith.constant 400 : index
    %swap3A_102 = tpu.vector_load %arg7[%swap3A_101] {strides = array<i32>} : memref<1000xf32, #tpu.memory_space<vmem>>, vector<16xf32>,
    %swap3A_103 = vector.shape_cast %swap3A_102 : vector<16xf32> to vector<16xf32>
    %swap3A_104 = vector.shape_cast %broadcast_in_dim3A_1 : vector<16xf32> to vector<16xf32>
    tpu.vector_store %arg7[%swap3A_101], %swap3A_104 {strides = array<i32>} : memref<1000xf32, #tpu.memory_space<vmem>>, vector<16xf32>,
    %swap3A_105 = arith.constant 416 : index
    %swap3A_106 = tpu.vector_load %arg7[%swap3A_105] {strides = array<i32>} : memref<1000xf32, #tpu.memory_space<vmem>>, vector<16xf32>,
    %swap3A_107 = vector.shape_cast %swap3A_106 : vector<16xf32> to vector<16xf32>
    %swap3A_108 = vector.shape_cast %broadcast_in_dim3A_1 : vector<16xf32> to vector<16xf32>
    tpu.vector_store %arg7[%swap3A_105], %swap3A_108 {strides = array<i32>} : memref<1000xf32, #tpu.memory_space<vmem>>, vector<16xf32>,
    %swap3A_109 = arith.constant 432 : index
    %swap3A_110 = tpu.vector_load %arg7[%swap3A_109] {strides = array<i32>} : memref<1000xf32, #tpu.memory_space<vmem>>, vector<16xf32>,
    %swap3A_111 = vector.shape_cast %swap3A_110 : vector<16xf32> to vector<16xf32>
    %swap3A_112 = vector.shape_cast %broadcast_in_dim3A_1 : vector<16xf32> to vector<16xf32>
    tpu.vector_store %arg7[%swap3A_109], %swap3A_112 {strides = array<i32>} : memref<1000xf32, #tpu.memory_space<vmem>>, vector<16xf32>,
    %swap3A_113 = arith.constant 448 : index
    %swap3A_114 = tpu.vector_load %arg7[%swap3A_113] {strides = array<i32>} : memref<1000xf32, #tpu.memory_space<vmem>>, vector<16xf32>,
    %swap3A_115 = vector.shape_cast %swap3A_114 : vector<16xf32> to vector<16xf32>
    %swap3A_116 = vector.shape_cast %broadcast_in_dim3A_1 : vector<16xf32> to vector<16xf32>
    tpu.vector_store %arg7[%swap3A_113], %swap3A_116 {strides = array<i32>} : memref<1000xf32, #tpu.memory_space<vmem>>, vector<16xf32>,
    %swap3A_117 = arith.constant 464 : index
    %swap3A_118 = tpu.vector_load %arg7[%swap3A_117] {strides = array<i32>} : memref<1000xf32, #tpu.memory_space<vmem>>, vector<16xf32>,
    %swap3A_119 = vector.shape_cast %swap3A_118 : vector<16xf32> to vector<16xf32>
    %swap3A_120 = vector.shape_cast %broadcast_in_dim3A_1 : vector<16xf32> to vector<16xf32>
    tpu.vector_store %arg7[%swap3A_117], %swap3A_120 {strides = array<i32>} : memref<1000xf32, #tpu.memory_space<vmem>>, vector<16xf32>,
    %swap3A_121 = arith.constant 480 : index
    %swap3A_122 = tpu.vector_load %arg7[%swap3A_121] {strides = array<i32>} : memref<1000xf32, #tpu.memory_space<vmem>>, vector<16xf32>,
    %swap3A_123 = vector.shape_cast %swap3A_122 : vector<16xf32> to vector<16xf32>
    %swap3A_124 = vector.shape_cast %broadcast_in_dim3A_1 : vector<16xf32> to vector<16xf32>
    tpu.vector_store %arg7[%swap3A_121], %swap3A_124 {strides = array<i32>} : memref<1000xf32, #tpu.memory_space<vmem>>, vector<16xf32>,
    %swap3A_125 = arith.constant 496 : index
    %swap3A_126 = tpu.vector_load %arg7[%swap3A_125] {strides = array<i32>} : memref<1000xf32, #tpu.memory_space<vmem>>, vector<16xf32>,
    %swap3A_127 = vector.shape_cast %swap3A_126 : vector<16xf32> to vector<16xf32>
    %swap3A_128 = vector.shape_cast %broadcast_in_dim3A_1 : vector<16xf32> to vector<16xf32>
    tpu.vector_store %arg7[%swap3A_125], %swap3A_128 {strides = array<i32>} : memref<1000xf32, #tpu.memory_space<vmem>>, vector<16xf32>,
    %swap3A_129 = arith.constant 512 : index
    %swap3A_130 = tpu.vector_load %arg7[%swap3A_129] {strides = array<i32>} : memref<1000xf32, #tpu.memory_space<vmem>>, vector<16xf32>,
    %swap3A_131 = vector.shape_cast %swap3A_130 : vector<16xf32> to vector<16xf32>
    %swap3A_132 = vector.shape_cast %broadcast_in_dim3A_1 : vector<16xf32> to vector<16xf32>
    tpu.vector_store %arg7[%swap3A_129], %swap3A_132 {strides = array<i32>} : memref<1000xf32, #tpu.memory_space<vmem>>, vector<16xf32>,
    %swap3A_133 = arith.constant 528 : index
    %swap3A_134 = tpu.vector_load %arg7[%swap3A_133] {strides = array<i32>} : memref<1000xf32, #tpu.memory_space<vmem>>, vector<16xf32>,
    %swap3A_135 = vector.shape_cast %swap3A_134 : vector<16xf32> to vector<16xf32>
    %swap3A_136 = vector.shape_cast %broadcast_in_dim3A_1 : vector<16xf32> to vector<16xf32>
    tpu.vector_store %arg7[%swap3A_133], %swap3A_136 {strides = array<i32>} : memref<1000xf32, #tpu.memory_space<vmem>>, vector<16xf32>,
    %swap3A_137 = arith.constant 544 : index
    %swap3A_138 = tpu.vector_load %arg7[%swap3A_137] {strides = array<i32>} : memref<1000xf32, #tpu.memory_space<vmem>>, vector<16xf32>,
    %swap3A_139 = vector.shape_cast %swap3A_138 : vector<16xf32> to vector<16xf32>
    %swap3A_140 = vector.shape_cast %broadcast_in_dim3A_1 : vector<16xf32> to vector<16xf32>
    tpu.vector_store %arg7[%swap3A_137], %swap3A_140 {strides = array<i32>} : memref<1000xf32, #tpu.memory_space<vmem>>, vector<16xf32>,
    %swap3A_141 = arith.constant 560 : index
    %swap3A_142 = tpu.vector_load %arg7[%swap3A_141] {strides = array<i32>} : memref<1000xf32, #tpu.memory_space<vmem>>, vector<16xf32>,
    %swap3A_143 = vector.shape_cast %swap3A_142 : vector<16xf32> to vector<16xf32>
    %swap3A_144 = vector.shape_cast %broadcast_in_dim3A_1 : vector<16xf32> to vector<16xf32>
    tpu.vector_store %arg7[%swap3A_141], %swap3A_144 {strides = array<i32>} : memref<1000xf32, #tpu.memory_space<vmem>>, vector<16xf32>,
    %swap3A_145 = arith.constant 576 : index
    %swap3A_146 = tpu.vector_load %arg7[%swap3A_145] {strides = array<i32>} : memref<1000xf32, #tpu.memory_space<vmem>>, vector<16xf32>,
    %swap3A_147 = vector.shape_cast %swap3A_146 : vector<16xf32> to vector<16xf32>
    %swap3A_148 = vector.shape_cast %broadcast_in_dim3A_1 : vector<16xf32> to vector<16xf32>
    tpu.vector_store %arg7[%swap3A_145], %swap3A_148 {strides = array<i32>} : memref<1000xf32, #tpu.memory_space<vmem>>, vector<16xf32>,
    %swap3A_149 = arith.constant 592 : index
    %swap3A_150 = tpu.vector_load %arg7[%swap3A_149] {strides = array<i32>} : memref<1000xf32, #tpu.memory_space<vmem>>, vector<16xf32>,
    %swap3A_151 = vector.shape_cast %swap3A_150 : vector<16xf32> to vector<16xf32>
    %swap3A_152 = vector.shape_cast %broadcast_in_dim3A_1 : vector<16xf32> to vector<16xf32>
    tpu.vector_store %arg7[%swap3A_149], %swap3A_152 {strides = array<i32>} : memref<1000xf32, #tpu.memory_space<vmem>>, vector<16xf32>,
    %swap3A_153 = arith.constant 608 : index
    %swap3A_154 = tpu.vector_load %arg7[%swap3A_153] {strides = array<i32>} : memref<1000xf32, #tpu.memory_space<vmem>>, vector<16xf32>,
    %swap3A_155 = vector.shape_cast %swap3A_154 : vector<16xf32> to vector<16xf32>
    %swap3A_156 = vector.shape_cast %broadcast_in_dim3A_1 : vector<16xf32> to vector<16xf32>
    tpu.vector_store %arg7[%swap3A_153], %swap3A_156 {strides = array<i32>} : memref<1000xf32, #tpu.memory_space<vmem>>, vector<16xf32>,
    %swap3A_157 = arith.constant 624 : index
    %swap3A_158 = tpu.vector_load %arg7[%swap3A_157] {strides = array<i32>} : memref<1000xf32, #tpu.memory_space<vmem>>, vector<16xf32>,
    %swap3A_159 = vector.shape_cast %swap3A_158 : vector<16xf32> to vector<16xf32>
    %swap3A_160 = vector.shape_cast %broadcast_in_dim3A_1 : vector<16xf32> to vector<16xf32>
    tpu.vector_store %arg7[%swap3A_157], %swap3A_160 {strides = array<i32>} : memref<1000xf32, #tpu.memory_space<vmem>>, vector<16xf32>,
    %swap3A_161 = arith.constant 640 : index
    %swap3A_162 = tpu.vector_load %arg7[%swap3A_161] {strides = array<i32>} : memref<1000xf32, #tpu.memory_space<vmem>>, vector<16xf32>,
    %swap3A_163 = vector.shape_cast %swap3A_162 : vector<16xf32> to vector<16xf32>
    %swap3A_164 = vector.shape_cast %broadcast_in_dim3A_1 : vector<16xf32> to vector<16xf32>
    tpu.vector_store %arg7[%swap3A_161], %swap3A_164 {strides = array<i32>} : memref<1000xf32, #tpu.memory_space<vmem>>, vector<16xf32>,
    %swap3A_165 = arith.constant 656 : index
    %swap3A_166 = tpu.vector_load %arg7[%swap3A_165] {strides = array<i32>} : memref<1000xf32, #tpu.memory_space<vmem>>, vector<16xf32>,
    %swap3A_167 = vector.shape_cast %swap3A_166 : vector<16xf32> to vector<16xf32>
    %swap3A_168 = vector.shape_cast %broadcast_in_dim3A_1 : vector<16xf32> to vector<16xf32>
    tpu.vector_store %arg7[%swap3A_165], %swap3A_168 {strides = array<i32>} : memref<1000xf32, #tpu.memory_space<vmem>>, vector<16xf32>,
    %swap3A_169 = arith.constant 672 : index
    %swap3A_170 = tpu.vector_load %arg7[%swap3A_169] {strides = array<i32>} : memref<1000xf32, #tpu.memory_space<vmem>>, vector<16xf32>,
    %swap3A_171 = vector.shape_cast %swap3A_170 : vector<16xf32> to vector<16xf32>
    %swap3A_172 = vector.shape_cast %broadcast_in_dim3A_1 : vector<16xf32> to vector<16xf32>
    tpu.vector_store %arg7[%swap3A_169], %swap3A_172 {strides = array<i32>} : memref<1000xf32, #tpu.memory_space<vmem>>, vector<16xf32>,
    %swap3A_173 = arith.constant 688 : index
    %swap3A_174 = tpu.vector_load %arg7[%swap3A_173] {strides = array<i32>} : memref<1000xf32, #tpu.memory_space<vmem>>, vector<16xf32>,
    %swap3A_175 = vector.shape_cast %swap3A_174 : vector<16xf32> to vector<16xf32>
    %swap3A_176 = vector.shape_cast %broadcast_in_dim3A_1 : vector<16xf32> to vector<16xf32>
    tpu.vector_store %arg7[%swap3A_173], %swap3A_176 {strides = array<i32>} : memref<1000xf32, #tpu.memory_space<vmem>>, vector<16xf32>,
    %swap3A_177 = arith.constant 704 : index
    %swap3A_178 = tpu.vector_load %arg7[%swap3A_177] {strides = array<i32>} : memref<1000xf32, #tpu.memory_space<vmem>>, vector<16xf32>,
    %swap3A_179 = vector.shape_cast %swap3A_178 : vector<16xf32> to vector<16xf32>
    %swap3A_180 = vector.shape_cast %broadcast_in_dim3A_1 : vector<16xf32> to vector<16xf32>
    tpu.vector_store %arg7[%swap3A_177], %swap3A_180 {strides = array<i32>} : memref<1000xf32, #tpu.memory_space<vmem>>, vector<16xf32>,
    %swap3A_181 = arith.constant 720 : index
    %swap3A_182 = tpu.vector_load %arg7[%swap3A_181] {strides = array<i32>} : memref<1000xf32, #tpu.memory_space<vmem>>, vector<16xf32>,
    %swap3A_183 = vector.shape_cast %swap3A_182 : vector<16xf32> to vector<16xf32>
    %swap3A_184 = vector.shape_cast %broadcast_in_dim3A_1 : vector<16xf32> to vector<16xf32>
    tpu.vector_store %arg7[%swap3A_181], %swap3A_184 {strides = array<i32>} : memref<1000xf32, #tpu.memory_space<vmem>>, vector<16xf32>,
    %swap3A_185 = arith.constant 736 : index
    %swap3A_186 = tpu.vector_load %arg7[%swap3A_185] {strides = array<i32>} : memref<1000xf32, #tpu.memory_space<vmem>>, vector<16xf32>,
    %swap3A_187 = vector.shape_cast %swap3A_186 : vector<16xf32> to vector<16xf32>
    %swap3A_188 = vector.shape_cast %broadcast_in_dim3A_1 : vector<16xf32> to vector<16xf32>
    tpu.vector_store %arg7[%swap3A_185], %swap3A_188 {strides = array<i32>} : memref<1000xf32, #tpu.memory_space<vmem>>, vector<16xf32>,
    %swap3A_189 = arith.constant 752 : index
    %swap3A_190 = tpu.vector_load %arg7[%swap3A_189] {strides = array<i32>} : memref<1000xf32, #tpu.memory_space<vmem>>, vector<16xf32>,
    %swap3A_191 = vector.shape_cast %swap3A_190 : vector<16xf32> to vector<16xf32>
    %swap3A_192 = vector.shape_cast %broadcast_in_dim3A_1 : vector<16xf32> to vector<16xf32>
    tpu.vector_store %arg7[%swap3A_189], %swap3A_192 {strides = array<i32>} : memref<1000xf32, #tpu.memory_space<vmem>>, vector<16xf32>,
    %swap3A_193 = arith.constant 768 : index
    %swap3A_194 = tpu.vector_load %arg7[%swap3A_193] {strides = array<i32>} : memref<1000xf32, #tpu.memory_space<vmem>>, vector<16xf32>,
    %swap3A_195 = vector.shape_cast %swap3A_194 : vector<16xf32> to vector<16xf32>
    %swap3A_196 = vector.shape_cast %broadcast_in_dim3A_1 : vector<16xf32> to vector<16xf32>
    tpu.vector_store %arg7[%swap3A_193], %swap3A_196 {strides = array<i32>} : memref<1000xf32, #tpu.memory_space<vmem>>, vector<16xf32>,
    %swap3A_197 = arith.constant 784 : index
    %swap3A_198 = tpu.vector_load %arg7[%swap3A_197] {strides = array<i32>} : memref<1000xf32, #tpu.memory_space<vmem>>, vector<16xf32>,
    %swap3A_199 = vector.shape_cast %swap3A_198 : vector<16xf32> to vector<16xf32>
    %swap3A_200 = vector.shape_cast %broadcast_in_dim3A_1 : vector<16xf32> to vector<16xf32>
    tpu.vector_store %arg7[%swap3A_197], %swap3A_200 {strides = array<i32>} : memref<1000xf32, #tpu.memory_space<vmem>>, vector<16xf32>,
    %swap3A_201 = arith.constant 800 : index
    %swap3A_202 = tpu.vector_load %arg7[%swap3A_201] {strides = array<i32>} : memref<1000xf32, #tpu.memory_space<vmem>>, vector<16xf32>,
    %swap3A_203 = vector.shape_cast %swap3A_202 : vector<16xf32> to vector<16xf32>
    %swap3A_204 = vector.shape_cast %broadcast_in_dim3A_1 : vector<16xf32> to vector<16xf32>
    tpu.vector_store %arg7[%swap3A_201], %swap3A_204 {strides = array<i32>} : memref<1000xf32, #tpu.memory_space<vmem>>, vector<16xf32>,
    %swap3A_205 = arith.constant 816 : index
    %swap3A_206 = tpu.vector_load %arg7[%swap3A_205] {strides = array<i32>} : memref<1000xf32, #tpu.memory_space<vmem>>, vector<16xf32>,
    %swap3A_207 = vector.shape_cast %swap3A_206 : vector<16xf32> to vector<16xf32>
    %swap3A_208 = vector.shape_cast %broadcast_in_dim3A_1 : vector<16xf32> to vector<16xf32>
    tpu.vector_store %arg7[%swap3A_205], %swap3A_208 {strides = array<i32>} : memref<1000xf32, #tpu.memory_space<vmem>>, vector<16xf32>,
    %swap3A_209 = arith.constant 832 : index
    %swap3A_210 = tpu.vector_load %arg7[%swap3A_209] {strides = array<i32>} : memref<1000xf32, #tpu.memory_space<vmem>>, vector<16xf32>,
    %swap3A_211 = vector.shape_cast %swap3A_210 : vector<16xf32> to vector<16xf32>
    %swap3A_212 = vector.shape_cast %broadcast_in_dim3A_1 : vector<16xf32> to vector<16xf32>
    tpu.vector_store %arg7[%swap3A_209], %swap3A_212 {strides = array<i32>} : memref<1000xf32, #tpu.memory_space<vmem>>, vector<16xf32>,
    %swap3A_213 = arith.constant 848 : index
    %swap3A_214 = tpu.vector_load %arg7[%swap3A_213] {strides = array<i32>} : memref<1000xf32, #tpu.memory_space<vmem>>, vector<16xf32>,
    %swap3A_215 = vector.shape_cast %swap3A_214 : vector<16xf32> to vector<16xf32>
    %swap3A_216 = vector.shape_cast %broadcast_in_dim3A_1 : vector<16xf32> to vector<16xf32>
    tpu.vector_store %arg7[%swap3A_213], %swap3A_216 {strides = array<i32>} : memref<1000xf32, #tpu.memory_space<vmem>>, vector<16xf32>,
    %swap3A_217 = arith.constant 864 : index
    %swap3A_218 = tpu.vector_load %arg7[%swap3A_217] {strides = array<i32>} : memref<1000xf32, #tpu.memory_space<vmem>>, vector<16xf32>,
    %swap3A_219 = vector.shape_cast %swap3A_218 : vector<16xf32> to vector<16xf32>
    %swap3A_220 = vector.shape_cast %broadcast_in_dim3A_1 : vector<16xf32> to vector<16xf32>
    tpu.vector_store %arg7[%swap3A_217], %swap3A_220 {strides = array<i32>} : memref<1000xf32, #tpu.memory_space<vmem>>, vector<16xf32>,
    %swap3A_221 = arith.constant 880 : index
    %swap3A_222 = tpu.vector_load %arg7[%swap3A_221] {strides = array<i32>} : memref<1000xf32, #tpu.memory_space<vmem>>, vector<16xf32>,
    %swap3A_223 = vector.shape_cast %swap3A_222 : vector<16xf32> to vector<16xf32>
    %swap3A_224 = vector.shape_cast %broadcast_in_dim3A_1 : vector<16xf32> to vector<16xf32>
    tpu.vector_store %arg7[%swap3A_221], %swap3A_224 {strides = array<i32>} : memref<1000xf32, #tpu.memory_space<vmem>>, vector<16xf32>,
    %swap3A_225 = arith.constant 896 : index
    %swap3A_226 = tpu.vector_load %arg7[%swap3A_225] {strides = array<i32>} : memref<1000xf32, #tpu.memory_space<vmem>>, vector<16xf32>,
    %swap3A_227 = vector.shape_cast %swap3A_226 : vector<16xf32> to vector<16xf32>
    %swap3A_228 = vector.shape_cast %broadcast_in_dim3A_1 : vector<16xf32> to vector<16xf32>
    tpu.vector_store %arg7[%swap3A_225], %swap3A_228 {strides = array<i32>} : memref<1000xf32, #tpu.memory_space<vmem>>, vector<16xf32>,
    %swap3A_229 = arith.constant 912 : index
    %swap3A_230 = tpu.vector_load %arg7[%swap3A_229] {strides = array<i32>} : memref<1000xf32, #tpu.memory_space<vmem>>, vector<16xf32>,
    %swap3A_231 = vector.shape_cast %swap3A_230 : vector<16xf32> to vector<16xf32>
    %swap3A_232 = vector.shape_cast %broadcast_in_dim3A_1 : vector<16xf32> to vector<16xf32>
    tpu.vector_store %arg7[%swap3A_229], %swap3A_232 {strides = array<i32>} : memref<1000xf32, #tpu.memory_space<vmem>>, vector<16xf32>,
    %swap3A_233 = arith.constant 928 : index
    %swap3A_234 = tpu.vector_load %arg7[%swap3A_233] {strides = array<i32>} : memref<1000xf32, #tpu.memory_space<vmem>>, vector<16xf32>,
    %swap3A_235 = vector.shape_cast %swap3A_234 : vector<16xf32> to vector<16xf32>
    %swap3A_236 = vector.shape_cast %broadcast_in_dim3A_1 : vector<16xf32> to vector<16xf32>
    tpu.vector_store %arg7[%swap3A_233], %swap3A_236 {strides = array<i32>} : memref<1000xf32, #tpu.memory_space<vmem>>, vector<16xf32>,
    %swap3A_237 = arith.constant 944 : index
    %swap3A_238 = tpu.vector_load %arg7[%swap3A_237] {strides = array<i32>} : memref<1000xf32, #tpu.memory_space<vmem>>, vector<16xf32>,
    %swap3A_239 = vector.shape_cast %swap3A_238 : vector<16xf32> to vector<16xf32>
    %swap3A_240 = vector.shape_cast %broadcast_in_dim3A_1 : vector<16xf32> to vector<16xf32>
    tpu.vector_store %arg7[%swap3A_237], %swap3A_240 {strides = array<i32>} : memref<1000xf32, #tpu.memory_space<vmem>>, vector<16xf32>,
    %swap3A_241 = arith.constant 960 : index
    %swap3A_242 = tpu.vector_load %arg7[%swap3A_241] {strides = array<i32>} : memref<1000xf32, #tpu.memory_space<vmem>>, vector<16xf32>,
    %swap3A_243 = vector.shape_cast %swap3A_242 : vector<16xf32> to vector<16xf32>
    %swap3A_244 = vector.shape_cast %broadcast_in_dim3A_1 : vector<16xf32> to vector<16xf32>
    tpu.vector_store %arg7[%swap3A_241], %swap3A_244 {strides = array<i32>} : memref<1000xf32, #tpu.memory_space<vmem>>, vector<16xf32>,
    %swap3A_245 = arith.constant 976 : index
    %swap3A_246 = tpu.vector_load %arg7[%swap3A_245] {strides = array<i32>} : memref<1000xf32, #tpu.memory_space<vmem>>, vector<16xf32>,
    %swap3A_247 = vector.shape_cast %swap3A_246 : vector<16xf32> to vector<16xf32>
    %swap3A_248 = vector.shape_cast %broadcast_in_dim3A_1 : vector<16xf32> to vector<16xf32>
    tpu.vector_store %arg7[%swap3A_245], %swap3A_248 {strides = array<i32>} : memref<1000xf32, #tpu.memory_space<vmem>>, vector<16xf32>,
    %swap3A_249 = arith.constant 984 : index
    %swap3A_250 = tpu.vector_load %arg7[%swap3A_249] {strides = array<i32>} : memref<1000xf32, #tpu.memory_space<vmem>>, vector<16xf32>,
    %swap3A_251 = vector.shape_cast %swap3A_250 : vector<16xf32> to vector<16xf32>
    %swap3A_252 = vector.shape_cast %broadcast_in_dim3A_1 : vector<16xf32> to vector<16xf32>
    tpu.vector_store %arg7[%swap3A_249], %swap3A_252 {strides = array<i32>} : memref<1000xf32, #tpu.memory_space<vmem>>, vector<16xf32>,
    %broadcast_in_dim3A_253 = arith.constant 0.000000e+00 : f32
    %broadcast_in_dim3A_254 = vector.broadcast %broadcast_in_dim3A_253 : f32 to vector<16xf32>
    %swap3A_255 = arith.constant 0 : index
    %swap3A_256 = tpu.vector_load %arg8[%swap3A_255] {strides = array<i32>} : memref<1000xf32, #tpu.memory_space<vmem>>, vector<16xf32>,
    %swap3A_257 = vector.shape_cast %swap3A_256 : vector<16xf32> to vector<16xf32>
    %swap3A_258 = vector.shape_cast %broadcast_in_dim3A_254 : vector<16xf32> to vector<16xf32>
    tpu.vector_store %arg8[%swap3A_255], %swap3A_258 {strides = array<i32>} : memref<1000xf32, #tpu.memory_space<vmem>>, vector<16xf32>,
    %swap3A_259 = arith.constant 16 : index
    %swap3A_260 = tpu.vector_load %arg8[%swap3A_259] {strides = array<i32>} : memref<1000xf32, #tpu.memory_space<vmem>>, vector<16xf32>,
    %swap3A_261 = vector.shape_cast %swap3A_260 : vector<16xf32> to vector<16xf32>
    %swap3A_262 = vector.shape_cast %broadcast_in_dim3A_254 : vector<16xf32> to vector<16xf32>
    tpu.vector_store %arg8[%swap3A_259], %swap3A_262 {strides = array<i32>} : memref<1000xf32, #tpu.memory_space<vmem>>, vector<16xf32>,
    %swap3A_263 = arith.constant 32 : index
    %swap3A_264 = tpu.vector_load %arg8[%swap3A_263] {strides = array<i32>} : memref<1000xf32, #tpu.memory_space<vmem>>, vector<16xf32>,
    %swap3A_265 = vector.shape_cast %swap3A_264 : vector<16xf32> to vector<16xf32>
    %swap3A_266 = vector.shape_cast %broadcast_in_dim3A_254 : vector<16xf32> to vector<16xf32>
    tpu.vector_store %arg8[%swap3A_263], %swap3A_266 {strides = array<i32>} : memref<1000xf32, #tpu.memory_space<vmem>>, vector<16xf32>,
    %swap3A_267 = arith.constant 48 : index
    %swap3A_268 = tpu.vector_load %arg8[%swap3A_267] {strides = array<i32>} : memref<1000xf32, #tpu.memory_space<vmem>>, vector<16xf32>,
    %swap3A_269 = vector.shape_cast %swap3A_268 : vector<16xf32> to vector<16xf32>
    %swap3A_270 = vector.shape_cast %broadcast_in_dim3A_254 : vector<16xf32> to vector<16xf32>
    tpu.vector_store %arg8[%swap3A_267], %swap3A_270 {strides = array<i32>} : memref<1000xf32, #tpu.memory_space<vmem>>, vector<16xf32>,
    %swap3A_271 = arith.constant 64 : index
    %swap3A_272 = tpu.vector_load %arg8[%swap3A_271] {strides = array<i32>} : memref<1000xf32, #tpu.memory_space<vmem>>, vector<16xf32>,
    %swap3A_273 = vector.shape_cast %swap3A_272 : vector<16xf32> to vector<16xf32>
    %swap3A_274 = vector.shape_cast %broadcast_in_dim3A_254 : vector<16xf32> to vector<16xf32>
    tpu.vector_store %arg8[%swap3A_271], %swap3A_274 {strides = array<i32>} : memref<1000xf32, #tpu.memory_space<vmem>>, vector<16xf32>,
    %swap3A_275 = arith.constant 80 : index
    %swap3A_276 = tpu.vector_load %arg8[%swap3A_275] {strides = array<i32>} : memref<1000xf32, #tpu.memory_space<vmem>>, vector<16xf32>,
    %swap3A_277 = vector.shape_cast %swap3A_276 : vector<16xf32> to vector<16xf32>
    %swap3A_278 = vector.shape_cast %broadcast_in_dim3A_254 : vector<16xf32> to vector<16xf32>
    tpu.vector_store %arg8[%swap3A_275], %swap3A_278 {strides = array<i32>} : memref<1000xf32, #tpu.memory_space<vmem>>, vector<16xf32>,
    %swap3A_279 = arith.constant 96 : index
    %swap3A_280 = tpu.vector_load %arg8[%swap3A_279] {strides = array<i32>} : memref<1000xf32, #tpu.memory_space<vmem>>, vector<16xf32>,
    %swap3A_281 = vector.shape_cast %swap3A_280 : vector<16xf32> to vector<16xf32>
    %swap3A_282 = vector.shape_cast %broadcast_in_dim3A_254 : vector<16xf32> to vector<16xf32>
    tpu.vector_store %arg8[%swap3A_279], %swap3A_282 {strides = array<i32>} : memref<1000xf32, #tpu.memory_space<vmem>>, vector<16xf32>,
    %swap3A_283 = arith.constant 112 : index
    %swap3A_284 = tpu.vector_load %arg8[%swap3A_283] {strides = array<i32>} : memref<1000xf32, #tpu.memory_space<vmem>>, vector<16xf32>,
    %swap3A_285 = vector.shape_cast %swap3A_284 : vector<16xf32> to vector<16xf32>
    %swap3A_286 = vector.shape_cast %broadcast_in_dim3A_254 : vector<16xf32> to vector<16xf32>
    tpu.vector_store %arg8[%swap3A_283], %swap3A_286 {strides = array<i32>} : memref<1000xf32, #tpu.memory_space<vmem>>, vector<16xf32>,
    %swap3A_287 = arith.constant 128 : index
    %swap3A_288 = tpu.vector_load %arg8[%swap3A_287] {strides = array<i32>} : memref<1000xf32, #tpu.memory_space<vmem>>, vector<16xf32>,
    %swap3A_289 = vector.shape_cast %swap3A_288 : vector<16xf32> to vector<16xf32>
    %swap3A_290 = vector.shape_cast %broadcast_in_dim3A_254 : vector<16xf32> to vector<16xf32>
    tpu.vector_store %arg8[%swap3A_287], %swap3A_290 {strides = array<i32>} : memref<1000xf32, #tpu.memory_space<vmem>>, vector<16xf32>,
    %swap3A_291 = arith.constant 144 : index
    %swap3A_292 = tpu.vector_load %arg8[%swap3A_291] {strides = array<i32>} : memref<1000xf32, #tpu.memory_space<vmem>>, vector<16xf32>,
    %swap3A_293 = vector.shape_cast %swap3A_292 : vector<16xf32> to vector<16xf32>
    %swap3A_294 = vector.shape_cast %broadcast_in_dim3A_254 : vector<16xf32> to vector<16xf32>
    tpu.vector_store %arg8[%swap3A_291], %swap3A_294 {strides = array<i32>} : memref<1000xf32, #tpu.memory_space<vmem>>, vector<16xf32>,
    %swap3A_295 = arith.constant 160 : index
    %swap3A_296 = tpu.vector_load %arg8[%swap3A_295] {strides = array<i32>} : memref<1000xf32, #tpu.memory_space<vmem>>, vector<16xf32>,
    %swap3A_297 = vector.shape_cast %swap3A_296 : vector<16xf32> to vector<16xf32>
    %swap3A_298 = vector.shape_cast %broadcast_in_dim3A_254 : vector<16xf32> to vector<16xf32>
    tpu.vector_store %arg8[%swap3A_295], %swap3A_298 {strides = array<i32>} : memref<1000xf32, #tpu.memory_space<vmem>>, vector<16xf32>,
    %swap3A_299 = arith.constant 176 : index
    %swap3A_300 = tpu.vector_load %arg8[%swap3A_299] {strides = array<i32>} : memref<1000xf32, #tpu.memory_space<vmem>>, vector<16xf32>,
    %swap3A_301 = vector.shape_cast %swap3A_300 : vector<16xf32> to vector<16xf32>
    %swap3A_302 = vector.shape_cast %broadcast_in_dim3A_254 : vector<16xf32> to vector<16xf32>
    tpu.vector_store %arg8[%swap3A_299], %swap3A_302 {strides = array<i32>} : memref<1000xf32, #tpu.memory_space<vmem>>, vector<16xf32>,
    %swap3A_303 = arith.constant 192 : index
    %swap3A_304 = tpu.vector_load %arg8[%swap3A_303] {strides = array<i32>} : memref<1000xf32, #tpu.memory_space<vmem>>, vector<16xf32>,
    %swap3A_305 = vector.shape_cast %swap3A_304 : vector<16xf32> to vector<16xf32>
    %swap3A_306 = vector.shape_cast %broadcast_in_dim3A_254 : vector<16xf32> to vector<16xf32>
    tpu.vector_store %arg8[%swap3A_303], %swap3A_306 {strides = array<i32>} : memref<1000xf32, #tpu.memory_space<vmem>>, vector<16xf32>,
    %swap3A_307 = arith.constant 208 : index
    %swap3A_308 = tpu.vector_load %arg8[%swap3A_307] {strides = array<i32>} : memref<1000xf32, #tpu.memory_space<vmem>>, vector<16xf32>,
    %swap3A_309 = vector.shape_cast %swap3A_308 : vector<16xf32> to vector<16xf32>
    %swap3A_310 = vector.shape_cast %broadcast_in_dim3A_254 : vector<16xf32> to vector<16xf32>
    tpu.vector_store %arg8[%swap3A_307], %swap3A_310 {strides = array<i32>} : memref<1000xf32, #tpu.memory_space<vmem>>, vector<16xf32>,
    %swap3A_311 = arith.constant 224 : index
    %swap3A_312 = tpu.vector_load %arg8[%swap3A_311] {strides = array<i32>} : memref<1000xf32, #tpu.memory_space<vmem>>, vector<16xf32>,
    %swap3A_313 = vector.shape_cast %swap3A_312 : vector<16xf32> to vector<16xf32>
    %swap3A_314 = vector.shape_cast %broadcast_in_dim3A_254 : vector<16xf32> to vector<16xf32>
    tpu.vector_store %arg8[%swap3A_311], %swap3A_314 {strides = array<i32>} : memref<1000xf32, #tpu.memory_space<vmem>>, vector<16xf32>,
    %swap3A_315 = arith.constant 240 : index
    %swap3A_316 = tpu.vector_load %arg8[%swap3A_315] {strides = array<i32>} : memref<1000xf32, #tpu.memory_space<vmem>>, vector<16xf32>,
    %swap3A_317 = vector.shape_cast %swap3A_316 : vector<16xf32> to vector<16xf32>
    %swap3A_318 = vector.shape_cast %broadcast_in_dim3A_254 : vector<16xf32> to vector<16xf32>
    tpu.vector_store %arg8[%swap3A_315], %swap3A_318 {strides = array<i32>} : memref<1000xf32, #tpu.memory_space<vmem>>, vector<16xf32>,
    %swap3A_319 = arith.constant 256 : index
    %swap3A_320 = tpu.vector_load %arg8[%swap3A_319] {strides = array<i32>} : memref<1000xf32, #tpu.memory_space<vmem>>, vector<16xf32>,
    %swap3A_321 = vector.shape_cast %swap3A_320 : vector<16xf32> to vector<16xf32>
    %swap3A_322 = vector.shape_cast %broadcast_in_dim3A_254 : vector<16xf32> to vector<16xf32>
    tpu.vector_store %arg8[%swap3A_319], %swap3A_322 {strides = array<i32>} : memref<1000xf32, #tpu.memory_space<vmem>>, vector<16xf32>,
    %swap3A_323 = arith.constant 272 : index
    %swap3A_324 = tpu.vector_load %arg8[%swap3A_323] {strides = array<i32>} : memref<1000xf32, #tpu.memory_space<vmem>>, vector<16xf32>,
    %swap3A_325 = vector.shape_cast %swap3A_324 : vector<16xf32> to vector<16xf32>
    %swap3A_326 = vector.shape_cast %broadcast_in_dim3A_254 : vector<16xf32> to vector<16xf32>
    tpu.vector_store %arg8[%swap3A_323], %swap3A_326 {strides = array<i32>} : memref<1000xf32, #tpu.memory_space<vmem>>, vector<16xf32>,
    %swap3A_327 = arith.constant 288 : index
    %swap3A_328 = tpu.vector_load %arg8[%swap3A_327] {strides = array<i32>} : memref<1000xf32, #tpu.memory_space<vmem>>, vector<16xf32>,
    %swap3A_329 = vector.shape_cast %swap3A_328 : vector<16xf32> to vector<16xf32>
    %swap3A_330 = vector.shape_cast %broadcast_in_dim3A_254 : vector<16xf32> to vector<16xf32>
    tpu.vector_store %arg8[%swap3A_327], %swap3A_330 {strides = array<i32>} : memref<1000xf32, #tpu.memory_space<vmem>>, vector<16xf32>,
    %swap3A_331 = arith.constant 304 : index
    %swap3A_332 = tpu.vector_load %arg8[%swap3A_331] {strides = array<i32>} : memref<1000xf32, #tpu.memory_space<vmem>>, vector<16xf32>,
    %swap3A_333 = vector.shape_cast %swap3A_332 : vector<16xf32> to vector<16xf32>
    %swap3A_334 = vector.shape_cast %broadcast_in_dim3A_254 : vector<16xf32> to vector<16xf32>
    tpu.vector_store %arg8[%swap3A_331], %swap3A_334 {strides = array<i32>} : memref<1000xf32, #tpu.memory_space<vmem>>, vector<16xf32>,
    %swap3A_335 = arith.constant 320 : index
    %swap3A_336 = tpu.vector_load %arg8[%swap3A_335] {strides = array<i32>} : memref<1000xf32, #tpu.memory_space<vmem>>, vector<16xf32>,
    %swap3A_337 = vector.shape_cast %swap3A_336 : vector<16xf32> to vector<16xf32>
    %swap3A_338 = vector.shape_cast %broadcast_in_dim3A_254 : vector<16xf32> to vector<16xf32>
    tpu.vector_store %arg8[%swap3A_335], %swap3A_338 {strides = array<i32>} : memref<1000xf32, #tpu.memory_space<vmem>>, vector<16xf32>,
    %swap3A_339 = arith.constant 336 : index
    %swap3A_340 = tpu.vector_load %arg8[%swap3A_339] {strides = array<i32>} : memref<1000xf32, #tpu.memory_space<vmem>>, vector<16xf32>,
    %swap3A_341 = vector.shape_cast %swap3A_340 : vector<16xf32> to vector<16xf32>
    %swap3A_342 = vector.shape_cast %broadcast_in_dim3A_254 : vector<16xf32> to vector<16xf32>
    tpu.vector_store %arg8[%swap3A_339], %swap3A_342 {strides = array<i32>} : memref<1000xf32, #tpu.memory_space<vmem>>, vector<16xf32>,
    %swap3A_343 = arith.constant 352 : index
    %swap3A_344 = tpu.vector_load %arg8[%swap3A_343] {strides = array<i32>} : memref<1000xf32, #tpu.memory_space<vmem>>, vector<16xf32>,
    %swap3A_345 = vector.shape_cast %swap3A_344 : vector<16xf32> to vector<16xf32>
    %swap3A_346 = vector.shape_cast %broadcast_in_dim3A_254 : vector<16xf32> to vector<16xf32>
    tpu.vector_store %arg8[%swap3A_343], %swap3A_346 {strides = array<i32>} : memref<1000xf32, #tpu.memory_space<vmem>>, vector<16xf32>,
    %swap3A_347 = arith.constant 368 : index
    %swap3A_348 = tpu.vector_load %arg8[%swap3A_347] {strides = array<i32>} : memref<1000xf32, #tpu.memory_space<vmem>>, vector<16xf32>,
    %swap3A_349 = vector.shape_cast %swap3A_348 : vector<16xf32> to vector<16xf32>
    %swap3A_350 = vector.shape_cast %broadcast_in_dim3A_254 : vector<16xf32> to vector<16xf32>
    tpu.vector_store %arg8[%swap3A_347], %swap3A_350 {strides = array<i32>} : memref<1000xf32, #tpu.memory_space<vmem>>, vector<16xf32>,
    %swap3A_351 = arith.constant 384 : index
    %swap3A_352 = tpu.vector_load %arg8[%swap3A_351] {strides = array<i32>} : memref<1000xf32, #tpu.memory_space<vmem>>, vector<16xf32>,
    %swap3A_353 = vector.shape_cast %swap3A_352 : vector<16xf32> to vector<16xf32>
    %swap3A_354 = vector.shape_cast %broadcast_in_dim3A_254 : vector<16xf32> to vector<16xf32>
    tpu.vector_store %arg8[%swap3A_351], %swap3A_354 {strides = array<i32>} : memref<1000xf32, #tpu.memory_space<vmem>>, vector<16xf32>,
    %swap3A_355 = arith.constant 400 : index
    %swap3A_356 = tpu.vector_load %arg8[%swap3A_355] {strides = array<i32>} : memref<1000xf32, #tpu.memory_space<vmem>>, vector<16xf32>,
    %swap3A_357 = vector.shape_cast %swap3A_356 : vector<16xf32> to vector<16xf32>
    %swap3A_358 = vector.shape_cast %broadcast_in_dim3A_254 : vector<16xf32> to vector<16xf32>
    tpu.vector_store %arg8[%swap3A_355], %swap3A_358 {strides = array<i32>} : memref<1000xf32, #tpu.memory_space<vmem>>, vector<16xf32>,
    %swap3A_359 = arith.constant 416 : index
    %swap3A_360 = tpu.vector_load %arg8[%swap3A_359] {strides = array<i32>} : memref<1000xf32, #tpu.memory_space<vmem>>, vector<16xf32>,
    %swap3A_361 = vector.shape_cast %swap3A_360 : vector<16xf32> to vector<16xf32>
    %swap3A_362 = vector.shape_cast %broadcast_in_dim3A_254 : vector<16xf32> to vector<16xf32>
    tpu.vector_store %arg8[%swap3A_359], %swap3A_362 {strides = array<i32>} : memref<1000xf32, #tpu.memory_space<vmem>>, vector<16xf32>,
    %swap3A_363 = arith.constant 432 : index
    %swap3A_364 = tpu.vector_load %arg8[%swap3A_363] {strides = array<i32>} : memref<1000xf32, #tpu.memory_space<vmem>>, vector<16xf32>,
    %swap3A_365 = vector.shape_cast %swap3A_364 : vector<16xf32> to vector<16xf32>
    %swap3A_366 = vector.shape_cast %broadcast_in_dim3A_254 : vector<16xf32> to vector<16xf32>
    tpu.vector_store %arg8[%swap3A_363], %swap3A_366 {strides = array<i32>} : memref<1000xf32, #tpu.memory_space<vmem>>, vector<16xf32>,
    %swap3A_367 = arith.constant 448 : index
    %swap3A_368 = tpu.vector_load %arg8[%swap3A_367] {strides = array<i32>} : memref<1000xf32, #tpu.memory_space<vmem>>, vector<16xf32>,
    %swap3A_369 = vector.shape_cast %swap3A_368 : vector<16xf32> to vector<16xf32>
    %swap3A_370 = vector.shape_cast %broadcast_in_dim3A_254 : vector<16xf32> to vector<16xf32>
    tpu.vector_store %arg8[%swap3A_367], %swap3A_370 {strides = array<i32>} : memref<1000xf32, #tpu.memory_space<vmem>>, vector<16xf32>,
    %swap3A_371 = arith.constant 464 : index
    %swap3A_372 = tpu.vector_load %arg8[%swap3A_371] {strides = array<i32>} : memref<1000xf32, #tpu.memory_space<vmem>>, vector<16xf32>,
    %swap3A_373 = vector.shape_cast %swap3A_372 : vector<16xf32> to vector<16xf32>
    %swap3A_374 = vector.shape_cast %broadcast_in_dim3A_254 : vector<16xf32> to vector<16xf32>
    tpu.vector_store %arg8[%swap3A_371], %swap3A_374 {strides = array<i32>} : memref<1000xf32, #tpu.memory_space<vmem>>, vector<16xf32>,
    %swap3A_375 = arith.constant 480 : index
    %swap3A_376 = tpu.vector_load %arg8[%swap3A_375] {strides = array<i32>} : memref<1000xf32, #tpu.memory_space<vmem>>, vector<16xf32>,
    %swap3A_377 = vector.shape_cast %swap3A_376 : vector<16xf32> to vector<16xf32>
    %swap3A_378 = vector.shape_cast %broadcast_in_dim3A_254 : vector<16xf32> to vector<16xf32>
    tpu.vector_store %arg8[%swap3A_375], %swap3A_378 {strides = array<i32>} : memref<1000xf32, #tpu.memory_space<vmem>>, vector<16xf32>,
    %swap3A_379 = arith.constant 496 : index
    %swap3A_380 = tpu.vector_load %arg8[%swap3A_379] {strides = array<i32>} : memref<1000xf32, #tpu.memory_space<vmem>>, vector<16xf32>,
    %swap3A_381 = vector.shape_cast %swap3A_380 : vector<16xf32> to vector<16xf32>
    %swap3A_382 = vector.shape_cast %broadcast_in_dim3A_254 : vector<16xf32> to vector<16xf32>
    tpu.vector_store %arg8[%swap3A_379], %swap3A_382 {strides = array<i32>} : memref<1000xf32, #tpu.memory_space<vmem>>, vector<16xf32>,
    %swap3A_383 = arith.constant 512 : index
    %swap3A_384 = tpu.vector_load %arg8[%swap3A_383] {strides = array<i32>} : memref<1000xf32, #tpu.memory_space<vmem>>, vector<16xf32>,
    %swap3A_385 = vector.shape_cast %swap3A_384 : vector<16xf32> to vector<16xf32>
    %swap3A_386 = vector.shape_cast %broadcast_in_dim3A_254 : vector<16xf32> to vector<16xf32>
    tpu.vector_store %arg8[%swap3A_383], %swap3A_386 {strides = array<i32>} : memref<1000xf32, #tpu.memory_space<vmem>>, vector<16xf32>,
    %swap3A_387 = arith.constant 528 : index
    %swap3A_388 = tpu.vector_load %arg8[%swap3A_387] {strides = array<i32>} : memref<1000xf32, #tpu.memory_space<vmem>>, vector<16xf32>,
    %swap3A_389 = vector.shape_cast %swap3A_388 : vector<16xf32> to vector<16xf32>
    %swap3A_390 = vector.shape_cast %broadcast_in_dim3A_254 : vector<16xf32> to vector<16xf32>
    tpu.vector_store %arg8[%swap3A_387], %swap3A_390 {strides = array<i32>} : memref<1000xf32, #tpu.memory_space<vmem>>, vector<16xf32>,
    %swap3A_391 = arith.constant 544 : index
    %swap3A_392 = tpu.vector_load %arg8[%swap3A_391] {strides = array<i32>} : memref<1000xf32, #tpu.memory_space<vmem>>, vector<16xf32>,
    %swap3A_393 = vector.shape_cast %swap3A_392 : vector<16xf32> to vector<16xf32>
    %swap3A_394 = vector.shape_cast %broadcast_in_dim3A_254 : vector<16xf32> to vector<16xf32>
    tpu.vector_store %arg8[%swap3A_391], %swap3A_394 {strides = array<i32>} : memref<1000xf32, #tpu.memory_space<vmem>>, vector<16xf32>,
    %swap3A_395 = arith.constant 560 : index
    %swap3A_396 = tpu.vector_load %arg8[%swap3A_395] {strides = array<i32>} : memref<1000xf32, #tpu.memory_space<vmem>>, vector<16xf32>,
    %swap3A_397 = vector.shape_cast %swap3A_396 : vector<16xf32> to vector<16xf32>
    %swap3A_398 = vector.shape_cast %broadcast_in_dim3A_254 : vector<16xf32> to vector<16xf32>
    tpu.vector_store %arg8[%swap3A_395], %swap3A_398 {strides = array<i32>} : memref<1000xf32, #tpu.memory_space<vmem>>, vector<16xf32>,
    %swap3A_399 = arith.constant 576 : index
    %swap3A_400 = tpu.vector_load %arg8[%swap3A_399] {strides = array<i32>} : memref<1000xf32, #tpu.memory_space<vmem>>, vector<16xf32>,
    %swap3A_401 = vector.shape_cast %swap3A_400 : vector<16xf32> to vector<16xf32>
    %swap3A_402 = vector.shape_cast %broadcast_in_dim3A_254 : vector<16xf32> to vector<16xf32>
    tpu.vector_store %arg8[%swap3A_399], %swap3A_402 {strides = array<i32>} : memref<1000xf32, #tpu.memory_space<vmem>>, vector<16xf32>,
    %swap3A_403 = arith.constant 592 : index
    %swap3A_404 = tpu.vector_load %arg8[%swap3A_403] {strides = array<i32>} : memref<1000xf32, #tpu.memory_space<vmem>>, vector<16xf32>,
    %swap3A_405 = vector.shape_cast %swap3A_404 : vector<16xf32> to vector<16xf32>
    %swap3A_406 = vector.shape_cast %broadcast_in_dim3A_254 : vector<16xf32> to vector<16xf32>
    tpu.vector_store %arg8[%swap3A_403], %swap3A_406 {strides = array<i32>} : memref<1000xf32, #tpu.memory_space<vmem>>, vector<16xf32>,
    %swap3A_407 = arith.constant 608 : index
    %swap3A_408 = tpu.vector_load %arg8[%swap3A_407] {strides = array<i32>} : memref<1000xf32, #tpu.memory_space<vmem>>, vector<16xf32>,
    %swap3A_409 = vector.shape_cast %swap3A_408 : vector<16xf32> to vector<16xf32>
    %swap3A_410 = vector.shape_cast %broadcast_in_dim3A_254 : vector<16xf32> to vector<16xf32>
    tpu.vector_store %arg8[%swap3A_407], %swap3A_410 {strides = array<i32>} : memref<1000xf32, #tpu.memory_space<vmem>>, vector<16xf32>,
    %swap3A_411 = arith.constant 624 : index
    %swap3A_412 = tpu.vector_load %arg8[%swap3A_411] {strides = array<i32>} : memref<1000xf32, #tpu.memory_space<vmem>>, vector<16xf32>,
    %swap3A_413 = vector.shape_cast %swap3A_412 : vector<16xf32> to vector<16xf32>
    %swap3A_414 = vector.shape_cast %broadcast_in_dim3A_254 : vector<16xf32> to vector<16xf32>
    tpu.vector_store %arg8[%swap3A_411], %swap3A_414 {strides = array<i32>} : memref<1000xf32, #tpu.memory_space<vmem>>, vector<16xf32>,
    %swap3A_415 = arith.constant 640 : index
    %swap3A_416 = tpu.vector_load %arg8[%swap3A_415] {strides = array<i32>} : memref<1000xf32, #tpu.memory_space<vmem>>, vector<16xf32>,
    %swap3A_417 = vector.shape_cast %swap3A_416 : vector<16xf32> to vector<16xf32>
    %swap3A_418 = vector.shape_cast %broadcast_in_dim3A_254 : vector<16xf32> to vector<16xf32>
    tpu.vector_store %arg8[%swap3A_415], %swap3A_418 {strides = array<i32>} : memref<1000xf32, #tpu.memory_space<vmem>>, vector<16xf32>,
    %swap3A_419 = arith.constant 656 : index
    %swap3A_420 = tpu.vector_load %arg8[%swap3A_419] {strides = array<i32>} : memref<1000xf32, #tpu.memory_space<vmem>>, vector<16xf32>,
    %swap3A_421 = vector.shape_cast %swap3A_420 : vector<16xf32> to vector<16xf32>
    %swap3A_422 = vector.shape_cast %broadcast_in_dim3A_254 : vector<16xf32> to vector<16xf32>
    tpu.vector_store %arg8[%swap3A_419], %swap3A_422 {strides = array<i32>} : memref<1000xf32, #tpu.memory_space<vmem>>, vector<16xf32>,
    %swap3A_423 = arith.constant 672 : index
    %swap3A_424 = tpu.vector_load %arg8[%swap3A_423] {strides = array<i32>} : memref<1000xf32, #tpu.memory_space<vmem>>, vector<16xf32>,
    %swap3A_425 = vector.shape_cast %swap3A_424 : vector<16xf32> to vector<16xf32>
    %swap3A_426 = vector.shape_cast %broadcast_in_dim3A_254 : vector<16xf32> to vector<16xf32>
    tpu.vector_store %arg8[%swap3A_423], %swap3A_426 {strides = array<i32>} : memref<1000xf32, #tpu.memory_space<vmem>>, vector<16xf32>,
    %swap3A_427 = arith.constant 688 : index
    %swap3A_428 = tpu.vector_load %arg8[%swap3A_427] {strides = array<i32>} : memref<1000xf32, #tpu.memory_space<vmem>>, vector<16xf32>,
    %swap3A_429 = vector.shape_cast %swap3A_428 : vector<16xf32> to vector<16xf32>
    %swap3A_430 = vector.shape_cast %broadcast_in_dim3A_254 : vector<16xf32> to vector<16xf32>
    tpu.vector_store %arg8[%swap3A_427], %swap3A_430 {strides = array<i32>} : memref<1000xf32, #tpu.memory_space<vmem>>, vector<16xf32>,
    %swap3A_431 = arith.constant 704 : index
    %swap3A_432 = tpu.vector_load %arg8[%swap3A_431] {strides = array<i32>} : memref<1000xf32, #tpu.memory_space<vmem>>, vector<16xf32>,
    %swap3A_433 = vector.shape_cast %swap3A_432 : vector<16xf32> to vector<16xf32>
    %swap3A_434 = vector.shape_cast %broadcast_in_dim3A_254 : vector<16xf32> to vector<16xf32>
    tpu.vector_store %arg8[%swap3A_431], %swap3A_434 {strides = array<i32>} : memref<1000xf32, #tpu.memory_space<vmem>>, vector<16xf32>,
    %swap3A_435 = arith.constant 720 : index
    %swap3A_436 = tpu.vector_load %arg8[%swap3A_435] {strides = array<i32>} : memref<1000xf32, #tpu.memory_space<vmem>>, vector<16xf32>,
    %swap3A_437 = vector.shape_cast %swap3A_436 : vector<16xf32> to vector<16xf32>
    %swap3A_438 = vector.shape_cast %broadcast_in_dim3A_254 : vector<16xf32> to vector<16xf32>
    tpu.vector_store %arg8[%swap3A_435], %swap3A_438 {strides = array<i32>} : memref<1000xf32, #tpu.memory_space<vmem>>, vector<16xf32>,
    %swap3A_439 = arith.constant 736 : index
    %swap3A_440 = tpu.vector_load %arg8[%swap3A_439] {strides = array<i32>} : memref<1000xf32, #tpu.memory_space<vmem>>, vector<16xf32>,
    %swap3A_441 = vector.shape_cast %swap3A_440 : vector<16xf32> to vector<16xf32>
    %swap3A_442 = vector.shape_cast %broadcast_in_dim3A_254 : vector<16xf32> to vector<16xf32>
    tpu.vector_store %arg8[%swap3A_439], %swap3A_442 {strides = array<i32>} : memref<1000xf32, #tpu.memory_space<vmem>>, vector<16xf32>,
    %swap3A_443 = arith.constant 752 : index
    %swap3A_444 = tpu.vector_load %arg8[%swap3A_443] {strides = array<i32>} : memref<1000xf32, #tpu.memory_space<vmem>>, vector<16xf32>,
    %swap3A_445 = vector.shape_cast %swap3A_444 : vector<16xf32> to vector<16xf32>
    %swap3A_446 = vector.shape_cast %broadcast_in_dim3A_254 : vector<16xf32> to vector<16xf32>
    tpu.vector_store %arg8[%swap3A_443], %swap3A_446 {strides = array<i32>} : memref<1000xf32, #tpu.memory_space<vmem>>, vector<16xf32>,
    %swap3A_447 = arith.constant 768 : index
    %swap3A_448 = tpu.vector_load %arg8[%swap3A_447] {strides = array<i32>} : memref<1000xf32, #tpu.memory_space<vmem>>, vector<16xf32>,
    %swap3A_449 = vector.shape_cast %swap3A_448 : vector<16xf32> to vector<16xf32>
    %swap3A_450 = vector.shape_cast %broadcast_in_dim3A_254 : vector<16xf32> to vector<16xf32>
    tpu.vector_store %arg8[%swap3A_447], %swap3A_450 {strides = array<i32>} : memref<1000xf32, #tpu.memory_space<vmem>>, vector<16xf32>,
    %swap3A_451 = arith.constant 784 : index
    %swap3A_452 = tpu.vector_load %arg8[%swap3A_451] {strides = array<i32>} : memref<1000xf32, #tpu.memory_space<vmem>>, vector<16xf32>,
    %swap3A_453 = vector.shape_cast %swap3A_452 : vector<16xf32> to vector<16xf32>
    %swap3A_454 = vector.shape_cast %broadcast_in_dim3A_254 : vector<16xf32> to vector<16xf32>
    tpu.vector_store %arg8[%swap3A_451], %swap3A_454 {strides = array<i32>} : memref<1000xf32, #tpu.memory_space<vmem>>, vector<16xf32>,
    %swap3A_455 = arith.constant 800 : index
    %swap3A_456 = tpu.vector_load %arg8[%swap3A_455] {strides = array<i32>} : memref<1000xf32, #tpu.memory_space<vmem>>, vector<16xf32>,
    %swap3A_457 = vector.shape_cast %swap3A_456 : vector<16xf32> to vector<16xf32>
    %swap3A_458 = vector.shape_cast %broadcast_in_dim3A_254 : vector<16xf32> to vector<16xf32>
    tpu.vector_store %arg8[%swap3A_455], %swap3A_458 {strides = array<i32>} : memref<1000xf32, #tpu.memory_space<vmem>>, vector<16xf32>,
    %swap3A_459 = arith.constant 816 : index
    %swap3A_460 = tpu.vector_load %arg8[%swap3A_459] {strides = array<i32>} : memref<1000xf32, #tpu.memory_space<vmem>>, vector<16xf32>,
    %swap3A_461 = vector.shape_cast %swap3A_460 : vector<16xf32> to vector<16xf32>
    %swap3A_462 = vector.shape_cast %broadcast_in_dim3A_254 : vector<16xf32> to vector<16xf32>
    tpu.vector_store %arg8[%swap3A_459], %swap3A_462 {strides = array<i32>} : memref<1000xf32, #tpu.memory_space<vmem>>, vector<16xf32>,
    %swap3A_463 = arith.constant 832 : index
    %swap3A_464 = tpu.vector_load %arg8[%swap3A_463] {strides = array<i32>} : memref<1000xf32, #tpu.memory_space<vmem>>, vector<16xf32>,
    %swap3A_465 = vector.shape_cast %swap3A_464 : vector<16xf32> to vector<16xf32>
    %swap3A_466 = vector.shape_cast %broadcast_in_dim3A_254 : vector<16xf32> to vector<16xf32>
    tpu.vector_store %arg8[%swap3A_463], %swap3A_466 {strides = array<i32>} : memref<1000xf32, #tpu.memory_space<vmem>>, vector<16xf32>,
    %swap3A_467 = arith.constant 848 : index
    %swap3A_468 = tpu.vector_load %arg8[%swap3A_467] {strides = array<i32>} : memref<1000xf32, #tpu.memory_space<vmem>>, vector<16xf32>,
    %swap3A_469 = vector.shape_cast %swap3A_468 : vector<16xf32> to vector<16xf32>
    %swap3A_470 = vector.shape_cast %broadcast_in_dim3A_254 : vector<16xf32> to vector<16xf32>
    tpu.vector_store %arg8[%swap3A_467], %swap3A_470 {strides = array<i32>} : memref<1000xf32, #tpu.memory_space<vmem>>, vector<16xf32>,
    %swap3A_471 = arith.constant 864 : index
    %swap3A_472 = tpu.vector_load %arg8[%swap3A_471] {strides = array<i32>} : memref<1000xf32, #tpu.memory_space<vmem>>, vector<16xf32>,
    %swap3A_473 = vector.shape_cast %swap3A_472 : vector<16xf32> to vector<16xf32>
    %swap3A_474 = vector.shape_cast %broadcast_in_dim3A_254 : vector<16xf32> to vector<16xf32>
    tpu.vector_store %arg8[%swap3A_471], %swap3A_474 {strides = array<i32>} : memref<1000xf32, #tpu.memory_space<vmem>>, vector<16xf32>,
    %swap3A_475 = arith.constant 880 : index
    %swap3A_476 = tpu.vector_load %arg8[%swap3A_475] {strides = array<i32>} : memref<1000xf32, #tpu.memory_space<vmem>>, vector<16xf32>,
    %swap3A_477 = vector.shape_cast %swap3A_476 : vector<16xf32> to vector<16xf32>
    %swap3A_478 = vector.shape_cast %broadcast_in_dim3A_254 : vector<16xf32> to vector<16xf32>
    tpu.vector_store %arg8[%swap3A_475], %swap3A_478 {strides = array<i32>} : memref<1000xf32, #tpu.memory_space<vmem>>, vector<16xf32>,
    %swap3A_479 = arith.constant 896 : index
    %swap3A_480 = tpu.vector_load %arg8[%swap3A_479] {strides = array<i32>} : memref<1000xf32, #tpu.memory_space<vmem>>, vector<16xf32>,
    %swap3A_481 = vector.shape_cast %swap3A_480 : vector<16xf32> to vector<16xf32>
    %swap3A_482 = vector.shape_cast %broadcast_in_dim3A_254 : vector<16xf32> to vector<16xf32>
    tpu.vector_store %arg8[%swap3A_479], %swap3A_482 {strides = array<i32>} : memref<1000xf32, #tpu.memory_space<vmem>>, vector<16xf32>,
    %swap3A_483 = arith.constant 912 : index
    %swap3A_484 = tpu.vector_load %arg8[%swap3A_483] {strides = array<i32>} : memref<1000xf32, #tpu.memory_space<vmem>>, vector<16xf32>,
    %swap3A_485 = vector.shape_cast %swap3A_484 : vector<16xf32> to vector<16xf32>
    %swap3A_486 = vector.shape_cast %broadcast_in_dim3A_254 : vector<16xf32> to vector<16xf32>
    tpu.vector_store %arg8[%swap3A_483], %swap3A_486 {strides = array<i32>} : memref<1000xf32, #tpu.memory_space<vmem>>, vector<16xf32>,
    %swap3A_487 = arith.constant 928 : index
    %swap3A_488 = tpu.vector_load %arg8[%swap3A_487] {strides = array<i32>} : memref<1000xf32, #tpu.memory_space<vmem>>, vector<16xf32>,
    %swap3A_489 = vector.shape_cast %swap3A_488 : vector<16xf32> to vector<16xf32>
    %swap3A_490 = vector.shape_cast %broadcast_in_dim3A_254 : vector<16xf32> to vector<16xf32>
    tpu.vector_store %arg8[%swap3A_487], %swap3A_490 {strides = array<i32>} : memref<1000xf32, #tpu.memory_space<vmem>>, vector<16xf32>,
    %swap3A_491 = arith.constant 944 : index
    %swap3A_492 = tpu.vector_load %arg8[%swap3A_491] {strides = array<i32>} : memref<1000xf32, #tpu.memory_space<vmem>>, vector<16xf32>,
    %swap3A_493 = vector.shape_cast %swap3A_492 : vector<16xf32> to vector<16xf32>
    %swap3A_494 = vector.shape_cast %broadcast_in_dim3A_254 : vector<16xf32> to vector<16xf32>
    tpu.vector_store %arg8[%swap3A_491], %swap3A_494 {strides = array<i32>} : memref<1000xf32, #tpu.memory_space<vmem>>, vector<16xf32>,
    %swap3A_495 = arith.constant 960 : index
    %swap3A_496 = tpu.vector_load %arg8[%swap3A_495] {strides = array<i32>} : memref<1000xf32, #tpu.memory_space<vmem>>, vector<16xf32>,
    %swap3A_497 = vector.shape_cast %swap3A_496 : vector<16xf32> to vector<16xf32>
    %swap3A_498 = vector.shape_cast %broadcast_in_dim3A_254 : vector<16xf32> to vector<16xf32>
    tpu.vector_store %arg8[%swap3A_495], %swap3A_498 {strides = array<i32>} : memref<1000xf32, #tpu.memory_space<vmem>>, vector<16xf32>,
    %swap3A_499 = arith.constant 976 : index
    %swap3A_500 = tpu.vector_load %arg8[%swap3A_499] {strides = array<i32>} : memref<1000xf32, #tpu.memory_space<vmem>>, vector<16xf32>,
    %swap3A_501 = vector.shape_cast %swap3A_500 : vector<16xf32> to vector<16xf32>
    %swap3A_502 = vector.shape_cast %broadcast_in_dim3A_254 : vector<16xf32> to vector<16xf32>
    tpu.vector_store %arg8[%swap3A_499], %swap3A_502 {strides = array<i32>} : memref<1000xf32, #tpu.memory_space<vmem>>, vector<16xf32>,
    %swap3A_503 = arith.constant 984 : index
    %swap3A_504 = tpu.vector_load %arg8[%swap3A_503] {strides = array<i32>} : memref<1000xf32, #tpu.memory_space<vmem>>, vector<16xf32>,
    %swap3A_505 = vector.shape_cast %swap3A_504 : vector<16xf32> to vector<16xf32>
    %swap3A_506 = vector.shape_cast %broadcast_in_dim3A_254 : vector<16xf32> to vector<16xf32>
    tpu.vector_store %arg8[%swap3A_503], %swap3A_506 {strides = array<i32>} : memref<1000xf32, #tpu.memory_space<vmem>>, vector<16xf32>,
    %mul3A_507 = arith.constant 6256 : i32
    %mul3A_508 = arith.muli %arg1, %mul3A_507 : i32
    %add3A_509 = arith.constant 0 : i32
    %add3A_510 = arith.addi %mul3A_508, %add3A_509 : i32
    "tpu.region"() ({
      %run_scoped3A = tpu.sem_alloc : memref<!tpu.dma_semaphore, #tpu.memory_space<semaphore_mem>>
      %dma_start3A = tpu.memref_slice %arg4[%add3A_510] : memref<100096xf32, #tpu.memory_space<vmem_shared>> -> memref<1000xf32, #tpu.memory_space<vmem_shared>>
      %dma_start3A_592 = tpu.memref_slice %arg4[%add3A_510] : memref<100096xf32, #tpu.memory_space<vmem_shared>> -> memref<1000xf32, #tpu.memory_space<vmem_shared>>
      tpu.enqueue_dma source(%arg8 : memref<1000xf32, #tpu.memory_space<vmem>>) target(%dma_start3A_592 : memref<1000xf32, #tpu.memory_space<vmem_shared>>) target_semaphore(%run_scoped3A : memref<!tpu.dma_semaphore, #tpu.memory_space<semaphore_mem>>)
      %dma_wait3A = tpu.memref_slice %arg4[%add3A_510] : memref<100096xf32, #tpu.memory_space<vmem_shared>> -> memref<1000xf32, #tpu.memory_space<vmem_shared>>
      %dma_wait3A_593 = tpu.memref_slice %arg4[%add3A_510] : memref<100096xf32, #tpu.memory_space<vmem_shared>> -> memref<1000xf32, #tpu.memory_space<vmem_shared>>
      tpu.wait_dma2 semaphore(%run_scoped3A : memref<!tpu.dma_semaphore, #tpu.memory_space<semaphore_mem>>) src(%arg8 : memref<1000xf32, #tpu.memory_space<vmem>>) dst(%dma_wait3A_593 : memref<1000xf32, #tpu.memory_space<vmem_shared>>)
      tpu.yield
    }) : () -> ()
    %mul3A_511 = arith.constant 6256 : i32
    %mul3A_512 = arith.muli %arg1, %mul3A_511 : i32
    %add3A_513 = arith.constant 1000 : i32
    %add3A_514 = arith.addi %mul3A_512, %add3A_513 : i32
    "tpu.region"() ({
      %run_scoped3A = tpu.sem_alloc : memref<!tpu.dma_semaphore, #tpu.memory_space<semaphore_mem>>
      %dma_start3A = tpu.memref_slice %arg4[%add3A_514] : memref<100096xf32, #tpu.memory_space<vmem_shared>> -> memref<1000xf32, #tpu.memory_space<vmem_shared>>
      %dma_start3A_592 = tpu.memref_slice %arg4[%add3A_514] : memref<100096xf32, #tpu.memory_space<vmem_shared>> -> memref<1000xf32, #tpu.memory_space<vmem_shared>>
      tpu.enqueue_dma source(%arg8 : memref<1000xf32, #tpu.memory_space<vmem>>) target(%dma_start3A_592 : memref<1000xf32, #tpu.memory_space<vmem_shared>>) target_semaphore(%run_scoped3A : memref<!tpu.dma_semaphore, #tpu.memory_space<semaphore_mem>>)
      %dma_wait3A = tpu.memref_slice %arg4[%add3A_514] : memref<100096xf32, #tpu.memory_space<vmem_shared>> -> memref<1000xf32, #tpu.memory_space<vmem_shared>>
      %dma_wait3A_593 = tpu.memref_slice %arg4[%add3A_514] : memref<100096xf32, #tpu.memory_space<vmem_shared>> -> memref<1000xf32, #tpu.memory_space<vmem_shared>>
      tpu.wait_dma2 semaphore(%run_scoped3A : memref<!tpu.dma_semaphore, #tpu.memory_space<semaphore_mem>>) src(%arg8 : memref<1000xf32, #tpu.memory_space<vmem>>) dst(%dma_wait3A_593 : memref<1000xf32, #tpu.memory_space<vmem_shared>>)
      tpu.yield
    }) : () -> ()
    %mul3A_515 = arith.constant 6256 : i32
    %mul3A_516 = arith.muli %arg1, %mul3A_515 : i32
    %add3A_517 = arith.constant 2000 : i32
    %add3A_518 = arith.addi %mul3A_516, %add3A_517 : i32
    "tpu.region"() ({
      %run_scoped3A = tpu.sem_alloc : memref<!tpu.dma_semaphore, #tpu.memory_space<semaphore_mem>>
      %dma_start3A = tpu.memref_slice %arg4[%add3A_518] : memref<100096xf32, #tpu.memory_space<vmem_shared>> -> memref<1000xf32, #tpu.memory_space<vmem_shared>>
      %dma_start3A_592 = tpu.memref_slice %arg4[%add3A_518] : memref<100096xf32, #tpu.memory_space<vmem_shared>> -> memref<1000xf32, #tpu.memory_space<vmem_shared>>
      tpu.enqueue_dma source(%arg8 : memref<1000xf32, #tpu.memory_space<vmem>>) target(%dma_start3A_592 : memref<1000xf32, #tpu.memory_space<vmem_shared>>) target_semaphore(%run_scoped3A : memref<!tpu.dma_semaphore, #tpu.memory_space<semaphore_mem>>)
      %dma_wait3A = tpu.memref_slice %arg4[%add3A_518] : memref<100096xf32, #tpu.memory_space<vmem_shared>> -> memref<1000xf32, #tpu.memory_space<vmem_shared>>
      %dma_wait3A_593 = tpu.memref_slice %arg4[%add3A_518] : memref<100096xf32, #tpu.memory_space<vmem_shared>> -> memref<1000xf32, #tpu.memory_space<vmem_shared>>
      tpu.wait_dma2 semaphore(%run_scoped3A : memref<!tpu.dma_semaphore, #tpu.memory_space<semaphore_mem>>) src(%arg8 : memref<1000xf32, #tpu.memory_space<vmem>>) dst(%dma_wait3A_593 : memref<1000xf32, #tpu.memory_space<vmem_shared>>)
      tpu.yield
    }) : () -> ()
    %mul3A_519 = arith.constant 6256 : i32
    %mul3A_520 = arith.muli %arg1, %mul3A_519 : i32
    %add3A_521 = arith.constant 3000 : i32
    %add3A_522 = arith.addi %mul3A_520, %add3A_521 : i32
    "tpu.region"() ({
      %run_scoped3A = tpu.sem_alloc : memref<!tpu.dma_semaphore, #tpu.memory_space<semaphore_mem>>
      %dma_start3A = tpu.memref_slice %arg4[%add3A_522] : memref<100096xf32, #tpu.memory_space<vmem_shared>> -> memref<1000xf32, #tpu.memory_space<vmem_shared>>
      %dma_start3A_592 = tpu.memref_slice %arg4[%add3A_522] : memref<100096xf32, #tpu.memory_space<vmem_shared>> -> memref<1000xf32, #tpu.memory_space<vmem_shared>>
      tpu.enqueue_dma source(%arg8 : memref<1000xf32, #tpu.memory_space<vmem>>) target(%dma_start3A_592 : memref<1000xf32, #tpu.memory_space<vmem_shared>>) target_semaphore(%run_scoped3A : memref<!tpu.dma_semaphore, #tpu.memory_space<semaphore_mem>>)
      %dma_wait3A = tpu.memref_slice %arg4[%add3A_522] : memref<100096xf32, #tpu.memory_space<vmem_shared>> -> memref<1000xf32, #tpu.memory_space<vmem_shared>>
      %dma_wait3A_593 = tpu.memref_slice %arg4[%add3A_522] : memref<100096xf32, #tpu.memory_space<vmem_shared>> -> memref<1000xf32, #tpu.memory_space<vmem_shared>>
      tpu.wait_dma2 semaphore(%run_scoped3A : memref<!tpu.dma_semaphore, #tpu.memory_space<semaphore_mem>>) src(%arg8 : memref<1000xf32, #tpu.memory_space<vmem>>) dst(%dma_wait3A_593 : memref<1000xf32, #tpu.memory_space<vmem_shared>>)
      tpu.yield
    }) : () -> ()
    %mul3A_523 = arith.constant 6256 : i32
    %mul3A_524 = arith.muli %arg1, %mul3A_523 : i32
    %add3A_525 = arith.constant 4000 : i32
    %add3A_526 = arith.addi %mul3A_524, %add3A_525 : i32
    "tpu.region"() ({
      %run_scoped3A = tpu.sem_alloc : memref<!tpu.dma_semaphore, #tpu.memory_space<semaphore_mem>>
      %dma_start3A = tpu.memref_slice %arg4[%add3A_526] : memref<100096xf32, #tpu.memory_space<vmem_shared>> -> memref<1000xf32, #tpu.memory_space<vmem_shared>>
      %dma_start3A_592 = tpu.memref_slice %arg4[%add3A_526] : memref<100096xf32, #tpu.memory_space<vmem_shared>> -> memref<1000xf32, #tpu.memory_space<vmem_shared>>
      tpu.enqueue_dma source(%arg8 : memref<1000xf32, #tpu.memory_space<vmem>>) target(%dma_start3A_592 : memref<1000xf32, #tpu.memory_space<vmem_shared>>) target_semaphore(%run_scoped3A : memref<!tpu.dma_semaphore, #tpu.memory_space<semaphore_mem>>)
      %dma_wait3A = tpu.memref_slice %arg4[%add3A_526] : memref<100096xf32, #tpu.memory_space<vmem_shared>> -> memref<1000xf32, #tpu.memory_space<vmem_shared>>
      %dma_wait3A_593 = tpu.memref_slice %arg4[%add3A_526] : memref<100096xf32, #tpu.memory_space<vmem_shared>> -> memref<1000xf32, #tpu.memory_space<vmem_shared>>
      tpu.wait_dma2 semaphore(%run_scoped3A : memref<!tpu.dma_semaphore, #tpu.memory_space<semaphore_mem>>) src(%arg8 : memref<1000xf32, #tpu.memory_space<vmem>>) dst(%dma_wait3A_593 : memref<1000xf32, #tpu.memory_space<vmem_shared>>)
      tpu.yield
    }) : () -> ()
    %mul3A_527 = arith.constant 6256 : i32
    %mul3A_528 = arith.muli %arg1, %mul3A_527 : i32
    %add3A_529 = arith.constant 5000 : i32
    %add3A_530 = arith.addi %mul3A_528, %add3A_529 : i32
    "tpu.region"() ({
      %run_scoped3A = tpu.sem_alloc : memref<!tpu.dma_semaphore, #tpu.memory_space<semaphore_mem>>
      %dma_start3A = tpu.memref_slice %arg4[%add3A_530] : memref<100096xf32, #tpu.memory_space<vmem_shared>> -> memref<1000xf32, #tpu.memory_space<vmem_shared>>
      %dma_start3A_592 = tpu.memref_slice %arg4[%add3A_530] : memref<100096xf32, #tpu.memory_space<vmem_shared>> -> memref<1000xf32, #tpu.memory_space<vmem_shared>>
      tpu.enqueue_dma source(%arg8 : memref<1000xf32, #tpu.memory_space<vmem>>) target(%dma_start3A_592 : memref<1000xf32, #tpu.memory_space<vmem_shared>>) target_semaphore(%run_scoped3A : memref<!tpu.dma_semaphore, #tpu.memory_space<semaphore_mem>>)
      %dma_wait3A = tpu.memref_slice %arg4[%add3A_530] : memref<100096xf32, #tpu.memory_space<vmem_shared>> -> memref<1000xf32, #tpu.memory_space<vmem_shared>>
      %dma_wait3A_593 = tpu.memref_slice %arg4[%add3A_530] : memref<100096xf32, #tpu.memory_space<vmem_shared>> -> memref<1000xf32, #tpu.memory_space<vmem_shared>>
      tpu.wait_dma2 semaphore(%run_scoped3A : memref<!tpu.dma_semaphore, #tpu.memory_space<semaphore_mem>>) src(%arg8 : memref<1000xf32, #tpu.memory_space<vmem>>) dst(%dma_wait3A_593 : memref<1000xf32, #tpu.memory_space<vmem_shared>>)
      tpu.yield
    }) : () -> ()
    %mul3A_531 = arith.constant 6256 : i32
    %mul3A_532 = arith.muli %arg1, %mul3A_531 : i32
    %add3A_533 = arith.constant 6000 : i32
    %add3A_534 = arith.addi %mul3A_532, %add3A_533 : i32
    "tpu.region"() ({
      %run_scoped3A = tpu.sem_alloc : memref<!tpu.dma_semaphore, #tpu.memory_space<semaphore_mem>>
      %dma_start3A = arith.constant 0 : i32
      %dma_start3A_592 = tpu.memref_slice %arg8[%dma_start3A] : memref<1000xf32, #tpu.memory_space<vmem>> -> memref<256xf32, #tpu.memory_space<vmem>>
      %dma_start3A_593 = tpu.memref_slice %arg4[%add3A_534] : memref<100096xf32, #tpu.memory_space<vmem_shared>> -> memref<256xf32, #tpu.memory_space<vmem_shared>>
      %dma_start3A_594 = tpu.memref_slice %arg4[%add3A_534] : memref<100096xf32, #tpu.memory_space<vmem_shared>> -> memref<256xf32, #tpu.memory_space<vmem_shared>>
      %dma_start3A_595 = arith.constant 0 : i32
      %dma_start3A_596 = tpu.memref_slice %arg8[%dma_start3A_595] : memref<1000xf32, #tpu.memory_space<vmem>> -> memref<256xf32, #tpu.memory_space<vmem>>
      tpu.enqueue_dma source(%dma_start3A_596 : memref<256xf32, #tpu.memory_space<vmem>>) target(%dma_start3A_594 : memref<256xf32, #tpu.memory_space<vmem_shared>>) target_semaphore(%run_scoped3A : memref<!tpu.dma_semaphore, #tpu.memory_space<semaphore_mem>>)
      %dma_wait3A = arith.constant 0 : i32
      %dma_wait3A_597 = tpu.memref_slice %arg8[%dma_wait3A] : memref<1000xf32, #tpu.memory_space<vmem>> -> memref<256xf32, #tpu.memory_space<vmem>>
      %dma_wait3A_598 = tpu.memref_slice %arg4[%add3A_534] : memref<100096xf32, #tpu.memory_space<vmem_shared>> -> memref<256xf32, #tpu.memory_space<vmem_shared>>
      %dma_wait3A_599 = tpu.memref_slice %arg4[%add3A_534] : memref<100096xf32, #tpu.memory_space<vmem_shared>> -> memref<256xf32, #tpu.memory_space<vmem_shared>>
      %dma_wait3A_600 = arith.constant 0 : i32
      %dma_wait3A_601 = tpu.memref_slice %arg8[%dma_wait3A_600] : memref<1000xf32, #tpu.memory_space<vmem>> -> memref<256xf32, #tpu.memory_space<vmem>>
      tpu.wait_dma2 semaphore(%run_scoped3A : memref<!tpu.dma_semaphore, #tpu.memory_space<semaphore_mem>>) src(%dma_wait3A_601 : memref<256xf32, #tpu.memory_space<vmem>>) dst(%dma_wait3A_599 : memref<256xf32, #tpu.memory_space<vmem_shared>>)
      tpu.yield
    }) : () -> ()
    %barrier3A = arith.constant 0 : index
    tpu.barrier barrier_id(%barrier3A)
    %mul3A_535 = arith.constant 100000 : i32
    %mul3A_536 = arith.muli %add3A, %mul3A_535 : i32
    "tpu.region"() ({
      %run_scoped3A = tpu.sem_alloc : memref<!tpu.dma_semaphore, #tpu.memory_space<semaphore_mem>>
      %dma_start3A = tpu.memref_slice %arg2[%mul3A_536] : memref<3200000xi32, #tpu.memory_space<hbm>> -> memref<1000xi32, #tpu.memory_space<hbm>>
      %dma_start3A_592 = tpu.memref_slice %arg2[%mul3A_536] : memref<3200000xi32, #tpu.memory_space<hbm>> -> memref<1000xi32, #tpu.memory_space<hbm>>
      tpu.enqueue_dma source(%dma_start3A_592 : memref<1000xi32, #tpu.memory_space<hbm>>) target(%arg5 : memref<1000xi32, #tpu.memory_space<vmem>>) target_semaphore(%run_scoped3A : memref<!tpu.dma_semaphore, #tpu.memory_space<semaphore_mem>>)
      %dma_wait3A = tpu.memref_slice %arg2[%mul3A_536] : memref<3200000xi32, #tpu.memory_space<hbm>> -> memref<1000xi32, #tpu.memory_space<hbm>>
      %dma_wait3A_593 = tpu.memref_slice %arg2[%mul3A_536] : memref<3200000xi32, #tpu.memory_space<hbm>> -> memref<1000xi32, #tpu.memory_space<hbm>>
      tpu.wait_dma2 semaphore(%run_scoped3A : memref<!tpu.dma_semaphore, #tpu.memory_space<semaphore_mem>>) src(%dma_wait3A_593 : memref<1000xi32, #tpu.memory_space<hbm>>) dst(%arg5 : memref<1000xi32, #tpu.memory_space<vmem>>)
      tpu.yield
    }) : () -> ()
    %scan3A = arith.constant 0 : i32
    %scan3A_537 = arith.constant 0 : i32
    %scan3A_538 = arith.constant 50 : i32
    %scan3A_539 = arith.addi %scan3A_537, %scan3A_538 : i32
    %scan3A_540 = arith.constant 1 : i32
    scf.for %scan3A_592 = %scan3A_537 to %scan3A_539 step %scan3A_540  : i32 {
      %mul3A_593 = arith.constant 2 : i32
      %mul3A_594 = arith.muli %mul3A_593, %scan3A_592 : i32
      %add3A_595 = arith.constant 1 : i32
      %add3A_596 = arith.addi %mul3A_594, %add3A_595 : i32
      %mul3A_597 = arith.constant 1000 : i32
      %mul3A_598 = arith.muli %add3A_596, %mul3A_597 : i32
      %add3A_599 = arith.addi %mul3A_536, %mul3A_598 : i32
      %dma_start3A = tpu.memref_slice %arg2[%add3A_599] : memref<3200000xi32, #tpu.memory_space<hbm>> -> memref<1000xi32, #tpu.memory_space<hbm>>
      %dma_start3A_600 = tpu.memref_slice %arg2[%add3A_599] : memref<3200000xi32, #tpu.memory_space<hbm>> -> memref<1000xi32, #tpu.memory_space<hbm>>
      tpu.enqueue_dma source(%dma_start3A_600 : memref<1000xi32, #tpu.memory_space<hbm>>) target(%arg6 : memref<1000xi32, #tpu.memory_space<vmem>>) target_semaphore(%arg10 : memref<!tpu.dma_semaphore, #tpu.memory_space<semaphore_mem>>)
      "tpu.region"() ({
        %run_scoped3A = tpu.sem_alloc : memref<!tpu.dma_semaphore, #tpu.memory_space<semaphore_mem>>
        %dma_start3A_614 = arith.constant 0 : i32
        %dma_start3A_615 = tpu.memref_slice %arg4[%dma_start3A_614] : memref<100096xf32, #tpu.memory_space<vmem_shared>> -> memref<100096xf32, #tpu.memory_space<vmem_shared>>
        tpu.enqueue_indirect_dma source(%arg7 : memref<1000xf32, #tpu.memory_space<vmem>>) target(%dma_start3A_615 : memref<100096xf32, #tpu.memory_space<vmem_shared>>) offsets(%arg5 : memref<1000xi32, #tpu.memory_space<vmem>>) semaphore(%run_scoped3A : memref<!tpu.dma_semaphore, #tpu.memory_space<semaphore_mem>>) {add = true}
        %dma_wait3A_616 = arith.constant 0 : i32
        %dma_wait3A_617 = tpu.memref_slice %arg4[%dma_wait3A_616] : memref<100096xf32, #tpu.memory_space<vmem_shared>> -> memref<100096xf32, #tpu.memory_space<vmem_shared>>
        tpu.wait_indirect_dma semaphore(%run_scoped3A : memref<!tpu.dma_semaphore, #tpu.memory_space<semaphore_mem>>) src(%arg7 : memref<1000xf32, #tpu.memory_space<vmem>>) dst(%dma_wait3A_617 : memref<100096xf32, #tpu.memory_space<vmem_shared>>)
        tpu.yield
      }) : () -> ()
      %mul3A_601 = arith.constant 2 : i32
      %mul3A_602 = arith.muli %mul3A_601, %scan3A_592 : i32
      %add3A_603 = arith.constant 2 : i32
      %add3A_604 = arith.addi %mul3A_602, %add3A_603 : i32
      %mul3A_605 = arith.constant 1000 : i32
      %mul3A_606 = arith.muli %add3A_604, %mul3A_605 : i32
      %min3A = arith.constant 99000 : i32
      %min3A_607 = arith.minsi %mul3A_606, %min3A : i32
      %add3A_608 = arith.addi %mul3A_536, %min3A_607 : i32
      %dma_wait3A = tpu.memref_slice %arg2[%add3A_599] : memref<3200000xi32, #tpu.memory_space<hbm>> -> memref<1000xi32, #tpu.memory_space<hbm>>
      %dma_wait3A_609 = tpu.memref_slice %arg2[%add3A_599] : memref<3200000xi32, #tpu.memory_space<hbm>> -> memref<1000xi32, #tpu.memory_space<hbm>>
      tpu.wait_dma2 semaphore(%arg10 : memref<!tpu.dma_semaphore, #tpu.memory_space<semaphore_mem>>) src(%dma_wait3A_609 : memref<1000xi32, #tpu.memory_space<hbm>>) dst(%arg6 : memref<1000xi32, #tpu.memory_space<vmem>>)
      %dma_start3A_610 = tpu.memref_slice %arg2[%add3A_608] : memref<3200000xi32, #tpu.memory_space<hbm>> -> memref<1000xi32, #tpu.memory_space<hbm>>
      %dma_start3A_611 = tpu.memref_slice %arg2[%add3A_608] : memref<3200000xi32, #tpu.memory_space<hbm>> -> memref<1000xi32, #tpu.memory_space<hbm>>
      tpu.enqueue_dma source(%dma_start3A_611 : memref<1000xi32, #tpu.memory_space<hbm>>) target(%arg5 : memref<1000xi32, #tpu.memory_space<vmem>>) target_semaphore(%arg9 : memref<!tpu.dma_semaphore, #tpu.memory_space<semaphore_mem>>)
      "tpu.region"() ({
        %run_scoped3A = tpu.sem_alloc : memref<!tpu.dma_semaphore, #tpu.memory_space<semaphore_mem>>
        %dma_start3A_614 = arith.constant 0 : i32
        %dma_start3A_615 = tpu.memref_slice %arg4[%dma_start3A_614] : memref<100096xf32, #tpu.memory_space<vmem_shared>> -> memref<100096xf32, #tpu.memory_space<vmem_shared>>
        tpu.enqueue_indirect_dma source(%arg7 : memref<1000xf32, #tpu.memory_space<vmem>>) target(%dma_start3A_615 : memref<100096xf32, #tpu.memory_space<vmem_shared>>) offsets(%arg6 : memref<1000xi32, #tpu.memory_space<vmem>>) semaphore(%run_scoped3A : memref<!tpu.dma_semaphore, #tpu.memory_space<semaphore_mem>>) {add = true}
        %dma_wait3A_616 = arith.constant 0 : i32
        %dma_wait3A_617 = tpu.memref_slice %arg4[%dma_wait3A_616] : memref<100096xf32, #tpu.memory_space<vmem_shared>> -> memref<100096xf32, #tpu.memory_space<vmem_shared>>
        tpu.wait_indirect_dma semaphore(%run_scoped3A : memref<!tpu.dma_semaphore, #tpu.memory_space<semaphore_mem>>) src(%arg7 : memref<1000xf32, #tpu.memory_space<vmem>>) dst(%dma_wait3A_617 : memref<100096xf32, #tpu.memory_space<vmem_shared>>)
        tpu.yield
      }) : () -> ()
      %dma_wait3A_612 = tpu.memref_slice %arg2[%add3A_608] : memref<3200000xi32, #tpu.memory_space<hbm>> -> memref<1000xi32, #tpu.memory_space<hbm>>
      %dma_wait3A_613 = tpu.memref_slice %arg2[%add3A_608] : memref<3200000xi32, #tpu.memory_space<hbm>> -> memref<1000xi32, #tpu.memory_space<hbm>>
      tpu.wait_dma2 semaphore(%arg9 : memref<!tpu.dma_semaphore, #tpu.memory_space<semaphore_mem>>) src(%dma_wait3A_613 : memref<1000xi32, #tpu.memory_space<hbm>>) dst(%arg5 : memref<1000xi32, #tpu.memory_space<vmem>>)
    }
    %scan3A_541 = arith.constant 50 : i32
    %barrier3A_542 = arith.constant 0 : index
    tpu.barrier barrier_id(%barrier3A_542)
    %mul3A_543 = arith.constant 6256 : i32
    %mul3A_544 = arith.muli %arg1, %mul3A_543 : i32
    %add3A_545 = arith.constant 0 : i32
    %add3A_546 = arith.addi %mul3A_544, %add3A_545 : i32
    "tpu.region"() ({
      %run_scoped3A = tpu.sem_alloc : memref<!tpu.dma_semaphore, #tpu.memory_space<semaphore_mem>>
      %dma_start3A = tpu.memref_slice %arg4[%add3A_546] : memref<100096xf32, #tpu.memory_space<vmem_shared>> -> memref<1000xf32, #tpu.memory_space<vmem_shared>>
      %dma_start3A_592 = tpu.memref_slice %arg4[%add3A_546] : memref<100096xf32, #tpu.memory_space<vmem_shared>> -> memref<1000xf32, #tpu.memory_space<vmem_shared>>
      tpu.enqueue_dma source(%dma_start3A_592 : memref<1000xf32, #tpu.memory_space<vmem_shared>>) target(%arg8 : memref<1000xf32, #tpu.memory_space<vmem>>) target_semaphore(%run_scoped3A : memref<!tpu.dma_semaphore, #tpu.memory_space<semaphore_mem>>)
      %dma_wait3A = tpu.memref_slice %arg4[%add3A_546] : memref<100096xf32, #tpu.memory_space<vmem_shared>> -> memref<1000xf32, #tpu.memory_space<vmem_shared>>
      %dma_wait3A_593 = tpu.memref_slice %arg4[%add3A_546] : memref<100096xf32, #tpu.memory_space<vmem_shared>> -> memref<1000xf32, #tpu.memory_space<vmem_shared>>
      tpu.wait_dma2 semaphore(%run_scoped3A : memref<!tpu.dma_semaphore, #tpu.memory_space<semaphore_mem>>) src(%dma_wait3A_593 : memref<1000xf32, #tpu.memory_space<vmem_shared>>) dst(%arg8 : memref<1000xf32, #tpu.memory_space<vmem>>)
      tpu.yield
    }) : () -> ()
    %mul3A_547 = arith.constant 100096 : i32
    %mul3A_548 = arith.muli %arg0, %mul3A_547 : i32
    %add3A_549 = arith.addi %mul3A_548, %add3A_546 : i32
    "tpu.region"() ({
      %run_scoped3A = tpu.sem_alloc : memref<!tpu.dma_semaphore, #tpu.memory_space<semaphore_mem>>
      %dma_start3A = tpu.memref_slice %arg3[%add3A_549] : memref<200192xf32, #tpu.memory_space<hbm>> -> memref<1000xf32, #tpu.memory_space<hbm>>
      %dma_start3A_592 = tpu.memref_slice %arg3[%add3A_549] : memref<200192xf32, #tpu.memory_space<hbm>> -> memref<1000xf32, #tpu.memory_space<hbm>>
      tpu.enqueue_dma source(%arg8 : memref<1000xf32, #tpu.memory_space<vmem>>) target(%dma_start3A_592 : memref<1000xf32, #tpu.memory_space<hbm>>) target_semaphore(%run_scoped3A : memref<!tpu.dma_semaphore, #tpu.memory_space<semaphore_mem>>)
      %dma_wait3A = tpu.memref_slice %arg3[%add3A_549] : memref<200192xf32, #tpu.memory_space<hbm>> -> memref<1000xf32, #tpu.memory_space<hbm>>
      %dma_wait3A_593 = tpu.memref_slice %arg3[%add3A_549] : memref<200192xf32, #tpu.memory_space<hbm>> -> memref<1000xf32, #tpu.memory_space<hbm>>
      tpu.wait_dma2 semaphore(%run_scoped3A : memref<!tpu.dma_semaphore, #tpu.memory_space<semaphore_mem>>) src(%arg8 : memref<1000xf32, #tpu.memory_space<vmem>>) dst(%dma_wait3A_593 : memref<1000xf32, #tpu.memory_space<hbm>>)
      tpu.yield
    }) : () -> ()
    %mul3A_550 = arith.constant 6256 : i32
    %mul3A_551 = arith.muli %arg1, %mul3A_550 : i32
    %add3A_552 = arith.constant 1000 : i32
    %add3A_553 = arith.addi %mul3A_551, %add3A_552 : i32
    "tpu.region"() ({
      %run_scoped3A = tpu.sem_alloc : memref<!tpu.dma_semaphore, #tpu.memory_space<semaphore_mem>>
      %dma_start3A = tpu.memref_slice %arg4[%add3A_553] : memref<100096xf32, #tpu.memory_space<vmem_shared>> -> memref<1000xf32, #tpu.memory_space<vmem_shared>>
      %dma_start3A_592 = tpu.memref_slice %arg4[%add3A_553] : memref<100096xf32, #tpu.memory_space<vmem_shared>> -> memref<1000xf32, #tpu.memory_space<vmem_shared>>
      tpu.enqueue_dma source(%dma_start3A_592 : memref<1000xf32, #tpu.memory_space<vmem_shared>>) target(%arg8 : memref<1000xf32, #tpu.memory_space<vmem>>) target_semaphore(%run_scoped3A : memref<!tpu.dma_semaphore, #tpu.memory_space<semaphore_mem>>)
      %dma_wait3A = tpu.memref_slice %arg4[%add3A_553] : memref<100096xf32, #tpu.memory_space<vmem_shared>> -> memref<1000xf32, #tpu.memory_space<vmem_shared>>
      %dma_wait3A_593 = tpu.memref_slice %arg4[%add3A_553] : memref<100096xf32, #tpu.memory_space<vmem_shared>> -> memref<1000xf32, #tpu.memory_space<vmem_shared>>
      tpu.wait_dma2 semaphore(%run_scoped3A : memref<!tpu.dma_semaphore, #tpu.memory_space<semaphore_mem>>) src(%dma_wait3A_593 : memref<1000xf32, #tpu.memory_space<vmem_shared>>) dst(%arg8 : memref<1000xf32, #tpu.memory_space<vmem>>)
      tpu.yield
    }) : () -> ()
    %mul3A_554 = arith.constant 100096 : i32
    %mul3A_555 = arith.muli %arg0, %mul3A_554 : i32
    %add3A_556 = arith.addi %mul3A_555, %add3A_553 : i32
    "tpu.region"() ({
      %run_scoped3A = tpu.sem_alloc : memref<!tpu.dma_semaphore, #tpu.memory_space<semaphore_mem>>
      %dma_start3A = tpu.memref_slice %arg3[%add3A_556] : memref<200192xf32, #tpu.memory_space<hbm>> -> memref<1000xf32, #tpu.memory_space<hbm>>
      %dma_start3A_592 = tpu.memref_slice %arg3[%add3A_556] : memref<200192xf32, #tpu.memory_space<hbm>> -> memref<1000xf32, #tpu.memory_space<hbm>>
      tpu.enqueue_dma source(%arg8 : memref<1000xf32, #tpu.memory_space<vmem>>) target(%dma_start3A_592 : memref<1000xf32, #tpu.memory_space<hbm>>) target_semaphore(%run_scoped3A : memref<!tpu.dma_semaphore, #tpu.memory_space<semaphore_mem>>)
      %dma_wait3A = tpu.memref_slice %arg3[%add3A_556] : memref<200192xf32, #tpu.memory_space<hbm>> -> memref<1000xf32, #tpu.memory_space<hbm>>
      %dma_wait3A_593 = tpu.memref_slice %arg3[%add3A_556] : memref<200192xf32, #tpu.memory_space<hbm>> -> memref<1000xf32, #tpu.memory_space<hbm>>
      tpu.wait_dma2 semaphore(%run_scoped3A : memref<!tpu.dma_semaphore, #tpu.memory_space<semaphore_mem>>) src(%arg8 : memref<1000xf32, #tpu.memory_space<vmem>>) dst(%dma_wait3A_593 : memref<1000xf32, #tpu.memory_space<hbm>>)
      tpu.yield
    }) : () -> ()
    %mul3A_557 = arith.constant 6256 : i32
    %mul3A_558 = arith.muli %arg1, %mul3A_557 : i32
    %add3A_559 = arith.constant 2000 : i32
    %add3A_560 = arith.addi %mul3A_558, %add3A_559 : i32
    "tpu.region"() ({
      %run_scoped3A = tpu.sem_alloc : memref<!tpu.dma_semaphore, #tpu.memory_space<semaphore_mem>>
      %dma_start3A = tpu.memref_slice %arg4[%add3A_560] : memref<100096xf32, #tpu.memory_space<vmem_shared>> -> memref<1000xf32, #tpu.memory_space<vmem_shared>>
      %dma_start3A_592 = tpu.memref_slice %arg4[%add3A_560] : memref<100096xf32, #tpu.memory_space<vmem_shared>> -> memref<1000xf32, #tpu.memory_space<vmem_shared>>
      tpu.enqueue_dma source(%dma_start3A_592 : memref<1000xf32, #tpu.memory_space<vmem_shared>>) target(%arg8 : memref<1000xf32, #tpu.memory_space<vmem>>) target_semaphore(%run_scoped3A : memref<!tpu.dma_semaphore, #tpu.memory_space<semaphore_mem>>)
      %dma_wait3A = tpu.memref_slice %arg4[%add3A_560] : memref<100096xf32, #tpu.memory_space<vmem_shared>> -> memref<1000xf32, #tpu.memory_space<vmem_shared>>
      %dma_wait3A_593 = tpu.memref_slice %arg4[%add3A_560] : memref<100096xf32, #tpu.memory_space<vmem_shared>> -> memref<1000xf32, #tpu.memory_space<vmem_shared>>
      tpu.wait_dma2 semaphore(%run_scoped3A : memref<!tpu.dma_semaphore, #tpu.memory_space<semaphore_mem>>) src(%dma_wait3A_593 : memref<1000xf32, #tpu.memory_space<vmem_shared>>) dst(%arg8 : memref<1000xf32, #tpu.memory_space<vmem>>)
      tpu.yield
    }) : () -> ()
    %mul3A_561 = arith.constant 100096 : i32
    %mul3A_562 = arith.muli %arg0, %mul3A_561 : i32
    %add3A_563 = arith.addi %mul3A_562, %add3A_560 : i32
    "tpu.region"() ({
      %run_scoped3A = tpu.sem_alloc : memref<!tpu.dma_semaphore, #tpu.memory_space<semaphore_mem>>
      %dma_start3A = tpu.memref_slice %arg3[%add3A_563] : memref<200192xf32, #tpu.memory_space<hbm>> -> memref<1000xf32, #tpu.memory_space<hbm>>
      %dma_start3A_592 = tpu.memref_slice %arg3[%add3A_563] : memref<200192xf32, #tpu.memory_space<hbm>> -> memref<1000xf32, #tpu.memory_space<hbm>>
      tpu.enqueue_dma source(%arg8 : memref<1000xf32, #tpu.memory_space<vmem>>) target(%dma_start3A_592 : memref<1000xf32, #tpu.memory_space<hbm>>) target_semaphore(%run_scoped3A : memref<!tpu.dma_semaphore, #tpu.memory_space<semaphore_mem>>)
      %dma_wait3A = tpu.memref_slice %arg3[%add3A_563] : memref<200192xf32, #tpu.memory_space<hbm>> -> memref<1000xf32, #tpu.memory_space<hbm>>
      %dma_wait3A_593 = tpu.memref_slice %arg3[%add3A_563] : memref<200192xf32, #tpu.memory_space<hbm>> -> memref<1000xf32, #tpu.memory_space<hbm>>
      tpu.wait_dma2 semaphore(%run_scoped3A : memref<!tpu.dma_semaphore, #tpu.memory_space<semaphore_mem>>) src(%arg8 : memref<1000xf32, #tpu.memory_space<vmem>>) dst(%dma_wait3A_593 : memref<1000xf32, #tpu.memory_space<hbm>>)
      tpu.yield
    }) : () -> ()
    %mul3A_564 = arith.constant 6256 : i32
    %mul3A_565 = arith.muli %arg1, %mul3A_564 : i32
    %add3A_566 = arith.constant 3000 : i32
    %add3A_567 = arith.addi %mul3A_565, %add3A_566 : i32
    "tpu.region"() ({
      %run_scoped3A = tpu.sem_alloc : memref<!tpu.dma_semaphore, #tpu.memory_space<semaphore_mem>>
      %dma_start3A = tpu.memref_slice %arg4[%add3A_567] : memref<100096xf32, #tpu.memory_space<vmem_shared>> -> memref<1000xf32, #tpu.memory_space<vmem_shared>>
      %dma_start3A_592 = tpu.memref_slice %arg4[%add3A_567] : memref<100096xf32, #tpu.memory_space<vmem_shared>> -> memref<1000xf32, #tpu.memory_space<vmem_shared>>
      tpu.enqueue_dma source(%dma_start3A_592 : memref<1000xf32, #tpu.memory_space<vmem_shared>>) target(%arg8 : memref<1000xf32, #tpu.memory_space<vmem>>) target_semaphore(%run_scoped3A : memref<!tpu.dma_semaphore, #tpu.memory_space<semaphore_mem>>)
      %dma_wait3A = tpu.memref_slice %arg4[%add3A_567] : memref<100096xf32, #tpu.memory_space<vmem_shared>> -> memref<1000xf32, #tpu.memory_space<vmem_shared>>
      %dma_wait3A_593 = tpu.memref_slice %arg4[%add3A_567] : memref<100096xf32, #tpu.memory_space<vmem_shared>> -> memref<1000xf32, #tpu.memory_space<vmem_shared>>
      tpu.wait_dma2 semaphore(%run_scoped3A : memref<!tpu.dma_semaphore, #tpu.memory_space<semaphore_mem>>) src(%dma_wait3A_593 : memref<1000xf32, #tpu.memory_space<vmem_shared>>) dst(%arg8 : memref<1000xf32, #tpu.memory_space<vmem>>)
      tpu.yield
    }) : () -> ()
    %mul3A_568 = arith.constant 100096 : i32
    %mul3A_569 = arith.muli %arg0, %mul3A_568 : i32
    %add3A_570 = arith.addi %mul3A_569, %add3A_567 : i32
    "tpu.region"() ({
      %run_scoped3A = tpu.sem_alloc : memref<!tpu.dma_semaphore, #tpu.memory_space<semaphore_mem>>
      %dma_start3A = tpu.memref_slice %arg3[%add3A_570] : memref<200192xf32, #tpu.memory_space<hbm>> -> memref<1000xf32, #tpu.memory_space<hbm>>
      %dma_start3A_592 = tpu.memref_slice %arg3[%add3A_570] : memref<200192xf32, #tpu.memory_space<hbm>> -> memref<1000xf32, #tpu.memory_space<hbm>>
      tpu.enqueue_dma source(%arg8 : memref<1000xf32, #tpu.memory_space<vmem>>) target(%dma_start3A_592 : memref<1000xf32, #tpu.memory_space<hbm>>) target_semaphore(%run_scoped3A : memref<!tpu.dma_semaphore, #tpu.memory_space<semaphore_mem>>)
      %dma_wait3A = tpu.memref_slice %arg3[%add3A_570] : memref<200192xf32, #tpu.memory_space<hbm>> -> memref<1000xf32, #tpu.memory_space<hbm>>
      %dma_wait3A_593 = tpu.memref_slice %arg3[%add3A_570] : memref<200192xf32, #tpu.memory_space<hbm>> -> memref<1000xf32, #tpu.memory_space<hbm>>
      tpu.wait_dma2 semaphore(%run_scoped3A : memref<!tpu.dma_semaphore, #tpu.memory_space<semaphore_mem>>) src(%arg8 : memref<1000xf32, #tpu.memory_space<vmem>>) dst(%dma_wait3A_593 : memref<1000xf32, #tpu.memory_space<hbm>>)
      tpu.yield
    }) : () -> ()
    %mul3A_571 = arith.constant 6256 : i32
    %mul3A_572 = arith.muli %arg1, %mul3A_571 : i32
    %add3A_573 = arith.constant 4000 : i32
    %add3A_574 = arith.addi %mul3A_572, %add3A_573 : i32
    "tpu.region"() ({
      %run_scoped3A = tpu.sem_alloc : memref<!tpu.dma_semaphore, #tpu.memory_space<semaphore_mem>>
      %dma_start3A = tpu.memref_slice %arg4[%add3A_574] : memref<100096xf32, #tpu.memory_space<vmem_shared>> -> memref<1000xf32, #tpu.memory_space<vmem_shared>>
      %dma_start3A_592 = tpu.memref_slice %arg4[%add3A_574] : memref<100096xf32, #tpu.memory_space<vmem_shared>> -> memref<1000xf32, #tpu.memory_space<vmem_shared>>
      tpu.enqueue_dma source(%dma_start3A_592 : memref<1000xf32, #tpu.memory_space<vmem_shared>>) target(%arg8 : memref<1000xf32, #tpu.memory_space<vmem>>) target_semaphore(%run_scoped3A : memref<!tpu.dma_semaphore, #tpu.memory_space<semaphore_mem>>)
      %dma_wait3A = tpu.memref_slice %arg4[%add3A_574] : memref<100096xf32, #tpu.memory_space<vmem_shared>> -> memref<1000xf32, #tpu.memory_space<vmem_shared>>
      %dma_wait3A_593 = tpu.memref_slice %arg4[%add3A_574] : memref<100096xf32, #tpu.memory_space<vmem_shared>> -> memref<1000xf32, #tpu.memory_space<vmem_shared>>
      tpu.wait_dma2 semaphore(%run_scoped3A : memref<!tpu.dma_semaphore, #tpu.memory_space<semaphore_mem>>) src(%dma_wait3A_593 : memref<1000xf32, #tpu.memory_space<vmem_shared>>) dst(%arg8 : memref<1000xf32, #tpu.memory_space<vmem>>)
      tpu.yield
    }) : () -> ()
    %mul3A_575 = arith.constant 100096 : i32
    %mul3A_576 = arith.muli %arg0, %mul3A_575 : i32
    %add3A_577 = arith.addi %mul3A_576, %add3A_574 : i32
    "tpu.region"() ({
      %run_scoped3A = tpu.sem_alloc : memref<!tpu.dma_semaphore, #tpu.memory_space<semaphore_mem>>
      %dma_start3A = tpu.memref_slice %arg3[%add3A_577] : memref<200192xf32, #tpu.memory_space<hbm>> -> memref<1000xf32, #tpu.memory_space<hbm>>
      %dma_start3A_592 = tpu.memref_slice %arg3[%add3A_577] : memref<200192xf32, #tpu.memory_space<hbm>> -> memref<1000xf32, #tpu.memory_space<hbm>>
      tpu.enqueue_dma source(%arg8 : memref<1000xf32, #tpu.memory_space<vmem>>) target(%dma_start3A_592 : memref<1000xf32, #tpu.memory_space<hbm>>) target_semaphore(%run_scoped3A : memref<!tpu.dma_semaphore, #tpu.memory_space<semaphore_mem>>)
      %dma_wait3A = tpu.memref_slice %arg3[%add3A_577] : memref<200192xf32, #tpu.memory_space<hbm>> -> memref<1000xf32, #tpu.memory_space<hbm>>
      %dma_wait3A_593 = tpu.memref_slice %arg3[%add3A_577] : memref<200192xf32, #tpu.memory_space<hbm>> -> memref<1000xf32, #tpu.memory_space<hbm>>
      tpu.wait_dma2 semaphore(%run_scoped3A : memref<!tpu.dma_semaphore, #tpu.memory_space<semaphore_mem>>) src(%arg8 : memref<1000xf32, #tpu.memory_space<vmem>>) dst(%dma_wait3A_593 : memref<1000xf32, #tpu.memory_space<hbm>>)
      tpu.yield
    }) : () -> ()
    %mul3A_578 = arith.constant 6256 : i32
    %mul3A_579 = arith.muli %arg1, %mul3A_578 : i32
    %add3A_580 = arith.constant 5000 : i32
    %add3A_581 = arith.addi %mul3A_579, %add3A_580 : i32
    "tpu.region"() ({
      %run_scoped3A = tpu.sem_alloc : memref<!tpu.dma_semaphore, #tpu.memory_space<semaphore_mem>>
      %dma_start3A = tpu.memref_slice %arg4[%add3A_581] : memref<100096xf32, #tpu.memory_space<vmem_shared>> -> memref<1000xf32, #tpu.memory_space<vmem_shared>>
      %dma_start3A_592 = tpu.memref_slice %arg4[%add3A_581] : memref<100096xf32, #tpu.memory_space<vmem_shared>> -> memref<1000xf32, #tpu.memory_space<vmem_shared>>
      tpu.enqueue_dma source(%dma_start3A_592 : memref<1000xf32, #tpu.memory_space<vmem_shared>>) target(%arg8 : memref<1000xf32, #tpu.memory_space<vmem>>) target_semaphore(%run_scoped3A : memref<!tpu.dma_semaphore, #tpu.memory_space<semaphore_mem>>)
      %dma_wait3A = tpu.memref_slice %arg4[%add3A_581] : memref<100096xf32, #tpu.memory_space<vmem_shared>> -> memref<1000xf32, #tpu.memory_space<vmem_shared>>
      %dma_wait3A_593 = tpu.memref_slice %arg4[%add3A_581] : memref<100096xf32, #tpu.memory_space<vmem_shared>> -> memref<1000xf32, #tpu.memory_space<vmem_shared>>
      tpu.wait_dma2 semaphore(%run_scoped3A : memref<!tpu.dma_semaphore, #tpu.memory_space<semaphore_mem>>) src(%dma_wait3A_593 : memref<1000xf32, #tpu.memory_space<vmem_shared>>) dst(%arg8 : memref<1000xf32, #tpu.memory_space<vmem>>)
      tpu.yield
    }) : () -> ()
    %mul3A_582 = arith.constant 100096 : i32
    %mul3A_583 = arith.muli %arg0, %mul3A_582 : i32
    %add3A_584 = arith.addi %mul3A_583, %add3A_581 : i32
    "tpu.region"() ({
      %run_scoped3A = tpu.sem_alloc : memref<!tpu.dma_semaphore, #tpu.memory_space<semaphore_mem>>
      %dma_start3A = tpu.memref_slice %arg3[%add3A_584] : memref<200192xf32, #tpu.memory_space<hbm>> -> memref<1000xf32, #tpu.memory_space<hbm>>
      %dma_start3A_592 = tpu.memref_slice %arg3[%add3A_584] : memref<200192xf32, #tpu.memory_space<hbm>> -> memref<1000xf32, #tpu.memory_space<hbm>>
      tpu.enqueue_dma source(%arg8 : memref<1000xf32, #tpu.memory_space<vmem>>) target(%dma_start3A_592 : memref<1000xf32, #tpu.memory_space<hbm>>) target_semaphore(%run_scoped3A : memref<!tpu.dma_semaphore, #tpu.memory_space<semaphore_mem>>)
      %dma_wait3A = tpu.memref_slice %arg3[%add3A_584] : memref<200192xf32, #tpu.memory_space<hbm>> -> memref<1000xf32, #tpu.memory_space<hbm>>
      %dma_wait3A_593 = tpu.memref_slice %arg3[%add3A_584] : memref<200192xf32, #tpu.memory_space<hbm>> -> memref<1000xf32, #tpu.memory_space<hbm>>
      tpu.wait_dma2 semaphore(%run_scoped3A : memref<!tpu.dma_semaphore, #tpu.memory_space<semaphore_mem>>) src(%arg8 : memref<1000xf32, #tpu.memory_space<vmem>>) dst(%dma_wait3A_593 : memref<1000xf32, #tpu.memory_space<hbm>>)
      tpu.yield
    }) : () -> ()
    %mul3A_585 = arith.constant 6256 : i32
    %mul3A_586 = arith.muli %arg1, %mul3A_585 : i32
    %add3A_587 = arith.constant 6000 : i32
    %add3A_588 = arith.addi %mul3A_586, %add3A_587 : i32
    "tpu.region"() ({
      %run_scoped3A = tpu.sem_alloc : memref<!tpu.dma_semaphore, #tpu.memory_space<semaphore_mem>>
      %dma_start3A = arith.constant 0 : i32
      %dma_start3A_592 = tpu.memref_slice %arg8[%dma_start3A] : memref<1000xf32, #tpu.memory_space<vmem>> -> memref<256xf32, #tpu.memory_space<vmem>>
      %dma_start3A_593 = tpu.memref_slice %arg4[%add3A_588] : memref<100096xf32, #tpu.memory_space<vmem_shared>> -> memref<256xf32, #tpu.memory_space<vmem_shared>>
      %dma_start3A_594 = arith.constant 0 : i32
      %dma_start3A_595 = tpu.memref_slice %arg8[%dma_start3A_594] : memref<1000xf32, #tpu.memory_space<vmem>> -> memref<256xf32, #tpu.memory_space<vmem>>
      %dma_start3A_596 = tpu.memref_slice %arg4[%add3A_588] : memref<100096xf32, #tpu.memory_space<vmem_shared>> -> memref<256xf32, #tpu.memory_space<vmem_shared>>
      tpu.enqueue_dma source(%dma_start3A_596 : memref<256xf32, #tpu.memory_space<vmem_shared>>) target(%dma_start3A_595 : memref<256xf32, #tpu.memory_space<vmem>>) target_semaphore(%run_scoped3A : memref<!tpu.dma_semaphore, #tpu.memory_space<semaphore_mem>>)
      %dma_wait3A = arith.constant 0 : i32
      %dma_wait3A_597 = tpu.memref_slice %arg8[%dma_wait3A] : memref<1000xf32, #tpu.memory_space<vmem>> -> memref<256xf32, #tpu.memory_space<vmem>>
      %dma_wait3A_598 = tpu.memref_slice %arg4[%add3A_588] : memref<100096xf32, #tpu.memory_space<vmem_shared>> -> memref<256xf32, #tpu.memory_space<vmem_shared>>
      %dma_wait3A_599 = arith.constant 0 : i32
      %dma_wait3A_600 = tpu.memref_slice %arg8[%dma_wait3A_599] : memref<1000xf32, #tpu.memory_space<vmem>> -> memref<256xf32, #tpu.memory_space<vmem>>
      %dma_wait3A_601 = tpu.memref_slice %arg4[%add3A_588] : memref<100096xf32, #tpu.memory_space<vmem_shared>> -> memref<256xf32, #tpu.memory_space<vmem_shared>>
      tpu.wait_dma2 semaphore(%run_scoped3A : memref<!tpu.dma_semaphore, #tpu.memory_space<semaphore_mem>>) src(%dma_wait3A_601 : memref<256xf32, #tpu.memory_space<vmem_shared>>) dst(%dma_wait3A_600 : memref<256xf32, #tpu.memory_space<vmem>>)
      tpu.yield
    }) : () -> ()
    %mul3A_589 = arith.constant 100096 : i32
    %mul3A_590 = arith.muli %arg0, %mul3A_589 : i32
    %add3A_591 = arith.addi %mul3A_590, %add3A_588 : i32
    "tpu.region"() ({
      %run_scoped3A = tpu.sem_alloc : memref<!tpu.dma_semaphore, #tpu.memory_space<semaphore_mem>>
      %dma_start3A = arith.constant 0 : i32
      %dma_start3A_592 = tpu.memref_slice %arg8[%dma_start3A] : memref<1000xf32, #tpu.memory_space<vmem>> -> memref<256xf32, #tpu.memory_space<vmem>>
      %dma_start3A_593 = tpu.memref_slice %arg3[%add3A_591] : memref<200192xf32, #tpu.memory_space<hbm>> -> memref<256xf32, #tpu.memory_space<hbm>>
      %dma_start3A_594 = tpu.memref_slice %arg3[%add3A_591] : memref<200192xf32, #tpu.memory_space<hbm>> -> memref<256xf32, #tpu.memory_space<hbm>>
      %dma_start3A_595 = arith.constant 0 : i32
      %dma_start3A_596 = tpu.memref_slice %arg8[%dma_start3A_595] : memref<1000xf32, #tpu.memory_space<vmem>> -> memref<256xf32, #tpu.memory_space<vmem>>
      tpu.enqueue_dma source(%dma_start3A_596 : memref<256xf32, #tpu.memory_space<vmem>>) target(%dma_start3A_594 : memref<256xf32, #tpu.memory_space<hbm>>) target_semaphore(%run_scoped3A : memref<!tpu.dma_semaphore, #tpu.memory_space<semaphore_mem>>)
      %dma_wait3A = arith.constant 0 : i32
      %dma_wait3A_597 = tpu.memref_slice %arg8[%dma_wait3A] : memref<1000xf32, #tpu.memory_space<vmem>> -> memref<256xf32, #tpu.memory_space<vmem>>
      %dma_wait3A_598 = tpu.memref_slice %arg3[%add3A_591] : memref<200192xf32, #tpu.memory_space<hbm>> -> memref<256xf32, #tpu.memory_space<hbm>>
      %dma_wait3A_599 = tpu.memref_slice %arg3[%add3A_591] : memref<200192xf32, #tpu.memory_space<hbm>> -> memref<256xf32, #tpu.memory_space<hbm>>
      %dma_wait3A_600 = arith.constant 0 : i32
      %dma_wait3A_601 = tpu.memref_slice %arg8[%dma_wait3A_600] : memref<1000xf32, #tpu.memory_space<vmem>> -> memref<256xf32, #tpu.memory_space<vmem>>
      tpu.wait_dma2 semaphore(%run_scoped3A : memref<!tpu.dma_semaphore, #tpu.memory_space<semaphore_mem>>) src(%dma_wait3A_601 : memref<256xf32, #tpu.memory_space<vmem>>) dst(%dma_wait3A_599 : memref<256xf32, #tpu.memory_space<hbm>>)
      tpu.yield
    }) : () -> ()
    return
  }
}

module attributes {stable_mosaic.version = 14 : i64} {
  func.func @_t1_body(%arg0: i32, %arg1: memref<512x128xf32, #tpu.memory_space<vmem>>, %arg2: memref<512x128xf32, #tpu.memory_space<vmem>>, %arg3: memref<512x128xf32, #tpu.memory_space<vmem>>, %arg4: memref<512x128xf32, #tpu.memory_space<vmem>>) attributes {dimension_semantics = [#tpu.dimension_semantics<arbitrary>], iteration_bounds = array<i64: 25>, scalar_prefetch = 0 : i64, scratch_operands = 0 : i64, tpu.core_type = #tpu.core_type<tc>, window_params = [{transform_indices = @transform_0, window_bounds = array<i64: 512, 128>}, {transform_indices = @transform_1, window_bounds = array<i64: 512, 128>}, {transform_indices = @transform_2, window_bounds = array<i64: 512, 128>}, {transform_indices = @transform_3, window_bounds = array<i64: 512, 128>}]} {
    %get3A = arith.constant 0 : index
    %get3A_0 = arith.constant 0 : index
    %get3A_1 = vector.load %arg1[%get3A, %get3A_0] : memref<512x128xf32, #tpu.memory_space<vmem>>, vector<512x128xf32>
    %rsqrt3A = math.rsqrt %get3A_1 : vector<512x128xf32>
    %swap3A = arith.constant 0 : index
    %swap3A_2 = arith.constant 0 : index
    %swap3A_3 = vector.load %arg3[%swap3A, %swap3A_2] : memref<512x128xf32, #tpu.memory_space<vmem>>, vector<512x128xf32>
    tpu.vector_store %arg3[%swap3A, %swap3A_2], %rsqrt3A {strides = array<i32>} : memref<512x128xf32, #tpu.memory_space<vmem>>, vector<512x128xf32>,
    %get3A_4 = arith.constant 0 : index
    %get3A_5 = arith.constant 0 : index
    %get3A_6 = vector.load %arg2[%get3A_4, %get3A_5] : memref<512x128xf32, #tpu.memory_space<vmem>>, vector<512x128xf32>
    %mul3A = arith.mulf %get3A_6, %rsqrt3A : vector<512x128xf32>
    %swap3A_7 = arith.constant 0 : index
    %swap3A_8 = arith.constant 0 : index
    %swap3A_9 = vector.load %arg4[%swap3A_7, %swap3A_8] : memref<512x128xf32, #tpu.memory_space<vmem>>, vector<512x128xf32>
    tpu.vector_store %arg4[%swap3A_7, %swap3A_8], %mul3A {strides = array<i32>} : memref<512x128xf32, #tpu.memory_space<vmem>>, vector<512x128xf32>,
    return
  }
  func.func @transform_0(%arg0: i32) -> (i32, i32) {
    %c0_i32 = arith.constant 0 : i32
    %c0_i32_0 = arith.constant 0 : i32
    return %arg0, %c0_i32 : i32, i32
  }
  func.func @transform_1(%arg0: i32) -> (i32, i32) {
    %c0_i32 = arith.constant 0 : i32
    %c0_i32_0 = arith.constant 0 : i32
    return %arg0, %c0_i32 : i32, i32
  }
  func.func @transform_2(%arg0: i32) -> (i32, i32) {
    %c0_i32 = arith.constant 0 : i32
    %c0_i32_0 = arith.constant 0 : i32
    return %arg0, %c0_i32 : i32, i32
  }
  func.func @transform_3(%arg0: i32) -> (i32, i32) {
    %c0_i32 = arith.constant 0 : i32
    %c0_i32_0 = arith.constant 0 : i32
    return %arg0, %c0_i32 : i32, i32
  }
}

module attributes {stable_mosaic.version = 14 : i64} {
  func.func @_t2_body(%arg0: i32, %arg1: memref<512x128xf32, #tpu.memory_space<vmem>>, %arg2: memref<512x128xf32, #tpu.memory_space<vmem>>, %arg3: memref<512x128xf32, #tpu.memory_space<vmem>>, %arg4: memref<512x128xf32, #tpu.memory_space<vmem>>, %arg5: memref<128x256xf32, #tpu.memory_space<vmem>>, %arg6: memref<256xf32, #tpu.memory_space<vmem>>, %arg7: memref<256x128xf32, #tpu.memory_space<vmem>>, %arg8: memref<512x128xf32, #tpu.memory_space<vmem>>) attributes {dimension_semantics = [#tpu.dimension_semantics<arbitrary>], iteration_bounds = array<i64: 25>, scalar_prefetch = 0 : i64, scratch_operands = 0 : i64, tpu.core_type = #tpu.core_type<tc>, window_params = [{transform_indices = @transform_0, window_bounds = array<i64: 512, 128>}, {transform_indices = @transform_1, window_bounds = array<i64: 512, 128>}, {transform_indices = @transform_2, window_bounds = array<i64: 512, 128>}, {transform_indices = @transform_3, window_bounds = array<i64: 512, 128>}, {pipeline_mode = #tpu.pipeline_mode<synchronous>, transform_indices = @transform_4, window_bounds = array<i64: 128, 256>}, {pipeline_mode = #tpu.pipeline_mode<synchronous>, transform_indices = @transform_5, window_bounds = array<i64: 256>}, {pipeline_mode = #tpu.pipeline_mode<synchronous>, transform_indices = @transform_6, window_bounds = array<i64: 256, 128>}, {transform_indices = @transform_7, window_bounds = array<i64: 512, 128>}]} {
    %get3A = arith.constant 0 : index
    %get3A_0 = arith.constant 0 : index
    %get3A_1 = vector.load %arg4[%get3A, %get3A_0] : memref<512x128xf32, #tpu.memory_space<vmem>>, vector<512x128xf32>
    %get3A_2 = arith.constant 0 : index
    %get3A_3 = arith.constant 0 : index
    %get3A_4 = vector.load %arg1[%get3A_2, %get3A_3] : memref<512x128xf32, #tpu.memory_space<vmem>>, vector<512x128xf32>
    %get3A_5 = arith.constant 0 : index
    %get3A_6 = arith.constant 0 : index
    %get3A_7 = vector.load %arg2[%get3A_5, %get3A_6] : memref<512x128xf32, #tpu.memory_space<vmem>>, vector<512x128xf32>
    %add3A = arith.addf %get3A_4, %get3A_7 : vector<512x128xf32>
    %get3A_8 = arith.constant 0 : index
    %get3A_9 = arith.constant 0 : index
    %get3A_10 = vector.load %arg3[%get3A_8, %get3A_9] : memref<512x128xf32, #tpu.memory_space<vmem>>, vector<512x128xf32>
    %add3A_11 = arith.addf %add3A, %get3A_10 : vector<512x128xf32>
    %mul3A = arith.mulf %add3A_11, %get3A_1 : vector<512x128xf32>
    %get3A_12 = arith.constant 0 : index
    %get3A_13 = arith.constant 0 : index
    %get3A_14 = vector.load %arg5[%get3A_12, %get3A_13] : memref<128x256xf32, #tpu.memory_space<vmem>>, vector<128x256xf32>
    %dot_general3A = arith.constant dense<0.000000e+00> : vector<512x256xf32>
    %dot_general3A_15 = tpu.matmul %mul3A, %get3A_14, %dot_general3A {dimension_numbers = #tpu.dot_dimension_numbers<[1], [0], [0], [1], [0, 0, 1, 1], [], []>, transpose_lhs_hint = false} : vector<512x128xf32>, vector<128x256xf32>, vector<512x256xf32> -> vector<512x256xf32>
    %get3A_16 = arith.constant 0 : index
    %get3A_17 = vector.load %arg6[%get3A_16] : memref<256xf32, #tpu.memory_space<vmem>>, vector<256xf32>
    %broadcast_in_dim3A = vector.shape_cast %get3A_17 : vector<256xf32> to vector<1x256xf32>
    %add3A_18 = vector.broadcast %broadcast_in_dim3A : vector<1x256xf32> to vector<512x256xf32>
    %add3A_19 = arith.addf %dot_general3A_15, %add3A_18 : vector<512x256xf32>
    %max3A = arith.constant 0.000000e+00 : f32
    %max3A_20 = vector.broadcast %max3A : f32 to vector<512x256xf32>
    %max3A_21 = arith.maximumf %add3A_19, %max3A_20 : vector<512x256xf32>
    %get3A_22 = arith.constant 0 : index
    %get3A_23 = arith.constant 0 : index
    %get3A_24 = vector.load %arg7[%get3A_22, %get3A_23] : memref<256x128xf32, #tpu.memory_space<vmem>>, vector<256x128xf32>
    %dot_general3A_25 = arith.constant dense<0.000000e+00> : vector<512x128xf32>
    %dot_general3A_26 = tpu.matmul %max3A_21, %get3A_24, %dot_general3A_25 {dimension_numbers = #tpu.dot_dimension_numbers<[1], [0], [0], [1], [0, 0, 1, 1], [], []>, transpose_lhs_hint = false} : vector<512x256xf32>, vector<256x128xf32>, vector<512x128xf32> -> vector<512x128xf32>
    %mul3A_27 = arith.mulf %dot_general3A_26, %get3A_1 : vector<512x128xf32>
    %swap3A = arith.constant 0 : index
    %swap3A_28 = arith.constant 0 : index
    %swap3A_29 = vector.load %arg8[%swap3A, %swap3A_28] : memref<512x128xf32, #tpu.memory_space<vmem>>, vector<512x128xf32>
    tpu.vector_store %arg8[%swap3A, %swap3A_28], %mul3A_27 {strides = array<i32>} : memref<512x128xf32, #tpu.memory_space<vmem>>, vector<512x128xf32>,
    return
  }
  func.func @transform_0(%arg0: i32) -> (i32, i32) {
    %c0_i32 = arith.constant 0 : i32
    %c0_i32_0 = arith.constant 0 : i32
    return %arg0, %c0_i32 : i32, i32
  }
  func.func @transform_1(%arg0: i32) -> (i32, i32) {
    %c0_i32 = arith.constant 0 : i32
    %c0_i32_0 = arith.constant 0 : i32
    return %arg0, %c0_i32 : i32, i32
  }
  func.func @transform_2(%arg0: i32) -> (i32, i32) {
    %c0_i32 = arith.constant 0 : i32
    %c0_i32_0 = arith.constant 0 : i32
    return %arg0, %c0_i32 : i32, i32
  }
  func.func @transform_3(%arg0: i32) -> (i32, i32) {
    %c0_i32 = arith.constant 0 : i32
    %c0_i32_0 = arith.constant 0 : i32
    return %arg0, %c0_i32 : i32, i32
  }
  func.func @transform_4(%arg0: i32) -> (i32, i32) {
    %c0_i32 = arith.constant 0 : i32
    %c0_i32_0 = arith.constant 0 : i32
    %c0_i32_1 = arith.constant 0 : i32
    return %c0_i32, %c0_i32_0 : i32, i32
  }
  func.func @transform_5(%arg0: i32) -> i32 {
    %c0_i32 = arith.constant 0 : i32
    %c0_i32_0 = arith.constant 0 : i32
    return %c0_i32 : i32
  }
  func.func @transform_6(%arg0: i32) -> (i32, i32) {
    %c0_i32 = arith.constant 0 : i32
    %c0_i32_0 = arith.constant 0 : i32
    %c0_i32_1 = arith.constant 0 : i32
    return %c0_i32, %c0_i32_0 : i32, i32
  }
  func.func @transform_7(%arg0: i32) -> (i32, i32) {
    %c0_i32 = arith.constant 0 : i32
    %c0_i32_0 = arith.constant 0 : i32
    return %arg0, %c0_i32 : i32, i32
  }
}

module attributes {stable_mosaic.version = 14 : i64} {
  func.func @_t3_body(%arg0: i32, %arg1: memref<512x128xf32, #tpu.memory_space<vmem>>, %arg2: memref<512x128xf32, #tpu.memory_space<vmem>>, %arg3: memref<512x128xf32, #tpu.memory_space<vmem>>, %arg4: memref<512x128xf32, #tpu.memory_space<vmem>>, %arg5: memref<128x16xf32, #tpu.memory_space<vmem>>, %arg6: memref<16xf32, #tpu.memory_space<vmem>>, %arg7: memref<512x16xf32, #tpu.memory_space<vmem>>) attributes {dimension_semantics = [#tpu.dimension_semantics<arbitrary>], iteration_bounds = array<i64: 25>, scalar_prefetch = 0 : i64, scratch_operands = 0 : i64, tpu.core_type = #tpu.core_type<tc>, window_params = [{transform_indices = @transform_0, window_bounds = array<i64: 512, 128>}, {transform_indices = @transform_1, window_bounds = array<i64: 512, 128>}, {transform_indices = @transform_2, window_bounds = array<i64: 512, 128>}, {transform_indices = @transform_3, window_bounds = array<i64: 512, 128>}, {pipeline_mode = #tpu.pipeline_mode<synchronous>, transform_indices = @transform_4, window_bounds = array<i64: 128, 16>}, {pipeline_mode = #tpu.pipeline_mode<synchronous>, transform_indices = @transform_5, window_bounds = array<i64: 16>}, {transform_indices = @transform_6, window_bounds = array<i64: 512, 16>}]} {
    %get3A = arith.constant 0 : index
    %get3A_0 = arith.constant 0 : index
    %get3A_1 = vector.load %arg1[%get3A, %get3A_0] : memref<512x128xf32, #tpu.memory_space<vmem>>, vector<512x128xf32>
    %get3A_2 = arith.constant 0 : index
    %get3A_3 = arith.constant 0 : index
    %get3A_4 = vector.load %arg2[%get3A_2, %get3A_3] : memref<512x128xf32, #tpu.memory_space<vmem>>, vector<512x128xf32>
    %add3A = arith.addf %get3A_1, %get3A_4 : vector<512x128xf32>
    %get3A_5 = arith.constant 0 : index
    %get3A_6 = arith.constant 0 : index
    %get3A_7 = vector.load %arg3[%get3A_5, %get3A_6] : memref<512x128xf32, #tpu.memory_space<vmem>>, vector<512x128xf32>
    %add3A_8 = arith.addf %add3A, %get3A_7 : vector<512x128xf32>
    %get3A_9 = arith.constant 0 : index
    %get3A_10 = arith.constant 0 : index
    %get3A_11 = vector.load %arg4[%get3A_9, %get3A_10] : memref<512x128xf32, #tpu.memory_space<vmem>>, vector<512x128xf32>
    %mul3A = arith.mulf %add3A_8, %get3A_11 : vector<512x128xf32>
    %get3A_12 = arith.constant 0 : index
    %get3A_13 = arith.constant 0 : index
    %get3A_14 = vector.load %arg5[%get3A_12, %get3A_13] : memref<128x16xf32, #tpu.memory_space<vmem>>, vector<128x16xf32>
    %dot_general3A = arith.constant dense<0.000000e+00> : vector<512x16xf32>
    %dot_general3A_15 = tpu.matmul %mul3A, %get3A_14, %dot_general3A {dimension_numbers = #tpu.dot_dimension_numbers<[1], [0], [0], [1], [0, 0, 1, 1], [], []>, transpose_lhs_hint = false} : vector<512x128xf32>, vector<128x16xf32>, vector<512x16xf32> -> vector<512x16xf32>
    %get3A_16 = arith.constant 0 : index
    %get3A_17 = vector.load %arg6[%get3A_16] : memref<16xf32, #tpu.memory_space<vmem>>, vector<16xf32>
    %broadcast_in_dim3A = vector.shape_cast %get3A_17 : vector<16xf32> to vector<1x16xf32>
    %add3A_18 = vector.broadcast %broadcast_in_dim3A : vector<1x16xf32> to vector<512x16xf32>
    %add3A_19 = arith.addf %dot_general3A_15, %add3A_18 : vector<512x16xf32>
    %swap3A = arith.constant 0 : index
    %swap3A_20 = arith.constant 0 : index
    %swap3A_21 = vector.load %arg7[%swap3A, %swap3A_20] : memref<512x16xf32, #tpu.memory_space<vmem>>, vector<512x16xf32>
    tpu.vector_store %arg7[%swap3A, %swap3A_20], %add3A_19 {strides = array<i32>} : memref<512x16xf32, #tpu.memory_space<vmem>>, vector<512x16xf32>,
    return
  }
  func.func @transform_0(%arg0: i32) -> (i32, i32) {
    %c0_i32 = arith.constant 0 : i32
    %c0_i32_0 = arith.constant 0 : i32
    return %arg0, %c0_i32 : i32, i32
  }
  func.func @transform_1(%arg0: i32) -> (i32, i32) {
    %c0_i32 = arith.constant 0 : i32
    %c0_i32_0 = arith.constant 0 : i32
    return %arg0, %c0_i32 : i32, i32
  }
  func.func @transform_2(%arg0: i32) -> (i32, i32) {
    %c0_i32 = arith.constant 0 : i32
    %c0_i32_0 = arith.constant 0 : i32
    return %arg0, %c0_i32 : i32, i32
  }
  func.func @transform_3(%arg0: i32) -> (i32, i32) {
    %c0_i32 = arith.constant 0 : i32
    %c0_i32_0 = arith.constant 0 : i32
    return %arg0, %c0_i32 : i32, i32
  }
  func.func @transform_4(%arg0: i32) -> (i32, i32) {
    %c0_i32 = arith.constant 0 : i32
    %c0_i32_0 = arith.constant 0 : i32
    %c0_i32_1 = arith.constant 0 : i32
    return %c0_i32, %c0_i32_0 : i32, i32
  }
  func.func @transform_5(%arg0: i32) -> i32 {
    %c0_i32 = arith.constant 0 : i32
    %c0_i32_0 = arith.constant 0 : i32
    return %c0_i32 : i32
  }
  func.func @transform_6(%arg0: i32) -> (i32, i32) {
    %c0_i32 = arith.constant 0 : i32
    %c0_i32_0 = arith.constant 0 : i32
    return %arg0, %c0_i32 : i32, i32
  }
}

</mosaic_0001>

<sc_bundles>
// kernel: kernel.11.cloned.1.call-start
scs
__scs_entry_jumppad:
0x0: {  	(pc) =	sbr.rel $0x88, $3  }
0x1: {  	(tag) =	ssettag $0x0;
	lr =	simm.s32 $0x1  }
0x2: {  	[smem:$0x3F9B] =	sst lr;
	_ =	strace $0xD0000000  }
0x3: {  	_ = 	snop  }
0x4: {  	_ = 	snop  }
0x5: {  	_ = 	snop  }
0x6: {  	_ = 	snop  }
0x7: {  	_ = 	snop  }
__scs_overlays_trampoline_lowered:
0x8: {  	[smem:$0x3FAA] =	sst s0  }
0x9: {  	[smem:$0x3FAB] =	sst s1  }
0xa: {  	[smem:$0x3FAC] =	sst s2  }
0xb: {  	[smem:$0x3FAD] =	sst s3  }
0xc: {  	[smem:$0x3FAE] =	sst s4  }
0xd: {  	[smem:$0x3FAF] =	sst s5  }
0xe: {  	[smem:$0x3FB0] =	sst s6  }
0xf: {  	[smem:$0x3FB1] =	sst s7  }
0x10: {  	[smem:$0x3FB2] =	sst s8  }
0x11: {  	[smem:$0x3FB3] =	sst s9;
	s0 =	simm.s32 @!p0 $0x0  }
0x12: {  	s1 =	sld [smem:$0x3F99];
	s0 =	simm.s32 @p0 $0x1  }
0x13: {  	[smem:$0x3FB4] =	sst s0;
	s0 =	simm.s32 @!p1 $0x0  }
0x14: {  	s2 =	sld [smem:$0x3F98];
	s0 =	simm.s32 @p1 $0x1  }
0x15: {  	[smem:$0x3FB5] =	sst s0;
	s0 =	simm.s32 @!p2 $0x0  }
0x16: {  	s3 =	sld [smem:$0x3FDB];
	s0 =	simm.s32 @p2 $0x1  }
0x17: {  	s4 =	simm.s32 $0x1BF5;
	[smem:$0x3FB7] =	sst s0  }
0x18: {  	s0 =	sld [smem:$0x3F9A];
	_ =	swait.ge [sflag:s4], $0x0  }
0x19: {  	s7 =	sld [smem:$0x3F9B]  }
0x1a: {  	s8 =	sadd.s32 $0xFFFFE003, lr  }
0x1b: {  	s9 =	sadd.s32 $0xFFFFFEF7, lr;
	s5 =	simm.s32 $0xFFFFFFFF;
	p2 =	slt.u32 s8, $0xFFFFF086  }
0x1c: {  	p1 =	slt.u32 s9, $0xF7A;
	s5 =	simm.s32 @!p2 $0x0  }
0x1d: {  	s5 =	simm.s32 @p1 $0x1;
	p0 =	seq.s32 s7, s2  }
0x1e: {  	s7 =	smul.u32 @!p0 $0xF7A, s2;
	p2 =	seq.s32 @!p0 s5, $0x0  }
0x1f: {  	s9 =	smul.u32 $0xF7A, s1;
	s8 =	simm.s32 @!p0 $0x1BF5;
	p2 =	por !p2, p0  }
0x20: {  	[sflag:s8] =	ssyncset.s32 @!p0 $0xFFFFF086;
	s6 =	sadd.s32 @!p0 s3, s7;
	s7 =	simm.s32 @!p0 $0x108  }
0x21: {  	s3 =	sadd.s32 s3, s9;
	s6 =	sadd.s32 @!p0 $0x88, s6;
	s7 =	simm.s32 @p2 $0x1082  }
0x22: {  	[simem:s7], [sflag:s8] =	dma.local @!p0 [hbm:s6], $0xF7A  }
0x23: {  	s9 =	sor.u32 $0xD0000000, s2;
	s6 =	simm.s32 $0x108;
	_ =	swait.ge @!p0 [sflag:s8], $0x0  }
0x24: {  	s3 =	sadd.s32 $0x88, s3;
	s6 =	simm.s32 @!p1 $0x1082;
	[sflag:s4] =	ssyncset.s32 $0xFFFFF086  }
0x25: {  	[simem:s6], [sflag:s4] =	dma.local [hbm:s3], $0xF7A  }
0x26: {  	[smem:$0x3F9B] =	sst s1;
	(tag) =	ssettag s2;
	_ =	strace s9  }
0x27: {  	s1 =	sld [smem:$0x3FAB]  }
0x28: {  	s2 =	sld [smem:$0x3FAC]  }
0x29: {  	s4 =	sld [smem:$0x3FAE]  }
0x2a: {  	p0 =	seq.s32 s5, $0x0;
	s5 =	sld [smem:$0x3FAF]  }
0x2b: {  	s6 =	sld [smem:$0x3FB0]  }
0x2c: {  	s7 =	sld [smem:$0x3FB1]  }
0x2d: {  	s3 =	simm.s32 $0x108;
	s8 =	sld [smem:$0x3FB2]  }
0x2e: {  	s3 =	simm.s32 @!p0 $0x1082;
	s9 =	sld [smem:$0x3FB3]  }
0x2f: {  	lr =	sadd.s32 s0, s3;
	s0 =	sld [smem:$0x3FAA]  }
0x30: {  	s3 =	sld [smem:$0x3FAD]  }
0x31: {  	[smem:$0x3FB6] =	sst s10  }
0x32: {  	s10 =	sld [smem:$0x3FB4];
	_ =	sdelay $0x3  }
0x33: {  	p0 =	seq.s32 s10, $0x1;
	s10 =	sld [smem:$0x3FB6];
	_ =	sdelay $0x3  }
0x34: {  	[smem:$0x3FB6] =	sst s10  }
0x35: {  	s10 =	sld [smem:$0x3FB5];
	_ =	sdelay $0x3  }
0x36: {  	p1 =	seq.s32 s10, $0x1;
	s10 =	sld [smem:$0x3FB6];
	_ =	sdelay $0x3  }
0x37: {  	[smem:$0x3FB6] =	sst s10  }
0x38: {  	s10 =	sld [smem:$0x3FB7]  }
0x39: {  	_ = 	snop;
	(pc) =	sbr.ind lr, $3  }
0x3a: {  	_ = 	snop  }
0x3b: {  	_ = 	snop  }
0x3c: {  	p2 =	seq.s32 s10, $0x1;
	s10 =	sld [smem:$0x3FB6]  }
0x3d: {  	_ =	shalt  }
0x3e: {  	_ =	shalt  }
0x3f: {  	_ =	shalt  }
0x40: {  	_ =	shalt  }
0x41: {  	_ =	shalt  }
0x42: {  	_ =	shalt  }
0x43: {  	_ =	shalt  }
0x44: {  	_ =	shalt  }
0x45: {  	_ =	shalt  }
0x46: {  	_ =	shalt  }
0x47: {  	_ =	shalt  }
0x48: {  	_ =	shalt  }
0x49: {  	_ =	shalt  }
0x4a: {  	_ =	shalt  }
0x4b: {  	_ =	shalt  }
0x4c: {  	_ =	shalt  }
0x4d: {  	_ =	shalt  }
0x4e: {  	_ =	shalt  }
0x4f: {  	_ =	shalt  }
0x50: {  	_ =	shalt  }
0x51: {  	_ =	shalt  }
0x52: {  	_ =	shalt  }
0x53: {  	_ =	shalt  }
0x54: {  	_ =	shalt  }
0x55: {  	_ =	shalt  }
0x56: {  	_ =	shalt  }
0x57: {  	_ =	shalt  }
0x58: {  	_ =	shalt  }
0x59: {  	_ =	shalt  }
0x5a: {  	_ =	shalt  }
0x5b: {  	_ =	shalt  }
0x5c: {  	_ =	shalt  }
0x5d: {  	_ =	shalt  }
0x5e: {  	_ =	shalt  }
0x5f: {  	_ =	shalt  }
0x60: {  	_ =	shalt  }
0x61: {  	_ =	shalt  }
0x62: {  	_ =	shalt  }
0x63: {  	_ =	shalt  }
0x64: {  	_ =	shalt  }
0x65: {  	_ =	shalt  }
0x66: {  	_ =	shalt  }
0x67: {  	_ =	shalt  }
0x68: {  	_ =	shalt  }
0x69: {  	_ =	shalt  }
0x6a: {  	_ =	shalt  }
0x6b: {  	_ =	shalt  }
0x6c: {  	_ =	shalt  }
0x6d: {  	_ =	shalt  }
0x6e: {  	_ =	shalt  }
0x6f: {  	_ =	shalt  }
0x70: {  	_ =	shalt  }
0x71: {  	_ =	shalt  }
0x72: {  	_ =	shalt  }
0x73: {  	_ =	shalt  }
0x74: {  	_ =	shalt  }
0x75: {  	_ =	shalt  }
0x76: {  	_ =	shalt  }
0x77: {  	_ =	shalt  }
0x78: {  	_ =	shalt  }
0x79: {  	_ =	shalt  }
0x7a: {  	_ =	shalt  }
0x7b: {  	_ =	shalt  }
0x7c: {  	_ =	shalt  }
0x7d: {  	_ =	shalt  }
0x7e: {  	_ =	shalt  }
0x7f: {  	_ =	shalt  }
0x80: {  	_ =	shalt  }
0x81: {  	_ =	shalt  }
0x82: {  	_ =	shalt  }
0x83: {  	_ =	shalt  }
0x84: {  	_ =	shalt  }
0x85: {  	_ =	shalt  }
0x86: {  	_ =	shalt  }
0x87: {  	_ =	shalt  }
.Lfunc_end0:
.L_simem_size_0:
called_computation.1_lowered:
.L_overlay_start_0:
0x88: {  	s2 =	sld [smem:$0x3FD9]  }
0x89: {  	s3 =	sld [smem:$0x3FFE];
	_ =	sdelay $0x1  }
0x8a: {  	s1 =	srdreg.scid  }
0x8b: {  	s0 =	sand.u32 $0x1, s1  }
0x8c: {  	s16 =	sshll.u32 s0, $0xA;
	s2 =	sadd.s32 s3, s2  }
0x8d: {  	s2 =	sadd.s32 s2, s16  }
0x8e: {  	[smem:$0x3FC2] =	sst s2  }
0x8f: {  	_ = 	snop  }
0x90: {  	(tm) =	ssettm $0x1  }
0x91: {  	s17 =	sld [smem:$0x3FFB];
	_ =	sdelay $0x3  }
0x92: {  	_ =	strace s17  }
0x93: {  	s2 =	sld [smem:$0x3FFC];
	_ =	sdelay $0x3  }
0x94: {  	_ =	strace s2  }
0x95: {  	s2 =	sld [smem:$0x3FFD];
	_ =	sdelay $0x3  }
0x96: {  	_ =	strace s2  }
0x97: {  	_ =	strace $0x8FFFFFFF  }
0x98: {  	s18 =	sld [smem:$0x3FDB];
	_ =	sdelay $0x1  }
0x99: {  	s19 =	simm.s32 $_scs_section_size  }
0x9a: {  	s4 =	simm.s32 $_size__tile_overlayer_lowered;
	s5 =	simm.s32 $_tile_overlayer_lowered  }
0x9b: {  	s22 =	simm.s32 $0x1BFF;
	s21 =	sshll.u32 s5, $0x1;
	s2 =	sadd.s32 s19, s18  }
0x9c: {  	s6 =	simm.s32 $0x0;
	s20 =	sshll.u32 s4, $0x1;
	s4 =	sadd.s32 s21, s2  }
0x9d: {  	[timem:s6], [sflag:s22] =	dma.local [hbm:s4], s20  }
0x9e: {  	_ =	swait.ge [sflag:s22], s20  }
0x9f: {  	s3 =	ssub.s32 $0x0, s20;
	[sflag:s22] =	ssyncset.done $0x0  }
0xa0: {  	[sflag:s22] =	ssyncadd.s32 s3;
	_ =	sdelay $0x1  }
0xa1: {  	s23 =	simm.s32 $0x1B8B  }
0xa2: {  	_ =	swait.ge [sflag:s23], $0x1  }
0xa3: {  	[sflag:s23] =	ssyncset.done $0x0  }
0xa4: {  	s25 =	simm.s32 $0x1B8E;
	s24 =	sld [smem:$0x3FFE];
	[sflag:s23] =	ssyncadd.s32 $0xFFFFFFFF  }
0xa5: {  	s26 =	simm.s32 $execute0_lowered;
	[smem:$0x3FD2] =	sst s25  }
0xa6: {  	s4 =	sshll.u32 s26, $0x1;
	_ =	strace $0x80000049;
	[dreg:$0x1] =	wrdreg $0xFFFFFFFF  }
0xa7: {  	s28 =	simm.s32 $_size_execute0_lowered;
	s2 =	sadd.s32 s2, s4;
	[dreg:$0x0] =	wrdreg $0x0  }
0xa8: {  	s4 =	sshll.u32 s28, $0x1;
	[dreg:$0x2] =	wrdreg s2  }
0xa9: {  	[dreg:$0x3] =	wrdreg s4  }
0xaa: {  	[dreg:$0x4] =	wrdreg $0xC0  }
0xab: {  	_ =	task [dreg:s6], $0x5FFFF  }
0xac: {  	[dreg:$0x1] =	wrdreg $0xFFFFFFFF  }
0xad: {  	[dreg:$0x0] =	wrdreg $0x60  }
0xae: {  	[dreg:$0x2] =	wrdreg s24  }
0xaf: {  	[dreg:$0x3] =	wrdreg $0x0  }
0xb0: {  	[dreg:$0x4] =	wrdreg $0x9  }
0xb1: {  	_ =	task.clear_ibuf [dreg:s6], $0x5FFFF;
	_ =	strace $0x90000049  }
0xb2: {  	s29 =	simm.s32 $0x9;
	_ =	strace $0x8000004B  }
0xb3: {  	_ =	swait.ge [sflag:s29], $0x1  }
0xb4: {  	[sflag:s29] =	ssyncadd.s32 $0xFFFFFFFF  }
0xb5: {  	_ =	strace $0x9000004B  }
0xb6: {  	_ =	sfence  }
0xb7: {  	s30 =	sld [smem:$0x0];
	_ =	sdelay $0x2  }
0xb8: {  	s31 =	sshll.u32 s1, $0xD;
	s1 =	sshrl.u32 s1, $0x2  }
0xb9: {  	s3 =	sand.u32 $0x4000, s31;
	s1 =	sadd.s32 s1, s30  }
0xba: {  	s0 =	sor.u32 s3, s0;
	s1 =	sshll.u32 s1, $0x11  }
0xbb: {  	s0 =	sor.u32 s1, s0  }
0xbc: {  	s0 =	sadd.s32 $0x8F2B, s0  }
0xbd: {  	[sflag:s0] =	ssyncadd.remote.s32 $0x1  }
0xbe: {  	_ =	sfence.sel $0xFFFF  }
0xbf: {  	[dreg:$0x0] =	wrdreg $0xFFFFFFFF;
	(pc) =	sbr.abs _section_cstart, $3  }
0xc0: {  	[dreg:$0x1] =	wrdreg $0xFFFFFFFF  }
0xc1: {  	_ =	task.clear_ibuf [dreg:s6], $0x2FFFF;
	_ =	strace $0x9FFFFFFF  }
0xc2: {  	(tm) =	ssettm $0x7FFFFFFF  }
0xc3: {  	_ =	shalt  }
tec
execute0_lowered:
.L_overlay_start_1:
0x0: {  	(tag) =	ssettag $0x1  }
0x1: {  	s0 =	rddreg [dreg:$0x0]  }
0x2: {  	s2 =	rddreg [dreg:$0x1];
	s1 =	srdreg.scid  }
0x3: {  	s3 =	simm.s32 $0x0;
	s23 =	stileid.u32;
	s18 =	simm.s32 $0xF7600  }
0x4: {  	s28 =	simm.s32 $0x0;
	s1 =	sand.u32 $0x1, s1;
	[smem:$0x7FF] =	sst s3  }
0x5: {  	s5 =	smul.u32 $0x18700, s23;
	s7 =	sshll.u32 s23, $0x1;
	s4 =	ssub.s32 $0x2, s1  }
0x6: {  	_ =	strace $0x8000004A;
	p0 =	seq.s32 s1, $0x0;
	s6 =	sshrl.u32 s4, $0x1  }
0x7: {  	s8 =	sadd.s32 $0x6400, s5;
	s9 =	sadd.s32 $0x9600, s5;
	s10 =	sadd.s32 $0xC800, s5  }
0x8: {  	s11 =	sadd.s32 $0xFA00, s5;
	s15 =	sadd.s32 $0x12C00, s5;
	s16 =	sadd.s32 $0x15E00, s5  }
0x9: {  	s12 =	sshrl.u32 s5, $0x3;
	s18 =	simm.s32 @!p0 $0x128400;
	s4 =	ssub.s32 s4, s6  }
0xa: {  	s6 =	sor.u32 s1, s7;
	s7 =	sadd.s32 $0x3200, s5;
	s14 =	sshrl.u32 s8, $0x3  }
0xb: {  	s17 =	sshrl.u32 s9, $0x3;
	s19 =	sshrl.u32 s10, $0x3;
	s9 =	sadd.s32 s9, s2  }
0xc: {  	s20 =	sshrl.u32 s11, $0x3;
	s10 =	sadd.s32 s10, s2;
	[dreg:$0xb] =	wrdreg s9  }
0xd: {  	s21 =	sshrl.u32 s15, $0x3;
	s11 =	sadd.s32 s11, s2;
	[dreg:$0xc] =	wrdreg s10  }
0xe: {  	s18 =	sadd.s32 s18, s0;
	s15 =	sadd.s32 s15, s2;
	[dreg:$0xd] =	wrdreg s11  }
0xf: {  	s22 =	sshrl.u32 s16, $0x3;
	s12 =	sadd.s32 s18, s12;
	[dreg:$0xe] =	wrdreg s15  }
0x10: {  	s1 =	smul.u32 $0x186A0, s1;
	s14 =	sadd.s32 s18, s14;
	[dreg:$0x3] =	wrdreg s12  }
0x11: {  	s13 =	sshrl.u32 s7, $0x3;
	s17 =	sadd.s32 s18, s17;
	[dreg:$0x5] =	wrdreg s14  }
0x12: {  	s24 =	sadd.s32 s18, s20;
	s25 =	sadd.s32 s18, s21;
	[dreg:$0x6] =	wrdreg s17  }
0x13: {  	s26 =	sadd.s32 s18, s22;
	s6 =	smul.u32 $0x186A0, s6;
	[dreg:$0x8] =	wrdreg s24  }
0x14: {  	s21 =	sadd.s32 s16, s2;
	s4 =	smax.u32 s4, $0x1;
	[dreg:$0x9] =	wrdreg s25  }
0x15: {  	s9 =	simm.s32 $0x1BF40;
	s10 =	simm.s32 $0x1C260;
	[dreg:$0xa] =	wrdreg s26  }
0x16: {  	s11 =	simm.s32 $0x3;
	s13 =	sadd.s32 s18, s13;
	[dreg:$0xf] =	wrdreg s21  }
0x17: {  	s12 =	sadd.s32 $0xC6800, s0;
	s14 =	sadd.s32 $0x64C00, s0;
	[dreg:$0x14] =	wrdreg s4  }
0x18: {  	s17 =	sadd.s32 s5, s2;
	s4 =	simm.s32 $0x18D40;
	[dreg:$0x4] =	wrdreg s13  }
0x19: {  	s13 =	smul.u32 $0x30D40, s23;
	s23 =	sadd.s32 s18, s19;
	s18 =	sadd.s32 s7, s2  }
0x1a: {  	s19 =	sadd.s32 s8, s2;
	s7 =	simm.s32 $0x18A20;
	s8 =	simm.s32 $0x320  }
0x1b: {  	s1 =	sadd.s32 s1, s13;
	s13 =	sadd.s32 $0x3000, s0;
	s0 =	sshrl.u32 s6, $0x3  }
0x1c: {  	[dreg:$0x7] =	wrdreg s23;
	s6 =	simm.s32 $0x18700;
	s20 =	sadd.s32 $0x64, s0  }
0x1d: {  	s23 =	sadd.s32 s13, s0;
	s24 =	sadd.s32 s14, s0;
	s0 =	sadd.s32 $0x3070, s0  }
0x1e: {  	s25 =	sadd.s32 $0x960, s1;
	s31 =	sadd.s32 $0x640, s1;
	[dreg:$0x12] =	wrdreg s23  }
0x1f: {  	s22 =	sadd.s32 s13, s20;
	s5 =	sadd.s32 s14, s20;
	[dreg:$0x13] =	wrdreg s24  }
0x20: {  	s29 =	sadd.s32 s13, s0;
	s30 =	sadd.s32 s14, s0;
	s26 =	sshrl.u32 s25, $0x3  }
0x21: {  	s23 =	simm.s32 $0x4;
	s24 =	simm.s32 $0x1C580;
	[dreg:$0x10] =	wrdreg s22  }
0x22: {  	s25 =	simm.s32 $0x1;
	[dreg:$0x11] =	wrdreg s5;
	s0 =	sadd.s32 s26, s14  }
0x23: {  	v0 =	vimm.f32 $0.0e+00;
	s1 =	sadd.s32 s26, s13;
	s5 =	simm.s32 $0x5;
	s26 =	simm.s32 $0x2  }
.LBB2_1:
0x24: {  	s15 =	simm.s32 $0x40;
	s16 =	simm.s32 $0x0  }
.LBB2_2:
0x25: {  	p0 =	sne.s32 s15, $0xC7C0;
	[tilespmem:s16+$0x18D40] =	vst v0;
	s16 =	smov.u32 s15;
	s15 =	sadd.s32 $0x40, s15  }
.Ltmp0:
0x26: {  	(pc) =	sbr.rel @p0 .LBB2_2-.Ltmp0, $2  }
0x27: {  	_ =	sdelay $0x2  }
0x28: {  	s16 =	sshra.s32 s16, $0x2  }
0x29: {  	[tilespmem:s16+$0x18D40] =	vst v0  }
0x2a: {  	[spmem:s17] =	stream.linear.scatter [tilespmem:s4], [sflag:$0x5], $0x3200, $0x38;
	[tilespmem:$0x1F780] =	vst v63  }
0x2b: {  	_ =	swait.ge [sflag:s5], $0x3200  }
0x2c: {  	[sflag:s5] =	ssyncset.done $0x0  }
0x2d: {  	[sflag:s5] =	ssyncadd.s32 $0xFFFFCE00  }
0x2e: {  	[spmem:s18] =	stream.linear.scatter [tilespmem:s4], [sflag:$0x5], $0x3200, $0x38;
	[tilespmem:$0x1F780] =	vst v63  }
0x2f: {  	_ =	swait.ge [sflag:s5], $0x3200  }
0x30: {  	[sflag:s5] =	ssyncset.done $0x0  }
0x31: {  	[sflag:s5] =	ssyncadd.s32 $0xFFFFCE00  }
0x32: {  	[spmem:s19] =	stream.linear.scatter [tilespmem:s4], [sflag:$0x5], $0x3200, $0x38;
	[tilespmem:$0x1F780] =	vst v63  }
0x33: {  	_ =	swait.ge [sflag:s5], $0x3200  }
0x34: {  	[sflag:s5] =	ssyncset.done $0x0  }
0x35: {  	s15 =	rddreg [dreg:$0xb];
	[sflag:s5] =	ssyncadd.s32 $0xFFFFCE00  }
0x36: {  	[spmem:s15] =	stream.linear.scatter [tilespmem:s4], [sflag:$0x5], $0x3200, $0x38;
	[tilespmem:$0x1F780] =	vst v63  }
0x37: {  	_ =	swait.ge [sflag:s5], $0x3200  }
0x38: {  	[sflag:s5] =	ssyncset.done $0x0  }
0x39: {  	s22 =	smov.u32 s19;
	s19 =	rddreg [dreg:$0xc];
	[sflag:s5] =	ssyncadd.s32 $0xFFFFCE00  }
0x3a: {  	[spmem:s19] =	stream.linear.scatter [tilespmem:s4], [sflag:$0x5], $0x3200, $0x38;
	[tilespmem:$0x1F780] =	vst v63  }
0x3b: {  	_ =	swait.ge [sflag:s5], $0x3200  }
0x3c: {  	[sflag:s5] =	ssyncset.done $0x0  }
0x3d: {  	s16 =	rddreg [dreg:$0xd];
	[sflag:s5] =	ssyncadd.s32 $0xFFFFCE00  }
0x3e: {  	[spmem:s16] =	stream.linear.scatter [tilespmem:s4], [sflag:$0x5], $0x3200, $0x38;
	[tilespmem:$0x1F780] =	vst v63  }
0x3f: {  	_ =	swait.ge [sflag:s5], $0x3200  }
0x40: {  	[sflag:s5] =	ssyncset.done $0x0  }
0x41: {  	s20 =	smov.u32 s17;
	s17 =	rddreg [dreg:$0xe];
	[sflag:s5] =	ssyncadd.s32 $0xFFFFCE00  }
0x42: {  	[spmem:s17] =	stream.linear.scatter [tilespmem:s4], [sflag:$0x5], $0x3200, $0x38;
	[tilespmem:$0x1F780] =	vst v63  }
0x43: {  	_ =	swait.ge [sflag:s5], $0x3200  }
0x44: {  	[sflag:s5] =	ssyncset.done $0x0  }
0x45: {  	s21 =	smov.u32 s18;
	s18 =	rddreg [dreg:$0xf];
	[sflag:s5] =	ssyncadd.s32 $0xFFFFCE00  }
0x46: {  	[spmem:s18] =	stream.linear.scatter [tilespmem:s4], [sflag:$0x5], $0x2900, $0x38;
	[tilespmem:$0x1F780] =	vst v63  }
0x47: {  	_ =	swait.ge [sflag:s5], $0x2900  }
0x48: {  	[sflag:s5] =	ssyncset.done $0x0  }
0x49: {  	[sflag:s5] =	ssyncadd.s32 $0xFFFFD700  }
0x4a: {  	[bflag:$0x0] =	sbarrier.arrive $0xFFFF  }
0x4b: {  	s15 =	simm.s32 $0x0;
	s19 =	rddreg [dreg:$0x12]  }
0x4c: {  	[tilespmem:s6], [sflag:$0x5] =	stream.linear.gather [hbm4b:s19+s15], $0x320, $0x38;
	[tilespmem:$0x1F780] =	vst v63  }
0x4d: {  	_ =	swait.ge [sflag:s5], $0x320  }
0x4e: {  	[sflag:s5] =	ssyncset.done $0x0  }
0x4f: {  	s17 =	rddreg [dreg:$0x13];
	[sflag:s5] =	ssyncadd.s32 $0xFFFFFCE0  }
0x50: {  	[tilespmem:s7], [sflag:$0x5] =	stream.linear.gather [hbm4b:s17+s15], $0x320, $0x38;
	[tilespmem:$0x1F780] =	vst v63  }
0x51: {  	_ =	swait.ge [sflag:s5], $0x320  }
0x52: {  	[sflag:s5] =	ssyncset.done $0x0  }
0x53: {  	[sflag:s5] =	ssyncadd.s32 $0xFFFFFCE0  }
0x54: {  	[tilespmem:s4], [sflag:$0x1] =	stream.indirect.gather [hbm4b:s12+s8], $0x10, s6, s8, $0xb8;
	[tilespmem:$0x1F780] =	vst v63  }
0x55: {  	s18 =	rddreg [dreg:$0x10]  }
0x56: {  	[tilespmem:s9], [sflag:$0x3] =	stream.linear.gather [hbm4b:s18+s15], $0x320, $0x38;
	[tilespmem:$0x1F780] =	vst v63  }
0x57: {  	s19 =	rddreg [dreg:$0x11]  }
0x58: {  	[tilespmem:s10], [sflag:$0x4] =	stream.linear.gather [hbm4b:s19+s15], $0x320, $0x38;
	[tilespmem:$0x1F780] =	vst v63  }
0x59: {  	_ =	swait.ge [sflag:s11], $0x320  }
0x5a: {  	[sflag:s11] =	ssyncset.done $0x0  }
0x5b: {  	[sflag:s11] =	ssyncadd.s32 $0xFFFFFCE0  }
0x5c: {  	_ =	swait.ge [sflag:s23], $0x320  }
0x5d: {  	[sflag:s23] =	ssyncset.done $0x0  }
0x5e: {  	[sflag:s23] =	ssyncadd.s32 $0xFFFFFCE0  }
0x5f: {  	[tilespmem:s24], [sflag:$0x2] =	stream.indirect.gather [hbm4b:s12+s8], $0x10, s9, s8, $0xb8;
	[tilespmem:$0x1F780] =	vst v63  }
0x60: {  	_ =	swait.ge [sflag:s25], $0x3200  }
0x61: {  	[sflag:s25] =	ssyncset.done $0x0  }
0x62: {  	[sflag:s25] =	ssyncadd.s32 $0xFFFFCE00  }
0x63: {  	[spmem:s2] =	stream.indirect.scatter.add.f32 [tilespmem:s4], [sflag:$0x5], $0x10, s7, s8, $0xb8;
	[tilespmem:$0x1F780] =	vst v63  }
0x64: {  	_ =	swait.ge [sflag:s5], $0x3200  }
0x65: {  	s17 =	sshrl.u32 s31, $0x3;
	[sflag:s5] =	ssyncset.done $0x0  }
0x66: {  	s18 =	sadd.s32 s13, s17;
	[sflag:s5] =	ssyncadd.s32 $0xFFFFCE00  }
0x67: {  	[tilespmem:s6], [sflag:$0x3] =	stream.linear.gather [hbm4b:s18+s3], $0x320, $0x38;
	[tilespmem:$0x1F780] =	vst v63  }
0x68: {  	s15 =	sadd.s32 s14, s17  }
0x69: {  	[tilespmem:s7], [sflag:$0x4] =	stream.linear.gather [hbm4b:s15+s3], $0x320, $0x38;
	[tilespmem:$0x1F780] =	vst v63  }
0x6a: {  	_ =	swait.ge [sflag:s11], $0x320  }
0x6b: {  	[sflag:s11] =	ssyncset.done $0x0  }
0x6c: {  	[sflag:s11] =	ssyncadd.s32 $0xFFFFFCE0  }
0x6d: {  	_ =	swait.ge [sflag:s23], $0x320  }
0x6e: {  	[sflag:s23] =	ssyncset.done $0x0  }
0x6f: {  	[sflag:s23] =	ssyncadd.s32 $0xFFFFFCE0  }
0x70: {  	[tilespmem:s4], [sflag:$0x1] =	stream.indirect.gather [hbm4b:s12+s8], $0x10, s6, s8, $0xb8;
	[tilespmem:$0x1F780] =	vst v63  }
0x71: {  	_ =	swait.ge [sflag:s26], $0x3200  }
0x72: {  	[sflag:s26] =	ssyncset.done $0x0  }
0x73: {  	[sflag:s26] =	ssyncadd.s32 $0xFFFFCE00  }
0x74: {  	[spmem:s2] =	stream.indirect.scatter.add.f32 [tilespmem:s24], [sflag:$0x5], $0x10, s10, s8, $0xb8;
	[tilespmem:$0x1F780] =	vst v63  }
0x75: {  	_ =	swait.ge [sflag:s5], $0x3200  }
0x76: {  	s16 =	sadd.s32 $0x640, s31;
	s19 =	sadd.s32 $0x0, s1;
	[sflag:s5] =	ssyncset.done $0x0  }
0x77: {  	s17 =	sadd.s32 $0x0, s0;
	s15 =	simm.s32 $0xC8;
	[sflag:s5] =	ssyncadd.s32 $0xFFFFCE00  }
0x78: {  	[tilespmem:s9], [sflag:$0x3] =	stream.linear.gather [hbm4b:s19+s3], $0x320, $0x38;
	[tilespmem:$0x1F780] =	vst v63  }
.LBB2_4:
0x79: {  	[tilespmem:s10], [sflag:$0x4] =	stream.linear.gather [hbm4b:s17+s3], $0x320, $0x38;
	[tilespmem:$0x1F780] =	vst v63  }
0x7a: {  	s17 =	smov.u32 s15  }
0x7b: {  	p0 =	sne.s32 s15, $0x2EE0;
	s15 =	sadd.s32 $0xC8, s15;
	_ =	swait.ge [sflag:s11], $0x320  }
0x7c: {  	[sflag:s11] =	ssyncset.done $0x0  }
0x7d: {  	[sflag:s11] =	ssyncadd.s32 $0xFFFFFCE0  }
0x7e: {  	_ =	swait.ge [sflag:s23], $0x320  }
0x7f: {  	[sflag:s23] =	ssyncset.done $0x0  }
0x80: {  	[sflag:s23] =	ssyncadd.s32 $0xFFFFFCE0  }
0x81: {  	[tilespmem:s24], [sflag:$0x2] =	stream.indirect.gather [hbm4b:s12+s8], $0x10, s9, s8, $0xb8;
	[tilespmem:$0x1F780] =	vst v63  }
0x82: {  	_ =	swait.ge [sflag:s25], $0x3200  }
0x83: {  	[sflag:s25] =	ssyncset.done $0x0  }
0x84: {  	[sflag:s25] =	ssyncadd.s32 $0xFFFFCE00  }
0x85: {  	[spmem:s2] =	stream.indirect.scatter.add.f32 [tilespmem:s4], [sflag:$0x5], $0x10, s7, s8, $0xb8;
	[tilespmem:$0x1F780] =	vst v63  }
0x86: {  	_ =	swait.ge [sflag:s5], $0x3200  }
0x87: {  	s18 =	sshrl.u32 s16, $0x3;
	[sflag:s5] =	ssyncset.done $0x0  }
0x88: {  	s19 =	sadd.s32 s13, s18;
	[sflag:s5] =	ssyncadd.s32 $0xFFFFCE00  }
0x89: {  	[tilespmem:s6], [sflag:$0x3] =	stream.linear.gather [hbm4b:s19+s3], $0x320, $0x38;
	[tilespmem:$0x1F780] =	vst v63  }
0x8a: {  	s18 =	sadd.s32 s14, s18  }
0x8b: {  	[tilespmem:s7], [sflag:$0x4] =	stream.linear.gather [hbm4b:s18+s3], $0x320, $0x38;
	[tilespmem:$0x1F780] =	vst v63  }
0x8c: {  	_ =	swait.ge [sflag:s11], $0x320  }
0x8d: {  	[sflag:s11] =	ssyncset.done $0x0  }
0x8e: {  	[sflag:s11] =	ssyncadd.s32 $0xFFFFFCE0  }
0x8f: {  	_ =	swait.ge [sflag:s23], $0x320  }
0x90: {  	[sflag:s23] =	ssyncset.done $0x0  }
0x91: {  	[sflag:s23] =	ssyncadd.s32 $0xFFFFFCE0  }
0x92: {  	[tilespmem:s4], [sflag:$0x1] =	stream.indirect.gather [hbm4b:s12+s8], $0x10, s6, s8, $0xb8;
	[tilespmem:$0x1F780] =	vst v63  }
0x93: {  	_ =	swait.ge [sflag:s26], $0x3200  }
0x94: {  	[sflag:s26] =	ssyncset.done $0x0  }
0x95: {  	[sflag:s26] =	ssyncadd.s32 $0xFFFFCE00  }
0x96: {  	[spmem:s2] =	stream.indirect.scatter.add.f32 [tilespmem:s24], [sflag:$0x5], $0x10, s10, s8, $0xb8;
	[tilespmem:$0x1F780] =	vst v63  }
.Ltmp1:
0x97: {  	_ =	swait.ge [sflag:s5], $0x3200;
	(pc) =	sbr.rel @p0 .LBB2_4-.Ltmp1, $4  }
0x98: {  	[sflag:s5] =	ssyncset.done $0x0  }
0x99: {  	s18 =	sadd.s32 s17, s1;
	[sflag:s5] =	ssyncadd.s32 $0xFFFFCE00  }
0x9a: {  	[tilespmem:s9], [sflag:$0x3] =	stream.linear.gather [hbm4b:s18+s3], $0x320, $0x38;
	[tilespmem:$0x1F780] =	vst v63  }
0x9b: {  	s16 =	sadd.s32 $0x640, s16;
	s17 =	sadd.s32 s17, s0  }
0x9c: {  	[tilespmem:s10], [sflag:$0x4] =	stream.linear.gather [hbm4b:s17+s3], $0x320, $0x38;
	[tilespmem:$0x1F780] =	vst v63  }
0x9d: {  	_ =	swait.ge [sflag:s11], $0x320  }
0x9e: {  	[sflag:s11] =	ssyncset.done $0x0  }
0x9f: {  	[sflag:s11] =	ssyncadd.s32 $0xFFFFFCE0  }
0xa0: {  	_ =	swait.ge [sflag:s23], $0x320  }
0xa1: {  	[sflag:s23] =	ssyncset.done $0x0  }
0xa2: {  	[sflag:s23] =	ssyncadd.s32 $0xFFFFFCE0  }
0xa3: {  	[tilespmem:s24], [sflag:$0x2] =	stream.indirect.gather [hbm4b:s12+s8], $0x10, s9, s8, $0xb8;
	[tilespmem:$0x1F780] =	vst v63  }
0xa4: {  	_ =	swait.ge [sflag:s25], $0x3200  }
0xa5: {  	[sflag:s25] =	ssyncset.done $0x0  }
0xa6: {  	[sflag:s25] =	ssyncadd.s32 $0xFFFFCE00  }
0xa7: {  	[spmem:s2] =	stream.indirect.scatter.add.f32 [tilespmem:s4], [sflag:$0x5], $0x10, s7, s8, $0xb8;
	[tilespmem:$0x1F780] =	vst v63  }
0xa8: {  	_ =	swait.ge [sflag:s5], $0x3200  }
0xa9: {  	[sflag:s5] =	ssyncset.done $0x0  }
0xaa: {  	[sflag:s5] =	ssyncadd.s32 $0xFFFFCE00  }
0xab: {  	[tilespmem:s6], [sflag:$0x3] =	stream.linear.gather [hbm4b:s29+s3], $0x320, $0x38;
	[tilespmem:$0x1F780] =	vst v63  }
0xac: {  	_ = 	snop  }
0xad: {  	[tilespmem:s7], [sflag:$0x4] =	stream.linear.gather [hbm4b:s30+s3], $0x320, $0x38;
	[tilespmem:$0x1F780] =	vst v63  }
0xae: {  	_ =	swait.ge [sflag:s11], $0x320  }
0xaf: {  	[sflag:s11] =	ssyncset.done $0x0  }
0xb0: {  	[sflag:s11] =	ssyncadd.s32 $0xFFFFFCE0  }
0xb1: {  	_ =	swait.ge [sflag:s23], $0x320  }
0xb2: {  	[sflag:s23] =	ssyncset.done $0x0  }
0xb3: {  	[sflag:s23] =	ssyncadd.s32 $0xFFFFFCE0  }
0xb4: {  	[tilespmem:s4], [sflag:$0x1] =	stream.indirect.gather [hbm4b:s12+s8], $0x10, s6, s8, $0xb8;
	[tilespmem:$0x1F780] =	vst v63  }
0xb5: {  	_ =	swait.ge [sflag:s26], $0x3200  }
0xb6: {  	[sflag:s26] =	ssyncset.done $0x0  }
0xb7: {  	[sflag:s26] =	ssyncadd.s32 $0xFFFFCE00  }
0xb8: {  	[spmem:s2] =	stream.indirect.scatter.add.f32 [tilespmem:s24], [sflag:$0x5], $0x10, s10, s8, $0xb8;
	[tilespmem:$0x1F780] =	vst v63  }
0xb9: {  	_ =	swait.ge [sflag:s5], $0x3200  }
0xba: {  	[sflag:s5] =	ssyncset.done $0x0  }
0xbb: {  	[sflag:s5] =	ssyncadd.s32 $0xFFFFCE00  }
0xbc: {  	[tilespmem:s9], [sflag:$0x3] =	stream.linear.gather [hbm4b:s29+s3], $0x320, $0x38;
	[tilespmem:$0x1F780] =	vst v63  }
0xbd: {  	_ = 	snop  }
0xbe: {  	[tilespmem:s10], [sflag:$0x4] =	stream.linear.gather [hbm4b:s30+s3], $0x320, $0x38;
	[tilespmem:$0x1F780] =	vst v63  }
0xbf: {  	_ =	swait.ge [sflag:s11], $0x320  }
0xc0: {  	[sflag:s11] =	ssyncset.done $0x0  }
0xc1: {  	[sflag:s11] =	ssyncadd.s32 $0xFFFFFCE0  }
0xc2: {  	_ =	swait.ge [sflag:s23], $0x320  }
0xc3: {  	[sflag:s23] =	ssyncset.done $0x0  }
0xc4: {  	[sflag:s23] =	ssyncadd.s32 $0xFFFFFCE0  }
0xc5: {  	_ =	swait.ge [sflag:s25], $0x3200  }
0xc6: {  	[sflag:s25] =	ssyncset.done $0x0  }
0xc7: {  	[sflag:s25] =	ssyncadd.s32 $0xFFFFCE00  }
0xc8: {  	[spmem:s2] =	stream.indirect.scatter.add.f32 [tilespmem:s4], [sflag:$0x5], $0x10, s7, s8, $0xb8;
	[tilespmem:$0x1F780] =	vst v63  }
0xc9: {  	_ =	swait.ge [sflag:s5], $0x3200  }
0xca: {  	[sflag:s5] =	ssyncset.done $0x0  }
0xcb: {  	[sflag:s5] =	ssyncadd.s32 $0xFFFFCE00  }
0xcc: {  	[bflag:$0x0] =	sbarrier.arrive $0xFFFF  }
0xcd: {  	[tilespmem:s4], [sflag:$0x5] =	stream.linear.gather [spmem:s20], $0x3200, $0x38;
	[tilespmem:$0x1F780] =	vst v63  }
0xce: {  	_ =	swait.ge [sflag:s5], $0x3200  }
0xcf: {  	[sflag:s5] =	ssyncset.done $0x0  }
0xd0: {  	s15 =	rddreg [dreg:$0x3];
	[sflag:s5] =	ssyncadd.s32 $0xFFFFCE00  }
0xd1: {  	[hbm4b:s15+s3] =	stream.linear.scatter [tilespmem:s4], [sflag:$0x5], $0x3200, $0x38;
	[tilespmem:$0x1F780] =	vst v63  }
0xd2: {  	_ =	swait.ge [sflag:s5], $0x3200  }
0xd3: {  	[sflag:s5] =	ssyncset.done $0x0  }
0xd4: {  	[sflag:s5] =	ssyncadd.s32 $0xFFFFCE00  }
0xd5: {  	[tilespmem:s4], [sflag:$0x5] =	stream.linear.gather [spmem:s21], $0x3200, $0x38;
	[tilespmem:$0x1F780] =	vst v63  }
0xd6: {  	_ =	swait.ge [sflag:s5], $0x3200  }
0xd7: {  	[sflag:s5] =	ssyncset.done $0x0  }
0xd8: {  	s18 =	smov.u32 s21;
	s21 =	rddreg [dreg:$0x4];
	[sflag:s5] =	ssyncadd.s32 $0xFFFFCE00  }
0xd9: {  	[hbm4b:s21+s3] =	stream.linear.scatter [tilespmem:s4], [sflag:$0x5], $0x3200, $0x38;
	[tilespmem:$0x1F780] =	vst v63  }
0xda: {  	_ =	swait.ge [sflag:s5], $0x3200  }
0xdb: {  	[sflag:s5] =	ssyncset.done $0x0  }
0xdc: {  	[sflag:s5] =	ssyncadd.s32 $0xFFFFCE00  }
0xdd: {  	[tilespmem:s4], [sflag:$0x5] =	stream.linear.gather [spmem:s22], $0x3200, $0x38;
	[tilespmem:$0x1F780] =	vst v63  }
0xde: {  	_ =	swait.ge [sflag:s5], $0x3200  }
0xdf: {  	[sflag:s5] =	ssyncset.done $0x0  }
0xe0: {  	s16 =	rddreg [dreg:$0x5];
	[sflag:s5] =	ssyncadd.s32 $0xFFFFCE00  }
0xe1: {  	[hbm4b:s16+s3] =	stream.linear.scatter [tilespmem:s4], [sflag:$0x5], $0x3200, $0x38;
	[tilespmem:$0x1F780] =	vst v63  }
0xe2: {  	_ =	swait.ge [sflag:s5], $0x3200  }
0xe3: {  	[sflag:s5] =	ssyncset.done $0x0  }
0xe4: {  	s17 =	smov.u32 s20;
	s20 =	rddreg [dreg:$0xb];
	[sflag:s5] =	ssyncadd.s32 $0xFFFFCE00  }
0xe5: {  	[tilespmem:s4], [sflag:$0x5] =	stream.linear.gather [spmem:s20], $0x3200, $0x38;
	[tilespmem:$0x1F780] =	vst v63  }
0xe6: {  	_ =	swait.ge [sflag:s5], $0x3200  }
0xe7: {  	[sflag:s5] =	ssyncset.done $0x0  }
0xe8: {  	s21 =	rddreg [dreg:$0x6];
	[sflag:s5] =	ssyncadd.s32 $0xFFFFCE00  }
0xe9: {  	[hbm4b:s21+s3] =	stream.linear.scatter [tilespmem:s4], [sflag:$0x5], $0x3200, $0x38;
	[tilespmem:$0x1F780] =	vst v63  }
0xea: {  	_ =	swait.ge [sflag:s5], $0x3200  }
0xeb: {  	[sflag:s5] =	ssyncset.done $0x0  }
0xec: {  	s19 =	smov.u32 s22;
	s22 =	rddreg [dreg:$0xc];
	[sflag:s5] =	ssyncadd.s32 $0xFFFFCE00  }
0xed: {  	[tilespmem:s4], [sflag:$0x5] =	stream.linear.gather [spmem:s22], $0x3200, $0x38;
	[tilespmem:$0x1F780] =	vst v63  }
0xee: {  	_ =	swait.ge [sflag:s5], $0x3200  }
0xef: {  	[sflag:s5] =	ssyncset.done $0x0  }
0xf0: {  	s16 =	rddreg [dreg:$0x7];
	[sflag:s5] =	ssyncadd.s32 $0xFFFFCE00  }
0xf1: {  	[hbm4b:s16+s3] =	stream.linear.scatter [tilespmem:s4], [sflag:$0x5], $0x3200, $0x38;
	[tilespmem:$0x1F780] =	vst v63  }
0xf2: {  	_ =	swait.ge [sflag:s5], $0x3200  }
0xf3: {  	[sflag:s5] =	ssyncset.done $0x0  }
0xf4: {  	s20 =	rddreg [dreg:$0xd];
	[sflag:s5] =	ssyncadd.s32 $0xFFFFCE00  }
0xf5: {  	[tilespmem:s4], [sflag:$0x5] =	stream.linear.gather [spmem:s20], $0x3200, $0x38;
	[tilespmem:$0x1F780] =	vst v63  }
0xf6: {  	_ =	swait.ge [sflag:s5], $0x3200  }
0xf7: {  	[sflag:s5] =	ssyncset.done $0x0  }
0xf8: {  	s21 =	rddreg [dreg:$0x8];
	[sflag:s5] =	ssyncadd.s32 $0xFFFFCE00  }
0xf9: {  	[hbm4b:s21+s3] =	stream.linear.scatter [tilespmem:s4], [sflag:$0x5], $0x3200, $0x38;
	[tilespmem:$0x1F780] =	vst v63  }
0xfa: {  	_ =	swait.ge [sflag:s5], $0x3200  }
0xfb: {  	[sflag:s5] =	ssyncset.done $0x0  }
0xfc: {  	s22 =	rddreg [dreg:$0xe];
	[sflag:s5] =	ssyncadd.s32 $0xFFFFCE00  }
0xfd: {  	[tilespmem:s4], [sflag:$0x5] =	stream.linear.gather [spmem:s22], $0x3200, $0x38;
	[tilespmem:$0x1F780] =	vst v63  }
0xfe: {  	_ =	swait.ge [sflag:s5], $0x3200  }
0xff: {  	[sflag:s5] =	ssyncset.done $0x0  }
0x100: {  	s16 =	rddreg [dreg:$0x9];
	[sflag:s5] =	ssyncadd.s32 $0xFFFFCE00  }
0x101: {  	[hbm4b:s16+s3] =	stream.linear.scatter [tilespmem:s4], [sflag:$0x5], $0x3200, $0x38;
	[tilespmem:$0x1F780] =	vst v63  }
0x102: {  	_ =	swait.ge [sflag:s5], $0x3200  }
0x103: {  	[sflag:s5] =	ssyncset.done $0x0  }
0x104: {  	s20 =	rddreg [dreg:$0xf];
	[sflag:s5] =	ssyncadd.s32 $0xFFFFCE00  }
0x105: {  	[tilespmem:s4], [sflag:$0x5] =	stream.linear.gather [spmem:s20], $0x2900, $0x38;
	[tilespmem:$0x1F780] =	vst v63  }
0x106: {  	_ =	swait.ge [sflag:s5], $0x2900  }
0x107: {  	[sflag:s5] =	ssyncset.done $0x0  }
0x108: {  	s21 =	rddreg [dreg:$0xa];
	[sflag:s5] =	ssyncadd.s32 $0xFFFFD700  }
0x109: {  	[hbm4b:s21+s3] =	stream.linear.scatter [tilespmem:s4], [sflag:$0x5], $0x2900, $0x38;
	[tilespmem:$0x1F780] =	vst v63  }
0x10a: {  	_ =	swait.ge [sflag:s5], $0x2900  }
0x10b: {  	s28 =	sadd.s32 $0x1, s28;
	s22 =	rddreg [dreg:$0x14]  }
0x10c: {  	p0 =	sne.s32 s28, s22  }
.Ltmp2:
0x10d: {  	_ = 	snop;
	(pc) =	sbr.rel @p0 .LBB2_1-.Ltmp2, $3  }
0x10e: {  	_ =	sdelay $0x1  }
0x10f: {  	[sflag:s5] =	ssyncset.done $0x0  }
0x110: {  	[sflag:s5] =	ssyncadd.s32 $0xFFFFD700  }
0x111: {  	_ =	sfence.sel $0x180000  }
0x112: {  	[bflag:$0x0] =	sbarrier.arrive $0xFFFF  }
0x113: {  	_ =	strace $0x9000004A  }
0x114: {  	s0 =	stileid.u32;
	[bflag:$0x2] =	sbarrier.arrive $0xFFFF  }
0x115: {  	p0 =	sne.s32 s0, $0x0;
	s0 =	rddreg [dreg:$0x2]  }
0x116: {  	s0 =	sadd.s32 @!p0 $0x100000, s0  }
0x117: {  	[sflag:s0] =	ssyncadd.tile.s32 @!p0 $0x1;
	_ =	shalt  }
.Lfunc_end2:
_tile_overlayer_lowered:
.L_overlay_start_2:
0x118: {  	(tag) =	ssettag $0x2  }
0x119: {  	s0 =	rddreg [dreg:$0x0];
	s2 =	stileid.u32  }
0x11a: {  	s1 =	rddreg [dreg:$0x1];
	p0 =	sne.s32 s2, $0x0  }
0x11b: {  	s3 =	rddreg [dreg:$0x2];
	[bflag:$0x3] =	sbarrier.arrive $0xFFFF;
	s2 =	simm.s32 @!p0 $0x1C05  }
0x11c: {  	[timem:s3], [sflag:s2] =	dma.local @!p0 [hbm:s0], s1  }
0x11d: {  	s0 =	simm.s32 @!p0 $0x5  }
0x11e: {  	_ =	swait.ge @!p0 [sflag:s0], s1  }
0x11f: {  	s1 =	ssub.s32 @!p0 $0x0, s1;
	[sflag:s0] =	ssyncset.done @!p0 $0x0  }
0x120: {  	[sflag:s0] =	ssyncadd.s32 @!p0 s1  }
0x121: {  	[bflag:$0x3] =	sbarrier.arrive $0xFFFF  }
0x122: {  	_ =	shalt  }

// kernel: kernel.14.cloned.1.call-start
scs
__scs_entry_jumppad:
0x0: {  	(pc) =	sbr.rel $0x88, $3  }
0x1: {  	(tag) =	ssettag $0x0;
	lr =	simm.s32 $0x1  }
0x2: {  	[smem:$0x3F9B] =	sst lr;
	_ =	strace $0xD0000000  }
0x3: {  	_ = 	snop  }
0x4: {  	_ = 	snop  }
0x5: {  	_ = 	snop  }
0x6: {  	_ = 	snop  }
0x7: {  	_ = 	snop  }
__scs_overlays_trampoline_lowered:
0x8: {  	[smem:$0x3FAA] =	sst s0  }
0x9: {  	[smem:$0x3FAB] =	sst s1  }
0xa: {  	[smem:$0x3FAC] =	sst s2  }
0xb: {  	[smem:$0x3FAD] =	sst s3  }
0xc: {  	[smem:$0x3FAE] =	sst s4  }
0xd: {  	[smem:$0x3FAF] =	sst s5  }
0xe: {  	[smem:$0x3FB0] =	sst s6  }
0xf: {  	[smem:$0x3FB1] =	sst s7  }
0x10: {  	[smem:$0x3FB2] =	sst s8  }
0x11: {  	[smem:$0x3FB3] =	sst s9;
	s0 =	simm.s32 @!p0 $0x0  }
0x12: {  	s1 =	sld [smem:$0x3F99];
	s0 =	simm.s32 @p0 $0x1  }
0x13: {  	[smem:$0x3FB4] =	sst s0;
	s0 =	simm.s32 @!p1 $0x0  }
0x14: {  	s2 =	sld [smem:$0x3F98];
	s0 =	simm.s32 @p1 $0x1  }
0x15: {  	[smem:$0x3FB5] =	sst s0;
	s0 =	simm.s32 @!p2 $0x0  }
0x16: {  	s3 =	sld [smem:$0x3FDB];
	s0 =	simm.s32 @p2 $0x1  }
0x17: {  	s4 =	simm.s32 $0x1BF5;
	[smem:$0x3FB7] =	sst s0  }
0x18: {  	s0 =	sld [smem:$0x3F9A];
	_ =	swait.ge [sflag:s4], $0x0  }
0x19: {  	s7 =	sld [smem:$0x3F9B]  }
0x1a: {  	s8 =	sadd.s32 $0xFFFFE003, lr  }
0x1b: {  	s9 =	sadd.s32 $0xFFFFFEF7, lr;
	s5 =	simm.s32 $0xFFFFFFFF;
	p2 =	slt.u32 s8, $0xFFFFF086  }
0x1c: {  	p1 =	slt.u32 s9, $0xF7A;
	s5 =	simm.s32 @!p2 $0x0  }
0x1d: {  	s5 =	simm.s32 @p1 $0x1;
	p0 =	seq.s32 s7, s2  }
0x1e: {  	s7 =	smul.u32 @!p0 $0xF7A, s2;
	p2 =	seq.s32 @!p0 s5, $0x0  }
0x1f: {  	s9 =	smul.u32 $0xF7A, s1;
	s8 =	simm.s32 @!p0 $0x1BF5;
	p2 =	por !p2, p0  }
0x20: {  	[sflag:s8] =	ssyncset.s32 @!p0 $0xFFFFF086;
	s6 =	sadd.s32 @!p0 s3, s7;
	s7 =	simm.s32 @!p0 $0x108  }
0x21: {  	s3 =	sadd.s32 s3, s9;
	s6 =	sadd.s32 @!p0 $0x88, s6;
	s7 =	simm.s32 @p2 $0x1082  }
0x22: {  	[simem:s7], [sflag:s8] =	dma.local @!p0 [hbm:s6], $0xF7A  }
0x23: {  	s9 =	sor.u32 $0xD0000000, s2;
	s6 =	simm.s32 $0x108;
	_ =	swait.ge @!p0 [sflag:s8], $0x0  }
0x24: {  	s3 =	sadd.s32 $0x88, s3;
	s6 =	simm.s32 @!p1 $0x1082;
	[sflag:s4] =	ssyncset.s32 $0xFFFFF086  }
0x25: {  	[simem:s6], [sflag:s4] =	dma.local [hbm:s3], $0xF7A  }
0x26: {  	[smem:$0x3F9B] =	sst s1;
	(tag) =	ssettag s2;
	_ =	strace s9  }
0x27: {  	s1 =	sld [smem:$0x3FAB]  }
0x28: {  	s2 =	sld [smem:$0x3FAC]  }
0x29: {  	s4 =	sld [smem:$0x3FAE]  }
0x2a: {  	p0 =	seq.s32 s5, $0x0;
	s5 =	sld [smem:$0x3FAF]  }
0x2b: {  	s6 =	sld [smem:$0x3FB0]  }
0x2c: {  	s7 =	sld [smem:$0x3FB1]  }
0x2d: {  	s3 =	simm.s32 $0x108;
	s8 =	sld [smem:$0x3FB2]  }
0x2e: {  	s3 =	simm.s32 @!p0 $0x1082;
	s9 =	sld [smem:$0x3FB3]  }
0x2f: {  	lr =	sadd.s32 s0, s3;
	s0 =	sld [smem:$0x3FAA]  }
0x30: {  	s3 =	sld [smem:$0x3FAD]  }
0x31: {  	[smem:$0x3FB6] =	sst s10  }
0x32: {  	s10 =	sld [smem:$0x3FB4];
	_ =	sdelay $0x3  }
0x33: {  	p0 =	seq.s32 s10, $0x1;
	s10 =	sld [smem:$0x3FB6];
	_ =	sdelay $0x3  }
0x34: {  	[smem:$0x3FB6] =	sst s10  }
0x35: {  	s10 =	sld [smem:$0x3FB5];
	_ =	sdelay $0x3  }
0x36: {  	p1 =	seq.s32 s10, $0x1;
	s10 =	sld [smem:$0x3FB6];
	_ =	sdelay $0x3  }
0x37: {  	[smem:$0x3FB6] =	sst s10  }
0x38: {  	s10 =	sld [smem:$0x3FB7]  }
0x39: {  	_ = 	snop;
	(pc) =	sbr.ind lr, $3  }
0x3a: {  	_ = 	snop  }
0x3b: {  	_ = 	snop  }
0x3c: {  	p2 =	seq.s32 s10, $0x1;
	s10 =	sld [smem:$0x3FB6]  }
0x3d: {  	_ =	shalt  }
0x3e: {  	_ =	shalt  }
0x3f: {  	_ =	shalt  }
0x40: {  	_ =	shalt  }
0x41: {  	_ =	shalt  }
0x42: {  	_ =	shalt  }
0x43: {  	_ =	shalt  }
0x44: {  	_ =	shalt  }
0x45: {  	_ =	shalt  }
0x46: {  	_ =	shalt  }
0x47: {  	_ =	shalt  }
0x48: {  	_ =	shalt  }
0x49: {  	_ =	shalt  }
0x4a: {  	_ =	shalt  }
0x4b: {  	_ =	shalt  }
0x4c: {  	_ =	shalt  }
0x4d: {  	_ =	shalt  }
0x4e: {  	_ =	shalt  }
0x4f: {  	_ =	shalt  }
0x50: {  	_ =	shalt  }
0x51: {  	_ =	shalt  }
0x52: {  	_ =	shalt  }
0x53: {  	_ =	shalt  }
0x54: {  	_ =	shalt  }
0x55: {  	_ =	shalt  }
0x56: {  	_ =	shalt  }
0x57: {  	_ =	shalt  }
0x58: {  	_ =	shalt  }
0x59: {  	_ =	shalt  }
0x5a: {  	_ =	shalt  }
0x5b: {  	_ =	shalt  }
0x5c: {  	_ =	shalt  }
0x5d: {  	_ =	shalt  }
0x5e: {  	_ =	shalt  }
0x5f: {  	_ =	shalt  }
0x60: {  	_ =	shalt  }
0x61: {  	_ =	shalt  }
0x62: {  	_ =	shalt  }
0x63: {  	_ =	shalt  }
0x64: {  	_ =	shalt  }
0x65: {  	_ =	shalt  }
0x66: {  	_ =	shalt  }
0x67: {  	_ =	shalt  }
0x68: {  	_ =	shalt  }
0x69: {  	_ =	shalt  }
0x6a: {  	_ =	shalt  }
0x6b: {  	_ =	shalt  }
0x6c: {  	_ =	shalt  }
0x6d: {  	_ =	shalt  }
0x6e: {  	_ =	shalt  }
0x6f: {  	_ =	shalt  }
0x70: {  	_ =	shalt  }
0x71: {  	_ =	shalt  }
0x72: {  	_ =	shalt  }
0x73: {  	_ =	shalt  }
0x74: {  	_ =	shalt  }
0x75: {  	_ =	shalt  }
0x76: {  	_ =	shalt  }
0x77: {  	_ =	shalt  }
0x78: {  	_ =	shalt  }
0x79: {  	_ =	shalt  }
0x7a: {  	_ =	shalt  }
0x7b: {  	_ =	shalt  }
0x7c: {  	_ =	shalt  }
0x7d: {  	_ =	shalt  }
0x7e: {  	_ =	shalt  }
0x7f: {  	_ =	shalt  }
0x80: {  	_ =	shalt  }
0x81: {  	_ =	shalt  }
0x82: {  	_ =	shalt  }
0x83: {  	_ =	shalt  }
0x84: {  	_ =	shalt  }
0x85: {  	_ =	shalt  }
0x86: {  	_ =	shalt  }
0x87: {  	_ =	shalt  }
.Lfunc_end0:
.L_simem_size_0:
called_computation.2_lowered:
.L_overlay_start_0:
0x88: {  	s2 =	sld [smem:$0x3FD9]  }
0x89: {  	s3 =	sld [smem:$0x3FFE];
	_ =	sdelay $0x1  }
0x8a: {  	s1 =	srdreg.scid  }
0x8b: {  	s0 =	sand.u32 $0x1, s1  }
0x8c: {  	s16 =	sshll.u32 s0, $0xA;
	s2 =	sadd.s32 s3, s2  }
0x8d: {  	s2 =	sadd.s32 s2, s16  }
0x8e: {  	[smem:$0x3FC2] =	sst s2  }
0x8f: {  	_ = 	snop  }
0x90: {  	(tm) =	ssettm $0x1  }
0x91: {  	s17 =	sld [smem:$0x3FFB];
	_ =	sdelay $0x3  }
0x92: {  	_ =	strace s17  }
0x93: {  	s2 =	sld [smem:$0x3FFC];
	_ =	sdelay $0x3  }
0x94: {  	_ =	strace s2  }
0x95: {  	s2 =	sld [smem:$0x3FFD];
	_ =	sdelay $0x3  }
0x96: {  	_ =	strace s2  }
0x97: {  	_ =	strace $0x8FFFFFFF  }
0x98: {  	s18 =	sld [smem:$0x3FDB];
	_ =	sdelay $0x1  }
0x99: {  	s19 =	simm.s32 $_scs_section_size  }
0x9a: {  	s4 =	simm.s32 $_size__tile_overlayer_lowered;
	s5 =	simm.s32 $_tile_overlayer_lowered  }
0x9b: {  	s22 =	simm.s32 $0x1BFF;
	s21 =	sshll.u32 s5, $0x1;
	s2 =	sadd.s32 s19, s18  }
0x9c: {  	s6 =	simm.s32 $0x0;
	s20 =	sshll.u32 s4, $0x1;
	s4 =	sadd.s32 s21, s2  }
0x9d: {  	[timem:s6], [sflag:s22] =	dma.local [hbm:s4], s20  }
0x9e: {  	_ =	swait.ge [sflag:s22], s20  }
0x9f: {  	s3 =	ssub.s32 $0x0, s20;
	[sflag:s22] =	ssyncset.done $0x0  }
0xa0: {  	[sflag:s22] =	ssyncadd.s32 s3;
	_ =	sdelay $0x1  }
0xa1: {  	s23 =	simm.s32 $0x1B8B  }
0xa2: {  	_ =	swait.ge [sflag:s23], $0x1  }
0xa3: {  	[sflag:s23] =	ssyncset.done $0x0  }
0xa4: {  	s25 =	simm.s32 $0x1B8E;
	s24 =	sld [smem:$0x3FFE];
	[sflag:s23] =	ssyncadd.s32 $0xFFFFFFFF  }
0xa5: {  	s26 =	simm.s32 $execute0_lowered;
	[smem:$0x3FD2] =	sst s25  }
0xa6: {  	s4 =	sshll.u32 s26, $0x1;
	_ =	strace $0x8000004C;
	[dreg:$0x1] =	wrdreg $0xFFFFFFFF  }
0xa7: {  	s28 =	simm.s32 $_size_execute0_lowered;
	s2 =	sadd.s32 s2, s4;
	[dreg:$0x0] =	wrdreg $0x0  }
0xa8: {  	s4 =	sshll.u32 s28, $0x1;
	[dreg:$0x2] =	wrdreg s2  }
0xa9: {  	[dreg:$0x3] =	wrdreg s4  }
0xaa: {  	[dreg:$0x4] =	wrdreg $0xC0  }
0xab: {  	_ =	task [dreg:s6], $0x5FFFF  }
0xac: {  	[dreg:$0x1] =	wrdreg $0xFFFFFFFF  }
0xad: {  	[dreg:$0x0] =	wrdreg $0x60  }
0xae: {  	[dreg:$0x2] =	wrdreg s24  }
0xaf: {  	[dreg:$0x3] =	wrdreg $0x0  }
0xb0: {  	[dreg:$0x4] =	wrdreg $0x9  }
0xb1: {  	_ =	task.clear_ibuf [dreg:s6], $0x5FFFF;
	_ =	strace $0x9000004C  }
0xb2: {  	s29 =	simm.s32 $0x9;
	_ =	strace $0x8000004E  }
0xb3: {  	_ =	swait.ge [sflag:s29], $0x1  }
0xb4: {  	[sflag:s29] =	ssyncadd.s32 $0xFFFFFFFF  }
0xb5: {  	_ =	strace $0x9000004E  }
0xb6: {  	_ =	sfence  }
0xb7: {  	s30 =	sld [smem:$0x0];
	_ =	sdelay $0x2  }
0xb8: {  	s31 =	sshll.u32 s1, $0xD;
	s1 =	sshrl.u32 s1, $0x2  }
0xb9: {  	s3 =	sand.u32 $0x4000, s31;
	s1 =	sadd.s32 s1, s30  }
0xba: {  	s0 =	sor.u32 s3, s0;
	s1 =	sshll.u32 s1, $0x11  }
0xbb: {  	s0 =	sor.u32 s1, s0  }
0xbc: {  	s0 =	sadd.s32 $0x8F2B, s0  }
0xbd: {  	[sflag:s0] =	ssyncadd.remote.s32 $0x1  }
0xbe: {  	_ =	sfence.sel $0xFFFF  }
0xbf: {  	[dreg:$0x0] =	wrdreg $0xFFFFFFFF;
	(pc) =	sbr.abs _section_cstart, $3  }
0xc0: {  	[dreg:$0x1] =	wrdreg $0xFFFFFFFF  }
0xc1: {  	_ =	task.clear_ibuf [dreg:s6], $0x2FFFF;
	_ =	strace $0x9FFFFFFF  }
0xc2: {  	(tm) =	ssettm $0x7FFFFFFF  }
0xc3: {  	_ =	shalt  }
tec
execute0_lowered:
.L_overlay_start_1:
0x0: {  	(tag) =	ssettag $0x1  }
0x1: {  	s0 =	rddreg [dreg:$0x0]  }
0x2: {  	s2 =	rddreg [dreg:$0x1];
	s1 =	srdreg.scid  }
0x3: {  	s3 =	simm.s32 $0x0;
	s23 =	stileid.u32;
	s18 =	simm.s32 $0xF7600  }
0x4: {  	s28 =	simm.s32 $0x0;
	s1 =	sand.u32 $0x1, s1;
	[smem:$0x7FF] =	sst s3  }
0x5: {  	s5 =	smul.u32 $0x18700, s23;
	s7 =	sshll.u32 s23, $0x1;
	s4 =	ssub.s32 $0x2, s1  }
0x6: {  	_ =	strace $0x8000004D;
	p0 =	seq.s32 s1, $0x0;
	s6 =	sshrl.u32 s4, $0x1  }
0x7: {  	s8 =	sadd.s32 $0x6400, s5;
	s9 =	sadd.s32 $0x9600, s5;
	s10 =	sadd.s32 $0xC800, s5  }
0x8: {  	s11 =	sadd.s32 $0xFA00, s5;
	s15 =	sadd.s32 $0x12C00, s5;
	s16 =	sadd.s32 $0x15E00, s5  }
0x9: {  	s12 =	sshrl.u32 s5, $0x3;
	s18 =	simm.s32 @!p0 $0x128400;
	s4 =	ssub.s32 s4, s6  }
0xa: {  	s6 =	sor.u32 s1, s7;
	s7 =	sadd.s32 $0x3200, s5;
	s14 =	sshrl.u32 s8, $0x3  }
0xb: {  	s17 =	sshrl.u32 s9, $0x3;
	s19 =	sshrl.u32 s10, $0x3;
	s9 =	sadd.s32 s9, s2  }
0xc: {  	s20 =	sshrl.u32 s11, $0x3;
	s10 =	sadd.s32 s10, s2;
	[dreg:$0xb] =	wrdreg s9  }
0xd: {  	s21 =	sshrl.u32 s15, $0x3;
	s11 =	sadd.s32 s11, s2;
	[dreg:$0xc] =	wrdreg s10  }
0xe: {  	s18 =	sadd.s32 s18, s0;
	s15 =	sadd.s32 s15, s2;
	[dreg:$0xd] =	wrdreg s11  }
0xf: {  	s22 =	sshrl.u32 s16, $0x3;
	s12 =	sadd.s32 s18, s12;
	[dreg:$0xe] =	wrdreg s15  }
0x10: {  	s1 =	smul.u32 $0x186A0, s1;
	s14 =	sadd.s32 s18, s14;
	[dreg:$0x3] =	wrdreg s12  }
0x11: {  	s13 =	sshrl.u32 s7, $0x3;
	s17 =	sadd.s32 s18, s17;
	[dreg:$0x5] =	wrdreg s14  }
0x12: {  	s24 =	sadd.s32 s18, s20;
	s25 =	sadd.s32 s18, s21;
	[dreg:$0x6] =	wrdreg s17  }
0x13: {  	s26 =	sadd.s32 s18, s22;
	s6 =	smul.u32 $0x186A0, s6;
	[dreg:$0x8] =	wrdreg s24  }
0x14: {  	s21 =	sadd.s32 s16, s2;
	s4 =	smax.u32 s4, $0x1;
	[dreg:$0x9] =	wrdreg s25  }
0x15: {  	s9 =	simm.s32 $0x1BF40;
	s10 =	simm.s32 $0x1C260;
	[dreg:$0xa] =	wrdreg s26  }
0x16: {  	s11 =	simm.s32 $0x3;
	s13 =	sadd.s32 s18, s13;
	[dreg:$0xf] =	wrdreg s21  }
0x17: {  	s12 =	sadd.s32 $0xC6800, s0;
	s14 =	sadd.s32 $0x64C00, s0;
	[dreg:$0x14] =	wrdreg s4  }
0x18: {  	s17 =	sadd.s32 s5, s2;
	s4 =	simm.s32 $0x18D40;
	[dreg:$0x4] =	wrdreg s13  }
0x19: {  	s13 =	smul.u32 $0x30D40, s23;
	s23 =	sadd.s32 s18, s19;
	s18 =	sadd.s32 s7, s2  }
0x1a: {  	s19 =	sadd.s32 s8, s2;
	s7 =	simm.s32 $0x18A20;
	s8 =	simm.s32 $0x320  }
0x1b: {  	s1 =	sadd.s32 s1, s13;
	s13 =	sadd.s32 $0x3000, s0;
	s0 =	sshrl.u32 s6, $0x3  }
0x1c: {  	[dreg:$0x7] =	wrdreg s23;
	s6 =	simm.s32 $0x18700;
	s20 =	sadd.s32 $0x64, s0  }
0x1d: {  	s23 =	sadd.s32 s13, s0;
	s24 =	sadd.s32 s14, s0;
	s0 =	sadd.s32 $0x3070, s0  }
0x1e: {  	s25 =	sadd.s32 $0x960, s1;
	s31 =	sadd.s32 $0x640, s1;
	[dreg:$0x12] =	wrdreg s23  }
0x1f: {  	s22 =	sadd.s32 s13, s20;
	s5 =	sadd.s32 s14, s20;
	[dreg:$0x13] =	wrdreg s24  }
0x20: {  	s29 =	sadd.s32 s13, s0;
	s30 =	sadd.s32 s14, s0;
	s26 =	sshrl.u32 s25, $0x3  }
0x21: {  	s23 =	simm.s32 $0x4;
	s24 =	simm.s32 $0x1C580;
	[dreg:$0x10] =	wrdreg s22  }
0x22: {  	s25 =	simm.s32 $0x1;
	[dreg:$0x11] =	wrdreg s5;
	s0 =	sadd.s32 s26, s14  }
0x23: {  	v0 =	vimm.f32 $0.0e+00;
	s1 =	sadd.s32 s26, s13;
	s5 =	simm.s32 $0x5;
	s26 =	simm.s32 $0x2  }
.LBB2_1:
0x24: {  	s15 =	simm.s32 $0x40;
	s16 =	simm.s32 $0x0  }
.LBB2_2:
0x25: {  	p0 =	sne.s32 s15, $0xC7C0;
	[tilespmem:s16+$0x18D40] =	vst v0;
	s16 =	smov.u32 s15;
	s15 =	sadd.s32 $0x40, s15  }
.Ltmp0:
0x26: {  	(pc) =	sbr.rel @p0 .LBB2_2-.Ltmp0, $2  }
0x27: {  	_ =	sdelay $0x2  }
0x28: {  	s16 =	sshra.s32 s16, $0x2  }
0x29: {  	[tilespmem:s16+$0x18D40] =	vst v0  }
0x2a: {  	[spmem:s17] =	stream.linear.scatter [tilespmem:s4], [sflag:$0x5], $0x3200, $0x38;
	[tilespmem:$0x1F780] =	vst v63  }
0x2b: {  	_ =	swait.ge [sflag:s5], $0x3200  }
0x2c: {  	[sflag:s5] =	ssyncset.done $0x0  }
0x2d: {  	[sflag:s5] =	ssyncadd.s32 $0xFFFFCE00  }
0x2e: {  	[spmem:s18] =	stream.linear.scatter [tilespmem:s4], [sflag:$0x5], $0x3200, $0x38;
	[tilespmem:$0x1F780] =	vst v63  }
0x2f: {  	_ =	swait.ge [sflag:s5], $0x3200  }
0x30: {  	[sflag:s5] =	ssyncset.done $0x0  }
0x31: {  	[sflag:s5] =	ssyncadd.s32 $0xFFFFCE00  }
0x32: {  	[spmem:s19] =	stream.linear.scatter [tilespmem:s4], [sflag:$0x5], $0x3200, $0x38;
	[tilespmem:$0x1F780] =	vst v63  }
0x33: {  	_ =	swait.ge [sflag:s5], $0x3200  }
0x34: {  	[sflag:s5] =	ssyncset.done $0x0  }
0x35: {  	s15 =	rddreg [dreg:$0xb];
	[sflag:s5] =	ssyncadd.s32 $0xFFFFCE00  }
0x36: {  	[spmem:s15] =	stream.linear.scatter [tilespmem:s4], [sflag:$0x5], $0x3200, $0x38;
	[tilespmem:$0x1F780] =	vst v63  }
0x37: {  	_ =	swait.ge [sflag:s5], $0x3200  }
0x38: {  	[sflag:s5] =	ssyncset.done $0x0  }
0x39: {  	s22 =	smov.u32 s19;
	s19 =	rddreg [dreg:$0xc];
	[sflag:s5] =	ssyncadd.s32 $0xFFFFCE00  }
0x3a: {  	[spmem:s19] =	stream.linear.scatter [tilespmem:s4], [sflag:$0x5], $0x3200, $0x38;
	[tilespmem:$0x1F780] =	vst v63  }
0x3b: {  	_ =	swait.ge [sflag:s5], $0x3200  }
0x3c: {  	[sflag:s5] =	ssyncset.done $0x0  }
0x3d: {  	s16 =	rddreg [dreg:$0xd];
	[sflag:s5] =	ssyncadd.s32 $0xFFFFCE00  }
0x3e: {  	[spmem:s16] =	stream.linear.scatter [tilespmem:s4], [sflag:$0x5], $0x3200, $0x38;
	[tilespmem:$0x1F780] =	vst v63  }
0x3f: {  	_ =	swait.ge [sflag:s5], $0x3200  }
0x40: {  	[sflag:s5] =	ssyncset.done $0x0  }
0x41: {  	s20 =	smov.u32 s17;
	s17 =	rddreg [dreg:$0xe];
	[sflag:s5] =	ssyncadd.s32 $0xFFFFCE00  }
0x42: {  	[spmem:s17] =	stream.linear.scatter [tilespmem:s4], [sflag:$0x5], $0x3200, $0x38;
	[tilespmem:$0x1F780] =	vst v63  }
0x43: {  	_ =	swait.ge [sflag:s5], $0x3200  }
0x44: {  	[sflag:s5] =	ssyncset.done $0x0  }
0x45: {  	s21 =	smov.u32 s18;
	s18 =	rddreg [dreg:$0xf];
	[sflag:s5] =	ssyncadd.s32 $0xFFFFCE00  }
0x46: {  	[spmem:s18] =	stream.linear.scatter [tilespmem:s4], [sflag:$0x5], $0x2900, $0x38;
	[tilespmem:$0x1F780] =	vst v63  }
0x47: {  	_ =	swait.ge [sflag:s5], $0x2900  }
0x48: {  	[sflag:s5] =	ssyncset.done $0x0  }
0x49: {  	[sflag:s5] =	ssyncadd.s32 $0xFFFFD700  }
0x4a: {  	[bflag:$0x0] =	sbarrier.arrive $0xFFFF  }
0x4b: {  	s15 =	simm.s32 $0x0;
	s19 =	rddreg [dreg:$0x12]  }
0x4c: {  	[tilespmem:s6], [sflag:$0x5] =	stream.linear.gather [hbm4b:s19+s15], $0x320, $0x38;
	[tilespmem:$0x1F780] =	vst v63  }
0x4d: {  	_ =	swait.ge [sflag:s5], $0x320  }
0x4e: {  	[sflag:s5] =	ssyncset.done $0x0  }
0x4f: {  	s17 =	rddreg [dreg:$0x13];
	[sflag:s5] =	ssyncadd.s32 $0xFFFFFCE0  }
0x50: {  	[tilespmem:s7], [sflag:$0x5] =	stream.linear.gather [hbm4b:s17+s15], $0x320, $0x38;
	[tilespmem:$0x1F780] =	vst v63  }
0x51: {  	_ =	swait.ge [sflag:s5], $0x320  }
0x52: {  	[sflag:s5] =	ssyncset.done $0x0  }
0x53: {  	[sflag:s5] =	ssyncadd.s32 $0xFFFFFCE0  }
0x54: {  	[tilespmem:s4], [sflag:$0x1] =	stream.indirect.gather [hbm4b:s12+s8], $0x10, s6, s8, $0xb8;
	[tilespmem:$0x1F780] =	vst v63  }
0x55: {  	s18 =	rddreg [dreg:$0x10]  }
0x56: {  	[tilespmem:s9], [sflag:$0x3] =	stream.linear.gather [hbm4b:s18+s15], $0x320, $0x38;
	[tilespmem:$0x1F780] =	vst v63  }
0x57: {  	s19 =	rddreg [dreg:$0x11]  }
0x58: {  	[tilespmem:s10], [sflag:$0x4] =	stream.linear.gather [hbm4b:s19+s15], $0x320, $0x38;
	[tilespmem:$0x1F780] =	vst v63  }
0x59: {  	_ =	swait.ge [sflag:s11], $0x320  }
0x5a: {  	[sflag:s11] =	ssyncset.done $0x0  }
0x5b: {  	[sflag:s11] =	ssyncadd.s32 $0xFFFFFCE0  }
0x5c: {  	_ =	swait.ge [sflag:s23], $0x320  }
0x5d: {  	[sflag:s23] =	ssyncset.done $0x0  }
0x5e: {  	[sflag:s23] =	ssyncadd.s32 $0xFFFFFCE0  }
0x5f: {  	[tilespmem:s24], [sflag:$0x2] =	stream.indirect.gather [hbm4b:s12+s8], $0x10, s9, s8, $0xb8;
	[tilespmem:$0x1F780] =	vst v63  }
0x60: {  	_ =	swait.ge [sflag:s25], $0x3200  }
0x61: {  	[sflag:s25] =	ssyncset.done $0x0  }
0x62: {  	[sflag:s25] =	ssyncadd.s32 $0xFFFFCE00  }
0x63: {  	[spmem:s2] =	stream.indirect.scatter.add.f32 [tilespmem:s4], [sflag:$0x5], $0x10, s7, s8, $0xb8;
	[tilespmem:$0x1F780] =	vst v63  }
0x64: {  	_ =	swait.ge [sflag:s5], $0x3200  }
0x65: {  	s17 =	sshrl.u32 s31, $0x3;
	[sflag:s5] =	ssyncset.done $0x0  }
0x66: {  	s18 =	sadd.s32 s13, s17;
	[sflag:s5] =	ssyncadd.s32 $0xFFFFCE00  }
0x67: {  	[tilespmem:s6], [sflag:$0x3] =	stream.linear.gather [hbm4b:s18+s3], $0x320, $0x38;
	[tilespmem:$0x1F780] =	vst v63  }
0x68: {  	s15 =	sadd.s32 s14, s17  }
0x69: {  	[tilespmem:s7], [sflag:$0x4] =	stream.linear.gather [hbm4b:s15+s3], $0x320, $0x38;
	[tilespmem:$0x1F780] =	vst v63  }
0x6a: {  	_ =	swait.ge [sflag:s11], $0x320  }
0x6b: {  	[sflag:s11] =	ssyncset.done $0x0  }
0x6c: {  	[sflag:s11] =	ssyncadd.s32 $0xFFFFFCE0  }
0x6d: {  	_ =	swait.ge [sflag:s23], $0x320  }
0x6e: {  	[sflag:s23] =	ssyncset.done $0x0  }
0x6f: {  	[sflag:s23] =	ssyncadd.s32 $0xFFFFFCE0  }
0x70: {  	[tilespmem:s4], [sflag:$0x1] =	stream.indirect.gather [hbm4b:s12+s8], $0x10, s6, s8, $0xb8;
	[tilespmem:$0x1F780] =	vst v63  }
0x71: {  	_ =	swait.ge [sflag:s26], $0x3200  }
0x72: {  	[sflag:s26] =	ssyncset.done $0x0  }
0x73: {  	[sflag:s26] =	ssyncadd.s32 $0xFFFFCE00  }
0x74: {  	[spmem:s2] =	stream.indirect.scatter.add.f32 [tilespmem:s24], [sflag:$0x5], $0x10, s10, s8, $0xb8;
	[tilespmem:$0x1F780] =	vst v63  }
0x75: {  	_ =	swait.ge [sflag:s5], $0x3200  }
0x76: {  	s16 =	sadd.s32 $0x640, s31;
	s19 =	sadd.s32 $0x0, s1;
	[sflag:s5] =	ssyncset.done $0x0  }
0x77: {  	s17 =	sadd.s32 $0x0, s0;
	s15 =	simm.s32 $0xC8;
	[sflag:s5] =	ssyncadd.s32 $0xFFFFCE00  }
0x78: {  	[tilespmem:s9], [sflag:$0x3] =	stream.linear.gather [hbm4b:s19+s3], $0x320, $0x38;
	[tilespmem:$0x1F780] =	vst v63  }
.LBB2_4:
0x79: {  	[tilespmem:s10], [sflag:$0x4] =	stream.linear.gather [hbm4b:s17+s3], $0x320, $0x38;
	[tilespmem:$0x1F780] =	vst v63  }
0x7a: {  	s17 =	smov.u32 s15  }
0x7b: {  	p0 =	sne.s32 s15, $0x2EE0;
	s15 =	sadd.s32 $0xC8, s15;
	_ =	swait.ge [sflag:s11], $0x320  }
0x7c: {  	[sflag:s11] =	ssyncset.done $0x0  }
0x7d: {  	[sflag:s11] =	ssyncadd.s32 $0xFFFFFCE0  }
0x7e: {  	_ =	swait.ge [sflag:s23], $0x320  }
0x7f: {  	[sflag:s23] =	ssyncset.done $0x0  }
0x80: {  	[sflag:s23] =	ssyncadd.s32 $0xFFFFFCE0  }
0x81: {  	[tilespmem:s24], [sflag:$0x2] =	stream.indirect.gather [hbm4b:s12+s8], $0x10, s9, s8, $0xb8;
	[tilespmem:$0x1F780] =	vst v63  }
0x82: {  	_ =	swait.ge [sflag:s25], $0x3200  }
0x83: {  	[sflag:s25] =	ssyncset.done $0x0  }
0x84: {  	[sflag:s25] =	ssyncadd.s32 $0xFFFFCE00  }
0x85: {  	[spmem:s2] =	stream.indirect.scatter.add.f32 [tilespmem:s4], [sflag:$0x5], $0x10, s7, s8, $0xb8;
	[tilespmem:$0x1F780] =	vst v63  }
0x86: {  	_ =	swait.ge [sflag:s5], $0x3200  }
0x87: {  	s18 =	sshrl.u32 s16, $0x3;
	[sflag:s5] =	ssyncset.done $0x0  }
0x88: {  	s19 =	sadd.s32 s13, s18;
	[sflag:s5] =	ssyncadd.s32 $0xFFFFCE00  }
0x89: {  	[tilespmem:s6], [sflag:$0x3] =	stream.linear.gather [hbm4b:s19+s3], $0x320, $0x38;
	[tilespmem:$0x1F780] =	vst v63  }
0x8a: {  	s18 =	sadd.s32 s14, s18  }
0x8b: {  	[tilespmem:s7], [sflag:$0x4] =	stream.linear.gather [hbm4b:s18+s3], $0x320, $0x38;
	[tilespmem:$0x1F780] =	vst v63  }
0x8c: {  	_ =	swait.ge [sflag:s11], $0x320  }
0x8d: {  	[sflag:s11] =	ssyncset.done $0x0  }
0x8e: {  	[sflag:s11] =	ssyncadd.s32 $0xFFFFFCE0  }
0x8f: {  	_ =	swait.ge [sflag:s23], $0x320  }
0x90: {  	[sflag:s23] =	ssyncset.done $0x0  }
0x91: {  	[sflag:s23] =	ssyncadd.s32 $0xFFFFFCE0  }
0x92: {  	[tilespmem:s4], [sflag:$0x1] =	stream.indirect.gather [hbm4b:s12+s8], $0x10, s6, s8, $0xb8;
	[tilespmem:$0x1F780] =	vst v63  }
0x93: {  	_ =	swait.ge [sflag:s26], $0x3200  }
0x94: {  	[sflag:s26] =	ssyncset.done $0x0  }
0x95: {  	[sflag:s26] =	ssyncadd.s32 $0xFFFFCE00  }
0x96: {  	[spmem:s2] =	stream.indirect.scatter.add.f32 [tilespmem:s24], [sflag:$0x5], $0x10, s10, s8, $0xb8;
	[tilespmem:$0x1F780] =	vst v63  }
.Ltmp1:
0x97: {  	_ =	swait.ge [sflag:s5], $0x3200;
	(pc) =	sbr.rel @p0 .LBB2_4-.Ltmp1, $4  }
0x98: {  	[sflag:s5] =	ssyncset.done $0x0  }
0x99: {  	s18 =	sadd.s32 s17, s1;
	[sflag:s5] =	ssyncadd.s32 $0xFFFFCE00  }
0x9a: {  	[tilespmem:s9], [sflag:$0x3] =	stream.linear.gather [hbm4b:s18+s3], $0x320, $0x38;
	[tilespmem:$0x1F780] =	vst v63  }
0x9b: {  	s16 =	sadd.s32 $0x640, s16;
	s17 =	sadd.s32 s17, s0  }
0x9c: {  	[tilespmem:s10], [sflag:$0x4] =	stream.linear.gather [hbm4b:s17+s3], $0x320, $0x38;
	[tilespmem:$0x1F780] =	vst v63  }
0x9d: {  	_ =	swait.ge [sflag:s11], $0x320  }
0x9e: {  	[sflag:s11] =	ssyncset.done $0x0  }
0x9f: {  	[sflag:s11] =	ssyncadd.s32 $0xFFFFFCE0  }
0xa0: {  	_ =	swait.ge [sflag:s23], $0x320  }
0xa1: {  	[sflag:s23] =	ssyncset.done $0x0  }
0xa2: {  	[sflag:s23] =	ssyncadd.s32 $0xFFFFFCE0  }
0xa3: {  	[tilespmem:s24], [sflag:$0x2] =	stream.indirect.gather [hbm4b:s12+s8], $0x10, s9, s8, $0xb8;
	[tilespmem:$0x1F780] =	vst v63  }
0xa4: {  	_ =	swait.ge [sflag:s25], $0x3200  }
0xa5: {  	[sflag:s25] =	ssyncset.done $0x0  }
0xa6: {  	[sflag:s25] =	ssyncadd.s32 $0xFFFFCE00  }
0xa7: {  	[spmem:s2] =	stream.indirect.scatter.add.f32 [tilespmem:s4], [sflag:$0x5], $0x10, s7, s8, $0xb8;
	[tilespmem:$0x1F780] =	vst v63  }
0xa8: {  	_ =	swait.ge [sflag:s5], $0x3200  }
0xa9: {  	[sflag:s5] =	ssyncset.done $0x0  }
0xaa: {  	[sflag:s5] =	ssyncadd.s32 $0xFFFFCE00  }
0xab: {  	[tilespmem:s6], [sflag:$0x3] =	stream.linear.gather [hbm4b:s29+s3], $0x320, $0x38;
	[tilespmem:$0x1F780] =	vst v63  }
0xac: {  	_ = 	snop  }
0xad: {  	[tilespmem:s7], [sflag:$0x4] =	stream.linear.gather [hbm4b:s30+s3], $0x320, $0x38;
	[tilespmem:$0x1F780] =	vst v63  }
0xae: {  	_ =	swait.ge [sflag:s11], $0x320  }
0xaf: {  	[sflag:s11] =	ssyncset.done $0x0  }
0xb0: {  	[sflag:s11] =	ssyncadd.s32 $0xFFFFFCE0  }
0xb1: {  	_ =	swait.ge [sflag:s23], $0x320  }
0xb2: {  	[sflag:s23] =	ssyncset.done $0x0  }
0xb3: {  	[sflag:s23] =	ssyncadd.s32 $0xFFFFFCE0  }
0xb4: {  	[tilespmem:s4], [sflag:$0x1] =	stream.indirect.gather [hbm4b:s12+s8], $0x10, s6, s8, $0xb8;
	[tilespmem:$0x1F780] =	vst v63  }
0xb5: {  	_ =	swait.ge [sflag:s26], $0x3200  }
0xb6: {  	[sflag:s26] =	ssyncset.done $0x0  }
0xb7: {  	[sflag:s26] =	ssyncadd.s32 $0xFFFFCE00  }
0xb8: {  	[spmem:s2] =	stream.indirect.scatter.add.f32 [tilespmem:s24], [sflag:$0x5], $0x10, s10, s8, $0xb8;
	[tilespmem:$0x1F780] =	vst v63  }
0xb9: {  	_ =	swait.ge [sflag:s5], $0x3200  }
0xba: {  	[sflag:s5] =	ssyncset.done $0x0  }
0xbb: {  	[sflag:s5] =	ssyncadd.s32 $0xFFFFCE00  }
0xbc: {  	[tilespmem:s9], [sflag:$0x3] =	stream.linear.gather [hbm4b:s29+s3], $0x320, $0x38;
	[tilespmem:$0x1F780] =	vst v63  }
0xbd: {  	_ = 	snop  }
0xbe: {  	[tilespmem:s10], [sflag:$0x4] =	stream.linear.gather [hbm4b:s30+s3], $0x320, $0x38;
	[tilespmem:$0x1F780] =	vst v63  }
0xbf: {  	_ =	swait.ge [sflag:s11], $0x320  }
0xc0: {  	[sflag:s11] =	ssyncset.done $0x0  }
0xc1: {  	[sflag:s11] =	ssyncadd.s32 $0xFFFFFCE0  }
0xc2: {  	_ =	swait.ge [sflag:s23], $0x320  }
0xc3: {  	[sflag:s23] =	ssyncset.done $0x0  }
0xc4: {  	[sflag:s23] =	ssyncadd.s32 $0xFFFFFCE0  }
0xc5: {  	_ =	swait.ge [sflag:s25], $0x3200  }
0xc6: {  	[sflag:s25] =	ssyncset.done $0x0  }
0xc7: {  	[sflag:s25] =	ssyncadd.s32 $0xFFFFCE00  }
0xc8: {  	[spmem:s2] =	stream.indirect.scatter.add.f32 [tilespmem:s4], [sflag:$0x5], $0x10, s7, s8, $0xb8;
	[tilespmem:$0x1F780] =	vst v63  }
0xc9: {  	_ =	swait.ge [sflag:s5], $0x3200  }
0xca: {  	[sflag:s5] =	ssyncset.done $0x0  }
0xcb: {  	[sflag:s5] =	ssyncadd.s32 $0xFFFFCE00  }
0xcc: {  	[bflag:$0x0] =	sbarrier.arrive $0xFFFF  }
0xcd: {  	[tilespmem:s4], [sflag:$0x5] =	stream.linear.gather [spmem:s20], $0x3200, $0x38;
	[tilespmem:$0x1F780] =	vst v63  }
0xce: {  	_ =	swait.ge [sflag:s5], $0x3200  }
0xcf: {  	[sflag:s5] =	ssyncset.done $0x0  }
0xd0: {  	s15 =	rddreg [dreg:$0x3];
	[sflag:s5] =	ssyncadd.s32 $0xFFFFCE00  }
0xd1: {  	[hbm4b:s15+s3] =	stream.linear.scatter [tilespmem:s4], [sflag:$0x5], $0x3200, $0x38;
	[tilespmem:$0x1F780] =	vst v63  }
0xd2: {  	_ =	swait.ge [sflag:s5], $0x3200  }
0xd3: {  	[sflag:s5] =	ssyncset.done $0x0  }
0xd4: {  	[sflag:s5] =	ssyncadd.s32 $0xFFFFCE00  }
0xd5: {  	[tilespmem:s4], [sflag:$0x5] =	stream.linear.gather [spmem:s21], $0x3200, $0x38;
	[tilespmem:$0x1F780] =	vst v63  }
0xd6: {  	_ =	swait.ge [sflag:s5], $0x3200  }
0xd7: {  	[sflag:s5] =	ssyncset.done $0x0  }
0xd8: {  	s18 =	smov.u32 s21;
	s21 =	rddreg [dreg:$0x4];
	[sflag:s5] =	ssyncadd.s32 $0xFFFFCE00  }
0xd9: {  	[hbm4b:s21+s3] =	stream.linear.scatter [tilespmem:s4], [sflag:$0x5], $0x3200, $0x38;
	[tilespmem:$0x1F780] =	vst v63  }
0xda: {  	_ =	swait.ge [sflag:s5], $0x3200  }
0xdb: {  	[sflag:s5] =	ssyncset.done $0x0  }
0xdc: {  	[sflag:s5] =	ssyncadd.s32 $0xFFFFCE00  }
0xdd: {  	[tilespmem:s4], [sflag:$0x5] =	stream.linear.gather [spmem:s22], $0x3200, $0x38;
	[tilespmem:$0x1F780] =	vst v63  }
0xde: {  	_ =	swait.ge [sflag:s5], $0x3200  }
0xdf: {  	[sflag:s5] =	ssyncset.done $0x0  }
0xe0: {  	s16 =	rddreg [dreg:$0x5];
	[sflag:s5] =	ssyncadd.s32 $0xFFFFCE00  }
0xe1: {  	[hbm4b:s16+s3] =	stream.linear.scatter [tilespmem:s4], [sflag:$0x5], $0x3200, $0x38;
	[tilespmem:$0x1F780] =	vst v63  }
0xe2: {  	_ =	swait.ge [sflag:s5], $0x3200  }
0xe3: {  	[sflag:s5] =	ssyncset.done $0x0  }
0xe4: {  	s17 =	smov.u32 s20;
	s20 =	rddreg [dreg:$0xb];
	[sflag:s5] =	ssyncadd.s32 $0xFFFFCE00  }
0xe5: {  	[tilespmem:s4], [sflag:$0x5] =	stream.linear.gather [spmem:s20], $0x3200, $0x38;
	[tilespmem:$0x1F780] =	vst v63  }
0xe6: {  	_ =	swait.ge [sflag:s5], $0x3200  }
0xe7: {  	[sflag:s5] =	ssyncset.done $0x0  }
0xe8: {  	s21 =	rddreg [dreg:$0x6];
	[sflag:s5] =	ssyncadd.s32 $0xFFFFCE00  }
0xe9: {  	[hbm4b:s21+s3] =	stream.linear.scatter [tilespmem:s4], [sflag:$0x5], $0x3200, $0x38;
	[tilespmem:$0x1F780] =	vst v63  }
0xea: {  	_ =	swait.ge [sflag:s5], $0x3200  }
0xeb: {  	[sflag:s5] =	ssyncset.done $0x0  }
0xec: {  	s19 =	smov.u32 s22;
	s22 =	rddreg [dreg:$0xc];
	[sflag:s5] =	ssyncadd.s32 $0xFFFFCE00  }
0xed: {  	[tilespmem:s4], [sflag:$0x5] =	stream.linear.gather [spmem:s22], $0x3200, $0x38;
	[tilespmem:$0x1F780] =	vst v63  }
0xee: {  	_ =	swait.ge [sflag:s5], $0x3200  }
0xef: {  	[sflag:s5] =	ssyncset.done $0x0  }
0xf0: {  	s16 =	rddreg [dreg:$0x7];
	[sflag:s5] =	ssyncadd.s32 $0xFFFFCE00  }
0xf1: {  	[hbm4b:s16+s3] =	stream.linear.scatter [tilespmem:s4], [sflag:$0x5], $0x3200, $0x38;
	[tilespmem:$0x1F780] =	vst v63  }
0xf2: {  	_ =	swait.ge [sflag:s5], $0x3200  }
0xf3: {  	[sflag:s5] =	ssyncset.done $0x0  }
0xf4: {  	s20 =	rddreg [dreg:$0xd];
	[sflag:s5] =	ssyncadd.s32 $0xFFFFCE00  }
0xf5: {  	[tilespmem:s4], [sflag:$0x5] =	stream.linear.gather [spmem:s20], $0x3200, $0x38;
	[tilespmem:$0x1F780] =	vst v63  }
0xf6: {  	_ =	swait.ge [sflag:s5], $0x3200  }
0xf7: {  	[sflag:s5] =	ssyncset.done $0x0  }
0xf8: {  	s21 =	rddreg [dreg:$0x8];
	[sflag:s5] =	ssyncadd.s32 $0xFFFFCE00  }
0xf9: {  	[hbm4b:s21+s3] =	stream.linear.scatter [tilespmem:s4], [sflag:$0x5], $0x3200, $0x38;
	[tilespmem:$0x1F780] =	vst v63  }
0xfa: {  	_ =	swait.ge [sflag:s5], $0x3200  }
0xfb: {  	[sflag:s5] =	ssyncset.done $0x0  }
0xfc: {  	s22 =	rddreg [dreg:$0xe];
	[sflag:s5] =	ssyncadd.s32 $0xFFFFCE00  }
0xfd: {  	[tilespmem:s4], [sflag:$0x5] =	stream.linear.gather [spmem:s22], $0x3200, $0x38;
	[tilespmem:$0x1F780] =	vst v63  }
0xfe: {  	_ =	swait.ge [sflag:s5], $0x3200  }
0xff: {  	[sflag:s5] =	ssyncset.done $0x0  }
0x100: {  	s16 =	rddreg [dreg:$0x9];
	[sflag:s5] =	ssyncadd.s32 $0xFFFFCE00  }
0x101: {  	[hbm4b:s16+s3] =	stream.linear.scatter [tilespmem:s4], [sflag:$0x5], $0x3200, $0x38;
	[tilespmem:$0x1F780] =	vst v63  }
0x102: {  	_ =	swait.ge [sflag:s5], $0x3200  }
0x103: {  	[sflag:s5] =	ssyncset.done $0x0  }
0x104: {  	s20 =	rddreg [dreg:$0xf];
	[sflag:s5] =	ssyncadd.s32 $0xFFFFCE00  }
0x105: {  	[tilespmem:s4], [sflag:$0x5] =	stream.linear.gather [spmem:s20], $0x2900, $0x38;
	[tilespmem:$0x1F780] =	vst v63  }
0x106: {  	_ =	swait.ge [sflag:s5], $0x2900  }
0x107: {  	[sflag:s5] =	ssyncset.done $0x0  }
0x108: {  	s21 =	rddreg [dreg:$0xa];
	[sflag:s5] =	ssyncadd.s32 $0xFFFFD700  }
0x109: {  	[hbm4b:s21+s3] =	stream.linear.scatter [tilespmem:s4], [sflag:$0x5], $0x2900, $0x38;
	[tilespmem:$0x1F780] =	vst v63  }
0x10a: {  	_ =	swait.ge [sflag:s5], $0x2900  }
0x10b: {  	s28 =	sadd.s32 $0x1, s28;
	s22 =	rddreg [dreg:$0x14]  }
0x10c: {  	p0 =	sne.s32 s28, s22  }
.Ltmp2:
0x10d: {  	_ = 	snop;
	(pc) =	sbr.rel @p0 .LBB2_1-.Ltmp2, $3  }
0x10e: {  	_ =	sdelay $0x1  }
0x10f: {  	[sflag:s5] =	ssyncset.done $0x0  }
0x110: {  	[sflag:s5] =	ssyncadd.s32 $0xFFFFD700  }
0x111: {  	_ =	sfence.sel $0x180000  }
0x112: {  	[bflag:$0x0] =	sbarrier.arrive $0xFFFF  }
0x113: {  	_ =	strace $0x9000004D  }
0x114: {  	s0 =	stileid.u32;
	[bflag:$0x2] =	sbarrier.arrive $0xFFFF  }
0x115: {  	p0 =	sne.s32 s0, $0x0;
	s0 =	rddreg [dreg:$0x2]  }
0x116: {  	s0 =	sadd.s32 @!p0 $0x100000, s0  }
0x117: {  	[sflag:s0] =	ssyncadd.tile.s32 @!p0 $0x1;
	_ =	shalt  }
.Lfunc_end2:
_tile_overlayer_lowered:
.L_overlay_start_2:
0x118: {  	(tag) =	ssettag $0x2  }
0x119: {  	s0 =	rddreg [dreg:$0x0];
	s2 =	stileid.u32  }
0x11a: {  	s1 =	rddreg [dreg:$0x1];
	p0 =	sne.s32 s2, $0x0  }
0x11b: {  	s3 =	rddreg [dreg:$0x2];
	[bflag:$0x3] =	sbarrier.arrive $0xFFFF;
	s2 =	simm.s32 @!p0 $0x1C05  }
0x11c: {  	[timem:s3], [sflag:s2] =	dma.local @!p0 [hbm:s0], s1  }
0x11d: {  	s0 =	simm.s32 @!p0 $0x5  }
0x11e: {  	_ =	swait.ge @!p0 [sflag:s0], s1  }
0x11f: {  	s1 =	ssub.s32 @!p0 $0x0, s1;
	[sflag:s0] =	ssyncset.done @!p0 $0x0  }
0x120: {  	[sflag:s0] =	ssyncadd.s32 @!p0 s1  }
0x121: {  	[bflag:$0x3] =	sbarrier.arrive $0xFFFF  }
0x122: {  	_ =	shalt  }

// kernel: kernel.8.cloned.1.call-start
scs
__scs_entry_jumppad:
0x0: {  	(pc) =	sbr.rel $0x88, $3  }
0x1: {  	(tag) =	ssettag $0x0;
	lr =	simm.s32 $0x1  }
0x2: {  	[smem:$0x3F9B] =	sst lr;
	_ =	strace $0xD0000000  }
0x3: {  	_ = 	snop  }
0x4: {  	_ = 	snop  }
0x5: {  	_ = 	snop  }
0x6: {  	_ = 	snop  }
0x7: {  	_ = 	snop  }
__scs_overlays_trampoline_lowered:
0x8: {  	[smem:$0x3FAA] =	sst s0  }
0x9: {  	[smem:$0x3FAB] =	sst s1  }
0xa: {  	[smem:$0x3FAC] =	sst s2  }
0xb: {  	[smem:$0x3FAD] =	sst s3  }
0xc: {  	[smem:$0x3FAE] =	sst s4  }
0xd: {  	[smem:$0x3FAF] =	sst s5  }
0xe: {  	[smem:$0x3FB0] =	sst s6  }
0xf: {  	[smem:$0x3FB1] =	sst s7  }
0x10: {  	[smem:$0x3FB2] =	sst s8  }
0x11: {  	[smem:$0x3FB3] =	sst s9;
	s0 =	simm.s32 @!p0 $0x0  }
0x12: {  	s1 =	sld [smem:$0x3F99];
	s0 =	simm.s32 @p0 $0x1  }
0x13: {  	[smem:$0x3FB4] =	sst s0;
	s0 =	simm.s32 @!p1 $0x0  }
0x14: {  	s2 =	sld [smem:$0x3F98];
	s0 =	simm.s32 @p1 $0x1  }
0x15: {  	[smem:$0x3FB5] =	sst s0;
	s0 =	simm.s32 @!p2 $0x0  }
0x16: {  	s3 =	sld [smem:$0x3FDB];
	s0 =	simm.s32 @p2 $0x1  }
0x17: {  	s4 =	simm.s32 $0x1BF5;
	[smem:$0x3FB7] =	sst s0  }
0x18: {  	s0 =	sld [smem:$0x3F9A];
	_ =	swait.ge [sflag:s4], $0x0  }
0x19: {  	s7 =	sld [smem:$0x3F9B]  }
0x1a: {  	s8 =	sadd.s32 $0xFFFFE003, lr  }
0x1b: {  	s9 =	sadd.s32 $0xFFFFFEF7, lr;
	s5 =	simm.s32 $0xFFFFFFFF;
	p2 =	slt.u32 s8, $0xFFFFF086  }
0x1c: {  	p1 =	slt.u32 s9, $0xF7A;
	s5 =	simm.s32 @!p2 $0x0  }
0x1d: {  	s5 =	simm.s32 @p1 $0x1;
	p0 =	seq.s32 s7, s2  }
0x1e: {  	s7 =	smul.u32 @!p0 $0xF7A, s2;
	p2 =	seq.s32 @!p0 s5, $0x0  }
0x1f: {  	s9 =	smul.u32 $0xF7A, s1;
	s8 =	simm.s32 @!p0 $0x1BF5;
	p2 =	por !p2, p0  }
0x20: {  	[sflag:s8] =	ssyncset.s32 @!p0 $0xFFFFF086;
	s6 =	sadd.s32 @!p0 s3, s7;
	s7 =	simm.s32 @!p0 $0x108  }
0x21: {  	s3 =	sadd.s32 s3, s9;
	s6 =	sadd.s32 @!p0 $0x88, s6;
	s7 =	simm.s32 @p2 $0x1082  }
0x22: {  	[simem:s7], [sflag:s8] =	dma.local @!p0 [hbm:s6], $0xF7A  }
0x23: {  	s9 =	sor.u32 $0xD0000000, s2;
	s6 =	simm.s32 $0x108;
	_ =	swait.ge @!p0 [sflag:s8], $0x0  }
0x24: {  	s3 =	sadd.s32 $0x88, s3;
	s6 =	simm.s32 @!p1 $0x1082;
	[sflag:s4] =	ssyncset.s32 $0xFFFFF086  }
0x25: {  	[simem:s6], [sflag:s4] =	dma.local [hbm:s3], $0xF7A  }
0x26: {  	[smem:$0x3F9B] =	sst s1;
	(tag) =	ssettag s2;
	_ =	strace s9  }
0x27: {  	s1 =	sld [smem:$0x3FAB]  }
0x28: {  	s2 =	sld [smem:$0x3FAC]  }
0x29: {  	s4 =	sld [smem:$0x3FAE]  }
0x2a: {  	p0 =	seq.s32 s5, $0x0;
	s5 =	sld [smem:$0x3FAF]  }
0x2b: {  	s6 =	sld [smem:$0x3FB0]  }
0x2c: {  	s7 =	sld [smem:$0x3FB1]  }
0x2d: {  	s3 =	simm.s32 $0x108;
	s8 =	sld [smem:$0x3FB2]  }
0x2e: {  	s3 =	simm.s32 @!p0 $0x1082;
	s9 =	sld [smem:$0x3FB3]  }
0x2f: {  	lr =	sadd.s32 s0, s3;
	s0 =	sld [smem:$0x3FAA]  }
0x30: {  	s3 =	sld [smem:$0x3FAD]  }
0x31: {  	[smem:$0x3FB6] =	sst s10  }
0x32: {  	s10 =	sld [smem:$0x3FB4];
	_ =	sdelay $0x3  }
0x33: {  	p0 =	seq.s32 s10, $0x1;
	s10 =	sld [smem:$0x3FB6];
	_ =	sdelay $0x3  }
0x34: {  	[smem:$0x3FB6] =	sst s10  }
0x35: {  	s10 =	sld [smem:$0x3FB5];
	_ =	sdelay $0x3  }
0x36: {  	p1 =	seq.s32 s10, $0x1;
	s10 =	sld [smem:$0x3FB6];
	_ =	sdelay $0x3  }
0x37: {  	[smem:$0x3FB6] =	sst s10  }
0x38: {  	s10 =	sld [smem:$0x3FB7]  }
0x39: {  	_ = 	snop;
	(pc) =	sbr.ind lr, $3  }
0x3a: {  	_ = 	snop  }
0x3b: {  	_ = 	snop  }
0x3c: {  	p2 =	seq.s32 s10, $0x1;
	s10 =	sld [smem:$0x3FB6]  }
0x3d: {  	_ =	shalt  }
0x3e: {  	_ =	shalt  }
0x3f: {  	_ =	shalt  }
0x40: {  	_ =	shalt  }
0x41: {  	_ =	shalt  }
0x42: {  	_ =	shalt  }
0x43: {  	_ =	shalt  }
0x44: {  	_ =	shalt  }
0x45: {  	_ =	shalt  }
0x46: {  	_ =	shalt  }
0x47: {  	_ =	shalt  }
0x48: {  	_ =	shalt  }
0x49: {  	_ =	shalt  }
0x4a: {  	_ =	shalt  }
0x4b: {  	_ =	shalt  }
0x4c: {  	_ =	shalt  }
0x4d: {  	_ =	shalt  }
0x4e: {  	_ =	shalt  }
0x4f: {  	_ =	shalt  }
0x50: {  	_ =	shalt  }
0x51: {  	_ =	shalt  }
0x52: {  	_ =	shalt  }
0x53: {  	_ =	shalt  }
0x54: {  	_ =	shalt  }
0x55: {  	_ =	shalt  }
0x56: {  	_ =	shalt  }
0x57: {  	_ =	shalt  }
0x58: {  	_ =	shalt  }
0x59: {  	_ =	shalt  }
0x5a: {  	_ =	shalt  }
0x5b: {  	_ =	shalt  }
0x5c: {  	_ =	shalt  }
0x5d: {  	_ =	shalt  }
0x5e: {  	_ =	shalt  }
0x5f: {  	_ =	shalt  }
0x60: {  	_ =	shalt  }
0x61: {  	_ =	shalt  }
0x62: {  	_ =	shalt  }
0x63: {  	_ =	shalt  }
0x64: {  	_ =	shalt  }
0x65: {  	_ =	shalt  }
0x66: {  	_ =	shalt  }
0x67: {  	_ =	shalt  }
0x68: {  	_ =	shalt  }
0x69: {  	_ =	shalt  }
0x6a: {  	_ =	shalt  }
0x6b: {  	_ =	shalt  }
0x6c: {  	_ =	shalt  }
0x6d: {  	_ =	shalt  }
0x6e: {  	_ =	shalt  }
0x6f: {  	_ =	shalt  }
0x70: {  	_ =	shalt  }
0x71: {  	_ =	shalt  }
0x72: {  	_ =	shalt  }
0x73: {  	_ =	shalt  }
0x74: {  	_ =	shalt  }
0x75: {  	_ =	shalt  }
0x76: {  	_ =	shalt  }
0x77: {  	_ =	shalt  }
0x78: {  	_ =	shalt  }
0x79: {  	_ =	shalt  }
0x7a: {  	_ =	shalt  }
0x7b: {  	_ =	shalt  }
0x7c: {  	_ =	shalt  }
0x7d: {  	_ =	shalt  }
0x7e: {  	_ =	shalt  }
0x7f: {  	_ =	shalt  }
0x80: {  	_ =	shalt  }
0x81: {  	_ =	shalt  }
0x82: {  	_ =	shalt  }
0x83: {  	_ =	shalt  }
0x84: {  	_ =	shalt  }
0x85: {  	_ =	shalt  }
0x86: {  	_ =	shalt  }
0x87: {  	_ =	shalt  }
.Lfunc_end0:
.L_simem_size_0:
called_computation_lowered:
.L_overlay_start_0:
0x88: {  	s2 =	sld [smem:$0x3FD9]  }
0x89: {  	s3 =	sld [smem:$0x3FFE];
	_ =	sdelay $0x1  }
0x8a: {  	s1 =	srdreg.scid  }
0x8b: {  	s0 =	sand.u32 $0x1, s1  }
0x8c: {  	s16 =	sshll.u32 s0, $0xA;
	s2 =	sadd.s32 s3, s2  }
0x8d: {  	s2 =	sadd.s32 s2, s16  }
0x8e: {  	[smem:$0x3FC2] =	sst s2  }
0x8f: {  	_ = 	snop  }
0x90: {  	(tm) =	ssettm $0x1  }
0x91: {  	s17 =	sld [smem:$0x3FFB];
	_ =	sdelay $0x3  }
0x92: {  	_ =	strace s17  }
0x93: {  	s2 =	sld [smem:$0x3FFC];
	_ =	sdelay $0x3  }
0x94: {  	_ =	strace s2  }
0x95: {  	s2 =	sld [smem:$0x3FFD];
	_ =	sdelay $0x3  }
0x96: {  	_ =	strace s2  }
0x97: {  	_ =	strace $0x8FFFFFFF  }
0x98: {  	s18 =	sld [smem:$0x3FDB];
	_ =	sdelay $0x1  }
0x99: {  	s19 =	simm.s32 $_scs_section_size  }
0x9a: {  	s4 =	simm.s32 $_size__tile_overlayer_lowered;
	s5 =	simm.s32 $_tile_overlayer_lowered  }
0x9b: {  	s22 =	simm.s32 $0x1BFF;
	s21 =	sshll.u32 s5, $0x1;
	s2 =	sadd.s32 s19, s18  }
0x9c: {  	s6 =	simm.s32 $0x0;
	s20 =	sshll.u32 s4, $0x1;
	s4 =	sadd.s32 s21, s2  }
0x9d: {  	[timem:s6], [sflag:s22] =	dma.local [hbm:s4], s20  }
0x9e: {  	_ =	swait.ge [sflag:s22], s20  }
0x9f: {  	s3 =	ssub.s32 $0x0, s20;
	[sflag:s22] =	ssyncset.done $0x0  }
0xa0: {  	[sflag:s22] =	ssyncadd.s32 s3;
	_ =	sdelay $0x1  }
0xa1: {  	s23 =	simm.s32 $0x1B8B  }
0xa2: {  	_ =	swait.ge [sflag:s23], $0x1  }
0xa3: {  	[sflag:s23] =	ssyncset.done $0x0  }
0xa4: {  	s25 =	simm.s32 $0x1B8E;
	s24 =	sld [smem:$0x3FFE];
	[sflag:s23] =	ssyncadd.s32 $0xFFFFFFFF  }
0xa5: {  	s26 =	simm.s32 $execute0_lowered;
	[smem:$0x3FD2] =	sst s25  }
0xa6: {  	s4 =	sshll.u32 s26, $0x1;
	_ =	strace $0x80000046;
	[dreg:$0x1] =	wrdreg $0xFFFFFFFF  }
0xa7: {  	s28 =	simm.s32 $_size_execute0_lowered;
	s2 =	sadd.s32 s2, s4;
	[dreg:$0x0] =	wrdreg $0x0  }
0xa8: {  	s4 =	sshll.u32 s28, $0x1;
	[dreg:$0x2] =	wrdreg s2  }
0xa9: {  	[dreg:$0x3] =	wrdreg s4  }
0xaa: {  	[dreg:$0x4] =	wrdreg $0xC0  }
0xab: {  	_ =	task [dreg:s6], $0x5FFFF  }
0xac: {  	[dreg:$0x1] =	wrdreg $0xFFFFFFFF  }
0xad: {  	[dreg:$0x0] =	wrdreg $0x60  }
0xae: {  	[dreg:$0x2] =	wrdreg s24  }
0xaf: {  	[dreg:$0x3] =	wrdreg $0x0  }
0xb0: {  	[dreg:$0x4] =	wrdreg $0x9  }
0xb1: {  	_ =	task.clear_ibuf [dreg:s6], $0x5FFFF;
	_ =	strace $0x90000046  }
0xb2: {  	s29 =	simm.s32 $0x9;
	_ =	strace $0x80000048  }
0xb3: {  	_ =	swait.ge [sflag:s29], $0x1  }
0xb4: {  	[sflag:s29] =	ssyncadd.s32 $0xFFFFFFFF  }
0xb5: {  	_ =	strace $0x90000048  }
0xb6: {  	_ =	sfence  }
0xb7: {  	s30 =	sld [smem:$0x0];
	_ =	sdelay $0x2  }
0xb8: {  	s31 =	sshll.u32 s1, $0xD;
	s1 =	sshrl.u32 s1, $0x2  }
0xb9: {  	s3 =	sand.u32 $0x4000, s31;
	s1 =	sadd.s32 s1, s30  }
0xba: {  	s0 =	sor.u32 s3, s0;
	s1 =	sshll.u32 s1, $0x11  }
0xbb: {  	s0 =	sor.u32 s1, s0  }
0xbc: {  	s0 =	sadd.s32 $0x8F2B, s0  }
0xbd: {  	[sflag:s0] =	ssyncadd.remote.s32 $0x1  }
0xbe: {  	_ =	sfence.sel $0xFFFF  }
0xbf: {  	[dreg:$0x0] =	wrdreg $0xFFFFFFFF;
	(pc) =	sbr.abs _section_cstart, $3  }
0xc0: {  	[dreg:$0x1] =	wrdreg $0xFFFFFFFF  }
0xc1: {  	_ =	task.clear_ibuf [dreg:s6], $0x2FFFF;
	_ =	strace $0x9FFFFFFF  }
0xc2: {  	(tm) =	ssettm $0x7FFFFFFF  }
0xc3: {  	_ =	shalt  }
tec
execute0_lowered:
.L_overlay_start_1:
0x0: {  	(tag) =	ssettag $0x1  }
0x1: {  	s0 =	rddreg [dreg:$0x0]  }
0x2: {  	s1 =	rddreg [dreg:$0x1];
	s3 =	simm.s32 $0x0;
	s2 =	srdreg.scid  }
0x3: {  	s23 =	stileid.u32;
	s28 =	simm.s32 $0x1C70;
	s29 =	simm.s32 $0x3E8  }
0x4: {  	s30 =	simm.s32 $0x2070;
	s31 =	simm.s32 $0x2;
	[smem:$0x7FF] =	sst s3  }
0x5: {  	s2 =	sand.u32 $0x1, s2;
	s4 =	sadd.s32 $0x64C00, s0;
	s11 =	smul.u32 $0x1870, s23  }
0x6: {  	s0 =	sadd.s32 $0xC6800, s0;
	s7 =	sshll.u32 s23, $0x1;
	_ =	strace $0x80000047  }
0x7: {  	s5 =	ssub.s32 $0x2, s2;
	s8 =	sor.u32 s2, s7;
	s19 =	smul.u32 $0x18700, s2  }
0x8: {  	s2 =	smul.u32 $0x186A0, s2;
	s6 =	sshrl.u32 s5, $0x1;
	s13 =	sadd.s32 $0x3E8, s11  }
0x9: {  	s14 =	sadd.s32 $0x7D0, s11;
	s15 =	sadd.s32 $0xBB8, s11;
	s20 =	smul.u32 $0x186A0, s8  }
0xa: {  	s17 =	sadd.s32 $0xFA0, s11;
	s18 =	sadd.s32 $0x1388, s11;
	s21 =	sadd.s32 $0x1770, s11  }
0xb: {  	s12 =	ssub.s32 s5, s6;
	s5 =	sadd.s32 s11, s1;
	s6 =	sadd.s32 s13, s1  }
0xc: {  	s7 =	sadd.s32 s14, s1;
	s8 =	sadd.s32 s15, s1;
	s9 =	sadd.s32 s17, s1  }
0xd: {  	s10 =	sadd.s32 s18, s1;
	s22 =	sadd.s32 s11, s19;
	s11 =	sadd.s32 s21, s1  }
0xe: {  	s13 =	sadd.s32 s19, s13;
	s14 =	sadd.s32 s19, s14;
	s25 =	sadd.s32 s19, s15  }
0xf: {  	s15 =	sadd.s32 s19, s17;
	s18 =	sadd.s32 s19, s18;
	s16 =	sshrl.u32 s20, $0x3  }
0x10: {  	s19 =	sadd.s32 s19, s21;
	s13 =	sshrl.u32 s13, $0x3;
	s16 =	sadd.s32 s4, s16  }
0x11: {  	s14 =	sshrl.u32 s14, $0x3;
	s13 =	sadd.s32 s0, s13;
	[dreg:$0x3] =	wrdreg s16  }
0x12: {  	s24 =	sshrl.u32 s22, $0x3;
	s26 =	sadd.s32 s0, s14;
	[dreg:$0x5] =	wrdreg s13  }
0x13: {  	s14 =	sshrl.u32 s25, $0x3;
	s16 =	sadd.s32 s0, s24;
	[dreg:$0x6] =	wrdreg s26  }
0x14: {  	s22 =	sshrl.u32 s18, $0x3;
	s13 =	sadd.s32 s0, s14;
	[dreg:$0x4] =	wrdreg s16  }
0x15: {  	s18 =	sadd.s32 s0, s22;
	s24 =	sadd.s32 $0x182B8, s20;
	[dreg:$0x7] =	wrdreg s13  }
0x16: {  	s16 =	smul.u32 $0x30D40, s23;
	s13 =	sshrl.u32 s15, $0x3;
	s23 =	sshrl.u32 s19, $0x3  }
0x17: {  	s20 =	smax.u32 s12, $0x1;
	s17 =	sadd.s32 s0, s13;
	s19 =	sadd.s32 s0, s23  }
0x18: {  	s0 =	sshrl.u32 s24, $0x3;
	s24 =	simm.s32 $0x2470;
	s2 =	sadd.s32 s2, s16  }
0x19: {  	s21 =	sadd.s32 s4, s0;
	s0 =	simm.s32 $0x1;
	s25 =	sadd.s32 $0x3E8, s2  }
0x1a: {  	s23 =	sadd.s32 $0x7D0, s2;
	s2 =	simm.s32 $0x0;
	s26 =	sshrl.u32 s25, $0x3  }
0x1b: {  	v0 =	vimm.f32 $1.000000000e+00;
	v1 =	vimm.f32 $0.0e+00;
	s25 =	simm.s32 $0x3;
	s22 =	sadd.s32 s26, s4;
	s26 =	simm.s32 $0x1870  }
.LBB2_1:
0x1c: {  	[tilespmem:$0x2070] =	vst v0  }
0x1d: {  	[tilespmem:$0x2080] =	vst v0  }
0x1e: {  	[tilespmem:$0x2090] =	vst v0  }
0x1f: {  	[tilespmem:$0x20A0] =	vst v0  }
0x20: {  	[tilespmem:$0x20B0] =	vst v0  }
0x21: {  	[tilespmem:$0x20C0] =	vst v0  }
0x22: {  	[tilespmem:$0x20D0] =	vst v0  }
0x23: {  	[tilespmem:$0x20E0] =	vst v0  }
0x24: {  	[tilespmem:$0x20F0] =	vst v0  }
0x25: {  	[tilespmem:$0x2100] =	vst v0  }
0x26: {  	[tilespmem:$0x2110] =	vst v0  }
0x27: {  	[tilespmem:$0x2120] =	vst v0  }
0x28: {  	[tilespmem:$0x2130] =	vst v0  }
0x29: {  	[tilespmem:$0x2140] =	vst v0  }
0x2a: {  	[tilespmem:$0x2150] =	vst v0  }
0x2b: {  	[tilespmem:$0x2160] =	vst v0  }
0x2c: {  	[tilespmem:$0x2170] =	vst v0  }
0x2d: {  	[tilespmem:$0x2180] =	vst v0  }
0x2e: {  	[tilespmem:$0x2190] =	vst v0  }
0x2f: {  	[tilespmem:$0x21A0] =	vst v0  }
0x30: {  	[tilespmem:$0x21B0] =	vst v0  }
0x31: {  	[tilespmem:$0x21C0] =	vst v0  }
0x32: {  	[tilespmem:$0x21D0] =	vst v0  }
0x33: {  	[tilespmem:$0x21E0] =	vst v0  }
0x34: {  	[tilespmem:$0x21F0] =	vst v0  }
0x35: {  	[tilespmem:$0x2200] =	vst v0  }
0x36: {  	[tilespmem:$0x2210] =	vst v0  }
0x37: {  	[tilespmem:$0x2220] =	vst v0  }
0x38: {  	[tilespmem:$0x2230] =	vst v0  }
0x39: {  	[tilespmem:$0x2240] =	vst v0  }
0x3a: {  	[tilespmem:$0x2250] =	vst v0  }
0x3b: {  	[tilespmem:$0x2260] =	vst v0  }
0x3c: {  	[tilespmem:$0x2270] =	vst v0  }
0x3d: {  	[tilespmem:$0x2280] =	vst v0  }
0x3e: {  	[tilespmem:$0x2290] =	vst v0  }
0x3f: {  	[tilespmem:$0x22A0] =	vst v0  }
0x40: {  	[tilespmem:$0x22B0] =	vst v0  }
0x41: {  	[tilespmem:$0x22C0] =	vst v0  }
0x42: {  	[tilespmem:$0x22D0] =	vst v0  }
0x43: {  	[tilespmem:$0x22E0] =	vst v0  }
0x44: {  	[tilespmem:$0x22F0] =	vst v0  }
0x45: {  	[tilespmem:$0x2300] =	vst v0  }
0x46: {  	[tilespmem:$0x2310] =	vst v0  }
0x47: {  	[tilespmem:$0x2320] =	vst v0  }
0x48: {  	[tilespmem:$0x2330] =	vst v0  }
0x49: {  	[tilespmem:$0x2340] =	vst v0  }
0x4a: {  	[tilespmem:$0x2350] =	vst v0  }
0x4b: {  	[tilespmem:$0x2360] =	vst v0  }
0x4c: {  	[tilespmem:$0x2370] =	vst v0  }
0x4d: {  	[tilespmem:$0x2380] =	vst v0  }
0x4e: {  	[tilespmem:$0x2390] =	vst v0  }
0x4f: {  	[tilespmem:$0x23A0] =	vst v0  }
0x50: {  	[tilespmem:$0x23B0] =	vst v0  }
0x51: {  	[tilespmem:$0x23C0] =	vst v0  }
0x52: {  	[tilespmem:$0x23D0] =	vst v0  }
0x53: {  	[tilespmem:$0x23E0] =	vst v0  }
0x54: {  	[tilespmem:$0x23F0] =	vst v0  }
0x55: {  	[tilespmem:$0x2400] =	vst v0  }
0x56: {  	[tilespmem:$0x2410] =	vst v0  }
0x57: {  	[tilespmem:$0x2420] =	vst v0  }
0x58: {  	[tilespmem:$0x2430] =	vst v0  }
0x59: {  	[tilespmem:$0x2440] =	vst v0  }
0x5a: {  	[tilespmem:$0x2470] =	vst v1  }
0x5b: {  	[tilespmem:$0x2480] =	vst v1  }
0x5c: {  	[tilespmem:$0x2490] =	vst v1  }
0x5d: {  	[tilespmem:$0x24A0] =	vst v1  }
0x5e: {  	[tilespmem:$0x24B0] =	vst v1  }
0x5f: {  	[tilespmem:$0x24C0] =	vst v1  }
0x60: {  	[tilespmem:$0x24D0] =	vst v1  }
0x61: {  	[tilespmem:$0x24E0] =	vst v1  }
0x62: {  	[tilespmem:$0x24F0] =	vst v1  }
0x63: {  	[tilespmem:$0x2500] =	vst v1  }
0x64: {  	[tilespmem:$0x2510] =	vst v1  }
0x65: {  	[tilespmem:$0x2520] =	vst v1  }
0x66: {  	[tilespmem:$0x2530] =	vst v1  }
0x67: {  	[tilespmem:$0x2540] =	vst v1  }
0x68: {  	[tilespmem:$0x2550] =	vst v1  }
0x69: {  	[tilespmem:$0x2560] =	vst v1  }
0x6a: {  	[tilespmem:$0x2570] =	vst v1  }
0x6b: {  	[tilespmem:$0x2580] =	vst v1  }
0x6c: {  	[tilespmem:$0x2590] =	vst v1  }
0x6d: {  	[tilespmem:$0x25A0] =	vst v1  }
0x6e: {  	[tilespmem:$0x25B0] =	vst v1  }
0x6f: {  	[tilespmem:$0x25C0] =	vst v1  }
0x70: {  	[tilespmem:$0x25D0] =	vst v1  }
0x71: {  	[tilespmem:$0x25E0] =	vst v1  }
0x72: {  	[tilespmem:$0x25F0] =	vst v1  }
0x73: {  	[tilespmem:$0x2600] =	vst v1  }
0x74: {  	[tilespmem:$0x2610] =	vst v1  }
0x75: {  	[tilespmem:$0x2620] =	vst v1  }
0x76: {  	[tilespmem:$0x2630] =	vst v1  }
0x77: {  	[tilespmem:$0x2640] =	vst v1  }
0x78: {  	[tilespmem:$0x2650] =	vst v1  }
0x79: {  	[tilespmem:$0x2660] =	vst v1  }
0x7a: {  	[tilespmem:$0x2670] =	vst v1  }
0x7b: {  	[tilespmem:$0x2680] =	vst v1  }
0x7c: {  	[tilespmem:$0x2690] =	vst v1  }
0x7d: {  	[tilespmem:$0x26A0] =	vst v1  }
0x7e: {  	[tilespmem:$0x26B0] =	vst v1  }
0x7f: {  	[tilespmem:$0x26C0] =	vst v1  }
0x80: {  	[tilespmem:$0x26D0] =	vst v1  }
0x81: {  	[tilespmem:$0x26E0] =	vst v1  }
0x82: {  	[tilespmem:$0x26F0] =	vst v1  }
0x83: {  	[tilespmem:$0x2700] =	vst v1  }
0x84: {  	[tilespmem:$0x2710] =	vst v1  }
0x85: {  	[tilespmem:$0x2720] =	vst v1  }
0x86: {  	[tilespmem:$0x2730] =	vst v1  }
0x87: {  	[tilespmem:$0x2740] =	vst v1  }
0x88: {  	[tilespmem:$0x2750] =	vst v1  }
0x89: {  	[tilespmem:$0x2760] =	vst v1  }
0x8a: {  	[tilespmem:$0x2770] =	vst v1  }
0x8b: {  	[tilespmem:$0x2780] =	vst v1  }
0x8c: {  	[tilespmem:$0x2790] =	vst v1  }
0x8d: {  	[tilespmem:$0x27A0] =	vst v1  }
0x8e: {  	[tilespmem:$0x27B0] =	vst v1  }
0x8f: {  	[tilespmem:$0x27C0] =	vst v1  }
0x90: {  	[tilespmem:$0x27D0] =	vst v1  }
0x91: {  	[tilespmem:$0x27E0] =	vst v1  }
0x92: {  	[tilespmem:$0x27F0] =	vst v1  }
0x93: {  	[tilespmem:$0x2800] =	vst v1  }
0x94: {  	[tilespmem:$0x2810] =	vst v1  }
0x95: {  	[tilespmem:$0x2820] =	vst v1  }
0x96: {  	[tilespmem:$0x2830] =	vst v1  }
0x97: {  	[tilespmem:$0x2840] =	vst v1  }
0x98: {  	[tilespmem:$0x2448] =	vst v0  }
0x99: {  	[tilespmem:$0x2848] =	vst v1  }
0x9a: {  	[spmem:s5] =	stream.linear.scatter [tilespmem:s24], [sflag:$0x3], $0x3E8, $0x38;
	[tilespmem:$0x2870] =	vst v63  }
0x9b: {  	_ =	swait.ge [sflag:s25], $0x3E8  }
0x9c: {  	[sflag:s25] =	ssyncset.done $0x0  }
0x9d: {  	[sflag:s25] =	ssyncadd.s32 $0xFFFFFC18  }
0x9e: {  	[spmem:s6] =	stream.linear.scatter [tilespmem:s24], [sflag:$0x3], $0x3E8, $0x38;
	[tilespmem:$0x2870] =	vst v63  }
0x9f: {  	_ =	swait.ge [sflag:s25], $0x3E8  }
0xa0: {  	[sflag:s25] =	ssyncset.done $0x0  }
0xa1: {  	[sflag:s25] =	ssyncadd.s32 $0xFFFFFC18  }
0xa2: {  	[spmem:s7] =	stream.linear.scatter [tilespmem:s24], [sflag:$0x3], $0x3E8, $0x38;
	[tilespmem:$0x2870] =	vst v63  }
0xa3: {  	_ =	swait.ge [sflag:s25], $0x3E8  }
0xa4: {  	[sflag:s25] =	ssyncset.done $0x0  }
0xa5: {  	[sflag:s25] =	ssyncadd.s32 $0xFFFFFC18  }
0xa6: {  	[spmem:s8] =	stream.linear.scatter [tilespmem:s24], [sflag:$0x3], $0x3E8, $0x38;
	[tilespmem:$0x2870] =	vst v63  }
0xa7: {  	_ =	swait.ge [sflag:s25], $0x3E8  }
0xa8: {  	[sflag:s25] =	ssyncset.done $0x0  }
0xa9: {  	[sflag:s25] =	ssyncadd.s32 $0xFFFFFC18  }
0xaa: {  	[spmem:s9] =	stream.linear.scatter [tilespmem:s24], [sflag:$0x3], $0x3E8, $0x38;
	[tilespmem:$0x2870] =	vst v63  }
0xab: {  	_ =	swait.ge [sflag:s25], $0x3E8  }
0xac: {  	[sflag:s25] =	ssyncset.done $0x0  }
0xad: {  	[sflag:s25] =	ssyncadd.s32 $0xFFFFFC18  }
0xae: {  	[spmem:s10] =	stream.linear.scatter [tilespmem:s24], [sflag:$0x3], $0x3E8, $0x38;
	[tilespmem:$0x2870] =	vst v63  }
0xaf: {  	_ =	swait.ge [sflag:s25], $0x3E8  }
0xb0: {  	[sflag:s25] =	ssyncset.done $0x0  }
0xb1: {  	[sflag:s25] =	ssyncadd.s32 $0xFFFFFC18  }
0xb2: {  	[spmem:s11] =	stream.linear.scatter [tilespmem:s24], [sflag:$0x3], $0x100, $0x38;
	[tilespmem:$0x2870] =	vst v63  }
0xb3: {  	_ =	swait.ge [sflag:s25], $0x100  }
0xb4: {  	[sflag:s25] =	ssyncset.done $0x0  }
0xb5: {  	[sflag:s25] =	ssyncadd.s32 $0xFFFFFF00  }
0xb6: {  	[bflag:$0x0] =	sbarrier.arrive $0xFFFF  }
0xb7: {  	s12 =	rddreg [dreg:$0x3]  }
0xb8: {  	[tilespmem:s26], [sflag:$0x3] =	stream.linear.gather [hbm4b:s12+s3], $0x3E8, $0x38;
	[tilespmem:$0x2870] =	vst v63  }
0xb9: {  	_ =	swait.ge [sflag:s25], $0x3E8  }
0xba: {  	[sflag:s25] =	ssyncset.done $0x0  }
0xbb: {  	s15 =	sadd.s32 $0x0, s22;
	[sflag:s25] =	ssyncadd.s32 $0xFFFFFC18  }
0xbc: {  	[tilespmem:s28], [sflag:$0x2] =	stream.linear.gather [hbm4b:s15+s3], $0x3E8, $0x38;
	[tilespmem:$0x2870] =	vst v63  }
0xbd: {  	_ = 	snop  }
0xbe: {  	[spmem:s1] =	stream.indirect.scatter.add.f32 [tilespmem:s30], [sflag:$0x3], $0x1, s26, s29, $0xb8;
	[tilespmem:$0x2870] =	vst v63  }
0xbf: {  	_ =	swait.ge [sflag:s25], $0x3E8  }
0xc0: {  	[sflag:s25] =	ssyncset.done $0x0  }
0xc1: {  	[sflag:s25] =	ssyncadd.s32 $0xFFFFFC18  }
0xc2: {  	_ =	swait.ge [sflag:s31], $0x3E8  }
0xc3: {  	s16 =	sshrl.u32 s23, $0x3;
	[sflag:s31] =	ssyncset.done $0x0  }
0xc4: {  	s12 =	sadd.s32 s4, s16;
	[sflag:s31] =	ssyncadd.s32 $0xFFFFFC18  }
0xc5: {  	[tilespmem:s26], [sflag:$0x1] =	stream.linear.gather [hbm4b:s12+s3], $0x3E8, $0x38;
	[tilespmem:$0x2870] =	vst v63  }
0xc6: {  	_ = 	snop  }
0xc7: {  	[spmem:s1] =	stream.indirect.scatter.add.f32 [tilespmem:s30], [sflag:$0x3], $0x1, s28, s29, $0xb8;
	[tilespmem:$0x2870] =	vst v63  }
0xc8: {  	_ =	swait.ge [sflag:s25], $0x3E8  }
0xc9: {  	[sflag:s25] =	ssyncset.done $0x0  }
0xca: {  	[sflag:s25] =	ssyncadd.s32 $0xFFFFFC18  }
0xcb: {  	s13 =	simm.s32 $0xFA;
	_ =	swait.ge [sflag:s0], $0x3E8  }
0xcc: {  	s14 =	simm.s32 $0x1F4;
	s12 =	sadd.s32 $0x7D0, s23;
	[sflag:s0] =	ssyncset.done $0x0  }
.LBB2_2:
0xcd: {  	s15 =	sadd.s32 s13, s22  }
0xce: {  	[sflag:s0] =	ssyncadd.s32 $0xFFFFFC18;
	s13 =	smov.u32 s14;
	s16 =	sadd.s32 $0xFA, s14  }
0xcf: {  	[tilespmem:s28], [sflag:$0x2] =	stream.linear.gather [hbm4b:s15+s3], $0x3E8, $0x38;
	[tilespmem:$0x2870] =	vst v63  }
0xd0: {  	p0 =	sne.s32 s14, $0x2EE0  }
0xd1: {  	[spmem:s1] =	stream.indirect.scatter.add.f32 [tilespmem:s30], [sflag:$0x3], $0x1, s26, s29, $0xb8;
	[tilespmem:$0x2870] =	vst v63  }
0xd2: {  	_ =	swait.ge [sflag:s25], $0x3E8  }
0xd3: {  	[sflag:s25] =	ssyncset.done $0x0  }
0xd4: {  	[sflag:s25] =	ssyncadd.s32 $0xFFFFFC18  }
0xd5: {  	_ =	swait.ge [sflag:s31], $0x3E8  }
0xd6: {  	s14 =	sshrl.u32 s12, $0x3;
	[sflag:s31] =	ssyncset.done $0x0  }
0xd7: {  	s14 =	sadd.s32 s4, s14;
	[sflag:s31] =	ssyncadd.s32 $0xFFFFFC18  }
0xd8: {  	[tilespmem:s26], [sflag:$0x1] =	stream.linear.gather [hbm4b:s14+s3], $0x3E8, $0x38;
	[tilespmem:$0x2870] =	vst v63  }
0xd9: {  	_ = 	snop  }
0xda: {  	[spmem:s1] =	stream.indirect.scatter.add.f32 [tilespmem:s30], [sflag:$0x3], $0x1, s28, s29, $0xb8;
	[tilespmem:$0x2870] =	vst v63  }
.Ltmp0:
0xdb: {  	_ =	swait.ge [sflag:s25], $0x3E8;
	(pc) =	sbr.rel @p0 .LBB2_2-.Ltmp0, $4  }
0xdc: {  	[sflag:s25] =	ssyncset.done $0x0  }
0xdd: {  	[sflag:s25] =	ssyncadd.s32 $0xFFFFFC18  }
0xde: {  	_ =	swait.ge [sflag:s0], $0x3E8  }
0xdf: {  	s12 =	sadd.s32 $0x7D0, s12;
	s14 =	smov.u32 s16;
	[sflag:s0] =	ssyncset.done $0x0  }
0xe0: {  	s13 =	sadd.s32 s13, s22;
	[sflag:s0] =	ssyncadd.s32 $0xFFFFFC18  }
0xe1: {  	[tilespmem:s28], [sflag:$0x2] =	stream.linear.gather [hbm4b:s13+s3], $0x3E8, $0x38;
	[tilespmem:$0x2870] =	vst v63  }
0xe2: {  	_ = 	snop  }
0xe3: {  	[spmem:s1] =	stream.indirect.scatter.add.f32 [tilespmem:s30], [sflag:$0x3], $0x1, s26, s29, $0xb8;
	[tilespmem:$0x2870] =	vst v63  }
0xe4: {  	_ =	swait.ge [sflag:s25], $0x3E8  }
0xe5: {  	[sflag:s25] =	ssyncset.done $0x0  }
0xe6: {  	[sflag:s25] =	ssyncadd.s32 $0xFFFFFC18  }
0xe7: {  	_ =	swait.ge [sflag:s31], $0x3E8  }
0xe8: {  	s12 =	sshrl.u32 s12, $0x3;
	[sflag:s31] =	ssyncset.done $0x0  }
0xe9: {  	s12 =	sadd.s32 s4, s12;
	[sflag:s31] =	ssyncadd.s32 $0xFFFFFC18  }
0xea: {  	[tilespmem:s26], [sflag:$0x1] =	stream.linear.gather [hbm4b:s12+s3], $0x3E8, $0x38;
	[tilespmem:$0x2870] =	vst v63  }
0xeb: {  	_ = 	snop  }
0xec: {  	[spmem:s1] =	stream.indirect.scatter.add.f32 [tilespmem:s30], [sflag:$0x3], $0x1, s28, s29, $0xb8;
	[tilespmem:$0x2870] =	vst v63  }
0xed: {  	_ =	swait.ge [sflag:s25], $0x3E8  }
0xee: {  	[sflag:s25] =	ssyncset.done $0x0  }
0xef: {  	[sflag:s25] =	ssyncadd.s32 $0xFFFFFC18  }
0xf0: {  	_ =	swait.ge [sflag:s0], $0x3E8  }
0xf1: {  	[sflag:s0] =	ssyncset.done $0x0  }
0xf2: {  	[sflag:s0] =	ssyncadd.s32 $0xFFFFFC18  }
0xf3: {  	[tilespmem:s28], [sflag:$0x2] =	stream.linear.gather [hbm4b:s21+s3], $0x3E8, $0x38;
	[tilespmem:$0x2870] =	vst v63  }
0xf4: {  	_ = 	snop  }
0xf5: {  	[spmem:s1] =	stream.indirect.scatter.add.f32 [tilespmem:s30], [sflag:$0x3], $0x1, s26, s29, $0xb8;
	[tilespmem:$0x2870] =	vst v63  }
0xf6: {  	_ =	swait.ge [sflag:s25], $0x3E8  }
0xf7: {  	[sflag:s25] =	ssyncset.done $0x0  }
0xf8: {  	[sflag:s25] =	ssyncadd.s32 $0xFFFFFC18  }
0xf9: {  	_ =	swait.ge [sflag:s31], $0x3E8  }
0xfa: {  	[sflag:s31] =	ssyncset.done $0x0  }
0xfb: {  	[sflag:s31] =	ssyncadd.s32 $0xFFFFFC18  }
0xfc: {  	[tilespmem:s26], [sflag:$0x1] =	stream.linear.gather [hbm4b:s21+s3], $0x3E8, $0x38;
	[tilespmem:$0x2870] =	vst v63  }
0xfd: {  	_ = 	snop  }
0xfe: {  	[spmem:s1] =	stream.indirect.scatter.add.f32 [tilespmem:s30], [sflag:$0x3], $0x1, s28, s29, $0xb8;
	[tilespmem:$0x2870] =	vst v63  }
0xff: {  	_ =	swait.ge [sflag:s25], $0x3E8  }
0x100: {  	[sflag:s25] =	ssyncset.done $0x0  }
0x101: {  	[sflag:s25] =	ssyncadd.s32 $0xFFFFFC18  }
0x102: {  	_ =	swait.ge [sflag:s0], $0x3E8  }
0x103: {  	[sflag:s0] =	ssyncset.done $0x0  }
0x104: {  	[sflag:s0] =	ssyncadd.s32 $0xFFFFFC18  }
0x105: {  	[bflag:$0x0] =	sbarrier.arrive $0xFFFF  }
0x106: {  	[tilespmem:s24], [sflag:$0x3] =	stream.linear.gather [spmem:s5], $0x3E8, $0x38;
	[tilespmem:$0x2870] =	vst v63  }
0x107: {  	_ =	swait.ge [sflag:s25], $0x3E8  }
0x108: {  	[sflag:s25] =	ssyncset.done $0x0  }
0x109: {  	s13 =	rddreg [dreg:$0x4];
	[sflag:s25] =	ssyncadd.s32 $0xFFFFFC18  }
0x10a: {  	[hbm4b:s13+s3] =	stream.linear.scatter [tilespmem:s24], [sflag:$0x3], $0x3E8, $0x38;
	[tilespmem:$0x2870] =	vst v63  }
0x10b: {  	_ =	swait.ge [sflag:s25], $0x3E8  }
0x10c: {  	[sflag:s25] =	ssyncset.done $0x0  }
0x10d: {  	[sflag:s25] =	ssyncadd.s32 $0xFFFFFC18  }
0x10e: {  	[tilespmem:s24], [sflag:$0x3] =	stream.linear.gather [spmem:s6], $0x3E8, $0x38;
	[tilespmem:$0x2870] =	vst v63  }
0x10f: {  	_ =	swait.ge [sflag:s25], $0x3E8  }
0x110: {  	[sflag:s25] =	ssyncset.done $0x0  }
0x111: {  	s14 =	rddreg [dreg:$0x5];
	[sflag:s25] =	ssyncadd.s32 $0xFFFFFC18  }
0x112: {  	[hbm4b:s14+s3] =	stream.linear.scatter [tilespmem:s24], [sflag:$0x3], $0x3E8, $0x38;
	[tilespmem:$0x2870] =	vst v63  }
0x113: {  	_ =	swait.ge [sflag:s25], $0x3E8  }
0x114: {  	[sflag:s25] =	ssyncset.done $0x0  }
0x115: {  	[sflag:s25] =	ssyncadd.s32 $0xFFFFFC18  }
0x116: {  	[tilespmem:s24], [sflag:$0x3] =	stream.linear.gather [spmem:s7], $0x3E8, $0x38;
	[tilespmem:$0x2870] =	vst v63  }
0x117: {  	_ =	swait.ge [sflag:s25], $0x3E8  }
0x118: {  	[sflag:s25] =	ssyncset.done $0x0  }
0x119: {  	s15 =	rddreg [dreg:$0x6];
	[sflag:s25] =	ssyncadd.s32 $0xFFFFFC18  }
0x11a: {  	[hbm4b:s15+s3] =	stream.linear.scatter [tilespmem:s24], [sflag:$0x3], $0x3E8, $0x38;
	[tilespmem:$0x2870] =	vst v63  }
0x11b: {  	_ =	swait.ge [sflag:s25], $0x3E8  }
0x11c: {  	[sflag:s25] =	ssyncset.done $0x0  }
0x11d: {  	[sflag:s25] =	ssyncadd.s32 $0xFFFFFC18  }
0x11e: {  	[tilespmem:s24], [sflag:$0x3] =	stream.linear.gather [spmem:s8], $0x3E8, $0x38;
	[tilespmem:$0x2870] =	vst v63  }
0x11f: {  	_ =	swait.ge [sflag:s25], $0x3E8  }
0x120: {  	[sflag:s25] =	ssyncset.done $0x0  }
0x121: {  	s16 =	rddreg [dreg:$0x7];
	[sflag:s25] =	ssyncadd.s32 $0xFFFFFC18  }
0x122: {  	[hbm4b:s16+s3] =	stream.linear.scatter [tilespmem:s24], [sflag:$0x3], $0x3E8, $0x38;
	[tilespmem:$0x2870] =	vst v63  }
0x123: {  	_ =	swait.ge [sflag:s25], $0x3E8  }
0x124: {  	[sflag:s25] =	ssyncset.done $0x0  }
0x125: {  	[sflag:s25] =	ssyncadd.s32 $0xFFFFFC18  }
0x126: {  	[tilespmem:s24], [sflag:$0x3] =	stream.linear.gather [spmem:s9], $0x3E8, $0x38;
	[tilespmem:$0x2870] =	vst v63  }
0x127: {  	_ =	swait.ge [sflag:s25], $0x3E8  }
0x128: {  	[sflag:s25] =	ssyncset.done $0x0  }
0x129: {  	[sflag:s25] =	ssyncadd.s32 $0xFFFFFC18  }
0x12a: {  	[hbm4b:s17+s3] =	stream.linear.scatter [tilespmem:s24], [sflag:$0x3], $0x3E8, $0x38;
	[tilespmem:$0x2870] =	vst v63  }
0x12b: {  	_ =	swait.ge [sflag:s25], $0x3E8  }
0x12c: {  	[sflag:s25] =	ssyncset.done $0x0  }
0x12d: {  	[sflag:s25] =	ssyncadd.s32 $0xFFFFFC18  }
0x12e: {  	[tilespmem:s24], [sflag:$0x3] =	stream.linear.gather [spmem:s10], $0x3E8, $0x38;
	[tilespmem:$0x2870] =	vst v63  }
0x12f: {  	_ =	swait.ge [sflag:s25], $0x3E8  }
0x130: {  	[sflag:s25] =	ssyncset.done $0x0  }
0x131: {  	[sflag:s25] =	ssyncadd.s32 $0xFFFFFC18  }
0x132: {  	[hbm4b:s18+s3] =	stream.linear.scatter [tilespmem:s24], [sflag:$0x3], $0x3E8, $0x38;
	[tilespmem:$0x2870] =	vst v63  }
0x133: {  	_ =	swait.ge [sflag:s25], $0x3E8  }
0x134: {  	[sflag:s25] =	ssyncset.done $0x0  }
0x135: {  	[sflag:s25] =	ssyncadd.s32 $0xFFFFFC18  }
0x136: {  	[tilespmem:s24], [sflag:$0x3] =	stream.linear.gather [spmem:s11], $0x100, $0x38;
	[tilespmem:$0x2870] =	vst v63  }
0x137: {  	s2 =	sadd.s32 $0x1, s2;
	_ =	swait.ge [sflag:s25], $0x100  }
0x138: {  	p0 =	sne.s32 s2, s20;
	[sflag:s25] =	ssyncset.done $0x0  }
.Ltmp1:
0x139: {  	[sflag:s25] =	ssyncadd.s32 $0xFFFFFF00;
	(pc) =	sbr.rel @p0 .LBB2_1-.Ltmp1, $4  }
0x13a: {  	[hbm4b:s19+s3] =	stream.linear.scatter [tilespmem:s24], [sflag:$0x3], $0x100, $0x38;
	[tilespmem:$0x2870] =	vst v63  }
0x13b: {  	_ =	swait.ge [sflag:s25], $0x100  }
0x13c: {  	[sflag:s25] =	ssyncset.done $0x0  }
0x13d: {  	[sflag:s25] =	ssyncadd.s32 $0xFFFFFF00  }
0x13e: {  	_ =	sfence.sel $0x180000  }
0x13f: {  	[bflag:$0x0] =	sbarrier.arrive $0xFFFF  }
0x140: {  	_ =	strace $0x90000047  }
0x141: {  	s0 =	stileid.u32;
	[bflag:$0x2] =	sbarrier.arrive $0xFFFF  }
0x142: {  	p0 =	sne.s32 s0, $0x0;
	s0 =	rddreg [dreg:$0x2]  }
0x143: {  	s0 =	sadd.s32 @!p0 $0x100000, s0  }
0x144: {  	[sflag:s0] =	ssyncadd.tile.s32 @!p0 $0x1;
	_ =	shalt  }
.Lfunc_end2:
_tile_overlayer_lowered:
.L_overlay_start_2:
0x145: {  	(tag) =	ssettag $0x2  }
0x146: {  	s0 =	rddreg [dreg:$0x0];
	s2 =	stileid.u32  }
0x147: {  	s1 =	rddreg [dreg:$0x1];
	p0 =	sne.s32 s2, $0x0  }
0x148: {  	s3 =	rddreg [dreg:$0x2];
	[bflag:$0x3] =	sbarrier.arrive $0xFFFF;
	s2 =	simm.s32 @!p0 $0x1C03  }
0x149: {  	[timem:s3], [sflag:s2] =	dma.local @!p0 [hbm:s0], s1  }
0x14a: {  	s0 =	simm.s32 @!p0 $0x3  }
0x14b: {  	_ =	swait.ge @!p0 [sflag:s0], s1  }
0x14c: {  	s1 =	ssub.s32 @!p0 $0x0, s1;
	[sflag:s0] =	ssyncset.done @!p0 $0x0  }
0x14d: {  	[sflag:s0] =	ssyncadd.s32 @!p0 s1  }
0x14e: {  	[bflag:$0x3] =	sbarrier.arrive $0xFFFF  }
0x14f: {  	_ =	shalt  }

</sc_bundles>
